<compile_context>
chip_gen: v7x
topology: tpu7x:2x2x1
jax: 0.10.2.dev20260603
libtpu: 0.0.44.dev20260713+nightly
codegen_flags: <defaults>
</compile_context>

<pallas_src>
import numpy as np
import jax
import jax.numpy as jnp
from jax import lax
from jax.experimental import pallas as pl
from jax.experimental.pallas import tpu as pltpu
from jax.experimental.pallas import tpu_sc as plsc

EMBEDDING_DIM = 1024
SEQUENCE_LEN = 160
VOCAB_SIZE = 100000
BATCH = 1024

NUM_CORES = 2
NUM_SUBCORES = 16
NW = NUM_CORES * NUM_SUBCORES
ROWS = BATCH * SEQUENCE_LEN
ROWS_PER_W = ROWS // NW
SEQS_PER_W = BATCH // NW
CHUNK = 16
NCH = ROWS_PER_W // CHUNK
PBLK = 16
LANES = 16
GROUPS = EMBEDDING_DIM // LANES
FACTOR = float(np.sqrt(EMBEDDING_DIM))
NIN = 3


def _pos_encoding() -> np.ndarray:
    depth = EMBEDDING_DIM / 2
    positions = np.arange(SEQUENCE_LEN)[:, np.newaxis]
    depths = np.arange(depth)[np.newaxis, :] / depth
    rates = 1 / 10000 ** depths
    radians = positions * rates
    return np.concatenate(
        [np.sin(radians), np.cos(radians)], axis=-1).astype(np.float32)


_PE = _pos_encoding()


def _body(table, idx, pe, out, idx_v, pe_v, oix_v,
          in0, in1, in2, out0, out1, gs0, gs1, gs2, ws0, ws1):
    ins, gss = (in0, in1, in2), (gs0, gs1, gs2)
    outs, wss = (out0, out1), (ws0, ws1)
    wid = lax.axis_index("s") * NUM_CORES + lax.axis_index("c")
    base = wid * ROWS_PER_W
    pltpu.sync_copy(idx.at[pl.ds(base, ROWS_PER_W)], idx_v)
    jrow = lax.iota(jnp.int32, 16) * SEQUENCE_LEN

    pltpu.async_copy(table.at[idx_v.at[pl.ds(0, CHUNK)]], in0, gs0)
    pltpu.async_copy(table.at[idx_v.at[pl.ds(CHUNK, CHUNK)]], in1, gs1)

    def step(c, k3, k2):
        inb, gs = ins[k3], gss[k3]
        inp, gsp = ins[(k3 + 2) % NIN], gss[(k3 + 2) % NIN]
        outb, ws = outs[k2], wss[k2]

        @pl.when(c >= 2)
        def _():
            pltpu.make_async_copy(outb, out.at[pl.ds(0, CHUNK)], ws).wait()

        @pl.when(c < NCH - 2)
        def _():
            pltpu.async_copy(
                table.at[idx_v.at[pl.ds((c + 2) * CHUNK, CHUNK)]], inp, gsp)

        pltpu.make_async_copy(table.at[pl.ds(0, CHUNK)], inb, gs).wait()

        pr = (c >> 1) & (PBLK - 1)
        oix_v[k2, :] = jrow + (base + (c & 1) * (CHUNK * SEQUENCE_LEN)
                               + (c >> 1))

        def grp(g, _):
            sl = pl.ds(g * LANES, LANES)
            peg = pe_v[pr, sl]
            vals = [inb[r, sl] for r in range(CHUNK)]
            for r in range(CHUNK):
                outb[r, sl] = vals[r] * FACTOR + peg
            return 0
        lax.fori_loop(0, GROUPS, grp, 0, unroll=2)

        pltpu.async_copy(outb, out.at[oix_v.at[k2]], ws)

    def c_loop(c, c3):
        @pl.when((c & 31) == 0)
        def _():
            pltpu.sync_copy(pe.at[pl.ds((c >> 5) * PBLK, PBLK)], pe_v)

        for k3 in range(NIN):
            for k2 in range(2):
                @pl.when((c3 == k3) & ((c & 1) == k2))
                def _(c=c, k3=k3, k2=k2):
                    step(c, k3, k2)
        return jnp.where(c3 == NIN - 1, 0, c3 + 1)

    lax.fori_loop(0, NCH, c_loop, jnp.int32(0))

    pltpu.make_async_copy(out0, out.at[pl.ds(0, CHUNK)], ws0).wait()
    pltpu.make_async_copy(out1, out.at[pl.ds(0, CHUNK)], ws1).wait()


@jax.jit
def _embed(encoding, table):
    idx = (encoding.reshape(NW, SEQS_PER_W, SEQUENCE_LEN)
           .transpose(0, 2, 1).reshape(ROWS).astype(jnp.int32))
    pe = jnp.asarray(_PE)
    mesh = plsc.VectorSubcoreMesh(core_axis_name="c", subcore_axis_name="s")
    k = pl.kernel(
        _body,
        out_type=jax.ShapeDtypeStruct((ROWS, EMBEDDING_DIM), jnp.float32),
        mesh=mesh,
        scratch_types=[
            pltpu.VMEM((ROWS_PER_W,), jnp.int32),
            pltpu.VMEM((PBLK, EMBEDDING_DIM), jnp.float32),
            pltpu.VMEM((2, CHUNK), jnp.int32),
            pltpu.VMEM((CHUNK, EMBEDDING_DIM), jnp.float32),
            pltpu.VMEM((CHUNK, EMBEDDING_DIM), jnp.float32),
            pltpu.VMEM((CHUNK, EMBEDDING_DIM), jnp.float32),
            pltpu.VMEM((CHUNK, EMBEDDING_DIM), jnp.float32),
            pltpu.VMEM((CHUNK, EMBEDDING_DIM), jnp.float32),
            pltpu.SemaphoreType.DMA,
            pltpu.SemaphoreType.DMA,
            pltpu.SemaphoreType.DMA,
            pltpu.SemaphoreType.DMA,
            pltpu.SemaphoreType.DMA,
        ],
    )
    out = k(table, idx, pe)
    return out.reshape(BATCH, SEQUENCE_LEN, EMBEDDING_DIM)


def kernel(encoding, table):
    return _embed(encoding, table)

# --- scband reference (transcript-rebuilt; emitter-appended) ---
"""Pipeline reference for scband-embedder-44212393345531 (READ-ONLY COPY).

The authoritative reference and input builder live on the scoring server;
editing this copy changes nothing except your own understanding.
"""

import jax, jax.numpy as jnp
import numpy as np

EMBEDDING_DIM = 1024
SEQUENCE_LEN = 160
VOCAB_SIZE = 100000
BATCH = 1024


def positional_encoding():
    depth = EMBEDDING_DIM / 2
    positions = np.arange(SEQUENCE_LEN)[:, np.newaxis]
    depths = np.arange(depth)[np.newaxis, :] / depth
    rates = 1 / 10000 ** depths
    radians = positions * rates
    encoding = np.concatenate([np.sin(radians), np.cos(radians)], axis=-1)
    return jnp.asarray(encoding, dtype=jnp.float32)[np.newaxis, :, :]


def setup_inputs(seed: int = 0) -> dict:
    key = jax.random.key(seed)
    k1, k2 = jax.random.split(key)
    encoding = jax.random.randint(k1, (BATCH, SEQUENCE_LEN), 0, VOCAB_SIZE, dtype=jnp.int64 if jax.config.read('jax_enable_x64') else jnp.int32)
    table = jax.random.normal(k2, (VOCAB_SIZE, EMBEDDING_DIM), dtype=jnp.float32) * 0.02
    return {"encoding": encoding, "table": table}


def reference(encoding, table):
    factor = jnp.sqrt(jnp.asarray(EMBEDDING_DIM, dtype=jnp.float32))
    embedding = jnp.take(table, encoding, axis=0)
    scaled_embedding = embedding * factor
    return scaled_embedding + positional_encoding()

if __name__ == "__main__":
    import jax
    _d = setup_inputs()
    print(jax.jit(kernel)(*tuple(_d.values())))

</pallas_src>

<mosaic_0001>
#map = affine_map<(d0, d1) -> (0, 0)>
#map1 = affine_map<(d0, d1) -> (0)>
module attributes {stable_mosaic.version = 14 : i64} {
  func.func @_body(%arg0: i32, %arg1: i32, %arg2: memref<100000x1024xf32, #tpu.memory_space<hbm>>, %arg3: memref<163840xi32, #tpu.memory_space<hbm>>, %arg4: memref<160x1024xf32, #tpu.memory_space<hbm>>, %arg5: memref<163840x1024xf32, #tpu.memory_space<hbm>>, %arg6: memref<5120xi32, #tpu.memory_space<vmem>>, %arg7: memref<16x1024xf32, #tpu.memory_space<vmem>>, %arg8: memref<2x16xi32, #tpu.memory_space<vmem>>, %arg9: memref<16x1024xf32, #tpu.memory_space<vmem>>, %arg10: memref<16x1024xf32, #tpu.memory_space<vmem>>, %arg11: memref<16x1024xf32, #tpu.memory_space<vmem>>, %arg12: memref<16x1024xf32, #tpu.memory_space<vmem>>, %arg13: memref<16x1024xf32, #tpu.memory_space<vmem>>, %arg14: memref<!tpu.dma_semaphore, #tpu.memory_space<semaphore_mem>>, %arg15: memref<!tpu.dma_semaphore, #tpu.memory_space<semaphore_mem>>, %arg16: memref<!tpu.dma_semaphore, #tpu.memory_space<semaphore_mem>>, %arg17: memref<!tpu.dma_semaphore, #tpu.memory_space<semaphore_mem>>, %arg18: memref<!tpu.dma_semaphore, #tpu.memory_space<semaphore_mem>>) attributes {dimension_semantics = [#tpu.dimension_semantics<core_parallel>, #tpu.dimension_semantics<subcore_parallel>], iteration_bounds = array<i64: 2, 16>, scalar_prefetch = 0 : i64, scratch_operands = 13 : i64, tpu.core_type = #tpu.core_type<sc_vector_subcore>, window_params = [{transform_indices = #map}, {transform_indices = #map1}, {transform_indices = #map}, {transform_indices = #map}]} {
    %mul3A = arith.constant 2 : i32
    %mul3A_0 = arith.muli %arg1, %mul3A : i32
    %add3A = arith.addi %mul3A_0, %arg0 : i32
    %mul3A_1 = arith.constant 5120 : i32
    %mul3A_2 = arith.muli %add3A, %mul3A_1 : i32
    "tpu.region"() ({
      %run_scoped3A = tpu.sem_alloc : memref<!tpu.dma_semaphore, #tpu.memory_space<semaphore_mem>>
      %dma_start3A_32 = tpu.memref_slice %arg3[%mul3A_2] : memref<163840xi32, #tpu.memory_space<hbm>> -> memref<5120xi32, #tpu.memory_space<hbm>>
      %dma_start3A_33 = tpu.memref_slice %arg3[%mul3A_2] : memref<163840xi32, #tpu.memory_space<hbm>> -> memref<5120xi32, #tpu.memory_space<hbm>>
      tpu.enqueue_dma source(%dma_start3A_33 : memref<5120xi32, #tpu.memory_space<hbm>>) target(%arg6 : memref<5120xi32, #tpu.memory_space<vmem>>) target_semaphore(%run_scoped3A : memref<!tpu.dma_semaphore, #tpu.memory_space<semaphore_mem>>)
      %dma_wait3A_34 = tpu.memref_slice %arg3[%mul3A_2] : memref<163840xi32, #tpu.memory_space<hbm>> -> memref<5120xi32, #tpu.memory_space<hbm>>
      %dma_wait3A_35 = tpu.memref_slice %arg3[%mul3A_2] : memref<163840xi32, #tpu.memory_space<hbm>> -> memref<5120xi32, #tpu.memory_space<hbm>>
      tpu.wait_dma2 semaphore(%run_scoped3A : memref<!tpu.dma_semaphore, #tpu.memory_space<semaphore_mem>>) src(%dma_wait3A_35 : memref<5120xi32, #tpu.memory_space<hbm>>) dst(%arg6 : memref<5120xi32, #tpu.memory_space<vmem>>)
      tpu.yield
    }) : () -> ()
    %iota3A = tpu.iota {dimensions = array<i32: 0>} : vector<16xi32>
    %mul3A_3 = arith.constant 160 : i32
    %mul3A_4 = vector.broadcast %mul3A_3 : i32 to vector<16xi32>
    %mul3A_5 = arith.muli %iota3A, %mul3A_4 : vector<16xi32>
    %dma_start3A = arith.constant 0 : i32
    %dma_start3A_6 = tpu.memref_slice %arg6[%dma_start3A] : memref<5120xi32, #tpu.memory_space<vmem>> -> memref<16xi32, #tpu.memory_space<vmem>>
    %dma_start3A_7 = arith.constant 0 : i32
    %dma_start3A_8 = arith.constant 0 : i32
    %dma_start3A_9 = tpu.memref_slice %arg2[%dma_start3A_7, %dma_start3A_8] : memref<100000x1024xf32, #tpu.memory_space<hbm>> -> memref<100000x1024xf32, #tpu.memory_space<hbm>>
    tpu.enqueue_indirect_dma source(%dma_start3A_9 : memref<100000x1024xf32, #tpu.memory_space<hbm>>) target(%arg9 : memref<16x1024xf32, #tpu.memory_space<vmem>>) offsets(%dma_start3A_6 : memref<16xi32, #tpu.memory_space<vmem>>) semaphore(%arg14 : memref<!tpu.dma_semaphore, #tpu.memory_space<semaphore_mem>>)
    %dma_start3A_10 = arith.constant 16 : i32
    %dma_start3A_11 = tpu.memref_slice %arg6[%dma_start3A_10] : memref<5120xi32, #tpu.memory_space<vmem>> -> memref<16xi32, #tpu.memory_space<vmem>>
    %dma_start3A_12 = arith.constant 0 : i32
    %dma_start3A_13 = arith.constant 0 : i32
    %dma_start3A_14 = tpu.memref_slice %arg2[%dma_start3A_12, %dma_start3A_13] : memref<100000x1024xf32, #tpu.memory_space<hbm>> -> memref<100000x1024xf32, #tpu.memory_space<hbm>>
    tpu.enqueue_indirect_dma source(%dma_start3A_14 : memref<100000x1024xf32, #tpu.memory_space<hbm>>) target(%arg10 : memref<16x1024xf32, #tpu.memory_space<vmem>>) offsets(%dma_start3A_11 : memref<16xi32, #tpu.memory_space<vmem>>) semaphore(%arg15 : memref<!tpu.dma_semaphore, #tpu.memory_space<semaphore_mem>>)
    %scan3A = arith.constant 0 : i32
    %scan3A_15 = arith.constant 0 : i32
    %scan3A_16 = arith.constant 320 : i32
    %scan3A_17 = arith.addi %scan3A_15, %scan3A_16 : i32
    %scan3A_18 = arith.constant 1 : i32
    %scan3A_19 = scf.for %scan3A_32 = %scan3A_15 to %scan3A_17 step %scan3A_18 iter_args(%scan3A_33 = %scan3A) -> (i32)  : i32 {
      %and3A = arith.constant 31 : i32
      %and3A_34 = arith.andi %scan3A_32, %and3A : i32
      %eq3A = arith.constant 0 : i32
      %eq3A_35 = arith.cmpi eq, %and3A_34, %eq3A : i32
      %convert_element_type3A = arith.extui %eq3A_35 : i1 to i32
      %cond3A = arith.constant 0 : i32
      %cond3A_36 = arith.cmpi ne, %convert_element_type3A, %cond3A : i32
      scf.if %cond3A_36 {
        %shift_right_arithmetic3A = arith.constant 5 : i32
        %shift_right_arithmetic3A_101 = arith.shrsi %scan3A_32, %shift_right_arithmetic3A : i32
        %mul3A_102 = arith.constant 16 : i32
        %mul3A_103 = arith.muli %shift_right_arithmetic3A_101, %mul3A_102 : i32
        "tpu.region"() ({
          %run_scoped3A = tpu.sem_alloc : memref<!tpu.dma_semaphore, #tpu.memory_space<semaphore_mem>>
          %dma_start3A_104 = arith.constant 0 : i32
          %dma_start3A_105 = tpu.memref_slice %arg4[%mul3A_103, %dma_start3A_104] : memref<160x1024xf32, #tpu.memory_space<hbm>> -> memref<16x1024xf32, #tpu.memory_space<hbm>>
          %dma_start3A_106 = arith.constant 0 : i32
          %dma_start3A_107 = tpu.memref_slice %arg4[%mul3A_103, %dma_start3A_106] : memref<160x1024xf32, #tpu.memory_space<hbm>> -> memref<16x1024xf32, #tpu.memory_space<hbm>>
          tpu.enqueue_dma source(%dma_start3A_107 : memref<16x1024xf32, #tpu.memory_space<hbm>>) target(%arg7 : memref<16x1024xf32, #tpu.memory_space<vmem>>) target_semaphore(%run_scoped3A : memref<!tpu.dma_semaphore, #tpu.memory_space<semaphore_mem>>)
          %dma_wait3A_108 = arith.constant 0 : i32
          %dma_wait3A_109 = tpu.memref_slice %arg4[%mul3A_103, %dma_wait3A_108] : memref<160x1024xf32, #tpu.memory_space<hbm>> -> memref<16x1024xf32, #tpu.memory_space<hbm>>
          %dma_wait3A_110 = arith.constant 0 : i32
          %dma_wait3A_111 = tpu.memref_slice %arg4[%mul3A_103, %dma_wait3A_110] : memref<160x1024xf32, #tpu.memory_space<hbm>> -> memref<16x1024xf32, #tpu.memory_space<hbm>>
          tpu.wait_dma2 semaphore(%run_scoped3A : memref<!tpu.dma_semaphore, #tpu.memory_space<semaphore_mem>>) src(%dma_wait3A_111 : memref<16x1024xf32, #tpu.memory_space<hbm>>) dst(%arg7 : memref<16x1024xf32, #tpu.memory_space<vmem>>)
          tpu.yield
        }) : () -> ()
      } else {
      }
      %eq3A_37 = arith.constant 0 : i32
      %eq3A_38 = arith.cmpi eq, %scan3A_33, %eq3A_37 : i32
      %and3A_39 = arith.constant 1 : i32
      %and3A_40 = arith.andi %scan3A_32, %and3A_39 : i32
      %eq3A_41 = arith.constant 0 : i32
      %eq3A_42 = arith.cmpi eq, %and3A_40, %eq3A_41 : i32
      %and3A_43 = arith.andi %eq3A_38, %eq3A_42 : i1
      %convert_element_type3A_44 = arith.extui %and3A_43 : i1 to i32
      %cond3A_45 = arith.constant 0 : i32
      %cond3A_46 = arith.cmpi ne, %convert_element_type3A_44, %cond3A_45 : i32
      scf.if %cond3A_46 {
        %ge3A = arith.constant 2 : i32
        %ge3A_101 = arith.cmpi sge, %scan3A_32, %ge3A : i32
        %convert_element_type3A_102 = arith.extui %ge3A_101 : i1 to i32
        %cond3A_103 = arith.constant 0 : i32
        %cond3A_104 = arith.cmpi ne, %convert_element_type3A_102, %cond3A_103 : i32
        scf.if %cond3A_104 {
          %dma_wait3A_147 = arith.constant 0 : i32
          %dma_wait3A_148 = arith.constant 0 : i32
          %dma_wait3A_149 = tpu.memref_slice %arg5[%dma_wait3A_147, %dma_wait3A_148] : memref<163840x1024xf32, #tpu.memory_space<hbm>> -> memref<16x1024xf32, #tpu.memory_space<hbm>>
          %dma_wait3A_150 = arith.constant 0 : i32
          %dma_wait3A_151 = arith.constant 0 : i32
          %dma_wait3A_152 = tpu.memref_slice %arg5[%dma_wait3A_150, %dma_wait3A_151] : memref<163840x1024xf32, #tpu.memory_space<hbm>> -> memref<16x1024xf32, #tpu.memory_space<hbm>>
          tpu.wait_dma2 semaphore(%arg17 : memref<!tpu.dma_semaphore, #tpu.memory_space<semaphore_mem>>) src(%arg12 : memref<16x1024xf32, #tpu.memory_space<vmem>>) dst(%dma_wait3A_152 : memref<16x1024xf32, #tpu.memory_space<hbm>>)
        } else {
        }
        %lt3A = arith.constant 318 : i32
        %lt3A_105 = arith.cmpi slt, %scan3A_32, %lt3A : i32
        %convert_element_type3A_106 = arith.extui %lt3A_105 : i1 to i32
        %cond3A_107 = arith.constant 0 : i32
        %cond3A_108 = arith.cmpi ne, %convert_element_type3A_106, %cond3A_107 : i32
        scf.if %cond3A_108 {
          %add3A_147 = arith.constant 2 : i32
          %add3A_148 = arith.addi %scan3A_32, %add3A_147 : i32
          %mul3A_149 = arith.constant 16 : i32
          %mul3A_150 = arith.muli %add3A_148, %mul3A_149 : i32
          %dma_start3A_151 = tpu.memref_slice %arg6[%mul3A_150] : memref<5120xi32, #tpu.memory_space<vmem>> -> memref<16xi32, #tpu.memory_space<vmem>>
          %dma_start3A_152 = arith.constant 0 : i32
          %dma_start3A_153 = arith.constant 0 : i32
          %dma_start3A_154 = tpu.memref_slice %arg2[%dma_start3A_152, %dma_start3A_153] : memref<100000x1024xf32, #tpu.memory_space<hbm>> -> memref<100000x1024xf32, #tpu.memory_space<hbm>>
          tpu.enqueue_indirect_dma source(%dma_start3A_154 : memref<100000x1024xf32, #tpu.memory_space<hbm>>) target(%arg11 : memref<16x1024xf32, #tpu.memory_space<vmem>>) offsets(%dma_start3A_151 : memref<16xi32, #tpu.memory_space<vmem>>) semaphore(%arg16 : memref<!tpu.dma_semaphore, #tpu.memory_space<semaphore_mem>>)
        } else {
        }
        %dma_wait3A_109 = arith.constant 0 : i32
        %dma_wait3A_110 = arith.constant 0 : i32
        %dma_wait3A_111 = tpu.memref_slice %arg2[%dma_wait3A_109, %dma_wait3A_110] : memref<100000x1024xf32, #tpu.memory_space<hbm>> -> memref<16x1024xf32, #tpu.memory_space<hbm>>
        %dma_wait3A_112 = arith.constant 0 : i32
        %dma_wait3A_113 = arith.constant 0 : i32
        %dma_wait3A_114 = tpu.memref_slice %arg2[%dma_wait3A_112, %dma_wait3A_113] : memref<100000x1024xf32, #tpu.memory_space<hbm>> -> memref<16x1024xf32, #tpu.memory_space<hbm>>
        tpu.wait_dma2 semaphore(%arg14 : memref<!tpu.dma_semaphore, #tpu.memory_space<semaphore_mem>>) src(%dma_wait3A_114 : memref<16x1024xf32, #tpu.memory_space<hbm>>) dst(%arg9 : memref<16x1024xf32, #tpu.memory_space<vmem>>)
        %shift_right_arithmetic3A = arith.constant 1 : i32
        %shift_right_arithmetic3A_115 = arith.shrsi %scan3A_32, %shift_right_arithmetic3A : i32
        %and3A_116 = arith.constant 15 : i32
        %and3A_117 = arith.andi %shift_right_arithmetic3A_115, %and3A_116 : i32
        %and3A_118 = arith.constant 1 : i32
        %and3A_119 = arith.andi %scan3A_32, %and3A_118 : i32
        %mul3A_120 = arith.constant 2560 : i32
        %mul3A_121 = arith.muli %and3A_119, %mul3A_120 : i32
        %add3A_122 = arith.addi %mul3A_2, %mul3A_121 : i32
        %shift_right_arithmetic3A_123 = arith.constant 1 : i32
        %shift_right_arithmetic3A_124 = arith.shrsi %scan3A_32, %shift_right_arithmetic3A_123 : i32
        %add3A_125 = arith.addi %add3A_122, %shift_right_arithmetic3A_124 : i32
        %add3A_126 = vector.broadcast %add3A_125 : i32 to vector<16xi32>
        %add3A_127 = arith.addi %mul3A_5, %add3A_126 : vector<16xi32>
        %swap3A = arith.constant 0 : i32
        %swap3A_128 = arith.index_cast %swap3A : i32 to index
        %swap3A_129 = arith.constant 0 : index
        %swap3A_130 = tpu.vector_load %arg8[%swap3A_128, %swap3A_129] {strides = array<i32>} : memref<2x16xi32, #tpu.memory_space<vmem>>, vector<1x16xi32>,
        %swap3A_131 = vector.shape_cast %swap3A_130 : vector<1x16xi32> to vector<16xi32>
        %swap3A_132 = vector.shape_cast %add3A_127 : vector<16xi32> to vector<1x16xi32>
        tpu.vector_store %arg8[%swap3A_128, %swap3A_129], %swap3A_132 {strides = array<i32>} : memref<2x16xi32, #tpu.memory_space<vmem>>, vector<1x16xi32>,
        %scan3A_133 = arith.constant 0 : i32
        %scan3A_134 = arith.constant 0 : i32
        %scan3A_135 = arith.constant 64 : i32
        %scan3A_136 = arith.addi %scan3A_134, %scan3A_135 : i32
        %scan3A_137 = arith.constant 2 : i32
        %scan3A_138 = scf.for %scan3A_147 = %scan3A_134 to %scan3A_136 step %scan3A_137 iter_args(%scan3A_148 = %scan3A_133) -> (i32)  : i32 {
          %mul3A_149 = arith.constant 16 : i32
          %mul3A_150 = arith.muli %scan3A_147, %mul3A_149 : i32
          %get3A = arith.index_cast %and3A_117 : i32 to index
          %get3A_151 = arith.index_cast %mul3A_150 : i32 to index
          %get3A_152 = tpu.vector_load %arg7[%get3A, %get3A_151] {strides = array<i32>} : memref<16x1024xf32, #tpu.memory_space<vmem>>, vector<1x16xf32>,
          %get3A_153 = vector.shape_cast %get3A_152 : vector<1x16xf32> to vector<16xf32>
          %get3A_154 = arith.constant 0 : i32
          %get3A_155 = arith.index_cast %get3A_154 : i32 to index
          %get3A_156 = arith.index_cast %mul3A_150 : i32 to index
          %get3A_157 = tpu.vector_load %arg9[%get3A_155, %get3A_156] {strides = array<i32>} : memref<16x1024xf32, #tpu.memory_space<vmem>>, vector<1x16xf32>,
          %get3A_158 = vector.shape_cast %get3A_157 : vector<1x16xf32> to vector<16xf32>
          %get3A_159 = arith.constant 1 : i32
          %get3A_160 = arith.index_cast %get3A_159 : i32 to index
          %get3A_161 = arith.index_cast %mul3A_150 : i32 to index
          %get3A_162 = tpu.vector_load %arg9[%get3A_160, %get3A_161] {strides = array<i32>} : memref<16x1024xf32, #tpu.memory_space<vmem>>, vector<1x16xf32>,
          %get3A_163 = vector.shape_cast %get3A_162 : vector<1x16xf32> to vector<16xf32>
          %get3A_164 = arith.constant 2 : i32
          %get3A_165 = arith.index_cast %get3A_164 : i32 to index
          %get3A_166 = arith.index_cast %mul3A_150 : i32 to index
          %get3A_167 = tpu.vector_load %arg9[%get3A_165, %get3A_166] {strides = array<i32>} : memref<16x1024xf32, #tpu.memory_space<vmem>>, vector<1x16xf32>,
          %get3A_168 = vector.shape_cast %get3A_167 : vector<1x16xf32> to vector<16xf32>
          %get3A_169 = arith.constant 3 : i32
          %get3A_170 = arith.index_cast %get3A_169 : i32 to index
          %get3A_171 = arith.index_cast %mul3A_150 : i32 to index
          %get3A_172 = tpu.vector_load %arg9[%get3A_170, %get3A_171] {strides = array<i32>} : memref<16x1024xf32, #tpu.memory_space<vmem>>, vector<1x16xf32>,
          %get3A_173 = vector.shape_cast %get3A_172 : vector<1x16xf32> to vector<16xf32>
          %get3A_174 = arith.constant 4 : i32
          %get3A_175 = arith.index_cast %get3A_174 : i32 to index
          %get3A_176 = arith.index_cast %mul3A_150 : i32 to index
          %get3A_177 = tpu.vector_load %arg9[%get3A_175, %get3A_176] {strides = array<i32>} : memref<16x1024xf32, #tpu.memory_space<vmem>>, vector<1x16xf32>,
          %get3A_178 = vector.shape_cast %get3A_177 : vector<1x16xf32> to vector<16xf32>
          %get3A_179 = arith.constant 5 : i32
          %get3A_180 = arith.index_cast %get3A_179 : i32 to index
          %get3A_181 = arith.index_cast %mul3A_150 : i32 to index
          %get3A_182 = tpu.vector_load %arg9[%get3A_180, %get3A_181] {strides = array<i32>} : memref<16x1024xf32, #tpu.memory_space<vmem>>, vector<1x16xf32>,
          %get3A_183 = vector.shape_cast %get3A_182 : vector<1x16xf32> to vector<16xf32>
          %get3A_184 = arith.constant 6 : i32
          %get3A_185 = arith.index_cast %get3A_184 : i32 to index
          %get3A_186 = arith.index_cast %mul3A_150 : i32 to index
          %get3A_187 = tpu.vector_load %arg9[%get3A_185, %get3A_186] {strides = array<i32>} : memref<16x1024xf32, #tpu.memory_space<vmem>>, vector<1x16xf32>,
          %get3A_188 = vector.shape_cast %get3A_187 : vector<1x16xf32> to vector<16xf32>
          %get3A_189 = arith.constant 7 : i32
          %get3A_190 = arith.index_cast %get3A_189 : i32 to index
          %get3A_191 = arith.index_cast %mul3A_150 : i32 to index
          %get3A_192 = tpu.vector_load %arg9[%get3A_190, %get3A_191] {strides = array<i32>} : memref<16x1024xf32, #tpu.memory_space<vmem>>, vector<1x16xf32>,
          %get3A_193 = vector.shape_cast %get3A_192 : vector<1x16xf32> to vector<16xf32>
          %get3A_194 = arith.constant 8 : i32
          %get3A_195 = arith.index_cast %get3A_194 : i32 to index
          %get3A_196 = arith.index_cast %mul3A_150 : i32 to index
          %get3A_197 = tpu.vector_load %arg9[%get3A_195, %get3A_196] {strides = array<i32>} : memref<16x1024xf32, #tpu.memory_space<vmem>>, vector<1x16xf32>,
          %get3A_198 = vector.shape_cast %get3A_197 : vector<1x16xf32> to vector<16xf32>
          %get3A_199 = arith.constant 9 : i32
          %get3A_200 = arith.index_cast %get3A_199 : i32 to index
          %get3A_201 = arith.index_cast %mul3A_150 : i32 to index
          %get3A_202 = tpu.vector_load %arg9[%get3A_200, %get3A_201] {strides = array<i32>} : memref<16x1024xf32, #tpu.memory_space<vmem>>, vector<1x16xf32>,
          %get3A_203 = vector.shape_cast %get3A_202 : vector<1x16xf32> to vector<16xf32>
          %get3A_204 = arith.constant 10 : i32
          %get3A_205 = arith.index_cast %get3A_204 : i32 to index
          %get3A_206 = arith.index_cast %mul3A_150 : i32 to index
          %get3A_207 = tpu.vector_load %arg9[%get3A_205, %get3A_206] {strides = array<i32>} : memref<16x1024xf32, #tpu.memory_space<vmem>>, vector<1x16xf32>,
          %get3A_208 = vector.shape_cast %get3A_207 : vector<1x16xf32> to vector<16xf32>
          %get3A_209 = arith.constant 11 : i32
          %get3A_210 = arith.index_cast %get3A_209 : i32 to index
          %get3A_211 = arith.index_cast %mul3A_150 : i32 to index
          %get3A_212 = tpu.vector_load %arg9[%get3A_210, %get3A_211] {strides = array<i32>} : memref<16x1024xf32, #tpu.memory_space<vmem>>, vector<1x16xf32>,
          %get3A_213 = vector.shape_cast %get3A_212 : vector<1x16xf32> to vector<16xf32>
          %get3A_214 = arith.constant 12 : i32
          %get3A_215 = arith.index_cast %get3A_214 : i32 to index
          %get3A_216 = arith.index_cast %mul3A_150 : i32 to index
          %get3A_217 = tpu.vector_load %arg9[%get3A_215, %get3A_216] {strides = array<i32>} : memref<16x1024xf32, #tpu.memory_space<vmem>>, vector<1x16xf32>,
          %get3A_218 = vector.shape_cast %get3A_217 : vector<1x16xf32> to vector<16xf32>
          %get3A_219 = arith.constant 13 : i32
          %get3A_220 = arith.index_cast %get3A_219 : i32 to index
          %get3A_221 = arith.index_cast %mul3A_150 : i32 to index
          %get3A_222 = tpu.vector_load %arg9[%get3A_220, %get3A_221] {strides = array<i32>} : memref<16x1024xf32, #tpu.memory_space<vmem>>, vector<1x16xf32>,
          %get3A_223 = vector.shape_cast %get3A_222 : vector<1x16xf32> to vector<16xf32>
          %get3A_224 = arith.constant 14 : i32
          %get3A_225 = arith.index_cast %get3A_224 : i32 to index
          %get3A_226 = arith.index_cast %mul3A_150 : i32 to index
          %get3A_227 = tpu.vector_load %arg9[%get3A_225, %get3A_226] {strides = array<i32>} : memref<16x1024xf32, #tpu.memory_space<vmem>>, vector<1x16xf32>,
          %get3A_228 = vector.shape_cast %get3A_227 : vector<1x16xf32> to vector<16xf32>
          %get3A_229 = arith.constant 15 : i32
          %get3A_230 = arith.index_cast %get3A_229 : i32 to index
          %get3A_231 = arith.index_cast %mul3A_150 : i32 to index
          %get3A_232 = tpu.vector_load %arg9[%get3A_230, %get3A_231] {strides = array<i32>} : memref<16x1024xf32, #tpu.memory_space<vmem>>, vector<1x16xf32>,
          %get3A_233 = vector.shape_cast %get3A_232 : vector<1x16xf32> to vector<16xf32>
          %mul3A_234 = arith.constant 3.200000e+01 : f32
          %mul3A_235 = vector.broadcast %mul3A_234 : f32 to vector<16xf32>
          %mul3A_236 = arith.mulf %get3A_158, %mul3A_235 : vector<16xf32>
          %add3A_237 = arith.addf %mul3A_236, %get3A_153 : vector<16xf32>
          %swap3A_238 = arith.constant 0 : i32
          %swap3A_239 = arith.index_cast %swap3A_238 : i32 to index
          %swap3A_240 = arith.index_cast %mul3A_150 : i32 to index
          %swap3A_241 = tpu.vector_load %arg12[%swap3A_239, %swap3A_240] {strides = array<i32>} : memref<16x1024xf32, #tpu.memory_space<vmem>>, vector<1x16xf32>,
          %swap3A_242 = vector.shape_cast %swap3A_241 : vector<1x16xf32> to vector<16xf32>
          %swap3A_243 = vector.shape_cast %add3A_237 : vector<16xf32> to vector<1x16xf32>
          tpu.vector_store %arg12[%swap3A_239, %swap3A_240], %swap3A_243 {strides = array<i32>} : memref<16x1024xf32, #tpu.memory_space<vmem>>, vector<1x16xf32>,
          %mul3A_244 = arith.constant 3.200000e+01 : f32
          %mul3A_245 = vector.broadcast %mul3A_244 : f32 to vector<16xf32>
          %mul3A_246 = arith.mulf %get3A_163, %mul3A_245 : vector<16xf32>
          %add3A_247 = arith.addf %mul3A_246, %get3A_153 : vector<16xf32>
          %swap3A_248 = arith.constant 1 : i32
          %swap3A_249 = arith.index_cast %swap3A_248 : i32 to index
          %swap3A_250 = arith.index_cast %mul3A_150 : i32 to index
          %swap3A_251 = tpu.vector_load %arg12[%swap3A_249, %swap3A_250] {strides = array<i32>} : memref<16x1024xf32, #tpu.memory_space<vmem>>, vector<1x16xf32>,
          %swap3A_252 = vector.shape_cast %swap3A_251 : vector<1x16xf32> to vector<16xf32>
          %swap3A_253 = vector.shape_cast %add3A_247 : vector<16xf32> to vector<1x16xf32>
          tpu.vector_store %arg12[%swap3A_249, %swap3A_250], %swap3A_253 {strides = array<i32>} : memref<16x1024xf32, #tpu.memory_space<vmem>>, vector<1x16xf32>,
          %mul3A_254 = arith.constant 3.200000e+01 : f32
          %mul3A_255 = vector.broadcast %mul3A_254 : f32 to vector<16xf32>
          %mul3A_256 = arith.mulf %get3A_168, %mul3A_255 : vector<16xf32>
          %add3A_257 = arith.addf %mul3A_256, %get3A_153 : vector<16xf32>
          %swap3A_258 = arith.constant 2 : i32
          %swap3A_259 = arith.index_cast %swap3A_258 : i32 to index
          %swap3A_260 = arith.index_cast %mul3A_150 : i32 to index
          %swap3A_261 = tpu.vector_load %arg12[%swap3A_259, %swap3A_260] {strides = array<i32>} : memref<16x1024xf32, #tpu.memory_space<vmem>>, vector<1x16xf32>,
          %swap3A_262 = vector.shape_cast %swap3A_261 : vector<1x16xf32> to vector<16xf32>
          %swap3A_263 = vector.shape_cast %add3A_257 : vector<16xf32> to vector<1x16xf32>
          tpu.vector_store %arg12[%swap3A_259, %swap3A_260], %swap3A_263 {strides = array<i32>} : memref<16x1024xf32, #tpu.memory_space<vmem>>, vector<1x16xf32>,
          %mul3A_264 = arith.constant 3.200000e+01 : f32
          %mul3A_265 = vector.broadcast %mul3A_264 : f32 to vector<16xf32>
          %mul3A_266 = arith.mulf %get3A_173, %mul3A_265 : vector<16xf32>
          %add3A_267 = arith.addf %mul3A_266, %get3A_153 : vector<16xf32>
          %swap3A_268 = arith.constant 3 : i32
          %swap3A_269 = arith.index_cast %swap3A_268 : i32 to index
          %swap3A_270 = arith.index_cast %mul3A_150 : i32 to index
          %swap3A_271 = tpu.vector_load %arg12[%swap3A_269, %swap3A_270] {strides = array<i32>} : memref<16x1024xf32, #tpu.memory_space<vmem>>, vector<1x16xf32>,
          %swap3A_272 = vector.shape_cast %swap3A_271 : vector<1x16xf32> to vector<16xf32>
          %swap3A_273 = vector.shape_cast %add3A_267 : vector<16xf32> to vector<1x16xf32>
          tpu.vector_store %arg12[%swap3A_269, %swap3A_270], %swap3A_273 {strides = array<i32>} : memref<16x1024xf32, #tpu.memory_space<vmem>>, vector<1x16xf32>,
          %mul3A_274 = arith.constant 3.200000e+01 : f32
          %mul3A_275 = vector.broadcast %mul3A_274 : f32 to vector<16xf32>
          %mul3A_276 = arith.mulf %get3A_178, %mul3A_275 : vector<16xf32>
          %add3A_277 = arith.addf %mul3A_276, %get3A_153 : vector<16xf32>
          %swap3A_278 = arith.constant 4 : i32
          %swap3A_279 = arith.index_cast %swap3A_278 : i32 to index
          %swap3A_280 = arith.index_cast %mul3A_150 : i32 to index
          %swap3A_281 = tpu.vector_load %arg12[%swap3A_279, %swap3A_280] {strides = array<i32>} : memref<16x1024xf32, #tpu.memory_space<vmem>>, vector<1x16xf32>,
          %swap3A_282 = vector.shape_cast %swap3A_281 : vector<1x16xf32> to vector<16xf32>
          %swap3A_283 = vector.shape_cast %add3A_277 : vector<16xf32> to vector<1x16xf32>
          tpu.vector_store %arg12[%swap3A_279, %swap3A_280], %swap3A_283 {strides = array<i32>} : memref<16x1024xf32, #tpu.memory_space<vmem>>, vector<1x16xf32>,
          %mul3A_284 = arith.constant 3.200000e+01 : f32
          %mul3A_285 = vector.broadcast %mul3A_284 : f32 to vector<16xf32>
          %mul3A_286 = arith.mulf %get3A_183, %mul3A_285 : vector<16xf32>
          %add3A_287 = arith.addf %mul3A_286, %get3A_153 : vector<16xf32>
          %swap3A_288 = arith.constant 5 : i32
          %swap3A_289 = arith.index_cast %swap3A_288 : i32 to index
          %swap3A_290 = arith.index_cast %mul3A_150 : i32 to index
          %swap3A_291 = tpu.vector_load %arg12[%swap3A_289, %swap3A_290] {strides = array<i32>} : memref<16x1024xf32, #tpu.memory_space<vmem>>, vector<1x16xf32>,
          %swap3A_292 = vector.shape_cast %swap3A_291 : vector<1x16xf32> to vector<16xf32>
          %swap3A_293 = vector.shape_cast %add3A_287 : vector<16xf32> to vector<1x16xf32>
          tpu.vector_store %arg12[%swap3A_289, %swap3A_290], %swap3A_293 {strides = array<i32>} : memref<16x1024xf32, #tpu.memory_space<vmem>>, vector<1x16xf32>,
          %mul3A_294 = arith.constant 3.200000e+01 : f32
          %mul3A_295 = vector.broadcast %mul3A_294 : f32 to vector<16xf32>
          %mul3A_296 = arith.mulf %get3A_188, %mul3A_295 : vector<16xf32>
          %add3A_297 = arith.addf %mul3A_296, %get3A_153 : vector<16xf32>
          %swap3A_298 = arith.constant 6 : i32
          %swap3A_299 = arith.index_cast %swap3A_298 : i32 to index
          %swap3A_300 = arith.index_cast %mul3A_150 : i32 to index
          %swap3A_301 = tpu.vector_load %arg12[%swap3A_299, %swap3A_300] {strides = array<i32>} : memref<16x1024xf32, #tpu.memory_space<vmem>>, vector<1x16xf32>,
          %swap3A_302 = vector.shape_cast %swap3A_301 : vector<1x16xf32> to vector<16xf32>
          %swap3A_303 = vector.shape_cast %add3A_297 : vector<16xf32> to vector<1x16xf32>
          tpu.vector_store %arg12[%swap3A_299, %swap3A_300], %swap3A_303 {strides = array<i32>} : memref<16x1024xf32, #tpu.memory_space<vmem>>, vector<1x16xf32>,
          %mul3A_304 = arith.constant 3.200000e+01 : f32
          %mul3A_305 = vector.broadcast %mul3A_304 : f32 to vector<16xf32>
          %mul3A_306 = arith.mulf %get3A_193, %mul3A_305 : vector<16xf32>
          %add3A_307 = arith.addf %mul3A_306, %get3A_153 : vector<16xf32>
          %swap3A_308 = arith.constant 7 : i32
          %swap3A_309 = arith.index_cast %swap3A_308 : i32 to index
          %swap3A_310 = arith.index_cast %mul3A_150 : i32 to index
          %swap3A_311 = tpu.vector_load %arg12[%swap3A_309, %swap3A_310] {strides = array<i32>} : memref<16x1024xf32, #tpu.memory_space<vmem>>, vector<1x16xf32>,
          %swap3A_312 = vector.shape_cast %swap3A_311 : vector<1x16xf32> to vector<16xf32>
          %swap3A_313 = vector.shape_cast %add3A_307 : vector<16xf32> to vector<1x16xf32>
          tpu.vector_store %arg12[%swap3A_309, %swap3A_310], %swap3A_313 {strides = array<i32>} : memref<16x1024xf32, #tpu.memory_space<vmem>>, vector<1x16xf32>,
          %mul3A_314 = arith.constant 3.200000e+01 : f32
          %mul3A_315 = vector.broadcast %mul3A_314 : f32 to vector<16xf32>
          %mul3A_316 = arith.mulf %get3A_198, %mul3A_315 : vector<16xf32>
          %add3A_317 = arith.addf %mul3A_316, %get3A_153 : vector<16xf32>
          %swap3A_318 = arith.constant 8 : i32
          %swap3A_319 = arith.index_cast %swap3A_318 : i32 to index
          %swap3A_320 = arith.index_cast %mul3A_150 : i32 to index
          %swap3A_321 = tpu.vector_load %arg12[%swap3A_319, %swap3A_320] {strides = array<i32>} : memref<16x1024xf32, #tpu.memory_space<vmem>>, vector<1x16xf32>,
          %swap3A_322 = vector.shape_cast %swap3A_321 : vector<1x16xf32> to vector<16xf32>
          %swap3A_323 = vector.shape_cast %add3A_317 : vector<16xf32> to vector<1x16xf32>
          tpu.vector_store %arg12[%swap3A_319, %swap3A_320], %swap3A_323 {strides = array<i32>} : memref<16x1024xf32, #tpu.memory_space<vmem>>, vector<1x16xf32>,
          %mul3A_324 = arith.constant 3.200000e+01 : f32
          %mul3A_325 = vector.broadcast %mul3A_324 : f32 to vector<16xf32>
          %mul3A_326 = arith.mulf %get3A_203, %mul3A_325 : vector<16xf32>
          %add3A_327 = arith.addf %mul3A_326, %get3A_153 : vector<16xf32>
          %swap3A_328 = arith.constant 9 : i32
          %swap3A_329 = arith.index_cast %swap3A_328 : i32 to index
          %swap3A_330 = arith.index_cast %mul3A_150 : i32 to index
          %swap3A_331 = tpu.vector_load %arg12[%swap3A_329, %swap3A_330] {strides = array<i32>} : memref<16x1024xf32, #tpu.memory_space<vmem>>, vector<1x16xf32>,
          %swap3A_332 = vector.shape_cast %swap3A_331 : vector<1x16xf32> to vector<16xf32>
          %swap3A_333 = vector.shape_cast %add3A_327 : vector<16xf32> to vector<1x16xf32>
          tpu.vector_store %arg12[%swap3A_329, %swap3A_330], %swap3A_333 {strides = array<i32>} : memref<16x1024xf32, #tpu.memory_space<vmem>>, vector<1x16xf32>,
          %mul3A_334 = arith.constant 3.200000e+01 : f32
          %mul3A_335 = vector.broadcast %mul3A_334 : f32 to vector<16xf32>
          %mul3A_336 = arith.mulf %get3A_208, %mul3A_335 : vector<16xf32>
          %add3A_337 = arith.addf %mul3A_336, %get3A_153 : vector<16xf32>
          %swap3A_338 = arith.constant 10 : i32
          %swap3A_339 = arith.index_cast %swap3A_338 : i32 to index
          %swap3A_340 = arith.index_cast %mul3A_150 : i32 to index
          %swap3A_341 = tpu.vector_load %arg12[%swap3A_339, %swap3A_340] {strides = array<i32>} : memref<16x1024xf32, #tpu.memory_space<vmem>>, vector<1x16xf32>,
          %swap3A_342 = vector.shape_cast %swap3A_341 : vector<1x16xf32> to vector<16xf32>
          %swap3A_343 = vector.shape_cast %add3A_337 : vector<16xf32> to vector<1x16xf32>
          tpu.vector_store %arg12[%swap3A_339, %swap3A_340], %swap3A_343 {strides = array<i32>} : memref<16x1024xf32, #tpu.memory_space<vmem>>, vector<1x16xf32>,
          %mul3A_344 = arith.constant 3.200000e+01 : f32
          %mul3A_345 = vector.broadcast %mul3A_344 : f32 to vector<16xf32>
          %mul3A_346 = arith.mulf %get3A_213, %mul3A_345 : vector<16xf32>
          %add3A_347 = arith.addf %mul3A_346, %get3A_153 : vector<16xf32>
          %swap3A_348 = arith.constant 11 : i32
          %swap3A_349 = arith.index_cast %swap3A_348 : i32 to index
          %swap3A_350 = arith.index_cast %mul3A_150 : i32 to index
          %swap3A_351 = tpu.vector_load %arg12[%swap3A_349, %swap3A_350] {strides = array<i32>} : memref<16x1024xf32, #tpu.memory_space<vmem>>, vector<1x16xf32>,
          %swap3A_352 = vector.shape_cast %swap3A_351 : vector<1x16xf32> to vector<16xf32>
          %swap3A_353 = vector.shape_cast %add3A_347 : vector<16xf32> to vector<1x16xf32>
          tpu.vector_store %arg12[%swap3A_349, %swap3A_350], %swap3A_353 {strides = array<i32>} : memref<16x1024xf32, #tpu.memory_space<vmem>>, vector<1x16xf32>,
          %mul3A_354 = arith.constant 3.200000e+01 : f32
          %mul3A_355 = vector.broadcast %mul3A_354 : f32 to vector<16xf32>
          %mul3A_356 = arith.mulf %get3A_218, %mul3A_355 : vector<16xf32>
          %add3A_357 = arith.addf %mul3A_356, %get3A_153 : vector<16xf32>
          %swap3A_358 = arith.constant 12 : i32
          %swap3A_359 = arith.index_cast %swap3A_358 : i32 to index
          %swap3A_360 = arith.index_cast %mul3A_150 : i32 to index
          %swap3A_361 = tpu.vector_load %arg12[%swap3A_359, %swap3A_360] {strides = array<i32>} : memref<16x1024xf32, #tpu.memory_space<vmem>>, vector<1x16xf32>,
          %swap3A_362 = vector.shape_cast %swap3A_361 : vector<1x16xf32> to vector<16xf32>
          %swap3A_363 = vector.shape_cast %add3A_357 : vector<16xf32> to vector<1x16xf32>
          tpu.vector_store %arg12[%swap3A_359, %swap3A_360], %swap3A_363 {strides = array<i32>} : memref<16x1024xf32, #tpu.memory_space<vmem>>, vector<1x16xf32>,
          %mul3A_364 = arith.constant 3.200000e+01 : f32
          %mul3A_365 = vector.broadcast %mul3A_364 : f32 to vector<16xf32>
          %mul3A_366 = arith.mulf %get3A_223, %mul3A_365 : vector<16xf32>
          %add3A_367 = arith.addf %mul3A_366, %get3A_153 : vector<16xf32>
          %swap3A_368 = arith.constant 13 : i32
          %swap3A_369 = arith.index_cast %swap3A_368 : i32 to index
          %swap3A_370 = arith.index_cast %mul3A_150 : i32 to index
          %swap3A_371 = tpu.vector_load %arg12[%swap3A_369, %swap3A_370] {strides = array<i32>} : memref<16x1024xf32, #tpu.memory_space<vmem>>, vector<1x16xf32>,
          %swap3A_372 = vector.shape_cast %swap3A_371 : vector<1x16xf32> to vector<16xf32>
          %swap3A_373 = vector.shape_cast %add3A_367 : vector<16xf32> to vector<1x16xf32>
          tpu.vector_store %arg12[%swap3A_369, %swap3A_370], %swap3A_373 {strides = array<i32>} : memref<16x1024xf32, #tpu.memory_space<vmem>>, vector<1x16xf32>,
          %mul3A_374 = arith.constant 3.200000e+01 : f32
          %mul3A_375 = vector.broadcast %mul3A_374 : f32 to vector<16xf32>
          %mul3A_376 = arith.mulf %get3A_228, %mul3A_375 : vector<16xf32>
          %add3A_377 = arith.addf %mul3A_376, %get3A_153 : vector<16xf32>
          %swap3A_378 = arith.constant 14 : i32
          %swap3A_379 = arith.index_cast %swap3A_378 : i32 to index
          %swap3A_380 = arith.index_cast %mul3A_150 : i32 to index
          %swap3A_381 = tpu.vector_load %arg12[%swap3A_379, %swap3A_380] {strides = array<i32>} : memref<16x1024xf32, #tpu.memory_space<vmem>>, vector<1x16xf32>,
          %swap3A_382 = vector.shape_cast %swap3A_381 : vector<1x16xf32> to vector<16xf32>
          %swap3A_383 = vector.shape_cast %add3A_377 : vector<16xf32> to vector<1x16xf32>
          tpu.vector_store %arg12[%swap3A_379, %swap3A_380], %swap3A_383 {strides = array<i32>} : memref<16x1024xf32, #tpu.memory_space<vmem>>, vector<1x16xf32>,
          %mul3A_384 = arith.constant 3.200000e+01 : f32
          %mul3A_385 = vector.broadcast %mul3A_384 : f32 to vector<16xf32>
          %mul3A_386 = arith.mulf %get3A_233, %mul3A_385 : vector<16xf32>
          %add3A_387 = arith.addf %mul3A_386, %get3A_153 : vector<16xf32>
          %swap3A_388 = arith.constant 15 : i32
          %swap3A_389 = arith.index_cast %swap3A_388 : i32 to index
          %swap3A_390 = arith.index_cast %mul3A_150 : i32 to index
          %swap3A_391 = tpu.vector_load %arg12[%swap3A_389, %swap3A_390] {strides = array<i32>} : memref<16x1024xf32, #tpu.memory_space<vmem>>, vector<1x16xf32>,
          %swap3A_392 = vector.shape_cast %swap3A_391 : vector<1x16xf32> to vector<16xf32>
          %swap3A_393 = vector.shape_cast %add3A_387 : vector<16xf32> to vector<1x16xf32>
          tpu.vector_store %arg12[%swap3A_389, %swap3A_390], %swap3A_393 {strides = array<i32>} : memref<16x1024xf32, #tpu.memory_space<vmem>>, vector<1x16xf32>,
          %scan3A_394 = arith.constant 0 : i32
          %scan3A_395 = arith.constant 1 : i32
          %scan3A_396 = arith.addi %scan3A_147, %scan3A_395 : i32
          %mul3A_397 = arith.constant 16 : i32
          %mul3A_398 = arith.muli %scan3A_396, %mul3A_397 : i32
          %get3A_399 = arith.index_cast %and3A_117 : i32 to index
          %get3A_400 = arith.index_cast %mul3A_398 : i32 to index
          %get3A_401 = tpu.vector_load %arg7[%get3A_399, %get3A_400] {strides = array<i32>} : memref<16x1024xf32, #tpu.memory_space<vmem>>, vector<1x16xf32>,
          %get3A_402 = vector.shape_cast %get3A_401 : vector<1x16xf32> to vector<16xf32>
          %get3A_403 = arith.constant 0 : i32
          %get3A_404 = arith.index_cast %get3A_403 : i32 to index
          %get3A_405 = arith.index_cast %mul3A_398 : i32 to index
          %get3A_406 = tpu.vector_load %arg9[%get3A_404, %get3A_405] {strides = array<i32>} : memref<16x1024xf32, #tpu.memory_space<vmem>>, vector<1x16xf32>,
          %get3A_407 = vector.shape_cast %get3A_406 : vector<1x16xf32> to vector<16xf32>
          %get3A_408 = arith.constant 1 : i32
          %get3A_409 = arith.index_cast %get3A_408 : i32 to index
          %get3A_410 = arith.index_cast %mul3A_398 : i32 to index
          %get3A_411 = tpu.vector_load %arg9[%get3A_409, %get3A_410] {strides = array<i32>} : memref<16x1024xf32, #tpu.memory_space<vmem>>, vector<1x16xf32>,
          %get3A_412 = vector.shape_cast %get3A_411 : vector<1x16xf32> to vector<16xf32>
          %get3A_413 = arith.constant 2 : i32
          %get3A_414 = arith.index_cast %get3A_413 : i32 to index
          %get3A_415 = arith.index_cast %mul3A_398 : i32 to index
          %get3A_416 = tpu.vector_load %arg9[%get3A_414, %get3A_415] {strides = array<i32>} : memref<16x1024xf32, #tpu.memory_space<vmem>>, vector<1x16xf32>,
          %get3A_417 = vector.shape_cast %get3A_416 : vector<1x16xf32> to vector<16xf32>
          %get3A_418 = arith.constant 3 : i32
          %get3A_419 = arith.index_cast %get3A_418 : i32 to index
          %get3A_420 = arith.index_cast %mul3A_398 : i32 to index
          %get3A_421 = tpu.vector_load %arg9[%get3A_419, %get3A_420] {strides = array<i32>} : memref<16x1024xf32, #tpu.memory_space<vmem>>, vector<1x16xf32>,
          %get3A_422 = vector.shape_cast %get3A_421 : vector<1x16xf32> to vector<16xf32>
          %get3A_423 = arith.constant 4 : i32
          %get3A_424 = arith.index_cast %get3A_423 : i32 to index
          %get3A_425 = arith.index_cast %mul3A_398 : i32 to index
          %get3A_426 = tpu.vector_load %arg9[%get3A_424, %get3A_425] {strides = array<i32>} : memref<16x1024xf32, #tpu.memory_space<vmem>>, vector<1x16xf32>,
          %get3A_427 = vector.shape_cast %get3A_426 : vector<1x16xf32> to vector<16xf32>
          %get3A_428 = arith.constant 5 : i32
          %get3A_429 = arith.index_cast %get3A_428 : i32 to index
          %get3A_430 = arith.index_cast %mul3A_398 : i32 to index
          %get3A_431 = tpu.vector_load %arg9[%get3A_429, %get3A_430] {strides = array<i32>} : memref<16x1024xf32, #tpu.memory_space<vmem>>, vector<1x16xf32>,
          %get3A_432 = vector.shape_cast %get3A_431 : vector<1x16xf32> to vector<16xf32>
          %get3A_433 = arith.constant 6 : i32
          %get3A_434 = arith.index_cast %get3A_433 : i32 to index
          %get3A_435 = arith.index_cast %mul3A_398 : i32 to index
          %get3A_436 = tpu.vector_load %arg9[%get3A_434, %get3A_435] {strides = array<i32>} : memref<16x1024xf32, #tpu.memory_space<vmem>>, vector<1x16xf32>,
          %get3A_437 = vector.shape_cast %get3A_436 : vector<1x16xf32> to vector<16xf32>
          %get3A_438 = arith.constant 7 : i32
          %get3A_439 = arith.index_cast %get3A_438 : i32 to index
          %get3A_440 = arith.index_cast %mul3A_398 : i32 to index
          %get3A_441 = tpu.vector_load %arg9[%get3A_439, %get3A_440] {strides = array<i32>} : memref<16x1024xf32, #tpu.memory_space<vmem>>, vector<1x16xf32>,
          %get3A_442 = vector.shape_cast %get3A_441 : vector<1x16xf32> to vector<16xf32>
          %get3A_443 = arith.constant 8 : i32
          %get3A_444 = arith.index_cast %get3A_443 : i32 to index
          %get3A_445 = arith.index_cast %mul3A_398 : i32 to index
          %get3A_446 = tpu.vector_load %arg9[%get3A_444, %get3A_445] {strides = array<i32>} : memref<16x1024xf32, #tpu.memory_space<vmem>>, vector<1x16xf32>,
          %get3A_447 = vector.shape_cast %get3A_446 : vector<1x16xf32> to vector<16xf32>
          %get3A_448 = arith.constant 9 : i32
          %get3A_449 = arith.index_cast %get3A_448 : i32 to index
          %get3A_450 = arith.index_cast %mul3A_398 : i32 to index
          %get3A_451 = tpu.vector_load %arg9[%get3A_449, %get3A_450] {strides = array<i32>} : memref<16x1024xf32, #tpu.memory_space<vmem>>, vector<1x16xf32>,
          %get3A_452 = vector.shape_cast %get3A_451 : vector<1x16xf32> to vector<16xf32>
          %get3A_453 = arith.constant 10 : i32
          %get3A_454 = arith.index_cast %get3A_453 : i32 to index
          %get3A_455 = arith.index_cast %mul3A_398 : i32 to index
          %get3A_456 = tpu.vector_load %arg9[%get3A_454, %get3A_455] {strides = array<i32>} : memref<16x1024xf32, #tpu.memory_space<vmem>>, vector<1x16xf32>,
          %get3A_457 = vector.shape_cast %get3A_456 : vector<1x16xf32> to vector<16xf32>
          %get3A_458 = arith.constant 11 : i32
          %get3A_459 = arith.index_cast %get3A_458 : i32 to index
          %get3A_460 = arith.index_cast %mul3A_398 : i32 to index
          %get3A_461 = tpu.vector_load %arg9[%get3A_459, %get3A_460] {strides = array<i32>} : memref<16x1024xf32, #tpu.memory_space<vmem>>, vector<1x16xf32>,
          %get3A_462 = vector.shape_cast %get3A_461 : vector<1x16xf32> to vector<16xf32>
          %get3A_463 = arith.constant 12 : i32
          %get3A_464 = arith.index_cast %get3A_463 : i32 to index
          %get3A_465 = arith.index_cast %mul3A_398 : i32 to index
          %get3A_466 = tpu.vector_load %arg9[%get3A_464, %get3A_465] {strides = array<i32>} : memref<16x1024xf32, #tpu.memory_space<vmem>>, vector<1x16xf32>,
          %get3A_467 = vector.shape_cast %get3A_466 : vector<1x16xf32> to vector<16xf32>
          %get3A_468 = arith.constant 13 : i32
          %get3A_469 = arith.index_cast %get3A_468 : i32 to index
          %get3A_470 = arith.index_cast %mul3A_398 : i32 to index
          %get3A_471 = tpu.vector_load %arg9[%get3A_469, %get3A_470] {strides = array<i32>} : memref<16x1024xf32, #tpu.memory_space<vmem>>, vector<1x16xf32>,
          %get3A_472 = vector.shape_cast %get3A_471 : vector<1x16xf32> to vector<16xf32>
          %get3A_473 = arith.constant 14 : i32
          %get3A_474 = arith.index_cast %get3A_473 : i32 to index
          %get3A_475 = arith.index_cast %mul3A_398 : i32 to index
          %get3A_476 = tpu.vector_load %arg9[%get3A_474, %get3A_475] {strides = array<i32>} : memref<16x1024xf32, #tpu.memory_space<vmem>>, vector<1x16xf32>,
          %get3A_477 = vector.shape_cast %get3A_476 : vector<1x16xf32> to vector<16xf32>
          %get3A_478 = arith.constant 15 : i32
          %get3A_479 = arith.index_cast %get3A_478 : i32 to index
          %get3A_480 = arith.index_cast %mul3A_398 : i32 to index
          %get3A_481 = tpu.vector_load %arg9[%get3A_479, %get3A_480] {strides = array<i32>} : memref<16x1024xf32, #tpu.memory_space<vmem>>, vector<1x16xf32>,
          %get3A_482 = vector.shape_cast %get3A_481 : vector<1x16xf32> to vector<16xf32>
          %mul3A_483 = arith.constant 3.200000e+01 : f32
          %mul3A_484 = vector.broadcast %mul3A_483 : f32 to vector<16xf32>
          %mul3A_485 = arith.mulf %get3A_407, %mul3A_484 : vector<16xf32>
          %add3A_486 = arith.addf %mul3A_485, %get3A_402 : vector<16xf32>
          %swap3A_487 = arith.constant 0 : i32
          %swap3A_488 = arith.index_cast %swap3A_487 : i32 to index
          %swap3A_489 = arith.index_cast %mul3A_398 : i32 to index
          %swap3A_490 = tpu.vector_load %arg12[%swap3A_488, %swap3A_489] {strides = array<i32>} : memref<16x1024xf32, #tpu.memory_space<vmem>>, vector<1x16xf32>,
          %swap3A_491 = vector.shape_cast %swap3A_490 : vector<1x16xf32> to vector<16xf32>
          %swap3A_492 = vector.shape_cast %add3A_486 : vector<16xf32> to vector<1x16xf32>
          tpu.vector_store %arg12[%swap3A_488, %swap3A_489], %swap3A_492 {strides = array<i32>} : memref<16x1024xf32, #tpu.memory_space<vmem>>, vector<1x16xf32>,
          %mul3A_493 = arith.constant 3.200000e+01 : f32
          %mul3A_494 = vector.broadcast %mul3A_493 : f32 to vector<16xf32>
          %mul3A_495 = arith.mulf %get3A_412, %mul3A_494 : vector<16xf32>
          %add3A_496 = arith.addf %mul3A_495, %get3A_402 : vector<16xf32>
          %swap3A_497 = arith.constant 1 : i32
          %swap3A_498 = arith.index_cast %swap3A_497 : i32 to index
          %swap3A_499 = arith.index_cast %mul3A_398 : i32 to index
          %swap3A_500 = tpu.vector_load %arg12[%swap3A_498, %swap3A_499] {strides = array<i32>} : memref<16x1024xf32, #tpu.memory_space<vmem>>, vector<1x16xf32>,
          %swap3A_501 = vector.shape_cast %swap3A_500 : vector<1x16xf32> to vector<16xf32>
          %swap3A_502 = vector.shape_cast %add3A_496 : vector<16xf32> to vector<1x16xf32>
          tpu.vector_store %arg12[%swap3A_498, %swap3A_499], %swap3A_502 {strides = array<i32>} : memref<16x1024xf32, #tpu.memory_space<vmem>>, vector<1x16xf32>,
          %mul3A_503 = arith.constant 3.200000e+01 : f32
          %mul3A_504 = vector.broadcast %mul3A_503 : f32 to vector<16xf32>
          %mul3A_505 = arith.mulf %get3A_417, %mul3A_504 : vector<16xf32>
          %add3A_506 = arith.addf %mul3A_505, %get3A_402 : vector<16xf32>
          %swap3A_507 = arith.constant 2 : i32
          %swap3A_508 = arith.index_cast %swap3A_507 : i32 to index
          %swap3A_509 = arith.index_cast %mul3A_398 : i32 to index
          %swap3A_510 = tpu.vector_load %arg12[%swap3A_508, %swap3A_509] {strides = array<i32>} : memref<16x1024xf32, #tpu.memory_space<vmem>>, vector<1x16xf32>,
          %swap3A_511 = vector.shape_cast %swap3A_510 : vector<1x16xf32> to vector<16xf32>
          %swap3A_512 = vector.shape_cast %add3A_506 : vector<16xf32> to vector<1x16xf32>
          tpu.vector_store %arg12[%swap3A_508, %swap3A_509], %swap3A_512 {strides = array<i32>} : memref<16x1024xf32, #tpu.memory_space<vmem>>, vector<1x16xf32>,
          %mul3A_513 = arith.constant 3.200000e+01 : f32
          %mul3A_514 = vector.broadcast %mul3A_513 : f32 to vector<16xf32>
          %mul3A_515 = arith.mulf %get3A_422, %mul3A_514 : vector<16xf32>
          %add3A_516 = arith.addf %mul3A_515, %get3A_402 : vector<16xf32>
          %swap3A_517 = arith.constant 3 : i32
          %swap3A_518 = arith.index_cast %swap3A_517 : i32 to index
          %swap3A_519 = arith.index_cast %mul3A_398 : i32 to index
          %swap3A_520 = tpu.vector_load %arg12[%swap3A_518, %swap3A_519] {strides = array<i32>} : memref<16x1024xf32, #tpu.memory_space<vmem>>, vector<1x16xf32>,
          %swap3A_521 = vector.shape_cast %swap3A_520 : vector<1x16xf32> to vector<16xf32>
          %swap3A_522 = vector.shape_cast %add3A_516 : vector<16xf32> to vector<1x16xf32>
          tpu.vector_store %arg12[%swap3A_518, %swap3A_519], %swap3A_522 {strides = array<i32>} : memref<16x1024xf32, #tpu.memory_space<vmem>>, vector<1x16xf32>,
          %mul3A_523 = arith.constant 3.200000e+01 : f32
          %mul3A_524 = vector.broadcast %mul3A_523 : f32 to vector<16xf32>
          %mul3A_525 = arith.mulf %get3A_427, %mul3A_524 : vector<16xf32>
          %add3A_526 = arith.addf %mul3A_525, %get3A_402 : vector<16xf32>
          %swap3A_527 = arith.constant 4 : i32
          %swap3A_528 = arith.index_cast %swap3A_527 : i32 to index
          %swap3A_529 = arith.index_cast %mul3A_398 : i32 to index
          %swap3A_530 = tpu.vector_load %arg12[%swap3A_528, %swap3A_529] {strides = array<i32>} : memref<16x1024xf32, #tpu.memory_space<vmem>>, vector<1x16xf32>,
          %swap3A_531 = vector.shape_cast %swap3A_530 : vector<1x16xf32> to vector<16xf32>
          %swap3A_532 = vector.shape_cast %add3A_526 : vector<16xf32> to vector<1x16xf32>
          tpu.vector_store %arg12[%swap3A_528, %swap3A_529], %swap3A_532 {strides = array<i32>} : memref<16x1024xf32, #tpu.memory_space<vmem>>, vector<1x16xf32>,
          %mul3A_533 = arith.constant 3.200000e+01 : f32
          %mul3A_534 = vector.broadcast %mul3A_533 : f32 to vector<16xf32>
          %mul3A_535 = arith.mulf %get3A_432, %mul3A_534 : vector<16xf32>
          %add3A_536 = arith.addf %mul3A_535, %get3A_402 : vector<16xf32>
          %swap3A_537 = arith.constant 5 : i32
          %swap3A_538 = arith.index_cast %swap3A_537 : i32 to index
          %swap3A_539 = arith.index_cast %mul3A_398 : i32 to index
          %swap3A_540 = tpu.vector_load %arg12[%swap3A_538, %swap3A_539] {strides = array<i32>} : memref<16x1024xf32, #tpu.memory_space<vmem>>, vector<1x16xf32>,
          %swap3A_541 = vector.shape_cast %swap3A_540 : vector<1x16xf32> to vector<16xf32>
          %swap3A_542 = vector.shape_cast %add3A_536 : vector<16xf32> to vector<1x16xf32>
          tpu.vector_store %arg12[%swap3A_538, %swap3A_539], %swap3A_542 {strides = array<i32>} : memref<16x1024xf32, #tpu.memory_space<vmem>>, vector<1x16xf32>,
          %mul3A_543 = arith.constant 3.200000e+01 : f32
          %mul3A_544 = vector.broadcast %mul3A_543 : f32 to vector<16xf32>
          %mul3A_545 = arith.mulf %get3A_437, %mul3A_544 : vector<16xf32>
          %add3A_546 = arith.addf %mul3A_545, %get3A_402 : vector<16xf32>
          %swap3A_547 = arith.constant 6 : i32
          %swap3A_548 = arith.index_cast %swap3A_547 : i32 to index
          %swap3A_549 = arith.index_cast %mul3A_398 : i32 to index
          %swap3A_550 = tpu.vector_load %arg12[%swap3A_548, %swap3A_549] {strides = array<i32>} : memref<16x1024xf32, #tpu.memory_space<vmem>>, vector<1x16xf32>,
          %swap3A_551 = vector.shape_cast %swap3A_550 : vector<1x16xf32> to vector<16xf32>
          %swap3A_552 = vector.shape_cast %add3A_546 : vector<16xf32> to vector<1x16xf32>
          tpu.vector_store %arg12[%swap3A_548, %swap3A_549], %swap3A_552 {strides = array<i32>} : memref<16x1024xf32, #tpu.memory_space<vmem>>, vector<1x16xf32>,
          %mul3A_553 = arith.constant 3.200000e+01 : f32
          %mul3A_554 = vector.broadcast %mul3A_553 : f32 to vector<16xf32>
          %mul3A_555 = arith.mulf %get3A_442, %mul3A_554 : vector<16xf32>
          %add3A_556 = arith.addf %mul3A_555, %get3A_402 : vector<16xf32>
          %swap3A_557 = arith.constant 7 : i32
          %swap3A_558 = arith.index_cast %swap3A_557 : i32 to index
          %swap3A_559 = arith.index_cast %mul3A_398 : i32 to index
          %swap3A_560 = tpu.vector_load %arg12[%swap3A_558, %swap3A_559] {strides = array<i32>} : memref<16x1024xf32, #tpu.memory_space<vmem>>, vector<1x16xf32>,
          %swap3A_561 = vector.shape_cast %swap3A_560 : vector<1x16xf32> to vector<16xf32>
          %swap3A_562 = vector.shape_cast %add3A_556 : vector<16xf32> to vector<1x16xf32>
          tpu.vector_store %arg12[%swap3A_558, %swap3A_559], %swap3A_562 {strides = array<i32>} : memref<16x1024xf32, #tpu.memory_space<vmem>>, vector<1x16xf32>,
          %mul3A_563 = arith.constant 3.200000e+01 : f32
          %mul3A_564 = vector.broadcast %mul3A_563 : f32 to vector<16xf32>
          %mul3A_565 = arith.mulf %get3A_447, %mul3A_564 : vector<16xf32>
          %add3A_566 = arith.addf %mul3A_565, %get3A_402 : vector<16xf32>
          %swap3A_567 = arith.constant 8 : i32
          %swap3A_568 = arith.index_cast %swap3A_567 : i32 to index
          %swap3A_569 = arith.index_cast %mul3A_398 : i32 to index
          %swap3A_570 = tpu.vector_load %arg12[%swap3A_568, %swap3A_569] {strides = array<i32>} : memref<16x1024xf32, #tpu.memory_space<vmem>>, vector<1x16xf32>,
          %swap3A_571 = vector.shape_cast %swap3A_570 : vector<1x16xf32> to vector<16xf32>
          %swap3A_572 = vector.shape_cast %add3A_566 : vector<16xf32> to vector<1x16xf32>
          tpu.vector_store %arg12[%swap3A_568, %swap3A_569], %swap3A_572 {strides = array<i32>} : memref<16x1024xf32, #tpu.memory_space<vmem>>, vector<1x16xf32>,
          %mul3A_573 = arith.constant 3.200000e+01 : f32
          %mul3A_574 = vector.broadcast %mul3A_573 : f32 to vector<16xf32>
          %mul3A_575 = arith.mulf %get3A_452, %mul3A_574 : vector<16xf32>
          %add3A_576 = arith.addf %mul3A_575, %get3A_402 : vector<16xf32>
          %swap3A_577 = arith.constant 9 : i32
          %swap3A_578 = arith.index_cast %swap3A_577 : i32 to index
          %swap3A_579 = arith.index_cast %mul3A_398 : i32 to index
          %swap3A_580 = tpu.vector_load %arg12[%swap3A_578, %swap3A_579] {strides = array<i32>} : memref<16x1024xf32, #tpu.memory_space<vmem>>, vector<1x16xf32>,
          %swap3A_581 = vector.shape_cast %swap3A_580 : vector<1x16xf32> to vector<16xf32>
          %swap3A_582 = vector.shape_cast %add3A_576 : vector<16xf32> to vector<1x16xf32>
          tpu.vector_store %arg12[%swap3A_578, %swap3A_579], %swap3A_582 {strides = array<i32>} : memref<16x1024xf32, #tpu.memory_space<vmem>>, vector<1x16xf32>,
          %mul3A_583 = arith.constant 3.200000e+01 : f32
          %mul3A_584 = vector.broadcast %mul3A_583 : f32 to vector<16xf32>
          %mul3A_585 = arith.mulf %get3A_457, %mul3A_584 : vector<16xf32>
          %add3A_586 = arith.addf %mul3A_585, %get3A_402 : vector<16xf32>
          %swap3A_587 = arith.constant 10 : i32
          %swap3A_588 = arith.index_cast %swap3A_587 : i32 to index
          %swap3A_589 = arith.index_cast %mul3A_398 : i32 to index
          %swap3A_590 = tpu.vector_load %arg12[%swap3A_588, %swap3A_589] {strides = array<i32>} : memref<16x1024xf32, #tpu.memory_space<vmem>>, vector<1x16xf32>,
          %swap3A_591 = vector.shape_cast %swap3A_590 : vector<1x16xf32> to vector<16xf32>
          %swap3A_592 = vector.shape_cast %add3A_586 : vector<16xf32> to vector<1x16xf32>
          tpu.vector_store %arg12[%swap3A_588, %swap3A_589], %swap3A_592 {strides = array<i32>} : memref<16x1024xf32, #tpu.memory_space<vmem>>, vector<1x16xf32>,
          %mul3A_593 = arith.constant 3.200000e+01 : f32
          %mul3A_594 = vector.broadcast %mul3A_593 : f32 to vector<16xf32>
          %mul3A_595 = arith.mulf %get3A_462, %mul3A_594 : vector<16xf32>
          %add3A_596 = arith.addf %mul3A_595, %get3A_402 : vector<16xf32>
          %swap3A_597 = arith.constant 11 : i32
          %swap3A_598 = arith.index_cast %swap3A_597 : i32 to index
          %swap3A_599 = arith.index_cast %mul3A_398 : i32 to index
          %swap3A_600 = tpu.vector_load %arg12[%swap3A_598, %swap3A_599] {strides = array<i32>} : memref<16x1024xf32, #tpu.memory_space<vmem>>, vector<1x16xf32>,
          %swap3A_601 = vector.shape_cast %swap3A_600 : vector<1x16xf32> to vector<16xf32>
          %swap3A_602 = vector.shape_cast %add3A_596 : vector<16xf32> to vector<1x16xf32>
          tpu.vector_store %arg12[%swap3A_598, %swap3A_599], %swap3A_602 {strides = array<i32>} : memref<16x1024xf32, #tpu.memory_space<vmem>>, vector<1x16xf32>,
          %mul3A_603 = arith.constant 3.200000e+01 : f32
          %mul3A_604 = vector.broadcast %mul3A_603 : f32 to vector<16xf32>
          %mul3A_605 = arith.mulf %get3A_467, %mul3A_604 : vector<16xf32>
          %add3A_606 = arith.addf %mul3A_605, %get3A_402 : vector<16xf32>
          %swap3A_607 = arith.constant 12 : i32
          %swap3A_608 = arith.index_cast %swap3A_607 : i32 to index
          %swap3A_609 = arith.index_cast %mul3A_398 : i32 to index
          %swap3A_610 = tpu.vector_load %arg12[%swap3A_608, %swap3A_609] {strides = array<i32>} : memref<16x1024xf32, #tpu.memory_space<vmem>>, vector<1x16xf32>,
          %swap3A_611 = vector.shape_cast %swap3A_610 : vector<1x16xf32> to vector<16xf32>
          %swap3A_612 = vector.shape_cast %add3A_606 : vector<16xf32> to vector<1x16xf32>
          tpu.vector_store %arg12[%swap3A_608, %swap3A_609], %swap3A_612 {strides = array<i32>} : memref<16x1024xf32, #tpu.memory_space<vmem>>, vector<1x16xf32>,
          %mul3A_613 = arith.constant 3.200000e+01 : f32
          %mul3A_614 = vector.broadcast %mul3A_613 : f32 to vector<16xf32>
          %mul3A_615 = arith.mulf %get3A_472, %mul3A_614 : vector<16xf32>
          %add3A_616 = arith.addf %mul3A_615, %get3A_402 : vector<16xf32>
          %swap3A_617 = arith.constant 13 : i32
          %swap3A_618 = arith.index_cast %swap3A_617 : i32 to index
          %swap3A_619 = arith.index_cast %mul3A_398 : i32 to index
          %swap3A_620 = tpu.vector_load %arg12[%swap3A_618, %swap3A_619] {strides = array<i32>} : memref<16x1024xf32, #tpu.memory_space<vmem>>, vector<1x16xf32>,
          %swap3A_621 = vector.shape_cast %swap3A_620 : vector<1x16xf32> to vector<16xf32>
          %swap3A_622 = vector.shape_cast %add3A_616 : vector<16xf32> to vector<1x16xf32>
          tpu.vector_store %arg12[%swap3A_618, %swap3A_619], %swap3A_622 {strides = array<i32>} : memref<16x1024xf32, #tpu.memory_space<vmem>>, vector<1x16xf32>,
          %mul3A_623 = arith.constant 3.200000e+01 : f32
          %mul3A_624 = vector.broadcast %mul3A_623 : f32 to vector<16xf32>
          %mul3A_625 = arith.mulf %get3A_477, %mul3A_624 : vector<16xf32>
          %add3A_626 = arith.addf %mul3A_625, %get3A_402 : vector<16xf32>
          %swap3A_627 = arith.constant 14 : i32
          %swap3A_628 = arith.index_cast %swap3A_627 : i32 to index
          %swap3A_629 = arith.index_cast %mul3A_398 : i32 to index
          %swap3A_630 = tpu.vector_load %arg12[%swap3A_628, %swap3A_629] {strides = array<i32>} : memref<16x1024xf32, #tpu.memory_space<vmem>>, vector<1x16xf32>,
          %swap3A_631 = vector.shape_cast %swap3A_630 : vector<1x16xf32> to vector<16xf32>
          %swap3A_632 = vector.shape_cast %add3A_626 : vector<16xf32> to vector<1x16xf32>
          tpu.vector_store %arg12[%swap3A_628, %swap3A_629], %swap3A_632 {strides = array<i32>} : memref<16x1024xf32, #tpu.memory_space<vmem>>, vector<1x16xf32>,
          %mul3A_633 = arith.constant 3.200000e+01 : f32
          %mul3A_634 = vector.broadcast %mul3A_633 : f32 to vector<16xf32>
          %mul3A_635 = arith.mulf %get3A_482, %mul3A_634 : vector<16xf32>
          %add3A_636 = arith.addf %mul3A_635, %get3A_402 : vector<16xf32>
          %swap3A_637 = arith.constant 15 : i32
          %swap3A_638 = arith.index_cast %swap3A_637 : i32 to index
          %swap3A_639 = arith.index_cast %mul3A_398 : i32 to index
          %swap3A_640 = tpu.vector_load %arg12[%swap3A_638, %swap3A_639] {strides = array<i32>} : memref<16x1024xf32, #tpu.memory_space<vmem>>, vector<1x16xf32>,
          %swap3A_641 = vector.shape_cast %swap3A_640 : vector<1x16xf32> to vector<16xf32>
          %swap3A_642 = vector.shape_cast %add3A_636 : vector<16xf32> to vector<1x16xf32>
          tpu.vector_store %arg12[%swap3A_638, %swap3A_639], %swap3A_642 {strides = array<i32>} : memref<16x1024xf32, #tpu.memory_space<vmem>>, vector<1x16xf32>,
          %scan3A_643 = arith.constant 0 : i32
          scf.yield %scan3A_643 : i32
        }
        %scan3A_139 = arith.constant 64 : i32
        %dma_start3A_140 = arith.constant 0 : i32
        %dma_start3A_141 = arith.constant 0 : i32
        %dma_start3A_142 = tpu.memref_slice %arg8[%dma_start3A_140, %dma_start3A_141] : memref<2x16xi32, #tpu.memory_space<vmem>> -> memref<1x16xi32, #tpu.memory_space<vmem>>
        %dma_start3A_143 = tpu.memref_squeeze %dma_start3A_142 : memref<1x16xi32, #tpu.memory_space<vmem>> -> memref<16xi32, #tpu.memory_space<vmem>>
        %dma_start3A_144 = arith.constant 0 : i32
        %dma_start3A_145 = arith.constant 0 : i32
        %dma_start3A_146 = tpu.memref_slice %arg5[%dma_start3A_144, %dma_start3A_145] : memref<163840x1024xf32, #tpu.memory_space<hbm>> -> memref<163840x1024xf32, #tpu.memory_space<hbm>>
        tpu.enqueue_indirect_dma source(%arg12 : memref<16x1024xf32, #tpu.memory_space<vmem>>) target(%dma_start3A_146 : memref<163840x1024xf32, #tpu.memory_space<hbm>>) offsets(%dma_start3A_143 : memref<16xi32, #tpu.memory_space<vmem>>) semaphore(%arg17 : memref<!tpu.dma_semaphore, #tpu.memory_space<semaphore_mem>>)
      } else {
      }
      %eq3A_47 = arith.constant 0 : i32
      %eq3A_48 = arith.cmpi eq, %scan3A_33, %eq3A_47 : i32
      %and3A_49 = arith.constant 1 : i32
      %and3A_50 = arith.andi %scan3A_32, %and3A_49 : i32
      %eq3A_51 = arith.constant 1 : i32
      %eq3A_52 = arith.cmpi eq, %and3A_50, %eq3A_51 : i32
      %and3A_53 = arith.andi %eq3A_48, %eq3A_52 : i1
      %convert_element_type3A_54 = arith.extui %and3A_53 : i1 to i32
      %cond3A_55 = arith.constant 0 : i32
      %cond3A_56 = arith.cmpi ne, %convert_element_type3A_54, %cond3A_55 : i32
      scf.if %cond3A_56 {
        %ge3A = arith.constant 2 : i32
        %ge3A_101 = arith.cmpi sge, %scan3A_32, %ge3A : i32
        %convert_element_type3A_102 = arith.extui %ge3A_101 : i1 to i32
        %cond3A_103 = arith.constant 0 : i32
        %cond3A_104 = arith.cmpi ne, %convert_element_type3A_102, %cond3A_103 : i32
        scf.if %cond3A_104 {
          %dma_wait3A_147 = arith.constant 0 : i32
          %dma_wait3A_148 = arith.constant 0 : i32
          %dma_wait3A_149 = tpu.memref_slice %arg5[%dma_wait3A_147, %dma_wait3A_148] : memref<163840x1024xf32, #tpu.memory_space<hbm>> -> memref<16x1024xf32, #tpu.memory_space<hbm>>
          %dma_wait3A_150 = arith.constant 0 : i32
          %dma_wait3A_151 = arith.constant 0 : i32
          %dma_wait3A_152 = tpu.memref_slice %arg5[%dma_wait3A_150, %dma_wait3A_151] : memref<163840x1024xf32, #tpu.memory_space<hbm>> -> memref<16x1024xf32, #tpu.memory_space<hbm>>
          tpu.wait_dma2 semaphore(%arg18 : memref<!tpu.dma_semaphore, #tpu.memory_space<semaphore_mem>>) src(%arg13 : memref<16x1024xf32, #tpu.memory_space<vmem>>) dst(%dma_wait3A_152 : memref<16x1024xf32, #tpu.memory_space<hbm>>)
        } else {
        }
        %lt3A = arith.constant 318 : i32
        %lt3A_105 = arith.cmpi slt, %scan3A_32, %lt3A : i32
        %convert_element_type3A_106 = arith.extui %lt3A_105 : i1 to i32
        %cond3A_107 = arith.constant 0 : i32
        %cond3A_108 = arith.cmpi ne, %convert_element_type3A_106, %cond3A_107 : i32
        scf.if %cond3A_108 {
          %add3A_147 = arith.constant 2 : i32
          %add3A_148 = arith.addi %scan3A_32, %add3A_147 : i32
          %mul3A_149 = arith.constant 16 : i32
          %mul3A_150 = arith.muli %add3A_148, %mul3A_149 : i32
          %dma_start3A_151 = tpu.memref_slice %arg6[%mul3A_150] : memref<5120xi32, #tpu.memory_space<vmem>> -> memref<16xi32, #tpu.memory_space<vmem>>
          %dma_start3A_152 = arith.constant 0 : i32
          %dma_start3A_153 = arith.constant 0 : i32
          %dma_start3A_154 = tpu.memref_slice %arg2[%dma_start3A_152, %dma_start3A_153] : memref<100000x1024xf32, #tpu.memory_space<hbm>> -> memref<100000x1024xf32, #tpu.memory_space<hbm>>
          tpu.enqueue_indirect_dma source(%dma_start3A_154 : memref<100000x1024xf32, #tpu.memory_space<hbm>>) target(%arg11 : memref<16x1024xf32, #tpu.memory_space<vmem>>) offsets(%dma_start3A_151 : memref<16xi32, #tpu.memory_space<vmem>>) semaphore(%arg16 : memref<!tpu.dma_semaphore, #tpu.memory_space<semaphore_mem>>)
        } else {
        }
        %dma_wait3A_109 = arith.constant 0 : i32
        %dma_wait3A_110 = arith.constant 0 : i32
        %dma_wait3A_111 = tpu.memref_slice %arg2[%dma_wait3A_109, %dma_wait3A_110] : memref<100000x1024xf32, #tpu.memory_space<hbm>> -> memref<16x1024xf32, #tpu.memory_space<hbm>>
        %dma_wait3A_112 = arith.constant 0 : i32
        %dma_wait3A_113 = arith.constant 0 : i32
        %dma_wait3A_114 = tpu.memref_slice %arg2[%dma_wait3A_112, %dma_wait3A_113] : memref<100000x1024xf32, #tpu.memory_space<hbm>> -> memref<16x1024xf32, #tpu.memory_space<hbm>>
        tpu.wait_dma2 semaphore(%arg14 : memref<!tpu.dma_semaphore, #tpu.memory_space<semaphore_mem>>) src(%dma_wait3A_114 : memref<16x1024xf32, #tpu.memory_space<hbm>>) dst(%arg9 : memref<16x1024xf32, #tpu.memory_space<vmem>>)
        %shift_right_arithmetic3A = arith.constant 1 : i32
        %shift_right_arithmetic3A_115 = arith.shrsi %scan3A_32, %shift_right_arithmetic3A : i32
        %and3A_116 = arith.constant 15 : i32
        %and3A_117 = arith.andi %shift_right_arithmetic3A_115, %and3A_116 : i32
        %and3A_118 = arith.constant 1 : i32
        %and3A_119 = arith.andi %scan3A_32, %and3A_118 : i32
        %mul3A_120 = arith.constant 2560 : i32
        %mul3A_121 = arith.muli %and3A_119, %mul3A_120 : i32
        %add3A_122 = arith.addi %mul3A_2, %mul3A_121 : i32
        %shift_right_arithmetic3A_123 = arith.constant 1 : i32
        %shift_right_arithmetic3A_124 = arith.shrsi %scan3A_32, %shift_right_arithmetic3A_123 : i32
        %add3A_125 = arith.addi %add3A_122, %shift_right_arithmetic3A_124 : i32
        %add3A_126 = vector.broadcast %add3A_125 : i32 to vector<16xi32>
        %add3A_127 = arith.addi %mul3A_5, %add3A_126 : vector<16xi32>
        %swap3A = arith.constant 1 : i32
        %swap3A_128 = arith.index_cast %swap3A : i32 to index
        %swap3A_129 = arith.constant 0 : index
        %swap3A_130 = tpu.vector_load %arg8[%swap3A_128, %swap3A_129] {strides = array<i32>} : memref<2x16xi32, #tpu.memory_space<vmem>>, vector<1x16xi32>,
        %swap3A_131 = vector.shape_cast %swap3A_130 : vector<1x16xi32> to vector<16xi32>
        %swap3A_132 = vector.shape_cast %add3A_127 : vector<16xi32> to vector<1x16xi32>
        tpu.vector_store %arg8[%swap3A_128, %swap3A_129], %swap3A_132 {strides = array<i32>} : memref<2x16xi32, #tpu.memory_space<vmem>>, vector<1x16xi32>,
        %scan3A_133 = arith.constant 0 : i32
        %scan3A_134 = arith.constant 0 : i32
        %scan3A_135 = arith.constant 64 : i32
        %scan3A_136 = arith.addi %scan3A_134, %scan3A_135 : i32
        %scan3A_137 = arith.constant 2 : i32
        %scan3A_138 = scf.for %scan3A_147 = %scan3A_134 to %scan3A_136 step %scan3A_137 iter_args(%scan3A_148 = %scan3A_133) -> (i32)  : i32 {
          %mul3A_149 = arith.constant 16 : i32
          %mul3A_150 = arith.muli %scan3A_147, %mul3A_149 : i32
          %get3A = arith.index_cast %and3A_117 : i32 to index
          %get3A_151 = arith.index_cast %mul3A_150 : i32 to index
          %get3A_152 = tpu.vector_load %arg7[%get3A, %get3A_151] {strides = array<i32>} : memref<16x1024xf32, #tpu.memory_space<vmem>>, vector<1x16xf32>,
          %get3A_153 = vector.shape_cast %get3A_152 : vector<1x16xf32> to vector<16xf32>
          %get3A_154 = arith.constant 0 : i32
          %get3A_155 = arith.index_cast %get3A_154 : i32 to index
          %get3A_156 = arith.index_cast %mul3A_150 : i32 to index
          %get3A_157 = tpu.vector_load %arg9[%get3A_155, %get3A_156] {strides = array<i32>} : memref<16x1024xf32, #tpu.memory_space<vmem>>, vector<1x16xf32>,
          %get3A_158 = vector.shape_cast %get3A_157 : vector<1x16xf32> to vector<16xf32>
          %get3A_159 = arith.constant 1 : i32
          %get3A_160 = arith.index_cast %get3A_159 : i32 to index
          %get3A_161 = arith.index_cast %mul3A_150 : i32 to index
          %get3A_162 = tpu.vector_load %arg9[%get3A_160, %get3A_161] {strides = array<i32>} : memref<16x1024xf32, #tpu.memory_space<vmem>>, vector<1x16xf32>,
          %get3A_163 = vector.shape_cast %get3A_162 : vector<1x16xf32> to vector<16xf32>
          %get3A_164 = arith.constant 2 : i32
          %get3A_165 = arith.index_cast %get3A_164 : i32 to index
          %get3A_166 = arith.index_cast %mul3A_150 : i32 to index
          %get3A_167 = tpu.vector_load %arg9[%get3A_165, %get3A_166] {strides = array<i32>} : memref<16x1024xf32, #tpu.memory_space<vmem>>, vector<1x16xf32>,
          %get3A_168 = vector.shape_cast %get3A_167 : vector<1x16xf32> to vector<16xf32>
          %get3A_169 = arith.constant 3 : i32
          %get3A_170 = arith.index_cast %get3A_169 : i32 to index
          %get3A_171 = arith.index_cast %mul3A_150 : i32 to index
          %get3A_172 = tpu.vector_load %arg9[%get3A_170, %get3A_171] {strides = array<i32>} : memref<16x1024xf32, #tpu.memory_space<vmem>>, vector<1x16xf32>,
          %get3A_173 = vector.shape_cast %get3A_172 : vector<1x16xf32> to vector<16xf32>
          %get3A_174 = arith.constant 4 : i32
          %get3A_175 = arith.index_cast %get3A_174 : i32 to index
          %get3A_176 = arith.index_cast %mul3A_150 : i32 to index
          %get3A_177 = tpu.vector_load %arg9[%get3A_175, %get3A_176] {strides = array<i32>} : memref<16x1024xf32, #tpu.memory_space<vmem>>, vector<1x16xf32>,
          %get3A_178 = vector.shape_cast %get3A_177 : vector<1x16xf32> to vector<16xf32>
          %get3A_179 = arith.constant 5 : i32
          %get3A_180 = arith.index_cast %get3A_179 : i32 to index
          %get3A_181 = arith.index_cast %mul3A_150 : i32 to index
          %get3A_182 = tpu.vector_load %arg9[%get3A_180, %get3A_181] {strides = array<i32>} : memref<16x1024xf32, #tpu.memory_space<vmem>>, vector<1x16xf32>,
          %get3A_183 = vector.shape_cast %get3A_182 : vector<1x16xf32> to vector<16xf32>
          %get3A_184 = arith.constant 6 : i32
          %get3A_185 = arith.index_cast %get3A_184 : i32 to index
          %get3A_186 = arith.index_cast %mul3A_150 : i32 to index
          %get3A_187 = tpu.vector_load %arg9[%get3A_185, %get3A_186] {strides = array<i32>} : memref<16x1024xf32, #tpu.memory_space<vmem>>, vector<1x16xf32>,
          %get3A_188 = vector.shape_cast %get3A_187 : vector<1x16xf32> to vector<16xf32>
          %get3A_189 = arith.constant 7 : i32
          %get3A_190 = arith.index_cast %get3A_189 : i32 to index
          %get3A_191 = arith.index_cast %mul3A_150 : i32 to index
          %get3A_192 = tpu.vector_load %arg9[%get3A_190, %get3A_191] {strides = array<i32>} : memref<16x1024xf32, #tpu.memory_space<vmem>>, vector<1x16xf32>,
          %get3A_193 = vector.shape_cast %get3A_192 : vector<1x16xf32> to vector<16xf32>
          %get3A_194 = arith.constant 8 : i32
          %get3A_195 = arith.index_cast %get3A_194 : i32 to index
          %get3A_196 = arith.index_cast %mul3A_150 : i32 to index
          %get3A_197 = tpu.vector_load %arg9[%get3A_195, %get3A_196] {strides = array<i32>} : memref<16x1024xf32, #tpu.memory_space<vmem>>, vector<1x16xf32>,
          %get3A_198 = vector.shape_cast %get3A_197 : vector<1x16xf32> to vector<16xf32>
          %get3A_199 = arith.constant 9 : i32
          %get3A_200 = arith.index_cast %get3A_199 : i32 to index
          %get3A_201 = arith.index_cast %mul3A_150 : i32 to index
          %get3A_202 = tpu.vector_load %arg9[%get3A_200, %get3A_201] {strides = array<i32>} : memref<16x1024xf32, #tpu.memory_space<vmem>>, vector<1x16xf32>,
          %get3A_203 = vector.shape_cast %get3A_202 : vector<1x16xf32> to vector<16xf32>
          %get3A_204 = arith.constant 10 : i32
          %get3A_205 = arith.index_cast %get3A_204 : i32 to index
          %get3A_206 = arith.index_cast %mul3A_150 : i32 to index
          %get3A_207 = tpu.vector_load %arg9[%get3A_205, %get3A_206] {strides = array<i32>} : memref<16x1024xf32, #tpu.memory_space<vmem>>, vector<1x16xf32>,
          %get3A_208 = vector.shape_cast %get3A_207 : vector<1x16xf32> to vector<16xf32>
          %get3A_209 = arith.constant 11 : i32
          %get3A_210 = arith.index_cast %get3A_209 : i32 to index
          %get3A_211 = arith.index_cast %mul3A_150 : i32 to index
          %get3A_212 = tpu.vector_load %arg9[%get3A_210, %get3A_211] {strides = array<i32>} : memref<16x1024xf32, #tpu.memory_space<vmem>>, vector<1x16xf32>,
          %get3A_213 = vector.shape_cast %get3A_212 : vector<1x16xf32> to vector<16xf32>
          %get3A_214 = arith.constant 12 : i32
          %get3A_215 = arith.index_cast %get3A_214 : i32 to index
          %get3A_216 = arith.index_cast %mul3A_150 : i32 to index
          %get3A_217 = tpu.vector_load %arg9[%get3A_215, %get3A_216] {strides = array<i32>} : memref<16x1024xf32, #tpu.memory_space<vmem>>, vector<1x16xf32>,
          %get3A_218 = vector.shape_cast %get3A_217 : vector<1x16xf32> to vector<16xf32>
          %get3A_219 = arith.constant 13 : i32
          %get3A_220 = arith.index_cast %get3A_219 : i32 to index
          %get3A_221 = arith.index_cast %mul3A_150 : i32 to index
          %get3A_222 = tpu.vector_load %arg9[%get3A_220, %get3A_221] {strides = array<i32>} : memref<16x1024xf32, #tpu.memory_space<vmem>>, vector<1x16xf32>,
          %get3A_223 = vector.shape_cast %get3A_222 : vector<1x16xf32> to vector<16xf32>
          %get3A_224 = arith.constant 14 : i32
          %get3A_225 = arith.index_cast %get3A_224 : i32 to index
          %get3A_226 = arith.index_cast %mul3A_150 : i32 to index
          %get3A_227 = tpu.vector_load %arg9[%get3A_225, %get3A_226] {strides = array<i32>} : memref<16x1024xf32, #tpu.memory_space<vmem>>, vector<1x16xf32>,
          %get3A_228 = vector.shape_cast %get3A_227 : vector<1x16xf32> to vector<16xf32>
          %get3A_229 = arith.constant 15 : i32
          %get3A_230 = arith.index_cast %get3A_229 : i32 to index
          %get3A_231 = arith.index_cast %mul3A_150 : i32 to index
          %get3A_232 = tpu.vector_load %arg9[%get3A_230, %get3A_231] {strides = array<i32>} : memref<16x1024xf32, #tpu.memory_space<vmem>>, vector<1x16xf32>,
          %get3A_233 = vector.shape_cast %get3A_232 : vector<1x16xf32> to vector<16xf32>
          %mul3A_234 = arith.constant 3.200000e+01 : f32
          %mul3A_235 = vector.broadcast %mul3A_234 : f32 to vector<16xf32>
          %mul3A_236 = arith.mulf %get3A_158, %mul3A_235 : vector<16xf32>
          %add3A_237 = arith.addf %mul3A_236, %get3A_153 : vector<16xf32>
          %swap3A_238 = arith.constant 0 : i32
          %swap3A_239 = arith.index_cast %swap3A_238 : i32 to index
          %swap3A_240 = arith.index_cast %mul3A_150 : i32 to index
          %swap3A_241 = tpu.vector_load %arg13[%swap3A_239, %swap3A_240] {strides = array<i32>} : memref<16x1024xf32, #tpu.memory_space<vmem>>, vector<1x16xf32>,
          %swap3A_242 = vector.shape_cast %swap3A_241 : vector<1x16xf32> to vector<16xf32>
          %swap3A_243 = vector.shape_cast %add3A_237 : vector<16xf32> to vector<1x16xf32>
          tpu.vector_store %arg13[%swap3A_239, %swap3A_240], %swap3A_243 {strides = array<i32>} : memref<16x1024xf32, #tpu.memory_space<vmem>>, vector<1x16xf32>,
          %mul3A_244 = arith.constant 3.200000e+01 : f32
          %mul3A_245 = vector.broadcast %mul3A_244 : f32 to vector<16xf32>
          %mul3A_246 = arith.mulf %get3A_163, %mul3A_245 : vector<16xf32>
          %add3A_247 = arith.addf %mul3A_246, %get3A_153 : vector<16xf32>
          %swap3A_248 = arith.constant 1 : i32
          %swap3A_249 = arith.index_cast %swap3A_248 : i32 to index
          %swap3A_250 = arith.index_cast %mul3A_150 : i32 to index
          %swap3A_251 = tpu.vector_load %arg13[%swap3A_249, %swap3A_250] {strides = array<i32>} : memref<16x1024xf32, #tpu.memory_space<vmem>>, vector<1x16xf32>,
          %swap3A_252 = vector.shape_cast %swap3A_251 : vector<1x16xf32> to vector<16xf32>
          %swap3A_253 = vector.shape_cast %add3A_247 : vector<16xf32> to vector<1x16xf32>
          tpu.vector_store %arg13[%swap3A_249, %swap3A_250], %swap3A_253 {strides = array<i32>} : memref<16x1024xf32, #tpu.memory_space<vmem>>, vector<1x16xf32>,
          %mul3A_254 = arith.constant 3.200000e+01 : f32
          %mul3A_255 = vector.broadcast %mul3A_254 : f32 to vector<16xf32>
          %mul3A_256 = arith.mulf %get3A_168, %mul3A_255 : vector<16xf32>
          %add3A_257 = arith.addf %mul3A_256, %get3A_153 : vector<16xf32>
          %swap3A_258 = arith.constant 2 : i32
          %swap3A_259 = arith.index_cast %swap3A_258 : i32 to index
          %swap3A_260 = arith.index_cast %mul3A_150 : i32 to index
          %swap3A_261 = tpu.vector_load %arg13[%swap3A_259, %swap3A_260] {strides = array<i32>} : memref<16x1024xf32, #tpu.memory_space<vmem>>, vector<1x16xf32>,
          %swap3A_262 = vector.shape_cast %swap3A_261 : vector<1x16xf32> to vector<16xf32>
          %swap3A_263 = vector.shape_cast %add3A_257 : vector<16xf32> to vector<1x16xf32>
          tpu.vector_store %arg13[%swap3A_259, %swap3A_260], %swap3A_263 {strides = array<i32>} : memref<16x1024xf32, #tpu.memory_space<vmem>>, vector<1x16xf32>,
          %mul3A_264 = arith.constant 3.200000e+01 : f32
          %mul3A_265 = vector.broadcast %mul3A_264 : f32 to vector<16xf32>
          %mul3A_266 = arith.mulf %get3A_173, %mul3A_265 : vector<16xf32>
          %add3A_267 = arith.addf %mul3A_266, %get3A_153 : vector<16xf32>
          %swap3A_268 = arith.constant 3 : i32
          %swap3A_269 = arith.index_cast %swap3A_268 : i32 to index
          %swap3A_270 = arith.index_cast %mul3A_150 : i32 to index
          %swap3A_271 = tpu.vector_load %arg13[%swap3A_269, %swap3A_270] {strides = array<i32>} : memref<16x1024xf32, #tpu.memory_space<vmem>>, vector<1x16xf32>,
          %swap3A_272 = vector.shape_cast %swap3A_271 : vector<1x16xf32> to vector<16xf32>
          %swap3A_273 = vector.shape_cast %add3A_267 : vector<16xf32> to vector<1x16xf32>
          tpu.vector_store %arg13[%swap3A_269, %swap3A_270], %swap3A_273 {strides = array<i32>} : memref<16x1024xf32, #tpu.memory_space<vmem>>, vector<1x16xf32>,
          %mul3A_274 = arith.constant 3.200000e+01 : f32
          %mul3A_275 = vector.broadcast %mul3A_274 : f32 to vector<16xf32>
          %mul3A_276 = arith.mulf %get3A_178, %mul3A_275 : vector<16xf32>
          %add3A_277 = arith.addf %mul3A_276, %get3A_153 : vector<16xf32>
          %swap3A_278 = arith.constant 4 : i32
          %swap3A_279 = arith.index_cast %swap3A_278 : i32 to index
          %swap3A_280 = arith.index_cast %mul3A_150 : i32 to index
          %swap3A_281 = tpu.vector_load %arg13[%swap3A_279, %swap3A_280] {strides = array<i32>} : memref<16x1024xf32, #tpu.memory_space<vmem>>, vector<1x16xf32>,
          %swap3A_282 = vector.shape_cast %swap3A_281 : vector<1x16xf32> to vector<16xf32>
          %swap3A_283 = vector.shape_cast %add3A_277 : vector<16xf32> to vector<1x16xf32>
          tpu.vector_store %arg13[%swap3A_279, %swap3A_280], %swap3A_283 {strides = array<i32>} : memref<16x1024xf32, #tpu.memory_space<vmem>>, vector<1x16xf32>,
          %mul3A_284 = arith.constant 3.200000e+01 : f32
          %mul3A_285 = vector.broadcast %mul3A_284 : f32 to vector<16xf32>
          %mul3A_286 = arith.mulf %get3A_183, %mul3A_285 : vector<16xf32>
          %add3A_287 = arith.addf %mul3A_286, %get3A_153 : vector<16xf32>
          %swap3A_288 = arith.constant 5 : i32
          %swap3A_289 = arith.index_cast %swap3A_288 : i32 to index
          %swap3A_290 = arith.index_cast %mul3A_150 : i32 to index
          %swap3A_291 = tpu.vector_load %arg13[%swap3A_289, %swap3A_290] {strides = array<i32>} : memref<16x1024xf32, #tpu.memory_space<vmem>>, vector<1x16xf32>,
          %swap3A_292 = vector.shape_cast %swap3A_291 : vector<1x16xf32> to vector<16xf32>
          %swap3A_293 = vector.shape_cast %add3A_287 : vector<16xf32> to vector<1x16xf32>
          tpu.vector_store %arg13[%swap3A_289, %swap3A_290], %swap3A_293 {strides = array<i32>} : memref<16x1024xf32, #tpu.memory_space<vmem>>, vector<1x16xf32>,
          %mul3A_294 = arith.constant 3.200000e+01 : f32
          %mul3A_295 = vector.broadcast %mul3A_294 : f32 to vector<16xf32>
          %mul3A_296 = arith.mulf %get3A_188, %mul3A_295 : vector<16xf32>
          %add3A_297 = arith.addf %mul3A_296, %get3A_153 : vector<16xf32>
          %swap3A_298 = arith.constant 6 : i32
          %swap3A_299 = arith.index_cast %swap3A_298 : i32 to index
          %swap3A_300 = arith.index_cast %mul3A_150 : i32 to index
          %swap3A_301 = tpu.vector_load %arg13[%swap3A_299, %swap3A_300] {strides = array<i32>} : memref<16x1024xf32, #tpu.memory_space<vmem>>, vector<1x16xf32>,
          %swap3A_302 = vector.shape_cast %swap3A_301 : vector<1x16xf32> to vector<16xf32>
          %swap3A_303 = vector.shape_cast %add3A_297 : vector<16xf32> to vector<1x16xf32>
          tpu.vector_store %arg13[%swap3A_299, %swap3A_300], %swap3A_303 {strides = array<i32>} : memref<16x1024xf32, #tpu.memory_space<vmem>>, vector<1x16xf32>,
          %mul3A_304 = arith.constant 3.200000e+01 : f32
          %mul3A_305 = vector.broadcast %mul3A_304 : f32 to vector<16xf32>
          %mul3A_306 = arith.mulf %get3A_193, %mul3A_305 : vector<16xf32>
          %add3A_307 = arith.addf %mul3A_306, %get3A_153 : vector<16xf32>
          %swap3A_308 = arith.constant 7 : i32
          %swap3A_309 = arith.index_cast %swap3A_308 : i32 to index
          %swap3A_310 = arith.index_cast %mul3A_150 : i32 to index
          %swap3A_311 = tpu.vector_load %arg13[%swap3A_309, %swap3A_310] {strides = array<i32>} : memref<16x1024xf32, #tpu.memory_space<vmem>>, vector<1x16xf32>,
          %swap3A_312 = vector.shape_cast %swap3A_311 : vector<1x16xf32> to vector<16xf32>
          %swap3A_313 = vector.shape_cast %add3A_307 : vector<16xf32> to vector<1x16xf32>
          tpu.vector_store %arg13[%swap3A_309, %swap3A_310], %swap3A_313 {strides = array<i32>} : memref<16x1024xf32, #tpu.memory_space<vmem>>, vector<1x16xf32>,
          %mul3A_314 = arith.constant 3.200000e+01 : f32
          %mul3A_315 = vector.broadcast %mul3A_314 : f32 to vector<16xf32>
          %mul3A_316 = arith.mulf %get3A_198, %mul3A_315 : vector<16xf32>
          %add3A_317 = arith.addf %mul3A_316, %get3A_153 : vector<16xf32>
          %swap3A_318 = arith.constant 8 : i32
          %swap3A_319 = arith.index_cast %swap3A_318 : i32 to index
          %swap3A_320 = arith.index_cast %mul3A_150 : i32 to index
          %swap3A_321 = tpu.vector_load %arg13[%swap3A_319, %swap3A_320] {strides = array<i32>} : memref<16x1024xf32, #tpu.memory_space<vmem>>, vector<1x16xf32>,
          %swap3A_322 = vector.shape_cast %swap3A_321 : vector<1x16xf32> to vector<16xf32>
          %swap3A_323 = vector.shape_cast %add3A_317 : vector<16xf32> to vector<1x16xf32>
          tpu.vector_store %arg13[%swap3A_319, %swap3A_320], %swap3A_323 {strides = array<i32>} : memref<16x1024xf32, #tpu.memory_space<vmem>>, vector<1x16xf32>,
          %mul3A_324 = arith.constant 3.200000e+01 : f32
          %mul3A_325 = vector.broadcast %mul3A_324 : f32 to vector<16xf32>
          %mul3A_326 = arith.mulf %get3A_203, %mul3A_325 : vector<16xf32>
          %add3A_327 = arith.addf %mul3A_326, %get3A_153 : vector<16xf32>
          %swap3A_328 = arith.constant 9 : i32
          %swap3A_329 = arith.index_cast %swap3A_328 : i32 to index
          %swap3A_330 = arith.index_cast %mul3A_150 : i32 to index
          %swap3A_331 = tpu.vector_load %arg13[%swap3A_329, %swap3A_330] {strides = array<i32>} : memref<16x1024xf32, #tpu.memory_space<vmem>>, vector<1x16xf32>,
          %swap3A_332 = vector.shape_cast %swap3A_331 : vector<1x16xf32> to vector<16xf32>
          %swap3A_333 = vector.shape_cast %add3A_327 : vector<16xf32> to vector<1x16xf32>
          tpu.vector_store %arg13[%swap3A_329, %swap3A_330], %swap3A_333 {strides = array<i32>} : memref<16x1024xf32, #tpu.memory_space<vmem>>, vector<1x16xf32>,
          %mul3A_334 = arith.constant 3.200000e+01 : f32
          %mul3A_335 = vector.broadcast %mul3A_334 : f32 to vector<16xf32>
          %mul3A_336 = arith.mulf %get3A_208, %mul3A_335 : vector<16xf32>
          %add3A_337 = arith.addf %mul3A_336, %get3A_153 : vector<16xf32>
          %swap3A_338 = arith.constant 10 : i32
          %swap3A_339 = arith.index_cast %swap3A_338 : i32 to index
          %swap3A_340 = arith.index_cast %mul3A_150 : i32 to index
          %swap3A_341 = tpu.vector_load %arg13[%swap3A_339, %swap3A_340] {strides = array<i32>} : memref<16x1024xf32, #tpu.memory_space<vmem>>, vector<1x16xf32>,
          %swap3A_342 = vector.shape_cast %swap3A_341 : vector<1x16xf32> to vector<16xf32>
          %swap3A_343 = vector.shape_cast %add3A_337 : vector<16xf32> to vector<1x16xf32>
          tpu.vector_store %arg13[%swap3A_339, %swap3A_340], %swap3A_343 {strides = array<i32>} : memref<16x1024xf32, #tpu.memory_space<vmem>>, vector<1x16xf32>,
          %mul3A_344 = arith.constant 3.200000e+01 : f32
          %mul3A_345 = vector.broadcast %mul3A_344 : f32 to vector<16xf32>
          %mul3A_346 = arith.mulf %get3A_213, %mul3A_345 : vector<16xf32>
          %add3A_347 = arith.addf %mul3A_346, %get3A_153 : vector<16xf32>
          %swap3A_348 = arith.constant 11 : i32
          %swap3A_349 = arith.index_cast %swap3A_348 : i32 to index
          %swap3A_350 = arith.index_cast %mul3A_150 : i32 to index
          %swap3A_351 = tpu.vector_load %arg13[%swap3A_349, %swap3A_350] {strides = array<i32>} : memref<16x1024xf32, #tpu.memory_space<vmem>>, vector<1x16xf32>,
          %swap3A_352 = vector.shape_cast %swap3A_351 : vector<1x16xf32> to vector<16xf32>
          %swap3A_353 = vector.shape_cast %add3A_347 : vector<16xf32> to vector<1x16xf32>
          tpu.vector_store %arg13[%swap3A_349, %swap3A_350], %swap3A_353 {strides = array<i32>} : memref<16x1024xf32, #tpu.memory_space<vmem>>, vector<1x16xf32>,
          %mul3A_354 = arith.constant 3.200000e+01 : f32
          %mul3A_355 = vector.broadcast %mul3A_354 : f32 to vector<16xf32>
          %mul3A_356 = arith.mulf %get3A_218, %mul3A_355 : vector<16xf32>
          %add3A_357 = arith.addf %mul3A_356, %get3A_153 : vector<16xf32>
          %swap3A_358 = arith.constant 12 : i32
          %swap3A_359 = arith.index_cast %swap3A_358 : i32 to index
          %swap3A_360 = arith.index_cast %mul3A_150 : i32 to index
          %swap3A_361 = tpu.vector_load %arg13[%swap3A_359, %swap3A_360] {strides = array<i32>} : memref<16x1024xf32, #tpu.memory_space<vmem>>, vector<1x16xf32>,
          %swap3A_362 = vector.shape_cast %swap3A_361 : vector<1x16xf32> to vector<16xf32>
          %swap3A_363 = vector.shape_cast %add3A_357 : vector<16xf32> to vector<1x16xf32>
          tpu.vector_store %arg13[%swap3A_359, %swap3A_360], %swap3A_363 {strides = array<i32>} : memref<16x1024xf32, #tpu.memory_space<vmem>>, vector<1x16xf32>,
          %mul3A_364 = arith.constant 3.200000e+01 : f32
          %mul3A_365 = vector.broadcast %mul3A_364 : f32 to vector<16xf32>
          %mul3A_366 = arith.mulf %get3A_223, %mul3A_365 : vector<16xf32>
          %add3A_367 = arith.addf %mul3A_366, %get3A_153 : vector<16xf32>
          %swap3A_368 = arith.constant 13 : i32
          %swap3A_369 = arith.index_cast %swap3A_368 : i32 to index
          %swap3A_370 = arith.index_cast %mul3A_150 : i32 to index
          %swap3A_371 = tpu.vector_load %arg13[%swap3A_369, %swap3A_370] {strides = array<i32>} : memref<16x1024xf32, #tpu.memory_space<vmem>>, vector<1x16xf32>,
          %swap3A_372 = vector.shape_cast %swap3A_371 : vector<1x16xf32> to vector<16xf32>
          %swap3A_373 = vector.shape_cast %add3A_367 : vector<16xf32> to vector<1x16xf32>
          tpu.vector_store %arg13[%swap3A_369, %swap3A_370], %swap3A_373 {strides = array<i32>} : memref<16x1024xf32, #tpu.memory_space<vmem>>, vector<1x16xf32>,
          %mul3A_374 = arith.constant 3.200000e+01 : f32
          %mul3A_375 = vector.broadcast %mul3A_374 : f32 to vector<16xf32>
          %mul3A_376 = arith.mulf %get3A_228, %mul3A_375 : vector<16xf32>
          %add3A_377 = arith.addf %mul3A_376, %get3A_153 : vector<16xf32>
          %swap3A_378 = arith.constant 14 : i32
          %swap3A_379 = arith.index_cast %swap3A_378 : i32 to index
          %swap3A_380 = arith.index_cast %mul3A_150 : i32 to index
          %swap3A_381 = tpu.vector_load %arg13[%swap3A_379, %swap3A_380] {strides = array<i32>} : memref<16x1024xf32, #tpu.memory_space<vmem>>, vector<1x16xf32>,
          %swap3A_382 = vector.shape_cast %swap3A_381 : vector<1x16xf32> to vector<16xf32>
          %swap3A_383 = vector.shape_cast %add3A_377 : vector<16xf32> to vector<1x16xf32>
          tpu.vector_store %arg13[%swap3A_379, %swap3A_380], %swap3A_383 {strides = array<i32>} : memref<16x1024xf32, #tpu.memory_space<vmem>>, vector<1x16xf32>,
          %mul3A_384 = arith.constant 3.200000e+01 : f32
          %mul3A_385 = vector.broadcast %mul3A_384 : f32 to vector<16xf32>
          %mul3A_386 = arith.mulf %get3A_233, %mul3A_385 : vector<16xf32>
          %add3A_387 = arith.addf %mul3A_386, %get3A_153 : vector<16xf32>
          %swap3A_388 = arith.constant 15 : i32
          %swap3A_389 = arith.index_cast %swap3A_388 : i32 to index
          %swap3A_390 = arith.index_cast %mul3A_150 : i32 to index
          %swap3A_391 = tpu.vector_load %arg13[%swap3A_389, %swap3A_390] {strides = array<i32>} : memref<16x1024xf32, #tpu.memory_space<vmem>>, vector<1x16xf32>,
          %swap3A_392 = vector.shape_cast %swap3A_391 : vector<1x16xf32> to vector<16xf32>
          %swap3A_393 = vector.shape_cast %add3A_387 : vector<16xf32> to vector<1x16xf32>
          tpu.vector_store %arg13[%swap3A_389, %swap3A_390], %swap3A_393 {strides = array<i32>} : memref<16x1024xf32, #tpu.memory_space<vmem>>, vector<1x16xf32>,
          %scan3A_394 = arith.constant 0 : i32
          %scan3A_395 = arith.constant 1 : i32
          %scan3A_396 = arith.addi %scan3A_147, %scan3A_395 : i32
          %mul3A_397 = arith.constant 16 : i32
          %mul3A_398 = arith.muli %scan3A_396, %mul3A_397 : i32
          %get3A_399 = arith.index_cast %and3A_117 : i32 to index
          %get3A_400 = arith.index_cast %mul3A_398 : i32 to index
          %get3A_401 = tpu.vector_load %arg7[%get3A_399, %get3A_400] {strides = array<i32>} : memref<16x1024xf32, #tpu.memory_space<vmem>>, vector<1x16xf32>,
          %get3A_402 = vector.shape_cast %get3A_401 : vector<1x16xf32> to vector<16xf32>
          %get3A_403 = arith.constant 0 : i32
          %get3A_404 = arith.index_cast %get3A_403 : i32 to index
          %get3A_405 = arith.index_cast %mul3A_398 : i32 to index
          %get3A_406 = tpu.vector_load %arg9[%get3A_404, %get3A_405] {strides = array<i32>} : memref<16x1024xf32, #tpu.memory_space<vmem>>, vector<1x16xf32>,
          %get3A_407 = vector.shape_cast %get3A_406 : vector<1x16xf32> to vector<16xf32>
          %get3A_408 = arith.constant 1 : i32
          %get3A_409 = arith.index_cast %get3A_408 : i32 to index
          %get3A_410 = arith.index_cast %mul3A_398 : i32 to index
          %get3A_411 = tpu.vector_load %arg9[%get3A_409, %get3A_410] {strides = array<i32>} : memref<16x1024xf32, #tpu.memory_space<vmem>>, vector<1x16xf32>,
          %get3A_412 = vector.shape_cast %get3A_411 : vector<1x16xf32> to vector<16xf32>
          %get3A_413 = arith.constant 2 : i32
          %get3A_414 = arith.index_cast %get3A_413 : i32 to index
          %get3A_415 = arith.index_cast %mul3A_398 : i32 to index
          %get3A_416 = tpu.vector_load %arg9[%get3A_414, %get3A_415] {strides = array<i32>} : memref<16x1024xf32, #tpu.memory_space<vmem>>, vector<1x16xf32>,
          %get3A_417 = vector.shape_cast %get3A_416 : vector<1x16xf32> to vector<16xf32>
          %get3A_418 = arith.constant 3 : i32
          %get3A_419 = arith.index_cast %get3A_418 : i32 to index
          %get3A_420 = arith.index_cast %mul3A_398 : i32 to index
          %get3A_421 = tpu.vector_load %arg9[%get3A_419, %get3A_420] {strides = array<i32>} : memref<16x1024xf32, #tpu.memory_space<vmem>>, vector<1x16xf32>,
          %get3A_422 = vector.shape_cast %get3A_421 : vector<1x16xf32> to vector<16xf32>
          %get3A_423 = arith.constant 4 : i32
          %get3A_424 = arith.index_cast %get3A_423 : i32 to index
          %get3A_425 = arith.index_cast %mul3A_398 : i32 to index
          %get3A_426 = tpu.vector_load %arg9[%get3A_424, %get3A_425] {strides = array<i32>} : memref<16x1024xf32, #tpu.memory_space<vmem>>, vector<1x16xf32>,
          %get3A_427 = vector.shape_cast %get3A_426 : vector<1x16xf32> to vector<16xf32>
          %get3A_428 = arith.constant 5 : i32
          %get3A_429 = arith.index_cast %get3A_428 : i32 to index
          %get3A_430 = arith.index_cast %mul3A_398 : i32 to index
          %get3A_431 = tpu.vector_load %arg9[%get3A_429, %get3A_430] {strides = array<i32>} : memref<16x1024xf32, #tpu.memory_space<vmem>>, vector<1x16xf32>,
          %get3A_432 = vector.shape_cast %get3A_431 : vector<1x16xf32> to vector<16xf32>
          %get3A_433 = arith.constant 6 : i32
          %get3A_434 = arith.index_cast %get3A_433 : i32 to index
          %get3A_435 = arith.index_cast %mul3A_398 : i32 to index
          %get3A_436 = tpu.vector_load %arg9[%get3A_434, %get3A_435] {strides = array<i32>} : memref<16x1024xf32, #tpu.memory_space<vmem>>, vector<1x16xf32>,
          %get3A_437 = vector.shape_cast %get3A_436 : vector<1x16xf32> to vector<16xf32>
          %get3A_438 = arith.constant 7 : i32
          %get3A_439 = arith.index_cast %get3A_438 : i32 to index
          %get3A_440 = arith.index_cast %mul3A_398 : i32 to index
          %get3A_441 = tpu.vector_load %arg9[%get3A_439, %get3A_440] {strides = array<i32>} : memref<16x1024xf32, #tpu.memory_space<vmem>>, vector<1x16xf32>,
          %get3A_442 = vector.shape_cast %get3A_441 : vector<1x16xf32> to vector<16xf32>
          %get3A_443 = arith.constant 8 : i32
          %get3A_444 = arith.index_cast %get3A_443 : i32 to index
          %get3A_445 = arith.index_cast %mul3A_398 : i32 to index
          %get3A_446 = tpu.vector_load %arg9[%get3A_444, %get3A_445] {strides = array<i32>} : memref<16x1024xf32, #tpu.memory_space<vmem>>, vector<1x16xf32>,
          %get3A_447 = vector.shape_cast %get3A_446 : vector<1x16xf32> to vector<16xf32>
          %get3A_448 = arith.constant 9 : i32
          %get3A_449 = arith.index_cast %get3A_448 : i32 to index
          %get3A_450 = arith.index_cast %mul3A_398 : i32 to index
          %get3A_451 = tpu.vector_load %arg9[%get3A_449, %get3A_450] {strides = array<i32>} : memref<16x1024xf32, #tpu.memory_space<vmem>>, vector<1x16xf32>,
          %get3A_452 = vector.shape_cast %get3A_451 : vector<1x16xf32> to vector<16xf32>
          %get3A_453 = arith.constant 10 : i32
          %get3A_454 = arith.index_cast %get3A_453 : i32 to index
          %get3A_455 = arith.index_cast %mul3A_398 : i32 to index
          %get3A_456 = tpu.vector_load %arg9[%get3A_454, %get3A_455] {strides = array<i32>} : memref<16x1024xf32, #tpu.memory_space<vmem>>, vector<1x16xf32>,
          %get3A_457 = vector.shape_cast %get3A_456 : vector<1x16xf32> to vector<16xf32>
          %get3A_458 = arith.constant 11 : i32
          %get3A_459 = arith.index_cast %get3A_458 : i32 to index
          %get3A_460 = arith.index_cast %mul3A_398 : i32 to index
          %get3A_461 = tpu.vector_load %arg9[%get3A_459, %get3A_460] {strides = array<i32>} : memref<16x1024xf32, #tpu.memory_space<vmem>>, vector<1x16xf32>,
          %get3A_462 = vector.shape_cast %get3A_461 : vector<1x16xf32> to vector<16xf32>
          %get3A_463 = arith.constant 12 : i32
          %get3A_464 = arith.index_cast %get3A_463 : i32 to index
          %get3A_465 = arith.index_cast %mul3A_398 : i32 to index
          %get3A_466 = tpu.vector_load %arg9[%get3A_464, %get3A_465] {strides = array<i32>} : memref<16x1024xf32, #tpu.memory_space<vmem>>, vector<1x16xf32>,
          %get3A_467 = vector.shape_cast %get3A_466 : vector<1x16xf32> to vector<16xf32>
          %get3A_468 = arith.constant 13 : i32
          %get3A_469 = arith.index_cast %get3A_468 : i32 to index
          %get3A_470 = arith.index_cast %mul3A_398 : i32 to index
          %get3A_471 = tpu.vector_load %arg9[%get3A_469, %get3A_470] {strides = array<i32>} : memref<16x1024xf32, #tpu.memory_space<vmem>>, vector<1x16xf32>,
          %get3A_472 = vector.shape_cast %get3A_471 : vector<1x16xf32> to vector<16xf32>
          %get3A_473 = arith.constant 14 : i32
          %get3A_474 = arith.index_cast %get3A_473 : i32 to index
          %get3A_475 = arith.index_cast %mul3A_398 : i32 to index
          %get3A_476 = tpu.vector_load %arg9[%get3A_474, %get3A_475] {strides = array<i32>} : memref<16x1024xf32, #tpu.memory_space<vmem>>, vector<1x16xf32>,
          %get3A_477 = vector.shape_cast %get3A_476 : vector<1x16xf32> to vector<16xf32>
          %get3A_478 = arith.constant 15 : i32
          %get3A_479 = arith.index_cast %get3A_478 : i32 to index
          %get3A_480 = arith.index_cast %mul3A_398 : i32 to index
          %get3A_481 = tpu.vector_load %arg9[%get3A_479, %get3A_480] {strides = array<i32>} : memref<16x1024xf32, #tpu.memory_space<vmem>>, vector<1x16xf32>,
          %get3A_482 = vector.shape_cast %get3A_481 : vector<1x16xf32> to vector<16xf32>
          %mul3A_483 = arith.constant 3.200000e+01 : f32
          %mul3A_484 = vector.broadcast %mul3A_483 : f32 to vector<16xf32>
          %mul3A_485 = arith.mulf %get3A_407, %mul3A_484 : vector<16xf32>
          %add3A_486 = arith.addf %mul3A_485, %get3A_402 : vector<16xf32>
          %swap3A_487 = arith.constant 0 : i32
          %swap3A_488 = arith.index_cast %swap3A_487 : i32 to index
          %swap3A_489 = arith.index_cast %mul3A_398 : i32 to index
          %swap3A_490 = tpu.vector_load %arg13[%swap3A_488, %swap3A_489] {strides = array<i32>} : memref<16x1024xf32, #tpu.memory_space<vmem>>, vector<1x16xf32>,
          %swap3A_491 = vector.shape_cast %swap3A_490 : vector<1x16xf32> to vector<16xf32>
          %swap3A_492 = vector.shape_cast %add3A_486 : vector<16xf32> to vector<1x16xf32>
          tpu.vector_store %arg13[%swap3A_488, %swap3A_489], %swap3A_492 {strides = array<i32>} : memref<16x1024xf32, #tpu.memory_space<vmem>>, vector<1x16xf32>,
          %mul3A_493 = arith.constant 3.200000e+01 : f32
          %mul3A_494 = vector.broadcast %mul3A_493 : f32 to vector<16xf32>
          %mul3A_495 = arith.mulf %get3A_412, %mul3A_494 : vector<16xf32>
          %add3A_496 = arith.addf %mul3A_495, %get3A_402 : vector<16xf32>
          %swap3A_497 = arith.constant 1 : i32
          %swap3A_498 = arith.index_cast %swap3A_497 : i32 to index
          %swap3A_499 = arith.index_cast %mul3A_398 : i32 to index
          %swap3A_500 = tpu.vector_load %arg13[%swap3A_498, %swap3A_499] {strides = array<i32>} : memref<16x1024xf32, #tpu.memory_space<vmem>>, vector<1x16xf32>,
          %swap3A_501 = vector.shape_cast %swap3A_500 : vector<1x16xf32> to vector<16xf32>
          %swap3A_502 = vector.shape_cast %add3A_496 : vector<16xf32> to vector<1x16xf32>
          tpu.vector_store %arg13[%swap3A_498, %swap3A_499], %swap3A_502 {strides = array<i32>} : memref<16x1024xf32, #tpu.memory_space<vmem>>, vector<1x16xf32>,
          %mul3A_503 = arith.constant 3.200000e+01 : f32
          %mul3A_504 = vector.broadcast %mul3A_503 : f32 to vector<16xf32>
          %mul3A_505 = arith.mulf %get3A_417, %mul3A_504 : vector<16xf32>
          %add3A_506 = arith.addf %mul3A_505, %get3A_402 : vector<16xf32>
          %swap3A_507 = arith.constant 2 : i32
          %swap3A_508 = arith.index_cast %swap3A_507 : i32 to index
          %swap3A_509 = arith.index_cast %mul3A_398 : i32 to index
          %swap3A_510 = tpu.vector_load %arg13[%swap3A_508, %swap3A_509] {strides = array<i32>} : memref<16x1024xf32, #tpu.memory_space<vmem>>, vector<1x16xf32>,
          %swap3A_511 = vector.shape_cast %swap3A_510 : vector<1x16xf32> to vector<16xf32>
          %swap3A_512 = vector.shape_cast %add3A_506 : vector<16xf32> to vector<1x16xf32>
          tpu.vector_store %arg13[%swap3A_508, %swap3A_509], %swap3A_512 {strides = array<i32>} : memref<16x1024xf32, #tpu.memory_space<vmem>>, vector<1x16xf32>,
          %mul3A_513 = arith.constant 3.200000e+01 : f32
          %mul3A_514 = vector.broadcast %mul3A_513 : f32 to vector<16xf32>
          %mul3A_515 = arith.mulf %get3A_422, %mul3A_514 : vector<16xf32>
          %add3A_516 = arith.addf %mul3A_515, %get3A_402 : vector<16xf32>
          %swap3A_517 = arith.constant 3 : i32
          %swap3A_518 = arith.index_cast %swap3A_517 : i32 to index
          %swap3A_519 = arith.index_cast %mul3A_398 : i32 to index
          %swap3A_520 = tpu.vector_load %arg13[%swap3A_518, %swap3A_519] {strides = array<i32>} : memref<16x1024xf32, #tpu.memory_space<vmem>>, vector<1x16xf32>,
          %swap3A_521 = vector.shape_cast %swap3A_520 : vector<1x16xf32> to vector<16xf32>
          %swap3A_522 = vector.shape_cast %add3A_516 : vector<16xf32> to vector<1x16xf32>
          tpu.vector_store %arg13[%swap3A_518, %swap3A_519], %swap3A_522 {strides = array<i32>} : memref<16x1024xf32, #tpu.memory_space<vmem>>, vector<1x16xf32>,
          %mul3A_523 = arith.constant 3.200000e+01 : f32
          %mul3A_524 = vector.broadcast %mul3A_523 : f32 to vector<16xf32>
          %mul3A_525 = arith.mulf %get3A_427, %mul3A_524 : vector<16xf32>
          %add3A_526 = arith.addf %mul3A_525, %get3A_402 : vector<16xf32>
          %swap3A_527 = arith.constant 4 : i32
          %swap3A_528 = arith.index_cast %swap3A_527 : i32 to index
          %swap3A_529 = arith.index_cast %mul3A_398 : i32 to index
          %swap3A_530 = tpu.vector_load %arg13[%swap3A_528, %swap3A_529] {strides = array<i32>} : memref<16x1024xf32, #tpu.memory_space<vmem>>, vector<1x16xf32>,
          %swap3A_531 = vector.shape_cast %swap3A_530 : vector<1x16xf32> to vector<16xf32>
          %swap3A_532 = vector.shape_cast %add3A_526 : vector<16xf32> to vector<1x16xf32>
          tpu.vector_store %arg13[%swap3A_528, %swap3A_529], %swap3A_532 {strides = array<i32>} : memref<16x1024xf32, #tpu.memory_space<vmem>>, vector<1x16xf32>,
          %mul3A_533 = arith.constant 3.200000e+01 : f32
          %mul3A_534 = vector.broadcast %mul3A_533 : f32 to vector<16xf32>
          %mul3A_535 = arith.mulf %get3A_432, %mul3A_534 : vector<16xf32>
          %add3A_536 = arith.addf %mul3A_535, %get3A_402 : vector<16xf32>
          %swap3A_537 = arith.constant 5 : i32
          %swap3A_538 = arith.index_cast %swap3A_537 : i32 to index
          %swap3A_539 = arith.index_cast %mul3A_398 : i32 to index
          %swap3A_540 = tpu.vector_load %arg13[%swap3A_538, %swap3A_539] {strides = array<i32>} : memref<16x1024xf32, #tpu.memory_space<vmem>>, vector<1x16xf32>,
          %swap3A_541 = vector.shape_cast %swap3A_540 : vector<1x16xf32> to vector<16xf32>
          %swap3A_542 = vector.shape_cast %add3A_536 : vector<16xf32> to vector<1x16xf32>
          tpu.vector_store %arg13[%swap3A_538, %swap3A_539], %swap3A_542 {strides = array<i32>} : memref<16x1024xf32, #tpu.memory_space<vmem>>, vector<1x16xf32>,
          %mul3A_543 = arith.constant 3.200000e+01 : f32
          %mul3A_544 = vector.broadcast %mul3A_543 : f32 to vector<16xf32>
          %mul3A_545 = arith.mulf %get3A_437, %mul3A_544 : vector<16xf32>
          %add3A_546 = arith.addf %mul3A_545, %get3A_402 : vector<16xf32>
          %swap3A_547 = arith.constant 6 : i32
          %swap3A_548 = arith.index_cast %swap3A_547 : i32 to index
          %swap3A_549 = arith.index_cast %mul3A_398 : i32 to index
          %swap3A_550 = tpu.vector_load %arg13[%swap3A_548, %swap3A_549] {strides = array<i32>} : memref<16x1024xf32, #tpu.memory_space<vmem>>, vector<1x16xf32>,
          %swap3A_551 = vector.shape_cast %swap3A_550 : vector<1x16xf32> to vector<16xf32>
          %swap3A_552 = vector.shape_cast %add3A_546 : vector<16xf32> to vector<1x16xf32>
          tpu.vector_store %arg13[%swap3A_548, %swap3A_549], %swap3A_552 {strides = array<i32>} : memref<16x1024xf32, #tpu.memory_space<vmem>>, vector<1x16xf32>,
          %mul3A_553 = arith.constant 3.200000e+01 : f32
          %mul3A_554 = vector.broadcast %mul3A_553 : f32 to vector<16xf32>
          %mul3A_555 = arith.mulf %get3A_442, %mul3A_554 : vector<16xf32>
          %add3A_556 = arith.addf %mul3A_555, %get3A_402 : vector<16xf32>
          %swap3A_557 = arith.constant 7 : i32
          %swap3A_558 = arith.index_cast %swap3A_557 : i32 to index
          %swap3A_559 = arith.index_cast %mul3A_398 : i32 to index
          %swap3A_560 = tpu.vector_load %arg13[%swap3A_558, %swap3A_559] {strides = array<i32>} : memref<16x1024xf32, #tpu.memory_space<vmem>>, vector<1x16xf32>,
          %swap3A_561 = vector.shape_cast %swap3A_560 : vector<1x16xf32> to vector<16xf32>
          %swap3A_562 = vector.shape_cast %add3A_556 : vector<16xf32> to vector<1x16xf32>
          tpu.vector_store %arg13[%swap3A_558, %swap3A_559], %swap3A_562 {strides = array<i32>} : memref<16x1024xf32, #tpu.memory_space<vmem>>, vector<1x16xf32>,
          %mul3A_563 = arith.constant 3.200000e+01 : f32
          %mul3A_564 = vector.broadcast %mul3A_563 : f32 to vector<16xf32>
          %mul3A_565 = arith.mulf %get3A_447, %mul3A_564 : vector<16xf32>
          %add3A_566 = arith.addf %mul3A_565, %get3A_402 : vector<16xf32>
          %swap3A_567 = arith.constant 8 : i32
          %swap3A_568 = arith.index_cast %swap3A_567 : i32 to index
          %swap3A_569 = arith.index_cast %mul3A_398 : i32 to index
          %swap3A_570 = tpu.vector_load %arg13[%swap3A_568, %swap3A_569] {strides = array<i32>} : memref<16x1024xf32, #tpu.memory_space<vmem>>, vector<1x16xf32>,
          %swap3A_571 = vector.shape_cast %swap3A_570 : vector<1x16xf32> to vector<16xf32>
          %swap3A_572 = vector.shape_cast %add3A_566 : vector<16xf32> to vector<1x16xf32>
          tpu.vector_store %arg13[%swap3A_568, %swap3A_569], %swap3A_572 {strides = array<i32>} : memref<16x1024xf32, #tpu.memory_space<vmem>>, vector<1x16xf32>,
          %mul3A_573 = arith.constant 3.200000e+01 : f32
          %mul3A_574 = vector.broadcast %mul3A_573 : f32 to vector<16xf32>
          %mul3A_575 = arith.mulf %get3A_452, %mul3A_574 : vector<16xf32>
          %add3A_576 = arith.addf %mul3A_575, %get3A_402 : vector<16xf32>
          %swap3A_577 = arith.constant 9 : i32
          %swap3A_578 = arith.index_cast %swap3A_577 : i32 to index
          %swap3A_579 = arith.index_cast %mul3A_398 : i32 to index
          %swap3A_580 = tpu.vector_load %arg13[%swap3A_578, %swap3A_579] {strides = array<i32>} : memref<16x1024xf32, #tpu.memory_space<vmem>>, vector<1x16xf32>,
          %swap3A_581 = vector.shape_cast %swap3A_580 : vector<1x16xf32> to vector<16xf32>
          %swap3A_582 = vector.shape_cast %add3A_576 : vector<16xf32> to vector<1x16xf32>
          tpu.vector_store %arg13[%swap3A_578, %swap3A_579], %swap3A_582 {strides = array<i32>} : memref<16x1024xf32, #tpu.memory_space<vmem>>, vector<1x16xf32>,
          %mul3A_583 = arith.constant 3.200000e+01 : f32
          %mul3A_584 = vector.broadcast %mul3A_583 : f32 to vector<16xf32>
          %mul3A_585 = arith.mulf %get3A_457, %mul3A_584 : vector<16xf32>
          %add3A_586 = arith.addf %mul3A_585, %get3A_402 : vector<16xf32>
          %swap3A_587 = arith.constant 10 : i32
          %swap3A_588 = arith.index_cast %swap3A_587 : i32 to index
          %swap3A_589 = arith.index_cast %mul3A_398 : i32 to index
          %swap3A_590 = tpu.vector_load %arg13[%swap3A_588, %swap3A_589] {strides = array<i32>} : memref<16x1024xf32, #tpu.memory_space<vmem>>, vector<1x16xf32>,
          %swap3A_591 = vector.shape_cast %swap3A_590 : vector<1x16xf32> to vector<16xf32>
          %swap3A_592 = vector.shape_cast %add3A_586 : vector<16xf32> to vector<1x16xf32>
          tpu.vector_store %arg13[%swap3A_588, %swap3A_589], %swap3A_592 {strides = array<i32>} : memref<16x1024xf32, #tpu.memory_space<vmem>>, vector<1x16xf32>,
          %mul3A_593 = arith.constant 3.200000e+01 : f32
          %mul3A_594 = vector.broadcast %mul3A_593 : f32 to vector<16xf32>
          %mul3A_595 = arith.mulf %get3A_462, %mul3A_594 : vector<16xf32>
          %add3A_596 = arith.addf %mul3A_595, %get3A_402 : vector<16xf32>
          %swap3A_597 = arith.constant 11 : i32
          %swap3A_598 = arith.index_cast %swap3A_597 : i32 to index
          %swap3A_599 = arith.index_cast %mul3A_398 : i32 to index
          %swap3A_600 = tpu.vector_load %arg13[%swap3A_598, %swap3A_599] {strides = array<i32>} : memref<16x1024xf32, #tpu.memory_space<vmem>>, vector<1x16xf32>,
          %swap3A_601 = vector.shape_cast %swap3A_600 : vector<1x16xf32> to vector<16xf32>
          %swap3A_602 = vector.shape_cast %add3A_596 : vector<16xf32> to vector<1x16xf32>
          tpu.vector_store %arg13[%swap3A_598, %swap3A_599], %swap3A_602 {strides = array<i32>} : memref<16x1024xf32, #tpu.memory_space<vmem>>, vector<1x16xf32>,
          %mul3A_603 = arith.constant 3.200000e+01 : f32
          %mul3A_604 = vector.broadcast %mul3A_603 : f32 to vector<16xf32>
          %mul3A_605 = arith.mulf %get3A_467, %mul3A_604 : vector<16xf32>
          %add3A_606 = arith.addf %mul3A_605, %get3A_402 : vector<16xf32>
          %swap3A_607 = arith.constant 12 : i32
          %swap3A_608 = arith.index_cast %swap3A_607 : i32 to index
          %swap3A_609 = arith.index_cast %mul3A_398 : i32 to index
          %swap3A_610 = tpu.vector_load %arg13[%swap3A_608, %swap3A_609] {strides = array<i32>} : memref<16x1024xf32, #tpu.memory_space<vmem>>, vector<1x16xf32>,
          %swap3A_611 = vector.shape_cast %swap3A_610 : vector<1x16xf32> to vector<16xf32>
          %swap3A_612 = vector.shape_cast %add3A_606 : vector<16xf32> to vector<1x16xf32>
          tpu.vector_store %arg13[%swap3A_608, %swap3A_609], %swap3A_612 {strides = array<i32>} : memref<16x1024xf32, #tpu.memory_space<vmem>>, vector<1x16xf32>,
          %mul3A_613 = arith.constant 3.200000e+01 : f32
          %mul3A_614 = vector.broadcast %mul3A_613 : f32 to vector<16xf32>
          %mul3A_615 = arith.mulf %get3A_472, %mul3A_614 : vector<16xf32>
          %add3A_616 = arith.addf %mul3A_615, %get3A_402 : vector<16xf32>
          %swap3A_617 = arith.constant 13 : i32
          %swap3A_618 = arith.index_cast %swap3A_617 : i32 to index
          %swap3A_619 = arith.index_cast %mul3A_398 : i32 to index
          %swap3A_620 = tpu.vector_load %arg13[%swap3A_618, %swap3A_619] {strides = array<i32>} : memref<16x1024xf32, #tpu.memory_space<vmem>>, vector<1x16xf32>,
          %swap3A_621 = vector.shape_cast %swap3A_620 : vector<1x16xf32> to vector<16xf32>
          %swap3A_622 = vector.shape_cast %add3A_616 : vector<16xf32> to vector<1x16xf32>
          tpu.vector_store %arg13[%swap3A_618, %swap3A_619], %swap3A_622 {strides = array<i32>} : memref<16x1024xf32, #tpu.memory_space<vmem>>, vector<1x16xf32>,
          %mul3A_623 = arith.constant 3.200000e+01 : f32
          %mul3A_624 = vector.broadcast %mul3A_623 : f32 to vector<16xf32>
          %mul3A_625 = arith.mulf %get3A_477, %mul3A_624 : vector<16xf32>
          %add3A_626 = arith.addf %mul3A_625, %get3A_402 : vector<16xf32>
          %swap3A_627 = arith.constant 14 : i32
          %swap3A_628 = arith.index_cast %swap3A_627 : i32 to index
          %swap3A_629 = arith.index_cast %mul3A_398 : i32 to index
          %swap3A_630 = tpu.vector_load %arg13[%swap3A_628, %swap3A_629] {strides = array<i32>} : memref<16x1024xf32, #tpu.memory_space<vmem>>, vector<1x16xf32>,
          %swap3A_631 = vector.shape_cast %swap3A_630 : vector<1x16xf32> to vector<16xf32>
          %swap3A_632 = vector.shape_cast %add3A_626 : vector<16xf32> to vector<1x16xf32>
          tpu.vector_store %arg13[%swap3A_628, %swap3A_629], %swap3A_632 {strides = array<i32>} : memref<16x1024xf32, #tpu.memory_space<vmem>>, vector<1x16xf32>,
          %mul3A_633 = arith.constant 3.200000e+01 : f32
          %mul3A_634 = vector.broadcast %mul3A_633 : f32 to vector<16xf32>
          %mul3A_635 = arith.mulf %get3A_482, %mul3A_634 : vector<16xf32>
          %add3A_636 = arith.addf %mul3A_635, %get3A_402 : vector<16xf32>
          %swap3A_637 = arith.constant 15 : i32
          %swap3A_638 = arith.index_cast %swap3A_637 : i32 to index
          %swap3A_639 = arith.index_cast %mul3A_398 : i32 to index
          %swap3A_640 = tpu.vector_load %arg13[%swap3A_638, %swap3A_639] {strides = array<i32>} : memref<16x1024xf32, #tpu.memory_space<vmem>>, vector<1x16xf32>,
          %swap3A_641 = vector.shape_cast %swap3A_640 : vector<1x16xf32> to vector<16xf32>
          %swap3A_642 = vector.shape_cast %add3A_636 : vector<16xf32> to vector<1x16xf32>
          tpu.vector_store %arg13[%swap3A_638, %swap3A_639], %swap3A_642 {strides = array<i32>} : memref<16x1024xf32, #tpu.memory_space<vmem>>, vector<1x16xf32>,
          %scan3A_643 = arith.constant 0 : i32
          scf.yield %scan3A_643 : i32
        }
        %scan3A_139 = arith.constant 64 : i32
        %dma_start3A_140 = arith.constant 1 : i32
        %dma_start3A_141 = arith.constant 0 : i32
        %dma_start3A_142 = tpu.memref_slice %arg8[%dma_start3A_140, %dma_start3A_141] : memref<2x16xi32, #tpu.memory_space<vmem>> -> memref<1x16xi32, #tpu.memory_space<vmem>>
        %dma_start3A_143 = tpu.memref_squeeze %dma_start3A_142 : memref<1x16xi32, #tpu.memory_space<vmem>> -> memref<16xi32, #tpu.memory_space<vmem>>
        %dma_start3A_144 = arith.constant 0 : i32
        %dma_start3A_145 = arith.constant 0 : i32
        %dma_start3A_146 = tpu.memref_slice %arg5[%dma_start3A_144, %dma_start3A_145] : memref<163840x1024xf32, #tpu.memory_space<hbm>> -> memref<163840x1024xf32, #tpu.memory_space<hbm>>
        tpu.enqueue_indirect_dma source(%arg13 : memref<16x1024xf32, #tpu.memory_space<vmem>>) target(%dma_start3A_146 : memref<163840x1024xf32, #tpu.memory_space<hbm>>) offsets(%dma_start3A_143 : memref<16xi32, #tpu.memory_space<vmem>>) semaphore(%arg18 : memref<!tpu.dma_semaphore, #tpu.memory_space<semaphore_mem>>)
      } else {
      }
      %eq3A_57 = arith.constant 1 : i32
      %eq3A_58 = arith.cmpi eq, %scan3A_33, %eq3A_57 : i32
      %and3A_59 = arith.constant 1 : i32
      %and3A_60 = arith.andi %scan3A_32, %and3A_59 : i32
      %eq3A_61 = arith.constant 0 : i32
      %eq3A_62 = arith.cmpi eq, %and3A_60, %eq3A_61 : i32
      %and3A_63 = arith.andi %eq3A_58, %eq3A_62 : i1
      %convert_element_type3A_64 = arith.extui %and3A_63 : i1 to i32
      %cond3A_65 = arith.constant 0 : i32
      %cond3A_66 = arith.cmpi ne, %convert_element_type3A_64, %cond3A_65 : i32
      scf.if %cond3A_66 {
        %ge3A = arith.constant 2 : i32
        %ge3A_101 = arith.cmpi sge, %scan3A_32, %ge3A : i32
        %convert_element_type3A_102 = arith.extui %ge3A_101 : i1 to i32
        %cond3A_103 = arith.constant 0 : i32
        %cond3A_104 = arith.cmpi ne, %convert_element_type3A_102, %cond3A_103 : i32
        scf.if %cond3A_104 {
          %dma_wait3A_147 = arith.constant 0 : i32
          %dma_wait3A_148 = arith.constant 0 : i32
          %dma_wait3A_149 = tpu.memref_slice %arg5[%dma_wait3A_147, %dma_wait3A_148] : memref<163840x1024xf32, #tpu.memory_space<hbm>> -> memref<16x1024xf32, #tpu.memory_space<hbm>>
          %dma_wait3A_150 = arith.constant 0 : i32
          %dma_wait3A_151 = arith.constant 0 : i32
          %dma_wait3A_152 = tpu.memref_slice %arg5[%dma_wait3A_150, %dma_wait3A_151] : memref<163840x1024xf32, #tpu.memory_space<hbm>> -> memref<16x1024xf32, #tpu.memory_space<hbm>>
          tpu.wait_dma2 semaphore(%arg17 : memref<!tpu.dma_semaphore, #tpu.memory_space<semaphore_mem>>) src(%arg12 : memref<16x1024xf32, #tpu.memory_space<vmem>>) dst(%dma_wait3A_152 : memref<16x1024xf32, #tpu.memory_space<hbm>>)
        } else {
        }
        %lt3A = arith.constant 318 : i32
        %lt3A_105 = arith.cmpi slt, %scan3A_32, %lt3A : i32
        %convert_element_type3A_106 = arith.extui %lt3A_105 : i1 to i32
        %cond3A_107 = arith.constant 0 : i32
        %cond3A_108 = arith.cmpi ne, %convert_element_type3A_106, %cond3A_107 : i32
        scf.if %cond3A_108 {
          %add3A_147 = arith.constant 2 : i32
          %add3A_148 = arith.addi %scan3A_32, %add3A_147 : i32
          %mul3A_149 = arith.constant 16 : i32
          %mul3A_150 = arith.muli %add3A_148, %mul3A_149 : i32
          %dma_start3A_151 = tpu.memref_slice %arg6[%mul3A_150] : memref<5120xi32, #tpu.memory_space<vmem>> -> memref<16xi32, #tpu.memory_space<vmem>>
          %dma_start3A_152 = arith.constant 0 : i32
          %dma_start3A_153 = arith.constant 0 : i32
          %dma_start3A_154 = tpu.memref_slice %arg2[%dma_start3A_152, %dma_start3A_153] : memref<100000x1024xf32, #tpu.memory_space<hbm>> -> memref<100000x1024xf32, #tpu.memory_space<hbm>>
          tpu.enqueue_indirect_dma source(%dma_start3A_154 : memref<100000x1024xf32, #tpu.memory_space<hbm>>) target(%arg9 : memref<16x1024xf32, #tpu.memory_space<vmem>>) offsets(%dma_start3A_151 : memref<16xi32, #tpu.memory_space<vmem>>) semaphore(%arg14 : memref<!tpu.dma_semaphore, #tpu.memory_space<semaphore_mem>>)
        } else {
        }
        %dma_wait3A_109 = arith.constant 0 : i32
        %dma_wait3A_110 = arith.constant 0 : i32
        %dma_wait3A_111 = tpu.memref_slice %arg2[%dma_wait3A_109, %dma_wait3A_110] : memref<100000x1024xf32, #tpu.memory_space<hbm>> -> memref<16x1024xf32, #tpu.memory_space<hbm>>
        %dma_wait3A_112 = arith.constant 0 : i32
        %dma_wait3A_113 = arith.constant 0 : i32
        %dma_wait3A_114 = tpu.memref_slice %arg2[%dma_wait3A_112, %dma_wait3A_113] : memref<100000x1024xf32, #tpu.memory_space<hbm>> -> memref<16x1024xf32, #tpu.memory_space<hbm>>
        tpu.wait_dma2 semaphore(%arg15 : memref<!tpu.dma_semaphore, #tpu.memory_space<semaphore_mem>>) src(%dma_wait3A_114 : memref<16x1024xf32, #tpu.memory_space<hbm>>) dst(%arg10 : memref<16x1024xf32, #tpu.memory_space<vmem>>)
        %shift_right_arithmetic3A = arith.constant 1 : i32
        %shift_right_arithmetic3A_115 = arith.shrsi %scan3A_32, %shift_right_arithmetic3A : i32
        %and3A_116 = arith.constant 15 : i32
        %and3A_117 = arith.andi %shift_right_arithmetic3A_115, %and3A_116 : i32
        %and3A_118 = arith.constant 1 : i32
        %and3A_119 = arith.andi %scan3A_32, %and3A_118 : i32
        %mul3A_120 = arith.constant 2560 : i32
        %mul3A_121 = arith.muli %and3A_119, %mul3A_120 : i32
        %add3A_122 = arith.addi %mul3A_2, %mul3A_121 : i32
        %shift_right_arithmetic3A_123 = arith.constant 1 : i32
        %shift_right_arithmetic3A_124 = arith.shrsi %scan3A_32, %shift_right_arithmetic3A_123 : i32
        %add3A_125 = arith.addi %add3A_122, %shift_right_arithmetic3A_124 : i32
        %add3A_126 = vector.broadcast %add3A_125 : i32 to vector<16xi32>
        %add3A_127 = arith.addi %mul3A_5, %add3A_126 : vector<16xi32>
        %swap3A = arith.constant 0 : i32
        %swap3A_128 = arith.index_cast %swap3A : i32 to index
        %swap3A_129 = arith.constant 0 : index
        %swap3A_130 = tpu.vector_load %arg8[%swap3A_128, %swap3A_129] {strides = array<i32>} : memref<2x16xi32, #tpu.memory_space<vmem>>, vector<1x16xi32>,
        %swap3A_131 = vector.shape_cast %swap3A_130 : vector<1x16xi32> to vector<16xi32>
        %swap3A_132 = vector.shape_cast %add3A_127 : vector<16xi32> to vector<1x16xi32>
        tpu.vector_store %arg8[%swap3A_128, %swap3A_129], %swap3A_132 {strides = array<i32>} : memref<2x16xi32, #tpu.memory_space<vmem>>, vector<1x16xi32>,
        %scan3A_133 = arith.constant 0 : i32
        %scan3A_134 = arith.constant 0 : i32
        %scan3A_135 = arith.constant 64 : i32
        %scan3A_136 = arith.addi %scan3A_134, %scan3A_135 : i32
        %scan3A_137 = arith.constant 2 : i32
        %scan3A_138 = scf.for %scan3A_147 = %scan3A_134 to %scan3A_136 step %scan3A_137 iter_args(%scan3A_148 = %scan3A_133) -> (i32)  : i32 {
          %mul3A_149 = arith.constant 16 : i32
          %mul3A_150 = arith.muli %scan3A_147, %mul3A_149 : i32
          %get3A = arith.index_cast %and3A_117 : i32 to index
          %get3A_151 = arith.index_cast %mul3A_150 : i32 to index
          %get3A_152 = tpu.vector_load %arg7[%get3A, %get3A_151] {strides = array<i32>} : memref<16x1024xf32, #tpu.memory_space<vmem>>, vector<1x16xf32>,
          %get3A_153 = vector.shape_cast %get3A_152 : vector<1x16xf32> to vector<16xf32>
          %get3A_154 = arith.constant 0 : i32
          %get3A_155 = arith.index_cast %get3A_154 : i32 to index
          %get3A_156 = arith.index_cast %mul3A_150 : i32 to index
          %get3A_157 = tpu.vector_load %arg10[%get3A_155, %get3A_156] {strides = array<i32>} : memref<16x1024xf32, #tpu.memory_space<vmem>>, vector<1x16xf32>,
          %get3A_158 = vector.shape_cast %get3A_157 : vector<1x16xf32> to vector<16xf32>
          %get3A_159 = arith.constant 1 : i32
          %get3A_160 = arith.index_cast %get3A_159 : i32 to index
          %get3A_161 = arith.index_cast %mul3A_150 : i32 to index
          %get3A_162 = tpu.vector_load %arg10[%get3A_160, %get3A_161] {strides = array<i32>} : memref<16x1024xf32, #tpu.memory_space<vmem>>, vector<1x16xf32>,
          %get3A_163 = vector.shape_cast %get3A_162 : vector<1x16xf32> to vector<16xf32>
          %get3A_164 = arith.constant 2 : i32
          %get3A_165 = arith.index_cast %get3A_164 : i32 to index
          %get3A_166 = arith.index_cast %mul3A_150 : i32 to index
          %get3A_167 = tpu.vector_load %arg10[%get3A_165, %get3A_166] {strides = array<i32>} : memref<16x1024xf32, #tpu.memory_space<vmem>>, vector<1x16xf32>,
          %get3A_168 = vector.shape_cast %get3A_167 : vector<1x16xf32> to vector<16xf32>
          %get3A_169 = arith.constant 3 : i32
          %get3A_170 = arith.index_cast %get3A_169 : i32 to index
          %get3A_171 = arith.index_cast %mul3A_150 : i32 to index
          %get3A_172 = tpu.vector_load %arg10[%get3A_170, %get3A_171] {strides = array<i32>} : memref<16x1024xf32, #tpu.memory_space<vmem>>, vector<1x16xf32>,
          %get3A_173 = vector.shape_cast %get3A_172 : vector<1x16xf32> to vector<16xf32>
          %get3A_174 = arith.constant 4 : i32
          %get3A_175 = arith.index_cast %get3A_174 : i32 to index
          %get3A_176 = arith.index_cast %mul3A_150 : i32 to index
          %get3A_177 = tpu.vector_load %arg10[%get3A_175, %get3A_176] {strides = array<i32>} : memref<16x1024xf32, #tpu.memory_space<vmem>>, vector<1x16xf32>,
          %get3A_178 = vector.shape_cast %get3A_177 : vector<1x16xf32> to vector<16xf32>
          %get3A_179 = arith.constant 5 : i32
          %get3A_180 = arith.index_cast %get3A_179 : i32 to index
          %get3A_181 = arith.index_cast %mul3A_150 : i32 to index
          %get3A_182 = tpu.vector_load %arg10[%get3A_180, %get3A_181] {strides = array<i32>} : memref<16x1024xf32, #tpu.memory_space<vmem>>, vector<1x16xf32>,
          %get3A_183 = vector.shape_cast %get3A_182 : vector<1x16xf32> to vector<16xf32>
          %get3A_184 = arith.constant 6 : i32
          %get3A_185 = arith.index_cast %get3A_184 : i32 to index
          %get3A_186 = arith.index_cast %mul3A_150 : i32 to index
          %get3A_187 = tpu.vector_load %arg10[%get3A_185, %get3A_186] {strides = array<i32>} : memref<16x1024xf32, #tpu.memory_space<vmem>>, vector<1x16xf32>,
          %get3A_188 = vector.shape_cast %get3A_187 : vector<1x16xf32> to vector<16xf32>
          %get3A_189 = arith.constant 7 : i32
          %get3A_190 = arith.index_cast %get3A_189 : i32 to index
          %get3A_191 = arith.index_cast %mul3A_150 : i32 to index
          %get3A_192 = tpu.vector_load %arg10[%get3A_190, %get3A_191] {strides = array<i32>} : memref<16x1024xf32, #tpu.memory_space<vmem>>, vector<1x16xf32>,
          %get3A_193 = vector.shape_cast %get3A_192 : vector<1x16xf32> to vector<16xf32>
          %get3A_194 = arith.constant 8 : i32
          %get3A_195 = arith.index_cast %get3A_194 : i32 to index
          %get3A_196 = arith.index_cast %mul3A_150 : i32 to index
          %get3A_197 = tpu.vector_load %arg10[%get3A_195, %get3A_196] {strides = array<i32>} : memref<16x1024xf32, #tpu.memory_space<vmem>>, vector<1x16xf32>,
          %get3A_198 = vector.shape_cast %get3A_197 : vector<1x16xf32> to vector<16xf32>
          %get3A_199 = arith.constant 9 : i32
          %get3A_200 = arith.index_cast %get3A_199 : i32 to index
          %get3A_201 = arith.index_cast %mul3A_150 : i32 to index
          %get3A_202 = tpu.vector_load %arg10[%get3A_200, %get3A_201] {strides = array<i32>} : memref<16x1024xf32, #tpu.memory_space<vmem>>, vector<1x16xf32>,
          %get3A_203 = vector.shape_cast %get3A_202 : vector<1x16xf32> to vector<16xf32>
          %get3A_204 = arith.constant 10 : i32
          %get3A_205 = arith.index_cast %get3A_204 : i32 to index
          %get3A_206 = arith.index_cast %mul3A_150 : i32 to index
          %get3A_207 = tpu.vector_load %arg10[%get3A_205, %get3A_206] {strides = array<i32>} : memref<16x1024xf32, #tpu.memory_space<vmem>>, vector<1x16xf32>,
          %get3A_208 = vector.shape_cast %get3A_207 : vector<1x16xf32> to vector<16xf32>
          %get3A_209 = arith.constant 11 : i32
          %get3A_210 = arith.index_cast %get3A_209 : i32 to index
          %get3A_211 = arith.index_cast %mul3A_150 : i32 to index
          %get3A_212 = tpu.vector_load %arg10[%get3A_210, %get3A_211] {strides = array<i32>} : memref<16x1024xf32, #tpu.memory_space<vmem>>, vector<1x16xf32>,
          %get3A_213 = vector.shape_cast %get3A_212 : vector<1x16xf32> to vector<16xf32>
          %get3A_214 = arith.constant 12 : i32
          %get3A_215 = arith.index_cast %get3A_214 : i32 to index
          %get3A_216 = arith.index_cast %mul3A_150 : i32 to index
          %get3A_217 = tpu.vector_load %arg10[%get3A_215, %get3A_216] {strides = array<i32>} : memref<16x1024xf32, #tpu.memory_space<vmem>>, vector<1x16xf32>,
          %get3A_218 = vector.shape_cast %get3A_217 : vector<1x16xf32> to vector<16xf32>
          %get3A_219 = arith.constant 13 : i32
          %get3A_220 = arith.index_cast %get3A_219 : i32 to index
          %get3A_221 = arith.index_cast %mul3A_150 : i32 to index
          %get3A_222 = tpu.vector_load %arg10[%get3A_220, %get3A_221] {strides = array<i32>} : memref<16x1024xf32, #tpu.memory_space<vmem>>, vector<1x16xf32>,
          %get3A_223 = vector.shape_cast %get3A_222 : vector<1x16xf32> to vector<16xf32>
          %get3A_224 = arith.constant 14 : i32
          %get3A_225 = arith.index_cast %get3A_224 : i32 to index
          %get3A_226 = arith.index_cast %mul3A_150 : i32 to index
          %get3A_227 = tpu.vector_load %arg10[%get3A_225, %get3A_226] {strides = array<i32>} : memref<16x1024xf32, #tpu.memory_space<vmem>>, vector<1x16xf32>,
          %get3A_228 = vector.shape_cast %get3A_227 : vector<1x16xf32> to vector<16xf32>
          %get3A_229 = arith.constant 15 : i32
          %get3A_230 = arith.index_cast %get3A_229 : i32 to index
          %get3A_231 = arith.index_cast %mul3A_150 : i32 to index
          %get3A_232 = tpu.vector_load %arg10[%get3A_230, %get3A_231] {strides = array<i32>} : memref<16x1024xf32, #tpu.memory_space<vmem>>, vector<1x16xf32>,
          %get3A_233 = vector.shape_cast %get3A_232 : vector<1x16xf32> to vector<16xf32>
          %mul3A_234 = arith.constant 3.200000e+01 : f32
          %mul3A_235 = vector.broadcast %mul3A_234 : f32 to vector<16xf32>
          %mul3A_236 = arith.mulf %get3A_158, %mul3A_235 : vector<16xf32>
          %add3A_237 = arith.addf %mul3A_236, %get3A_153 : vector<16xf32>
          %swap3A_238 = arith.constant 0 : i32
          %swap3A_239 = arith.index_cast %swap3A_238 : i32 to index
          %swap3A_240 = arith.index_cast %mul3A_150 : i32 to index
          %swap3A_241 = tpu.vector_load %arg12[%swap3A_239, %swap3A_240] {strides = array<i32>} : memref<16x1024xf32, #tpu.memory_space<vmem>>, vector<1x16xf32>,
          %swap3A_242 = vector.shape_cast %swap3A_241 : vector<1x16xf32> to vector<16xf32>
          %swap3A_243 = vector.shape_cast %add3A_237 : vector<16xf32> to vector<1x16xf32>
          tpu.vector_store %arg12[%swap3A_239, %swap3A_240], %swap3A_243 {strides = array<i32>} : memref<16x1024xf32, #tpu.memory_space<vmem>>, vector<1x16xf32>,
          %mul3A_244 = arith.constant 3.200000e+01 : f32
          %mul3A_245 = vector.broadcast %mul3A_244 : f32 to vector<16xf32>
          %mul3A_246 = arith.mulf %get3A_163, %mul3A_245 : vector<16xf32>
          %add3A_247 = arith.addf %mul3A_246, %get3A_153 : vector<16xf32>
          %swap3A_248 = arith.constant 1 : i32
          %swap3A_249 = arith.index_cast %swap3A_248 : i32 to index
          %swap3A_250 = arith.index_cast %mul3A_150 : i32 to index
          %swap3A_251 = tpu.vector_load %arg12[%swap3A_249, %swap3A_250] {strides = array<i32>} : memref<16x1024xf32, #tpu.memory_space<vmem>>, vector<1x16xf32>,
          %swap3A_252 = vector.shape_cast %swap3A_251 : vector<1x16xf32> to vector<16xf32>
          %swap3A_253 = vector.shape_cast %add3A_247 : vector<16xf32> to vector<1x16xf32>
          tpu.vector_store %arg12[%swap3A_249, %swap3A_250], %swap3A_253 {strides = array<i32>} : memref<16x1024xf32, #tpu.memory_space<vmem>>, vector<1x16xf32>,
          %mul3A_254 = arith.constant 3.200000e+01 : f32
          %mul3A_255 = vector.broadcast %mul3A_254 : f32 to vector<16xf32>
          %mul3A_256 = arith.mulf %get3A_168, %mul3A_255 : vector<16xf32>
          %add3A_257 = arith.addf %mul3A_256, %get3A_153 : vector<16xf32>
          %swap3A_258 = arith.constant 2 : i32
          %swap3A_259 = arith.index_cast %swap3A_258 : i32 to index
          %swap3A_260 = arith.index_cast %mul3A_150 : i32 to index
          %swap3A_261 = tpu.vector_load %arg12[%swap3A_259, %swap3A_260] {strides = array<i32>} : memref<16x1024xf32, #tpu.memory_space<vmem>>, vector<1x16xf32>,
          %swap3A_262 = vector.shape_cast %swap3A_261 : vector<1x16xf32> to vector<16xf32>
          %swap3A_263 = vector.shape_cast %add3A_257 : vector<16xf32> to vector<1x16xf32>
          tpu.vector_store %arg12[%swap3A_259, %swap3A_260], %swap3A_263 {strides = array<i32>} : memref<16x1024xf32, #tpu.memory_space<vmem>>, vector<1x16xf32>,
          %mul3A_264 = arith.constant 3.200000e+01 : f32
          %mul3A_265 = vector.broadcast %mul3A_264 : f32 to vector<16xf32>
          %mul3A_266 = arith.mulf %get3A_173, %mul3A_265 : vector<16xf32>
          %add3A_267 = arith.addf %mul3A_266, %get3A_153 : vector<16xf32>
          %swap3A_268 = arith.constant 3 : i32
          %swap3A_269 = arith.index_cast %swap3A_268 : i32 to index
          %swap3A_270 = arith.index_cast %mul3A_150 : i32 to index
          %swap3A_271 = tpu.vector_load %arg12[%swap3A_269, %swap3A_270] {strides = array<i32>} : memref<16x1024xf32, #tpu.memory_space<vmem>>, vector<1x16xf32>,
          %swap3A_272 = vector.shape_cast %swap3A_271 : vector<1x16xf32> to vector<16xf32>
          %swap3A_273 = vector.shape_cast %add3A_267 : vector<16xf32> to vector<1x16xf32>
          tpu.vector_store %arg12[%swap3A_269, %swap3A_270], %swap3A_273 {strides = array<i32>} : memref<16x1024xf32, #tpu.memory_space<vmem>>, vector<1x16xf32>,
          %mul3A_274 = arith.constant 3.200000e+01 : f32
          %mul3A_275 = vector.broadcast %mul3A_274 : f32 to vector<16xf32>
          %mul3A_276 = arith.mulf %get3A_178, %mul3A_275 : vector<16xf32>
          %add3A_277 = arith.addf %mul3A_276, %get3A_153 : vector<16xf32>
          %swap3A_278 = arith.constant 4 : i32
          %swap3A_279 = arith.index_cast %swap3A_278 : i32 to index
          %swap3A_280 = arith.index_cast %mul3A_150 : i32 to index
          %swap3A_281 = tpu.vector_load %arg12[%swap3A_279, %swap3A_280] {strides = array<i32>} : memref<16x1024xf32, #tpu.memory_space<vmem>>, vector<1x16xf32>,
          %swap3A_282 = vector.shape_cast %swap3A_281 : vector<1x16xf32> to vector<16xf32>
          %swap3A_283 = vector.shape_cast %add3A_277 : vector<16xf32> to vector<1x16xf32>
          tpu.vector_store %arg12[%swap3A_279, %swap3A_280], %swap3A_283 {strides = array<i32>} : memref<16x1024xf32, #tpu.memory_space<vmem>>, vector<1x16xf32>,
          %mul3A_284 = arith.constant 3.200000e+01 : f32
          %mul3A_285 = vector.broadcast %mul3A_284 : f32 to vector<16xf32>
          %mul3A_286 = arith.mulf %get3A_183, %mul3A_285 : vector<16xf32>
          %add3A_287 = arith.addf %mul3A_286, %get3A_153 : vector<16xf32>
          %swap3A_288 = arith.constant 5 : i32
          %swap3A_289 = arith.index_cast %swap3A_288 : i32 to index
          %swap3A_290 = arith.index_cast %mul3A_150 : i32 to index
          %swap3A_291 = tpu.vector_load %arg12[%swap3A_289, %swap3A_290] {strides = array<i32>} : memref<16x1024xf32, #tpu.memory_space<vmem>>, vector<1x16xf32>,
          %swap3A_292 = vector.shape_cast %swap3A_291 : vector<1x16xf32> to vector<16xf32>
          %swap3A_293 = vector.shape_cast %add3A_287 : vector<16xf32> to vector<1x16xf32>
          tpu.vector_store %arg12[%swap3A_289, %swap3A_290], %swap3A_293 {strides = array<i32>} : memref<16x1024xf32, #tpu.memory_space<vmem>>, vector<1x16xf32>,
          %mul3A_294 = arith.constant 3.200000e+01 : f32
          %mul3A_295 = vector.broadcast %mul3A_294 : f32 to vector<16xf32>
          %mul3A_296 = arith.mulf %get3A_188, %mul3A_295 : vector<16xf32>
          %add3A_297 = arith.addf %mul3A_296, %get3A_153 : vector<16xf32>
          %swap3A_298 = arith.constant 6 : i32
          %swap3A_299 = arith.index_cast %swap3A_298 : i32 to index
          %swap3A_300 = arith.index_cast %mul3A_150 : i32 to index
          %swap3A_301 = tpu.vector_load %arg12[%swap3A_299, %swap3A_300] {strides = array<i32>} : memref<16x1024xf32, #tpu.memory_space<vmem>>, vector<1x16xf32>,
          %swap3A_302 = vector.shape_cast %swap3A_301 : vector<1x16xf32> to vector<16xf32>
          %swap3A_303 = vector.shape_cast %add3A_297 : vector<16xf32> to vector<1x16xf32>
          tpu.vector_store %arg12[%swap3A_299, %swap3A_300], %swap3A_303 {strides = array<i32>} : memref<16x1024xf32, #tpu.memory_space<vmem>>, vector<1x16xf32>,
          %mul3A_304 = arith.constant 3.200000e+01 : f32
          %mul3A_305 = vector.broadcast %mul3A_304 : f32 to vector<16xf32>
          %mul3A_306 = arith.mulf %get3A_193, %mul3A_305 : vector<16xf32>
          %add3A_307 = arith.addf %mul3A_306, %get3A_153 : vector<16xf32>
          %swap3A_308 = arith.constant 7 : i32
          %swap3A_309 = arith.index_cast %swap3A_308 : i32 to index
          %swap3A_310 = arith.index_cast %mul3A_150 : i32 to index
          %swap3A_311 = tpu.vector_load %arg12[%swap3A_309, %swap3A_310] {strides = array<i32>} : memref<16x1024xf32, #tpu.memory_space<vmem>>, vector<1x16xf32>,
          %swap3A_312 = vector.shape_cast %swap3A_311 : vector<1x16xf32> to vector<16xf32>
          %swap3A_313 = vector.shape_cast %add3A_307 : vector<16xf32> to vector<1x16xf32>
          tpu.vector_store %arg12[%swap3A_309, %swap3A_310], %swap3A_313 {strides = array<i32>} : memref<16x1024xf32, #tpu.memory_space<vmem>>, vector<1x16xf32>,
          %mul3A_314 = arith.constant 3.200000e+01 : f32
          %mul3A_315 = vector.broadcast %mul3A_314 : f32 to vector<16xf32>
          %mul3A_316 = arith.mulf %get3A_198, %mul3A_315 : vector<16xf32>
          %add3A_317 = arith.addf %mul3A_316, %get3A_153 : vector<16xf32>
          %swap3A_318 = arith.constant 8 : i32
          %swap3A_319 = arith.index_cast %swap3A_318 : i32 to index
          %swap3A_320 = arith.index_cast %mul3A_150 : i32 to index
          %swap3A_321 = tpu.vector_load %arg12[%swap3A_319, %swap3A_320] {strides = array<i32>} : memref<16x1024xf32, #tpu.memory_space<vmem>>, vector<1x16xf32>,
          %swap3A_322 = vector.shape_cast %swap3A_321 : vector<1x16xf32> to vector<16xf32>
          %swap3A_323 = vector.shape_cast %add3A_317 : vector<16xf32> to vector<1x16xf32>
          tpu.vector_store %arg12[%swap3A_319, %swap3A_320], %swap3A_323 {strides = array<i32>} : memref<16x1024xf32, #tpu.memory_space<vmem>>, vector<1x16xf32>,
          %mul3A_324 = arith.constant 3.200000e+01 : f32
          %mul3A_325 = vector.broadcast %mul3A_324 : f32 to vector<16xf32>
          %mul3A_326 = arith.mulf %get3A_203, %mul3A_325 : vector<16xf32>
          %add3A_327 = arith.addf %mul3A_326, %get3A_153 : vector<16xf32>
          %swap3A_328 = arith.constant 9 : i32
          %swap3A_329 = arith.index_cast %swap3A_328 : i32 to index
          %swap3A_330 = arith.index_cast %mul3A_150 : i32 to index
          %swap3A_331 = tpu.vector_load %arg12[%swap3A_329, %swap3A_330] {strides = array<i32>} : memref<16x1024xf32, #tpu.memory_space<vmem>>, vector<1x16xf32>,
          %swap3A_332 = vector.shape_cast %swap3A_331 : vector<1x16xf32> to vector<16xf32>
          %swap3A_333 = vector.shape_cast %add3A_327 : vector<16xf32> to vector<1x16xf32>
          tpu.vector_store %arg12[%swap3A_329, %swap3A_330], %swap3A_333 {strides = array<i32>} : memref<16x1024xf32, #tpu.memory_space<vmem>>, vector<1x16xf32>,
          %mul3A_334 = arith.constant 3.200000e+01 : f32
          %mul3A_335 = vector.broadcast %mul3A_334 : f32 to vector<16xf32>
          %mul3A_336 = arith.mulf %get3A_208, %mul3A_335 : vector<16xf32>
          %add3A_337 = arith.addf %mul3A_336, %get3A_153 : vector<16xf32>
          %swap3A_338 = arith.constant 10 : i32
          %swap3A_339 = arith.index_cast %swap3A_338 : i32 to index
          %swap3A_340 = arith.index_cast %mul3A_150 : i32 to index
          %swap3A_341 = tpu.vector_load %arg12[%swap3A_339, %swap3A_340] {strides = array<i32>} : memref<16x1024xf32, #tpu.memory_space<vmem>>, vector<1x16xf32>,
          %swap3A_342 = vector.shape_cast %swap3A_341 : vector<1x16xf32> to vector<16xf32>
          %swap3A_343 = vector.shape_cast %add3A_337 : vector<16xf32> to vector<1x16xf32>
          tpu.vector_store %arg12[%swap3A_339, %swap3A_340], %swap3A_343 {strides = array<i32>} : memref<16x1024xf32, #tpu.memory_space<vmem>>, vector<1x16xf32>,
          %mul3A_344 = arith.constant 3.200000e+01 : f32
          %mul3A_345 = vector.broadcast %mul3A_344 : f32 to vector<16xf32>
          %mul3A_346 = arith.mulf %get3A_213, %mul3A_345 : vector<16xf32>
          %add3A_347 = arith.addf %mul3A_346, %get3A_153 : vector<16xf32>
          %swap3A_348 = arith.constant 11 : i32
          %swap3A_349 = arith.index_cast %swap3A_348 : i32 to index
          %swap3A_350 = arith.index_cast %mul3A_150 : i32 to index
          %swap3A_351 = tpu.vector_load %arg12[%swap3A_349, %swap3A_350] {strides = array<i32>} : memref<16x1024xf32, #tpu.memory_space<vmem>>, vector<1x16xf32>,
          %swap3A_352 = vector.shape_cast %swap3A_351 : vector<1x16xf32> to vector<16xf32>
          %swap3A_353 = vector.shape_cast %add3A_347 : vector<16xf32> to vector<1x16xf32>
          tpu.vector_store %arg12[%swap3A_349, %swap3A_350], %swap3A_353 {strides = array<i32>} : memref<16x1024xf32, #tpu.memory_space<vmem>>, vector<1x16xf32>,
          %mul3A_354 = arith.constant 3.200000e+01 : f32
          %mul3A_355 = vector.broadcast %mul3A_354 : f32 to vector<16xf32>
          %mul3A_356 = arith.mulf %get3A_218, %mul3A_355 : vector<16xf32>
          %add3A_357 = arith.addf %mul3A_356, %get3A_153 : vector<16xf32>
          %swap3A_358 = arith.constant 12 : i32
          %swap3A_359 = arith.index_cast %swap3A_358 : i32 to index
          %swap3A_360 = arith.index_cast %mul3A_150 : i32 to index
          %swap3A_361 = tpu.vector_load %arg12[%swap3A_359, %swap3A_360] {strides = array<i32>} : memref<16x1024xf32, #tpu.memory_space<vmem>>, vector<1x16xf32>,
          %swap3A_362 = vector.shape_cast %swap3A_361 : vector<1x16xf32> to vector<16xf32>
          %swap3A_363 = vector.shape_cast %add3A_357 : vector<16xf32> to vector<1x16xf32>
          tpu.vector_store %arg12[%swap3A_359, %swap3A_360], %swap3A_363 {strides = array<i32>} : memref<16x1024xf32, #tpu.memory_space<vmem>>, vector<1x16xf32>,
          %mul3A_364 = arith.constant 3.200000e+01 : f32
          %mul3A_365 = vector.broadcast %mul3A_364 : f32 to vector<16xf32>
          %mul3A_366 = arith.mulf %get3A_223, %mul3A_365 : vector<16xf32>
          %add3A_367 = arith.addf %mul3A_366, %get3A_153 : vector<16xf32>
          %swap3A_368 = arith.constant 13 : i32
          %swap3A_369 = arith.index_cast %swap3A_368 : i32 to index
          %swap3A_370 = arith.index_cast %mul3A_150 : i32 to index
          %swap3A_371 = tpu.vector_load %arg12[%swap3A_369, %swap3A_370] {strides = array<i32>} : memref<16x1024xf32, #tpu.memory_space<vmem>>, vector<1x16xf32>,
          %swap3A_372 = vector.shape_cast %swap3A_371 : vector<1x16xf32> to vector<16xf32>
          %swap3A_373 = vector.shape_cast %add3A_367 : vector<16xf32> to vector<1x16xf32>
          tpu.vector_store %arg12[%swap3A_369, %swap3A_370], %swap3A_373 {strides = array<i32>} : memref<16x1024xf32, #tpu.memory_space<vmem>>, vector<1x16xf32>,
          %mul3A_374 = arith.constant 3.200000e+01 : f32
          %mul3A_375 = vector.broadcast %mul3A_374 : f32 to vector<16xf32>
          %mul3A_376 = arith.mulf %get3A_228, %mul3A_375 : vector<16xf32>
          %add3A_377 = arith.addf %mul3A_376, %get3A_153 : vector<16xf32>
          %swap3A_378 = arith.constant 14 : i32
          %swap3A_379 = arith.index_cast %swap3A_378 : i32 to index
          %swap3A_380 = arith.index_cast %mul3A_150 : i32 to index
          %swap3A_381 = tpu.vector_load %arg12[%swap3A_379, %swap3A_380] {strides = array<i32>} : memref<16x1024xf32, #tpu.memory_space<vmem>>, vector<1x16xf32>,
          %swap3A_382 = vector.shape_cast %swap3A_381 : vector<1x16xf32> to vector<16xf32>
          %swap3A_383 = vector.shape_cast %add3A_377 : vector<16xf32> to vector<1x16xf32>
          tpu.vector_store %arg12[%swap3A_379, %swap3A_380], %swap3A_383 {strides = array<i32>} : memref<16x1024xf32, #tpu.memory_space<vmem>>, vector<1x16xf32>,
          %mul3A_384 = arith.constant 3.200000e+01 : f32
          %mul3A_385 = vector.broadcast %mul3A_384 : f32 to vector<16xf32>
          %mul3A_386 = arith.mulf %get3A_233, %mul3A_385 : vector<16xf32>
          %add3A_387 = arith.addf %mul3A_386, %get3A_153 : vector<16xf32>
          %swap3A_388 = arith.constant 15 : i32
          %swap3A_389 = arith.index_cast %swap3A_388 : i32 to index
          %swap3A_390 = arith.index_cast %mul3A_150 : i32 to index
          %swap3A_391 = tpu.vector_load %arg12[%swap3A_389, %swap3A_390] {strides = array<i32>} : memref<16x1024xf32, #tpu.memory_space<vmem>>, vector<1x16xf32>,
          %swap3A_392 = vector.shape_cast %swap3A_391 : vector<1x16xf32> to vector<16xf32>
          %swap3A_393 = vector.shape_cast %add3A_387 : vector<16xf32> to vector<1x16xf32>
          tpu.vector_store %arg12[%swap3A_389, %swap3A_390], %swap3A_393 {strides = array<i32>} : memref<16x1024xf32, #tpu.memory_space<vmem>>, vector<1x16xf32>,
          %scan3A_394 = arith.constant 0 : i32
          %scan3A_395 = arith.constant 1 : i32
          %scan3A_396 = arith.addi %scan3A_147, %scan3A_395 : i32
          %mul3A_397 = arith.constant 16 : i32
          %mul3A_398 = arith.muli %scan3A_396, %mul3A_397 : i32
          %get3A_399 = arith.index_cast %and3A_117 : i32 to index
          %get3A_400 = arith.index_cast %mul3A_398 : i32 to index
          %get3A_401 = tpu.vector_load %arg7[%get3A_399, %get3A_400] {strides = array<i32>} : memref<16x1024xf32, #tpu.memory_space<vmem>>, vector<1x16xf32>,
          %get3A_402 = vector.shape_cast %get3A_401 : vector<1x16xf32> to vector<16xf32>
          %get3A_403 = arith.constant 0 : i32
          %get3A_404 = arith.index_cast %get3A_403 : i32 to index
          %get3A_405 = arith.index_cast %mul3A_398 : i32 to index
          %get3A_406 = tpu.vector_load %arg10[%get3A_404, %get3A_405] {strides = array<i32>} : memref<16x1024xf32, #tpu.memory_space<vmem>>, vector<1x16xf32>,
          %get3A_407 = vector.shape_cast %get3A_406 : vector<1x16xf32> to vector<16xf32>
          %get3A_408 = arith.constant 1 : i32
          %get3A_409 = arith.index_cast %get3A_408 : i32 to index
          %get3A_410 = arith.index_cast %mul3A_398 : i32 to index
          %get3A_411 = tpu.vector_load %arg10[%get3A_409, %get3A_410] {strides = array<i32>} : memref<16x1024xf32, #tpu.memory_space<vmem>>, vector<1x16xf32>,
          %get3A_412 = vector.shape_cast %get3A_411 : vector<1x16xf32> to vector<16xf32>
          %get3A_413 = arith.constant 2 : i32
          %get3A_414 = arith.index_cast %get3A_413 : i32 to index
          %get3A_415 = arith.index_cast %mul3A_398 : i32 to index
          %get3A_416 = tpu.vector_load %arg10[%get3A_414, %get3A_415] {strides = array<i32>} : memref<16x1024xf32, #tpu.memory_space<vmem>>, vector<1x16xf32>,
          %get3A_417 = vector.shape_cast %get3A_416 : vector<1x16xf32> to vector<16xf32>
          %get3A_418 = arith.constant 3 : i32
          %get3A_419 = arith.index_cast %get3A_418 : i32 to index
          %get3A_420 = arith.index_cast %mul3A_398 : i32 to index
          %get3A_421 = tpu.vector_load %arg10[%get3A_419, %get3A_420] {strides = array<i32>} : memref<16x1024xf32, #tpu.memory_space<vmem>>, vector<1x16xf32>,
          %get3A_422 = vector.shape_cast %get3A_421 : vector<1x16xf32> to vector<16xf32>
          %get3A_423 = arith.constant 4 : i32
          %get3A_424 = arith.index_cast %get3A_423 : i32 to index
          %get3A_425 = arith.index_cast %mul3A_398 : i32 to index
          %get3A_426 = tpu.vector_load %arg10[%get3A_424, %get3A_425] {strides = array<i32>} : memref<16x1024xf32, #tpu.memory_space<vmem>>, vector<1x16xf32>,
          %get3A_427 = vector.shape_cast %get3A_426 : vector<1x16xf32> to vector<16xf32>
          %get3A_428 = arith.constant 5 : i32
          %get3A_429 = arith.index_cast %get3A_428 : i32 to index
          %get3A_430 = arith.index_cast %mul3A_398 : i32 to index
          %get3A_431 = tpu.vector_load %arg10[%get3A_429, %get3A_430] {strides = array<i32>} : memref<16x1024xf32, #tpu.memory_space<vmem>>, vector<1x16xf32>,
          %get3A_432 = vector.shape_cast %get3A_431 : vector<1x16xf32> to vector<16xf32>
          %get3A_433 = arith.constant 6 : i32
          %get3A_434 = arith.index_cast %get3A_433 : i32 to index
          %get3A_435 = arith.index_cast %mul3A_398 : i32 to index
          %get3A_436 = tpu.vector_load %arg10[%get3A_434, %get3A_435] {strides = array<i32>} : memref<16x1024xf32, #tpu.memory_space<vmem>>, vector<1x16xf32>,
          %get3A_437 = vector.shape_cast %get3A_436 : vector<1x16xf32> to vector<16xf32>
          %get3A_438 = arith.constant 7 : i32
          %get3A_439 = arith.index_cast %get3A_438 : i32 to index
          %get3A_440 = arith.index_cast %mul3A_398 : i32 to index
          %get3A_441 = tpu.vector_load %arg10[%get3A_439, %get3A_440] {strides = array<i32>} : memref<16x1024xf32, #tpu.memory_space<vmem>>, vector<1x16xf32>,
          %get3A_442 = vector.shape_cast %get3A_441 : vector<1x16xf32> to vector<16xf32>
          %get3A_443 = arith.constant 8 : i32
          %get3A_444 = arith.index_cast %get3A_443 : i32 to index
          %get3A_445 = arith.index_cast %mul3A_398 : i32 to index
          %get3A_446 = tpu.vector_load %arg10[%get3A_444, %get3A_445] {strides = array<i32>} : memref<16x1024xf32, #tpu.memory_space<vmem>>, vector<1x16xf32>,
          %get3A_447 = vector.shape_cast %get3A_446 : vector<1x16xf32> to vector<16xf32>
          %get3A_448 = arith.constant 9 : i32
          %get3A_449 = arith.index_cast %get3A_448 : i32 to index
          %get3A_450 = arith.index_cast %mul3A_398 : i32 to index
          %get3A_451 = tpu.vector_load %arg10[%get3A_449, %get3A_450] {strides = array<i32>} : memref<16x1024xf32, #tpu.memory_space<vmem>>, vector<1x16xf32>,
          %get3A_452 = vector.shape_cast %get3A_451 : vector<1x16xf32> to vector<16xf32>
          %get3A_453 = arith.constant 10 : i32
          %get3A_454 = arith.index_cast %get3A_453 : i32 to index
          %get3A_455 = arith.index_cast %mul3A_398 : i32 to index
          %get3A_456 = tpu.vector_load %arg10[%get3A_454, %get3A_455] {strides = array<i32>} : memref<16x1024xf32, #tpu.memory_space<vmem>>, vector<1x16xf32>,
          %get3A_457 = vector.shape_cast %get3A_456 : vector<1x16xf32> to vector<16xf32>
          %get3A_458 = arith.constant 11 : i32
          %get3A_459 = arith.index_cast %get3A_458 : i32 to index
          %get3A_460 = arith.index_cast %mul3A_398 : i32 to index
          %get3A_461 = tpu.vector_load %arg10[%get3A_459, %get3A_460] {strides = array<i32>} : memref<16x1024xf32, #tpu.memory_space<vmem>>, vector<1x16xf32>,
          %get3A_462 = vector.shape_cast %get3A_461 : vector<1x16xf32> to vector<16xf32>
          %get3A_463 = arith.constant 12 : i32
          %get3A_464 = arith.index_cast %get3A_463 : i32 to index
          %get3A_465 = arith.index_cast %mul3A_398 : i32 to index
          %get3A_466 = tpu.vector_load %arg10[%get3A_464, %get3A_465] {strides = array<i32>} : memref<16x1024xf32, #tpu.memory_space<vmem>>, vector<1x16xf32>,
          %get3A_467 = vector.shape_cast %get3A_466 : vector<1x16xf32> to vector<16xf32>
          %get3A_468 = arith.constant 13 : i32
          %get3A_469 = arith.index_cast %get3A_468 : i32 to index
          %get3A_470 = arith.index_cast %mul3A_398 : i32 to index
          %get3A_471 = tpu.vector_load %arg10[%get3A_469, %get3A_470] {strides = array<i32>} : memref<16x1024xf32, #tpu.memory_space<vmem>>, vector<1x16xf32>,
          %get3A_472 = vector.shape_cast %get3A_471 : vector<1x16xf32> to vector<16xf32>
          %get3A_473 = arith.constant 14 : i32
          %get3A_474 = arith.index_cast %get3A_473 : i32 to index
          %get3A_475 = arith.index_cast %mul3A_398 : i32 to index
          %get3A_476 = tpu.vector_load %arg10[%get3A_474, %get3A_475] {strides = array<i32>} : memref<16x1024xf32, #tpu.memory_space<vmem>>, vector<1x16xf32>,
          %get3A_477 = vector.shape_cast %get3A_476 : vector<1x16xf32> to vector<16xf32>
          %get3A_478 = arith.constant 15 : i32
          %get3A_479 = arith.index_cast %get3A_478 : i32 to index
          %get3A_480 = arith.index_cast %mul3A_398 : i32 to index
          %get3A_481 = tpu.vector_load %arg10[%get3A_479, %get3A_480] {strides = array<i32>} : memref<16x1024xf32, #tpu.memory_space<vmem>>, vector<1x16xf32>,
          %get3A_482 = vector.shape_cast %get3A_481 : vector<1x16xf32> to vector<16xf32>
          %mul3A_483 = arith.constant 3.200000e+01 : f32
          %mul3A_484 = vector.broadcast %mul3A_483 : f32 to vector<16xf32>
          %mul3A_485 = arith.mulf %get3A_407, %mul3A_484 : vector<16xf32>
          %add3A_486 = arith.addf %mul3A_485, %get3A_402 : vector<16xf32>
          %swap3A_487 = arith.constant 0 : i32
          %swap3A_488 = arith.index_cast %swap3A_487 : i32 to index
          %swap3A_489 = arith.index_cast %mul3A_398 : i32 to index
          %swap3A_490 = tpu.vector_load %arg12[%swap3A_488, %swap3A_489] {strides = array<i32>} : memref<16x1024xf32, #tpu.memory_space<vmem>>, vector<1x16xf32>,
          %swap3A_491 = vector.shape_cast %swap3A_490 : vector<1x16xf32> to vector<16xf32>
          %swap3A_492 = vector.shape_cast %add3A_486 : vector<16xf32> to vector<1x16xf32>
          tpu.vector_store %arg12[%swap3A_488, %swap3A_489], %swap3A_492 {strides = array<i32>} : memref<16x1024xf32, #tpu.memory_space<vmem>>, vector<1x16xf32>,
          %mul3A_493 = arith.constant 3.200000e+01 : f32
          %mul3A_494 = vector.broadcast %mul3A_493 : f32 to vector<16xf32>
          %mul3A_495 = arith.mulf %get3A_412, %mul3A_494 : vector<16xf32>
          %add3A_496 = arith.addf %mul3A_495, %get3A_402 : vector<16xf32>
          %swap3A_497 = arith.constant 1 : i32
          %swap3A_498 = arith.index_cast %swap3A_497 : i32 to index
          %swap3A_499 = arith.index_cast %mul3A_398 : i32 to index
          %swap3A_500 = tpu.vector_load %arg12[%swap3A_498, %swap3A_499] {strides = array<i32>} : memref<16x1024xf32, #tpu.memory_space<vmem>>, vector<1x16xf32>,
          %swap3A_501 = vector.shape_cast %swap3A_500 : vector<1x16xf32> to vector<16xf32>
          %swap3A_502 = vector.shape_cast %add3A_496 : vector<16xf32> to vector<1x16xf32>
          tpu.vector_store %arg12[%swap3A_498, %swap3A_499], %swap3A_502 {strides = array<i32>} : memref<16x1024xf32, #tpu.memory_space<vmem>>, vector<1x16xf32>,
          %mul3A_503 = arith.constant 3.200000e+01 : f32
          %mul3A_504 = vector.broadcast %mul3A_503 : f32 to vector<16xf32>
          %mul3A_505 = arith.mulf %get3A_417, %mul3A_504 : vector<16xf32>
          %add3A_506 = arith.addf %mul3A_505, %get3A_402 : vector<16xf32>
          %swap3A_507 = arith.constant 2 : i32
          %swap3A_508 = arith.index_cast %swap3A_507 : i32 to index
          %swap3A_509 = arith.index_cast %mul3A_398 : i32 to index
          %swap3A_510 = tpu.vector_load %arg12[%swap3A_508, %swap3A_509] {strides = array<i32>} : memref<16x1024xf32, #tpu.memory_space<vmem>>, vector<1x16xf32>,
          %swap3A_511 = vector.shape_cast %swap3A_510 : vector<1x16xf32> to vector<16xf32>
          %swap3A_512 = vector.shape_cast %add3A_506 : vector<16xf32> to vector<1x16xf32>
          tpu.vector_store %arg12[%swap3A_508, %swap3A_509], %swap3A_512 {strides = array<i32>} : memref<16x1024xf32, #tpu.memory_space<vmem>>, vector<1x16xf32>,
          %mul3A_513 = arith.constant 3.200000e+01 : f32
          %mul3A_514 = vector.broadcast %mul3A_513 : f32 to vector<16xf32>
          %mul3A_515 = arith.mulf %get3A_422, %mul3A_514 : vector<16xf32>
          %add3A_516 = arith.addf %mul3A_515, %get3A_402 : vector<16xf32>
          %swap3A_517 = arith.constant 3 : i32
          %swap3A_518 = arith.index_cast %swap3A_517 : i32 to index
          %swap3A_519 = arith.index_cast %mul3A_398 : i32 to index
          %swap3A_520 = tpu.vector_load %arg12[%swap3A_518, %swap3A_519] {strides = array<i32>} : memref<16x1024xf32, #tpu.memory_space<vmem>>, vector<1x16xf32>,
          %swap3A_521 = vector.shape_cast %swap3A_520 : vector<1x16xf32> to vector<16xf32>
          %swap3A_522 = vector.shape_cast %add3A_516 : vector<16xf32> to vector<1x16xf32>
          tpu.vector_store %arg12[%swap3A_518, %swap3A_519], %swap3A_522 {strides = array<i32>} : memref<16x1024xf32, #tpu.memory_space<vmem>>, vector<1x16xf32>,
          %mul3A_523 = arith.constant 3.200000e+01 : f32
          %mul3A_524 = vector.broadcast %mul3A_523 : f32 to vector<16xf32>
          %mul3A_525 = arith.mulf %get3A_427, %mul3A_524 : vector<16xf32>
          %add3A_526 = arith.addf %mul3A_525, %get3A_402 : vector<16xf32>
          %swap3A_527 = arith.constant 4 : i32
          %swap3A_528 = arith.index_cast %swap3A_527 : i32 to index
          %swap3A_529 = arith.index_cast %mul3A_398 : i32 to index
          %swap3A_530 = tpu.vector_load %arg12[%swap3A_528, %swap3A_529] {strides = array<i32>} : memref<16x1024xf32, #tpu.memory_space<vmem>>, vector<1x16xf32>,
          %swap3A_531 = vector.shape_cast %swap3A_530 : vector<1x16xf32> to vector<16xf32>
          %swap3A_532 = vector.shape_cast %add3A_526 : vector<16xf32> to vector<1x16xf32>
          tpu.vector_store %arg12[%swap3A_528, %swap3A_529], %swap3A_532 {strides = array<i32>} : memref<16x1024xf32, #tpu.memory_space<vmem>>, vector<1x16xf32>,
          %mul3A_533 = arith.constant 3.200000e+01 : f32
          %mul3A_534 = vector.broadcast %mul3A_533 : f32 to vector<16xf32>
          %mul3A_535 = arith.mulf %get3A_432, %mul3A_534 : vector<16xf32>
          %add3A_536 = arith.addf %mul3A_535, %get3A_402 : vector<16xf32>
          %swap3A_537 = arith.constant 5 : i32
          %swap3A_538 = arith.index_cast %swap3A_537 : i32 to index
          %swap3A_539 = arith.index_cast %mul3A_398 : i32 to index
          %swap3A_540 = tpu.vector_load %arg12[%swap3A_538, %swap3A_539] {strides = array<i32>} : memref<16x1024xf32, #tpu.memory_space<vmem>>, vector<1x16xf32>,
          %swap3A_541 = vector.shape_cast %swap3A_540 : vector<1x16xf32> to vector<16xf32>
          %swap3A_542 = vector.shape_cast %add3A_536 : vector<16xf32> to vector<1x16xf32>
          tpu.vector_store %arg12[%swap3A_538, %swap3A_539], %swap3A_542 {strides = array<i32>} : memref<16x1024xf32, #tpu.memory_space<vmem>>, vector<1x16xf32>,
          %mul3A_543 = arith.constant 3.200000e+01 : f32
          %mul3A_544 = vector.broadcast %mul3A_543 : f32 to vector<16xf32>
          %mul3A_545 = arith.mulf %get3A_437, %mul3A_544 : vector<16xf32>
          %add3A_546 = arith.addf %mul3A_545, %get3A_402 : vector<16xf32>
          %swap3A_547 = arith.constant 6 : i32
          %swap3A_548 = arith.index_cast %swap3A_547 : i32 to index
          %swap3A_549 = arith.index_cast %mul3A_398 : i32 to index
          %swap3A_550 = tpu.vector_load %arg12[%swap3A_548, %swap3A_549] {strides = array<i32>} : memref<16x1024xf32, #tpu.memory_space<vmem>>, vector<1x16xf32>,
          %swap3A_551 = vector.shape_cast %swap3A_550 : vector<1x16xf32> to vector<16xf32>
          %swap3A_552 = vector.shape_cast %add3A_546 : vector<16xf32> to vector<1x16xf32>
          tpu.vector_store %arg12[%swap3A_548, %swap3A_549], %swap3A_552 {strides = array<i32>} : memref<16x1024xf32, #tpu.memory_space<vmem>>, vector<1x16xf32>,
          %mul3A_553 = arith.constant 3.200000e+01 : f32
          %mul3A_554 = vector.broadcast %mul3A_553 : f32 to vector<16xf32>
          %mul3A_555 = arith.mulf %get3A_442, %mul3A_554 : vector<16xf32>
          %add3A_556 = arith.addf %mul3A_555, %get3A_402 : vector<16xf32>
          %swap3A_557 = arith.constant 7 : i32
          %swap3A_558 = arith.index_cast %swap3A_557 : i32 to index
          %swap3A_559 = arith.index_cast %mul3A_398 : i32 to index
          %swap3A_560 = tpu.vector_load %arg12[%swap3A_558, %swap3A_559] {strides = array<i32>} : memref<16x1024xf32, #tpu.memory_space<vmem>>, vector<1x16xf32>,
          %swap3A_561 = vector.shape_cast %swap3A_560 : vector<1x16xf32> to vector<16xf32>
          %swap3A_562 = vector.shape_cast %add3A_556 : vector<16xf32> to vector<1x16xf32>
          tpu.vector_store %arg12[%swap3A_558, %swap3A_559], %swap3A_562 {strides = array<i32>} : memref<16x1024xf32, #tpu.memory_space<vmem>>, vector<1x16xf32>,
          %mul3A_563 = arith.constant 3.200000e+01 : f32
          %mul3A_564 = vector.broadcast %mul3A_563 : f32 to vector<16xf32>
          %mul3A_565 = arith.mulf %get3A_447, %mul3A_564 : vector<16xf32>
          %add3A_566 = arith.addf %mul3A_565, %get3A_402 : vector<16xf32>
          %swap3A_567 = arith.constant 8 : i32
          %swap3A_568 = arith.index_cast %swap3A_567 : i32 to index
          %swap3A_569 = arith.index_cast %mul3A_398 : i32 to index
          %swap3A_570 = tpu.vector_load %arg12[%swap3A_568, %swap3A_569] {strides = array<i32>} : memref<16x1024xf32, #tpu.memory_space<vmem>>, vector<1x16xf32>,
          %swap3A_571 = vector.shape_cast %swap3A_570 : vector<1x16xf32> to vector<16xf32>
          %swap3A_572 = vector.shape_cast %add3A_566 : vector<16xf32> to vector<1x16xf32>
          tpu.vector_store %arg12[%swap3A_568, %swap3A_569], %swap3A_572 {strides = array<i32>} : memref<16x1024xf32, #tpu.memory_space<vmem>>, vector<1x16xf32>,
          %mul3A_573 = arith.constant 3.200000e+01 : f32
          %mul3A_574 = vector.broadcast %mul3A_573 : f32 to vector<16xf32>
          %mul3A_575 = arith.mulf %get3A_452, %mul3A_574 : vector<16xf32>
          %add3A_576 = arith.addf %mul3A_575, %get3A_402 : vector<16xf32>
          %swap3A_577 = arith.constant 9 : i32
          %swap3A_578 = arith.index_cast %swap3A_577 : i32 to index
          %swap3A_579 = arith.index_cast %mul3A_398 : i32 to index
          %swap3A_580 = tpu.vector_load %arg12[%swap3A_578, %swap3A_579] {strides = array<i32>} : memref<16x1024xf32, #tpu.memory_space<vmem>>, vector<1x16xf32>,
          %swap3A_581 = vector.shape_cast %swap3A_580 : vector<1x16xf32> to vector<16xf32>
          %swap3A_582 = vector.shape_cast %add3A_576 : vector<16xf32> to vector<1x16xf32>
          tpu.vector_store %arg12[%swap3A_578, %swap3A_579], %swap3A_582 {strides = array<i32>} : memref<16x1024xf32, #tpu.memory_space<vmem>>, vector<1x16xf32>,
          %mul3A_583 = arith.constant 3.200000e+01 : f32
          %mul3A_584 = vector.broadcast %mul3A_583 : f32 to vector<16xf32>
          %mul3A_585 = arith.mulf %get3A_457, %mul3A_584 : vector<16xf32>
          %add3A_586 = arith.addf %mul3A_585, %get3A_402 : vector<16xf32>
          %swap3A_587 = arith.constant 10 : i32
          %swap3A_588 = arith.index_cast %swap3A_587 : i32 to index
          %swap3A_589 = arith.index_cast %mul3A_398 : i32 to index
          %swap3A_590 = tpu.vector_load %arg12[%swap3A_588, %swap3A_589] {strides = array<i32>} : memref<16x1024xf32, #tpu.memory_space<vmem>>, vector<1x16xf32>,
          %swap3A_591 = vector.shape_cast %swap3A_590 : vector<1x16xf32> to vector<16xf32>
          %swap3A_592 = vector.shape_cast %add3A_586 : vector<16xf32> to vector<1x16xf32>
          tpu.vector_store %arg12[%swap3A_588, %swap3A_589], %swap3A_592 {strides = array<i32>} : memref<16x1024xf32, #tpu.memory_space<vmem>>, vector<1x16xf32>,
          %mul3A_593 = arith.constant 3.200000e+01 : f32
          %mul3A_594 = vector.broadcast %mul3A_593 : f32 to vector<16xf32>
          %mul3A_595 = arith.mulf %get3A_462, %mul3A_594 : vector<16xf32>
          %add3A_596 = arith.addf %mul3A_595, %get3A_402 : vector<16xf32>
          %swap3A_597 = arith.constant 11 : i32
          %swap3A_598 = arith.index_cast %swap3A_597 : i32 to index
          %swap3A_599 = arith.index_cast %mul3A_398 : i32 to index
          %swap3A_600 = tpu.vector_load %arg12[%swap3A_598, %swap3A_599] {strides = array<i32>} : memref<16x1024xf32, #tpu.memory_space<vmem>>, vector<1x16xf32>,
          %swap3A_601 = vector.shape_cast %swap3A_600 : vector<1x16xf32> to vector<16xf32>
          %swap3A_602 = vector.shape_cast %add3A_596 : vector<16xf32> to vector<1x16xf32>
          tpu.vector_store %arg12[%swap3A_598, %swap3A_599], %swap3A_602 {strides = array<i32>} : memref<16x1024xf32, #tpu.memory_space<vmem>>, vector<1x16xf32>,
          %mul3A_603 = arith.constant 3.200000e+01 : f32
          %mul3A_604 = vector.broadcast %mul3A_603 : f32 to vector<16xf32>
          %mul3A_605 = arith.mulf %get3A_467, %mul3A_604 : vector<16xf32>
          %add3A_606 = arith.addf %mul3A_605, %get3A_402 : vector<16xf32>
          %swap3A_607 = arith.constant 12 : i32
          %swap3A_608 = arith.index_cast %swap3A_607 : i32 to index
          %swap3A_609 = arith.index_cast %mul3A_398 : i32 to index
          %swap3A_610 = tpu.vector_load %arg12[%swap3A_608, %swap3A_609] {strides = array<i32>} : memref<16x1024xf32, #tpu.memory_space<vmem>>, vector<1x16xf32>,
          %swap3A_611 = vector.shape_cast %swap3A_610 : vector<1x16xf32> to vector<16xf32>
          %swap3A_612 = vector.shape_cast %add3A_606 : vector<16xf32> to vector<1x16xf32>
          tpu.vector_store %arg12[%swap3A_608, %swap3A_609], %swap3A_612 {strides = array<i32>} : memref<16x1024xf32, #tpu.memory_space<vmem>>, vector<1x16xf32>,
          %mul3A_613 = arith.constant 3.200000e+01 : f32
          %mul3A_614 = vector.broadcast %mul3A_613 : f32 to vector<16xf32>
          %mul3A_615 = arith.mulf %get3A_472, %mul3A_614 : vector<16xf32>
          %add3A_616 = arith.addf %mul3A_615, %get3A_402 : vector<16xf32>
          %swap3A_617 = arith.constant 13 : i32
          %swap3A_618 = arith.index_cast %swap3A_617 : i32 to index
          %swap3A_619 = arith.index_cast %mul3A_398 : i32 to index
          %swap3A_620 = tpu.vector_load %arg12[%swap3A_618, %swap3A_619] {strides = array<i32>} : memref<16x1024xf32, #tpu.memory_space<vmem>>, vector<1x16xf32>,
          %swap3A_621 = vector.shape_cast %swap3A_620 : vector<1x16xf32> to vector<16xf32>
          %swap3A_622 = vector.shape_cast %add3A_616 : vector<16xf32> to vector<1x16xf32>
          tpu.vector_store %arg12[%swap3A_618, %swap3A_619], %swap3A_622 {strides = array<i32>} : memref<16x1024xf32, #tpu.memory_space<vmem>>, vector<1x16xf32>,
          %mul3A_623 = arith.constant 3.200000e+01 : f32
          %mul3A_624 = vector.broadcast %mul3A_623 : f32 to vector<16xf32>
          %mul3A_625 = arith.mulf %get3A_477, %mul3A_624 : vector<16xf32>
          %add3A_626 = arith.addf %mul3A_625, %get3A_402 : vector<16xf32>
          %swap3A_627 = arith.constant 14 : i32
          %swap3A_628 = arith.index_cast %swap3A_627 : i32 to index
          %swap3A_629 = arith.index_cast %mul3A_398 : i32 to index
          %swap3A_630 = tpu.vector_load %arg12[%swap3A_628, %swap3A_629] {strides = array<i32>} : memref<16x1024xf32, #tpu.memory_space<vmem>>, vector<1x16xf32>,
          %swap3A_631 = vector.shape_cast %swap3A_630 : vector<1x16xf32> to vector<16xf32>
          %swap3A_632 = vector.shape_cast %add3A_626 : vector<16xf32> to vector<1x16xf32>
          tpu.vector_store %arg12[%swap3A_628, %swap3A_629], %swap3A_632 {strides = array<i32>} : memref<16x1024xf32, #tpu.memory_space<vmem>>, vector<1x16xf32>,
          %mul3A_633 = arith.constant 3.200000e+01 : f32
          %mul3A_634 = vector.broadcast %mul3A_633 : f32 to vector<16xf32>
          %mul3A_635 = arith.mulf %get3A_482, %mul3A_634 : vector<16xf32>
          %add3A_636 = arith.addf %mul3A_635, %get3A_402 : vector<16xf32>
          %swap3A_637 = arith.constant 15 : i32
          %swap3A_638 = arith.index_cast %swap3A_637 : i32 to index
          %swap3A_639 = arith.index_cast %mul3A_398 : i32 to index
          %swap3A_640 = tpu.vector_load %arg12[%swap3A_638, %swap3A_639] {strides = array<i32>} : memref<16x1024xf32, #tpu.memory_space<vmem>>, vector<1x16xf32>,
          %swap3A_641 = vector.shape_cast %swap3A_640 : vector<1x16xf32> to vector<16xf32>
          %swap3A_642 = vector.shape_cast %add3A_636 : vector<16xf32> to vector<1x16xf32>
          tpu.vector_store %arg12[%swap3A_638, %swap3A_639], %swap3A_642 {strides = array<i32>} : memref<16x1024xf32, #tpu.memory_space<vmem>>, vector<1x16xf32>,
          %scan3A_643 = arith.constant 0 : i32
          scf.yield %scan3A_643 : i32
        }
        %scan3A_139 = arith.constant 64 : i32
        %dma_start3A_140 = arith.constant 0 : i32
        %dma_start3A_141 = arith.constant 0 : i32
        %dma_start3A_142 = tpu.memref_slice %arg8[%dma_start3A_140, %dma_start3A_141] : memref<2x16xi32, #tpu.memory_space<vmem>> -> memref<1x16xi32, #tpu.memory_space<vmem>>
        %dma_start3A_143 = tpu.memref_squeeze %dma_start3A_142 : memref<1x16xi32, #tpu.memory_space<vmem>> -> memref<16xi32, #tpu.memory_space<vmem>>
        %dma_start3A_144 = arith.constant 0 : i32
        %dma_start3A_145 = arith.constant 0 : i32
        %dma_start3A_146 = tpu.memref_slice %arg5[%dma_start3A_144, %dma_start3A_145] : memref<163840x1024xf32, #tpu.memory_space<hbm>> -> memref<163840x1024xf32, #tpu.memory_space<hbm>>
        tpu.enqueue_indirect_dma source(%arg12 : memref<16x1024xf32, #tpu.memory_space<vmem>>) target(%dma_start3A_146 : memref<163840x1024xf32, #tpu.memory_space<hbm>>) offsets(%dma_start3A_143 : memref<16xi32, #tpu.memory_space<vmem>>) semaphore(%arg17 : memref<!tpu.dma_semaphore, #tpu.memory_space<semaphore_mem>>)
      } else {
      }
      %eq3A_67 = arith.constant 1 : i32
      %eq3A_68 = arith.cmpi eq, %scan3A_33, %eq3A_67 : i32
      %and3A_69 = arith.constant 1 : i32
      %and3A_70 = arith.andi %scan3A_32, %and3A_69 : i32
      %eq3A_71 = arith.constant 1 : i32
      %eq3A_72 = arith.cmpi eq, %and3A_70, %eq3A_71 : i32
      %and3A_73 = arith.andi %eq3A_68, %eq3A_72 : i1
      %convert_element_type3A_74 = arith.extui %and3A_73 : i1 to i32
      %cond3A_75 = arith.constant 0 : i32
      %cond3A_76 = arith.cmpi ne, %convert_element_type3A_74, %cond3A_75 : i32
      scf.if %cond3A_76 {
        %ge3A = arith.constant 2 : i32
        %ge3A_101 = arith.cmpi sge, %scan3A_32, %ge3A : i32
        %convert_element_type3A_102 = arith.extui %ge3A_101 : i1 to i32
        %cond3A_103 = arith.constant 0 : i32
        %cond3A_104 = arith.cmpi ne, %convert_element_type3A_102, %cond3A_103 : i32
        scf.if %cond3A_104 {
          %dma_wait3A_147 = arith.constant 0 : i32
          %dma_wait3A_148 = arith.constant 0 : i32
          %dma_wait3A_149 = tpu.memref_slice %arg5[%dma_wait3A_147, %dma_wait3A_148] : memref<163840x1024xf32, #tpu.memory_space<hbm>> -> memref<16x1024xf32, #tpu.memory_space<hbm>>
          %dma_wait3A_150 = arith.constant 0 : i32
          %dma_wait3A_151 = arith.constant 0 : i32
          %dma_wait3A_152 = tpu.memref_slice %arg5[%dma_wait3A_150, %dma_wait3A_151] : memref<163840x1024xf32, #tpu.memory_space<hbm>> -> memref<16x1024xf32, #tpu.memory_space<hbm>>
          tpu.wait_dma2 semaphore(%arg18 : memref<!tpu.dma_semaphore, #tpu.memory_space<semaphore_mem>>) src(%arg13 : memref<16x1024xf32, #tpu.memory_space<vmem>>) dst(%dma_wait3A_152 : memref<16x1024xf32, #tpu.memory_space<hbm>>)
        } else {
        }
        %lt3A = arith.constant 318 : i32
        %lt3A_105 = arith.cmpi slt, %scan3A_32, %lt3A : i32
        %convert_element_type3A_106 = arith.extui %lt3A_105 : i1 to i32
        %cond3A_107 = arith.constant 0 : i32
        %cond3A_108 = arith.cmpi ne, %convert_element_type3A_106, %cond3A_107 : i32
        scf.if %cond3A_108 {
          %add3A_147 = arith.constant 2 : i32
          %add3A_148 = arith.addi %scan3A_32, %add3A_147 : i32
          %mul3A_149 = arith.constant 16 : i32
          %mul3A_150 = arith.muli %add3A_148, %mul3A_149 : i32
          %dma_start3A_151 = tpu.memref_slice %arg6[%mul3A_150] : memref<5120xi32, #tpu.memory_space<vmem>> -> memref<16xi32, #tpu.memory_space<vmem>>
          %dma_start3A_152 = arith.constant 0 : i32
          %dma_start3A_153 = arith.constant 0 : i32
          %dma_start3A_154 = tpu.memref_slice %arg2[%dma_start3A_152, %dma_start3A_153] : memref<100000x1024xf32, #tpu.memory_space<hbm>> -> memref<100000x1024xf32, #tpu.memory_space<hbm>>
          tpu.enqueue_indirect_dma source(%dma_start3A_154 : memref<100000x1024xf32, #tpu.memory_space<hbm>>) target(%arg9 : memref<16x1024xf32, #tpu.memory_space<vmem>>) offsets(%dma_start3A_151 : memref<16xi32, #tpu.memory_space<vmem>>) semaphore(%arg14 : memref<!tpu.dma_semaphore, #tpu.memory_space<semaphore_mem>>)
        } else {
        }
        %dma_wait3A_109 = arith.constant 0 : i32
        %dma_wait3A_110 = arith.constant 0 : i32
        %dma_wait3A_111 = tpu.memref_slice %arg2[%dma_wait3A_109, %dma_wait3A_110] : memref<100000x1024xf32, #tpu.memory_space<hbm>> -> memref<16x1024xf32, #tpu.memory_space<hbm>>
        %dma_wait3A_112 = arith.constant 0 : i32
        %dma_wait3A_113 = arith.constant 0 : i32
        %dma_wait3A_114 = tpu.memref_slice %arg2[%dma_wait3A_112, %dma_wait3A_113] : memref<100000x1024xf32, #tpu.memory_space<hbm>> -> memref<16x1024xf32, #tpu.memory_space<hbm>>
        tpu.wait_dma2 semaphore(%arg15 : memref<!tpu.dma_semaphore, #tpu.memory_space<semaphore_mem>>) src(%dma_wait3A_114 : memref<16x1024xf32, #tpu.memory_space<hbm>>) dst(%arg10 : memref<16x1024xf32, #tpu.memory_space<vmem>>)
        %shift_right_arithmetic3A = arith.constant 1 : i32
        %shift_right_arithmetic3A_115 = arith.shrsi %scan3A_32, %shift_right_arithmetic3A : i32
        %and3A_116 = arith.constant 15 : i32
        %and3A_117 = arith.andi %shift_right_arithmetic3A_115, %and3A_116 : i32
        %and3A_118 = arith.constant 1 : i32
        %and3A_119 = arith.andi %scan3A_32, %and3A_118 : i32
        %mul3A_120 = arith.constant 2560 : i32
        %mul3A_121 = arith.muli %and3A_119, %mul3A_120 : i32
        %add3A_122 = arith.addi %mul3A_2, %mul3A_121 : i32
        %shift_right_arithmetic3A_123 = arith.constant 1 : i32
        %shift_right_arithmetic3A_124 = arith.shrsi %scan3A_32, %shift_right_arithmetic3A_123 : i32
        %add3A_125 = arith.addi %add3A_122, %shift_right_arithmetic3A_124 : i32
        %add3A_126 = vector.broadcast %add3A_125 : i32 to vector<16xi32>
        %add3A_127 = arith.addi %mul3A_5, %add3A_126 : vector<16xi32>
        %swap3A = arith.constant 1 : i32
        %swap3A_128 = arith.index_cast %swap3A : i32 to index
        %swap3A_129 = arith.constant 0 : index
        %swap3A_130 = tpu.vector_load %arg8[%swap3A_128, %swap3A_129] {strides = array<i32>} : memref<2x16xi32, #tpu.memory_space<vmem>>, vector<1x16xi32>,
        %swap3A_131 = vector.shape_cast %swap3A_130 : vector<1x16xi32> to vector<16xi32>
        %swap3A_132 = vector.shape_cast %add3A_127 : vector<16xi32> to vector<1x16xi32>
        tpu.vector_store %arg8[%swap3A_128, %swap3A_129], %swap3A_132 {strides = array<i32>} : memref<2x16xi32, #tpu.memory_space<vmem>>, vector<1x16xi32>,
        %scan3A_133 = arith.constant 0 : i32
        %scan3A_134 = arith.constant 0 : i32
        %scan3A_135 = arith.constant 64 : i32
        %scan3A_136 = arith.addi %scan3A_134, %scan3A_135 : i32
        %scan3A_137 = arith.constant 2 : i32
        %scan3A_138 = scf.for %scan3A_147 = %scan3A_134 to %scan3A_136 step %scan3A_137 iter_args(%scan3A_148 = %scan3A_133) -> (i32)  : i32 {
          %mul3A_149 = arith.constant 16 : i32
          %mul3A_150 = arith.muli %scan3A_147, %mul3A_149 : i32
          %get3A = arith.index_cast %and3A_117 : i32 to index
          %get3A_151 = arith.index_cast %mul3A_150 : i32 to index
          %get3A_152 = tpu.vector_load %arg7[%get3A, %get3A_151] {strides = array<i32>} : memref<16x1024xf32, #tpu.memory_space<vmem>>, vector<1x16xf32>,
          %get3A_153 = vector.shape_cast %get3A_152 : vector<1x16xf32> to vector<16xf32>
          %get3A_154 = arith.constant 0 : i32
          %get3A_155 = arith.index_cast %get3A_154 : i32 to index
          %get3A_156 = arith.index_cast %mul3A_150 : i32 to index
          %get3A_157 = tpu.vector_load %arg10[%get3A_155, %get3A_156] {strides = array<i32>} : memref<16x1024xf32, #tpu.memory_space<vmem>>, vector<1x16xf32>,
          %get3A_158 = vector.shape_cast %get3A_157 : vector<1x16xf32> to vector<16xf32>
          %get3A_159 = arith.constant 1 : i32
          %get3A_160 = arith.index_cast %get3A_159 : i32 to index
          %get3A_161 = arith.index_cast %mul3A_150 : i32 to index
          %get3A_162 = tpu.vector_load %arg10[%get3A_160, %get3A_161] {strides = array<i32>} : memref<16x1024xf32, #tpu.memory_space<vmem>>, vector<1x16xf32>,
          %get3A_163 = vector.shape_cast %get3A_162 : vector<1x16xf32> to vector<16xf32>
          %get3A_164 = arith.constant 2 : i32
          %get3A_165 = arith.index_cast %get3A_164 : i32 to index
          %get3A_166 = arith.index_cast %mul3A_150 : i32 to index
          %get3A_167 = tpu.vector_load %arg10[%get3A_165, %get3A_166] {strides = array<i32>} : memref<16x1024xf32, #tpu.memory_space<vmem>>, vector<1x16xf32>,
          %get3A_168 = vector.shape_cast %get3A_167 : vector<1x16xf32> to vector<16xf32>
          %get3A_169 = arith.constant 3 : i32
          %get3A_170 = arith.index_cast %get3A_169 : i32 to index
          %get3A_171 = arith.index_cast %mul3A_150 : i32 to index
          %get3A_172 = tpu.vector_load %arg10[%get3A_170, %get3A_171] {strides = array<i32>} : memref<16x1024xf32, #tpu.memory_space<vmem>>, vector<1x16xf32>,
          %get3A_173 = vector.shape_cast %get3A_172 : vector<1x16xf32> to vector<16xf32>
          %get3A_174 = arith.constant 4 : i32
          %get3A_175 = arith.index_cast %get3A_174 : i32 to index
          %get3A_176 = arith.index_cast %mul3A_150 : i32 to index
          %get3A_177 = tpu.vector_load %arg10[%get3A_175, %get3A_176] {strides = array<i32>} : memref<16x1024xf32, #tpu.memory_space<vmem>>, vector<1x16xf32>,
          %get3A_178 = vector.shape_cast %get3A_177 : vector<1x16xf32> to vector<16xf32>
          %get3A_179 = arith.constant 5 : i32
          %get3A_180 = arith.index_cast %get3A_179 : i32 to index
          %get3A_181 = arith.index_cast %mul3A_150 : i32 to index
          %get3A_182 = tpu.vector_load %arg10[%get3A_180, %get3A_181] {strides = array<i32>} : memref<16x1024xf32, #tpu.memory_space<vmem>>, vector<1x16xf32>,
          %get3A_183 = vector.shape_cast %get3A_182 : vector<1x16xf32> to vector<16xf32>
          %get3A_184 = arith.constant 6 : i32
          %get3A_185 = arith.index_cast %get3A_184 : i32 to index
          %get3A_186 = arith.index_cast %mul3A_150 : i32 to index
          %get3A_187 = tpu.vector_load %arg10[%get3A_185, %get3A_186] {strides = array<i32>} : memref<16x1024xf32, #tpu.memory_space<vmem>>, vector<1x16xf32>,
          %get3A_188 = vector.shape_cast %get3A_187 : vector<1x16xf32> to vector<16xf32>
          %get3A_189 = arith.constant 7 : i32
          %get3A_190 = arith.index_cast %get3A_189 : i32 to index
          %get3A_191 = arith.index_cast %mul3A_150 : i32 to index
          %get3A_192 = tpu.vector_load %arg10[%get3A_190, %get3A_191] {strides = array<i32>} : memref<16x1024xf32, #tpu.memory_space<vmem>>, vector<1x16xf32>,
          %get3A_193 = vector.shape_cast %get3A_192 : vector<1x16xf32> to vector<16xf32>
          %get3A_194 = arith.constant 8 : i32
          %get3A_195 = arith.index_cast %get3A_194 : i32 to index
          %get3A_196 = arith.index_cast %mul3A_150 : i32 to index
          %get3A_197 = tpu.vector_load %arg10[%get3A_195, %get3A_196] {strides = array<i32>} : memref<16x1024xf32, #tpu.memory_space<vmem>>, vector<1x16xf32>,
          %get3A_198 = vector.shape_cast %get3A_197 : vector<1x16xf32> to vector<16xf32>
          %get3A_199 = arith.constant 9 : i32
          %get3A_200 = arith.index_cast %get3A_199 : i32 to index
          %get3A_201 = arith.index_cast %mul3A_150 : i32 to index
          %get3A_202 = tpu.vector_load %arg10[%get3A_200, %get3A_201] {strides = array<i32>} : memref<16x1024xf32, #tpu.memory_space<vmem>>, vector<1x16xf32>,
          %get3A_203 = vector.shape_cast %get3A_202 : vector<1x16xf32> to vector<16xf32>
          %get3A_204 = arith.constant 10 : i32
          %get3A_205 = arith.index_cast %get3A_204 : i32 to index
          %get3A_206 = arith.index_cast %mul3A_150 : i32 to index
          %get3A_207 = tpu.vector_load %arg10[%get3A_205, %get3A_206] {strides = array<i32>} : memref<16x1024xf32, #tpu.memory_space<vmem>>, vector<1x16xf32>,
          %get3A_208 = vector.shape_cast %get3A_207 : vector<1x16xf32> to vector<16xf32>
          %get3A_209 = arith.constant 11 : i32
          %get3A_210 = arith.index_cast %get3A_209 : i32 to index
          %get3A_211 = arith.index_cast %mul3A_150 : i32 to index
          %get3A_212 = tpu.vector_load %arg10[%get3A_210, %get3A_211] {strides = array<i32>} : memref<16x1024xf32, #tpu.memory_space<vmem>>, vector<1x16xf32>,
          %get3A_213 = vector.shape_cast %get3A_212 : vector<1x16xf32> to vector<16xf32>
          %get3A_214 = arith.constant 12 : i32
          %get3A_215 = arith.index_cast %get3A_214 : i32 to index
          %get3A_216 = arith.index_cast %mul3A_150 : i32 to index
          %get3A_217 = tpu.vector_load %arg10[%get3A_215, %get3A_216] {strides = array<i32>} : memref<16x1024xf32, #tpu.memory_space<vmem>>, vector<1x16xf32>,
          %get3A_218 = vector.shape_cast %get3A_217 : vector<1x16xf32> to vector<16xf32>
          %get3A_219 = arith.constant 13 : i32
          %get3A_220 = arith.index_cast %get3A_219 : i32 to index
          %get3A_221 = arith.index_cast %mul3A_150 : i32 to index
          %get3A_222 = tpu.vector_load %arg10[%get3A_220, %get3A_221] {strides = array<i32>} : memref<16x1024xf32, #tpu.memory_space<vmem>>, vector<1x16xf32>,
          %get3A_223 = vector.shape_cast %get3A_222 : vector<1x16xf32> to vector<16xf32>
          %get3A_224 = arith.constant 14 : i32
          %get3A_225 = arith.index_cast %get3A_224 : i32 to index
          %get3A_226 = arith.index_cast %mul3A_150 : i32 to index
          %get3A_227 = tpu.vector_load %arg10[%get3A_225, %get3A_226] {strides = array<i32>} : memref<16x1024xf32, #tpu.memory_space<vmem>>, vector<1x16xf32>,
          %get3A_228 = vector.shape_cast %get3A_227 : vector<1x16xf32> to vector<16xf32>
          %get3A_229 = arith.constant 15 : i32
          %get3A_230 = arith.index_cast %get3A_229 : i32 to index
          %get3A_231 = arith.index_cast %mul3A_150 : i32 to index
          %get3A_232 = tpu.vector_load %arg10[%get3A_230, %get3A_231] {strides = array<i32>} : memref<16x1024xf32, #tpu.memory_space<vmem>>, vector<1x16xf32>,
          %get3A_233 = vector.shape_cast %get3A_232 : vector<1x16xf32> to vector<16xf32>
          %mul3A_234 = arith.constant 3.200000e+01 : f32
          %mul3A_235 = vector.broadcast %mul3A_234 : f32 to vector<16xf32>
          %mul3A_236 = arith.mulf %get3A_158, %mul3A_235 : vector<16xf32>
          %add3A_237 = arith.addf %mul3A_236, %get3A_153 : vector<16xf32>
          %swap3A_238 = arith.constant 0 : i32
          %swap3A_239 = arith.index_cast %swap3A_238 : i32 to index
          %swap3A_240 = arith.index_cast %mul3A_150 : i32 to index
          %swap3A_241 = tpu.vector_load %arg13[%swap3A_239, %swap3A_240] {strides = array<i32>} : memref<16x1024xf32, #tpu.memory_space<vmem>>, vector<1x16xf32>,
          %swap3A_242 = vector.shape_cast %swap3A_241 : vector<1x16xf32> to vector<16xf32>
          %swap3A_243 = vector.shape_cast %add3A_237 : vector<16xf32> to vector<1x16xf32>
          tpu.vector_store %arg13[%swap3A_239, %swap3A_240], %swap3A_243 {strides = array<i32>} : memref<16x1024xf32, #tpu.memory_space<vmem>>, vector<1x16xf32>,
          %mul3A_244 = arith.constant 3.200000e+01 : f32
          %mul3A_245 = vector.broadcast %mul3A_244 : f32 to vector<16xf32>
          %mul3A_246 = arith.mulf %get3A_163, %mul3A_245 : vector<16xf32>
          %add3A_247 = arith.addf %mul3A_246, %get3A_153 : vector<16xf32>
          %swap3A_248 = arith.constant 1 : i32
          %swap3A_249 = arith.index_cast %swap3A_248 : i32 to index
          %swap3A_250 = arith.index_cast %mul3A_150 : i32 to index
          %swap3A_251 = tpu.vector_load %arg13[%swap3A_249, %swap3A_250] {strides = array<i32>} : memref<16x1024xf32, #tpu.memory_space<vmem>>, vector<1x16xf32>,
          %swap3A_252 = vector.shape_cast %swap3A_251 : vector<1x16xf32> to vector<16xf32>
          %swap3A_253 = vector.shape_cast %add3A_247 : vector<16xf32> to vector<1x16xf32>
          tpu.vector_store %arg13[%swap3A_249, %swap3A_250], %swap3A_253 {strides = array<i32>} : memref<16x1024xf32, #tpu.memory_space<vmem>>, vector<1x16xf32>,
          %mul3A_254 = arith.constant 3.200000e+01 : f32
          %mul3A_255 = vector.broadcast %mul3A_254 : f32 to vector<16xf32>
          %mul3A_256 = arith.mulf %get3A_168, %mul3A_255 : vector<16xf32>
          %add3A_257 = arith.addf %mul3A_256, %get3A_153 : vector<16xf32>
          %swap3A_258 = arith.constant 2 : i32
          %swap3A_259 = arith.index_cast %swap3A_258 : i32 to index
          %swap3A_260 = arith.index_cast %mul3A_150 : i32 to index
          %swap3A_261 = tpu.vector_load %arg13[%swap3A_259, %swap3A_260] {strides = array<i32>} : memref<16x1024xf32, #tpu.memory_space<vmem>>, vector<1x16xf32>,
          %swap3A_262 = vector.shape_cast %swap3A_261 : vector<1x16xf32> to vector<16xf32>
          %swap3A_263 = vector.shape_cast %add3A_257 : vector<16xf32> to vector<1x16xf32>
          tpu.vector_store %arg13[%swap3A_259, %swap3A_260], %swap3A_263 {strides = array<i32>} : memref<16x1024xf32, #tpu.memory_space<vmem>>, vector<1x16xf32>,
          %mul3A_264 = arith.constant 3.200000e+01 : f32
          %mul3A_265 = vector.broadcast %mul3A_264 : f32 to vector<16xf32>
          %mul3A_266 = arith.mulf %get3A_173, %mul3A_265 : vector<16xf32>
          %add3A_267 = arith.addf %mul3A_266, %get3A_153 : vector<16xf32>
          %swap3A_268 = arith.constant 3 : i32
          %swap3A_269 = arith.index_cast %swap3A_268 : i32 to index
          %swap3A_270 = arith.index_cast %mul3A_150 : i32 to index
          %swap3A_271 = tpu.vector_load %arg13[%swap3A_269, %swap3A_270] {strides = array<i32>} : memref<16x1024xf32, #tpu.memory_space<vmem>>, vector<1x16xf32>,
          %swap3A_272 = vector.shape_cast %swap3A_271 : vector<1x16xf32> to vector<16xf32>
          %swap3A_273 = vector.shape_cast %add3A_267 : vector<16xf32> to vector<1x16xf32>
          tpu.vector_store %arg13[%swap3A_269, %swap3A_270], %swap3A_273 {strides = array<i32>} : memref<16x1024xf32, #tpu.memory_space<vmem>>, vector<1x16xf32>,
          %mul3A_274 = arith.constant 3.200000e+01 : f32
          %mul3A_275 = vector.broadcast %mul3A_274 : f32 to vector<16xf32>
          %mul3A_276 = arith.mulf %get3A_178, %mul3A_275 : vector<16xf32>
          %add3A_277 = arith.addf %mul3A_276, %get3A_153 : vector<16xf32>
          %swap3A_278 = arith.constant 4 : i32
          %swap3A_279 = arith.index_cast %swap3A_278 : i32 to index
          %swap3A_280 = arith.index_cast %mul3A_150 : i32 to index
          %swap3A_281 = tpu.vector_load %arg13[%swap3A_279, %swap3A_280] {strides = array<i32>} : memref<16x1024xf32, #tpu.memory_space<vmem>>, vector<1x16xf32>,
          %swap3A_282 = vector.shape_cast %swap3A_281 : vector<1x16xf32> to vector<16xf32>
          %swap3A_283 = vector.shape_cast %add3A_277 : vector<16xf32> to vector<1x16xf32>
          tpu.vector_store %arg13[%swap3A_279, %swap3A_280], %swap3A_283 {strides = array<i32>} : memref<16x1024xf32, #tpu.memory_space<vmem>>, vector<1x16xf32>,
          %mul3A_284 = arith.constant 3.200000e+01 : f32
          %mul3A_285 = vector.broadcast %mul3A_284 : f32 to vector<16xf32>
          %mul3A_286 = arith.mulf %get3A_183, %mul3A_285 : vector<16xf32>
          %add3A_287 = arith.addf %mul3A_286, %get3A_153 : vector<16xf32>
          %swap3A_288 = arith.constant 5 : i32
          %swap3A_289 = arith.index_cast %swap3A_288 : i32 to index
          %swap3A_290 = arith.index_cast %mul3A_150 : i32 to index
          %swap3A_291 = tpu.vector_load %arg13[%swap3A_289, %swap3A_290] {strides = array<i32>} : memref<16x1024xf32, #tpu.memory_space<vmem>>, vector<1x16xf32>,
          %swap3A_292 = vector.shape_cast %swap3A_291 : vector<1x16xf32> to vector<16xf32>
          %swap3A_293 = vector.shape_cast %add3A_287 : vector<16xf32> to vector<1x16xf32>
          tpu.vector_store %arg13[%swap3A_289, %swap3A_290], %swap3A_293 {strides = array<i32>} : memref<16x1024xf32, #tpu.memory_space<vmem>>, vector<1x16xf32>,
          %mul3A_294 = arith.constant 3.200000e+01 : f32
          %mul3A_295 = vector.broadcast %mul3A_294 : f32 to vector<16xf32>
          %mul3A_296 = arith.mulf %get3A_188, %mul3A_295 : vector<16xf32>
          %add3A_297 = arith.addf %mul3A_296, %get3A_153 : vector<16xf32>
          %swap3A_298 = arith.constant 6 : i32
          %swap3A_299 = arith.index_cast %swap3A_298 : i32 to index
          %swap3A_300 = arith.index_cast %mul3A_150 : i32 to index
          %swap3A_301 = tpu.vector_load %arg13[%swap3A_299, %swap3A_300] {strides = array<i32>} : memref<16x1024xf32, #tpu.memory_space<vmem>>, vector<1x16xf32>,
          %swap3A_302 = vector.shape_cast %swap3A_301 : vector<1x16xf32> to vector<16xf32>
          %swap3A_303 = vector.shape_cast %add3A_297 : vector<16xf32> to vector<1x16xf32>
          tpu.vector_store %arg13[%swap3A_299, %swap3A_300], %swap3A_303 {strides = array<i32>} : memref<16x1024xf32, #tpu.memory_space<vmem>>, vector<1x16xf32>,
          %mul3A_304 = arith.constant 3.200000e+01 : f32
          %mul3A_305 = vector.broadcast %mul3A_304 : f32 to vector<16xf32>
          %mul3A_306 = arith.mulf %get3A_193, %mul3A_305 : vector<16xf32>
          %add3A_307 = arith.addf %mul3A_306, %get3A_153 : vector<16xf32>
          %swap3A_308 = arith.constant 7 : i32
          %swap3A_309 = arith.index_cast %swap3A_308 : i32 to index
          %swap3A_310 = arith.index_cast %mul3A_150 : i32 to index
          %swap3A_311 = tpu.vector_load %arg13[%swap3A_309, %swap3A_310] {strides = array<i32>} : memref<16x1024xf32, #tpu.memory_space<vmem>>, vector<1x16xf32>,
          %swap3A_312 = vector.shape_cast %swap3A_311 : vector<1x16xf32> to vector<16xf32>
          %swap3A_313 = vector.shape_cast %add3A_307 : vector<16xf32> to vector<1x16xf32>
          tpu.vector_store %arg13[%swap3A_309, %swap3A_310], %swap3A_313 {strides = array<i32>} : memref<16x1024xf32, #tpu.memory_space<vmem>>, vector<1x16xf32>,
          %mul3A_314 = arith.constant 3.200000e+01 : f32
          %mul3A_315 = vector.broadcast %mul3A_314 : f32 to vector<16xf32>
          %mul3A_316 = arith.mulf %get3A_198, %mul3A_315 : vector<16xf32>
          %add3A_317 = arith.addf %mul3A_316, %get3A_153 : vector<16xf32>
          %swap3A_318 = arith.constant 8 : i32
          %swap3A_319 = arith.index_cast %swap3A_318 : i32 to index
          %swap3A_320 = arith.index_cast %mul3A_150 : i32 to index
          %swap3A_321 = tpu.vector_load %arg13[%swap3A_319, %swap3A_320] {strides = array<i32>} : memref<16x1024xf32, #tpu.memory_space<vmem>>, vector<1x16xf32>,
          %swap3A_322 = vector.shape_cast %swap3A_321 : vector<1x16xf32> to vector<16xf32>
          %swap3A_323 = vector.shape_cast %add3A_317 : vector<16xf32> to vector<1x16xf32>
          tpu.vector_store %arg13[%swap3A_319, %swap3A_320], %swap3A_323 {strides = array<i32>} : memref<16x1024xf32, #tpu.memory_space<vmem>>, vector<1x16xf32>,
          %mul3A_324 = arith.constant 3.200000e+01 : f32
          %mul3A_325 = vector.broadcast %mul3A_324 : f32 to vector<16xf32>
          %mul3A_326 = arith.mulf %get3A_203, %mul3A_325 : vector<16xf32>
          %add3A_327 = arith.addf %mul3A_326, %get3A_153 : vector<16xf32>
          %swap3A_328 = arith.constant 9 : i32
          %swap3A_329 = arith.index_cast %swap3A_328 : i32 to index
          %swap3A_330 = arith.index_cast %mul3A_150 : i32 to index
          %swap3A_331 = tpu.vector_load %arg13[%swap3A_329, %swap3A_330] {strides = array<i32>} : memref<16x1024xf32, #tpu.memory_space<vmem>>, vector<1x16xf32>,
          %swap3A_332 = vector.shape_cast %swap3A_331 : vector<1x16xf32> to vector<16xf32>
          %swap3A_333 = vector.shape_cast %add3A_327 : vector<16xf32> to vector<1x16xf32>
          tpu.vector_store %arg13[%swap3A_329, %swap3A_330], %swap3A_333 {strides = array<i32>} : memref<16x1024xf32, #tpu.memory_space<vmem>>, vector<1x16xf32>,
          %mul3A_334 = arith.constant 3.200000e+01 : f32
          %mul3A_335 = vector.broadcast %mul3A_334 : f32 to vector<16xf32>
          %mul3A_336 = arith.mulf %get3A_208, %mul3A_335 : vector<16xf32>
          %add3A_337 = arith.addf %mul3A_336, %get3A_153 : vector<16xf32>
          %swap3A_338 = arith.constant 10 : i32
          %swap3A_339 = arith.index_cast %swap3A_338 : i32 to index
          %swap3A_340 = arith.index_cast %mul3A_150 : i32 to index
          %swap3A_341 = tpu.vector_load %arg13[%swap3A_339, %swap3A_340] {strides = array<i32>} : memref<16x1024xf32, #tpu.memory_space<vmem>>, vector<1x16xf32>,
          %swap3A_342 = vector.shape_cast %swap3A_341 : vector<1x16xf32> to vector<16xf32>
          %swap3A_343 = vector.shape_cast %add3A_337 : vector<16xf32> to vector<1x16xf32>
          tpu.vector_store %arg13[%swap3A_339, %swap3A_340], %swap3A_343 {strides = array<i32>} : memref<16x1024xf32, #tpu.memory_space<vmem>>, vector<1x16xf32>,
          %mul3A_344 = arith.constant 3.200000e+01 : f32
          %mul3A_345 = vector.broadcast %mul3A_344 : f32 to vector<16xf32>
          %mul3A_346 = arith.mulf %get3A_213, %mul3A_345 : vector<16xf32>
          %add3A_347 = arith.addf %mul3A_346, %get3A_153 : vector<16xf32>
          %swap3A_348 = arith.constant 11 : i32
          %swap3A_349 = arith.index_cast %swap3A_348 : i32 to index
          %swap3A_350 = arith.index_cast %mul3A_150 : i32 to index
          %swap3A_351 = tpu.vector_load %arg13[%swap3A_349, %swap3A_350] {strides = array<i32>} : memref<16x1024xf32, #tpu.memory_space<vmem>>, vector<1x16xf32>,
          %swap3A_352 = vector.shape_cast %swap3A_351 : vector<1x16xf32> to vector<16xf32>
          %swap3A_353 = vector.shape_cast %add3A_347 : vector<16xf32> to vector<1x16xf32>
          tpu.vector_store %arg13[%swap3A_349, %swap3A_350], %swap3A_353 {strides = array<i32>} : memref<16x1024xf32, #tpu.memory_space<vmem>>, vector<1x16xf32>,
          %mul3A_354 = arith.constant 3.200000e+01 : f32
          %mul3A_355 = vector.broadcast %mul3A_354 : f32 to vector<16xf32>
          %mul3A_356 = arith.mulf %get3A_218, %mul3A_355 : vector<16xf32>
          %add3A_357 = arith.addf %mul3A_356, %get3A_153 : vector<16xf32>
          %swap3A_358 = arith.constant 12 : i32
          %swap3A_359 = arith.index_cast %swap3A_358 : i32 to index
          %swap3A_360 = arith.index_cast %mul3A_150 : i32 to index
          %swap3A_361 = tpu.vector_load %arg13[%swap3A_359, %swap3A_360] {strides = array<i32>} : memref<16x1024xf32, #tpu.memory_space<vmem>>, vector<1x16xf32>,
          %swap3A_362 = vector.shape_cast %swap3A_361 : vector<1x16xf32> to vector<16xf32>
          %swap3A_363 = vector.shape_cast %add3A_357 : vector<16xf32> to vector<1x16xf32>
          tpu.vector_store %arg13[%swap3A_359, %swap3A_360], %swap3A_363 {strides = array<i32>} : memref<16x1024xf32, #tpu.memory_space<vmem>>, vector<1x16xf32>,
          %mul3A_364 = arith.constant 3.200000e+01 : f32
          %mul3A_365 = vector.broadcast %mul3A_364 : f32 to vector<16xf32>
          %mul3A_366 = arith.mulf %get3A_223, %mul3A_365 : vector<16xf32>
          %add3A_367 = arith.addf %mul3A_366, %get3A_153 : vector<16xf32>
          %swap3A_368 = arith.constant 13 : i32
          %swap3A_369 = arith.index_cast %swap3A_368 : i32 to index
          %swap3A_370 = arith.index_cast %mul3A_150 : i32 to index
          %swap3A_371 = tpu.vector_load %arg13[%swap3A_369, %swap3A_370] {strides = array<i32>} : memref<16x1024xf32, #tpu.memory_space<vmem>>, vector<1x16xf32>,
          %swap3A_372 = vector.shape_cast %swap3A_371 : vector<1x16xf32> to vector<16xf32>
          %swap3A_373 = vector.shape_cast %add3A_367 : vector<16xf32> to vector<1x16xf32>
          tpu.vector_store %arg13[%swap3A_369, %swap3A_370], %swap3A_373 {strides = array<i32>} : memref<16x1024xf32, #tpu.memory_space<vmem>>, vector<1x16xf32>,
          %mul3A_374 = arith.constant 3.200000e+01 : f32
          %mul3A_375 = vector.broadcast %mul3A_374 : f32 to vector<16xf32>
          %mul3A_376 = arith.mulf %get3A_228, %mul3A_375 : vector<16xf32>
          %add3A_377 = arith.addf %mul3A_376, %get3A_153 : vector<16xf32>
          %swap3A_378 = arith.constant 14 : i32
          %swap3A_379 = arith.index_cast %swap3A_378 : i32 to index
          %swap3A_380 = arith.index_cast %mul3A_150 : i32 to index
          %swap3A_381 = tpu.vector_load %arg13[%swap3A_379, %swap3A_380] {strides = array<i32>} : memref<16x1024xf32, #tpu.memory_space<vmem>>, vector<1x16xf32>,
          %swap3A_382 = vector.shape_cast %swap3A_381 : vector<1x16xf32> to vector<16xf32>
          %swap3A_383 = vector.shape_cast %add3A_377 : vector<16xf32> to vector<1x16xf32>
          tpu.vector_store %arg13[%swap3A_379, %swap3A_380], %swap3A_383 {strides = array<i32>} : memref<16x1024xf32, #tpu.memory_space<vmem>>, vector<1x16xf32>,
          %mul3A_384 = arith.constant 3.200000e+01 : f32
          %mul3A_385 = vector.broadcast %mul3A_384 : f32 to vector<16xf32>
          %mul3A_386 = arith.mulf %get3A_233, %mul3A_385 : vector<16xf32>
          %add3A_387 = arith.addf %mul3A_386, %get3A_153 : vector<16xf32>
          %swap3A_388 = arith.constant 15 : i32
          %swap3A_389 = arith.index_cast %swap3A_388 : i32 to index
          %swap3A_390 = arith.index_cast %mul3A_150 : i32 to index
          %swap3A_391 = tpu.vector_load %arg13[%swap3A_389, %swap3A_390] {strides = array<i32>} : memref<16x1024xf32, #tpu.memory_space<vmem>>, vector<1x16xf32>,
          %swap3A_392 = vector.shape_cast %swap3A_391 : vector<1x16xf32> to vector<16xf32>
          %swap3A_393 = vector.shape_cast %add3A_387 : vector<16xf32> to vector<1x16xf32>
          tpu.vector_store %arg13[%swap3A_389, %swap3A_390], %swap3A_393 {strides = array<i32>} : memref<16x1024xf32, #tpu.memory_space<vmem>>, vector<1x16xf32>,
          %scan3A_394 = arith.constant 0 : i32
          %scan3A_395 = arith.constant 1 : i32
          %scan3A_396 = arith.addi %scan3A_147, %scan3A_395 : i32
          %mul3A_397 = arith.constant 16 : i32
          %mul3A_398 = arith.muli %scan3A_396, %mul3A_397 : i32
          %get3A_399 = arith.index_cast %and3A_117 : i32 to index
          %get3A_400 = arith.index_cast %mul3A_398 : i32 to index
          %get3A_401 = tpu.vector_load %arg7[%get3A_399, %get3A_400] {strides = array<i32>} : memref<16x1024xf32, #tpu.memory_space<vmem>>, vector<1x16xf32>,
          %get3A_402 = vector.shape_cast %get3A_401 : vector<1x16xf32> to vector<16xf32>
          %get3A_403 = arith.constant 0 : i32
          %get3A_404 = arith.index_cast %get3A_403 : i32 to index
          %get3A_405 = arith.index_cast %mul3A_398 : i32 to index
          %get3A_406 = tpu.vector_load %arg10[%get3A_404, %get3A_405] {strides = array<i32>} : memref<16x1024xf32, #tpu.memory_space<vmem>>, vector<1x16xf32>,
          %get3A_407 = vector.shape_cast %get3A_406 : vector<1x16xf32> to vector<16xf32>
          %get3A_408 = arith.constant 1 : i32
          %get3A_409 = arith.index_cast %get3A_408 : i32 to index
          %get3A_410 = arith.index_cast %mul3A_398 : i32 to index
          %get3A_411 = tpu.vector_load %arg10[%get3A_409, %get3A_410] {strides = array<i32>} : memref<16x1024xf32, #tpu.memory_space<vmem>>, vector<1x16xf32>,
          %get3A_412 = vector.shape_cast %get3A_411 : vector<1x16xf32> to vector<16xf32>
          %get3A_413 = arith.constant 2 : i32
          %get3A_414 = arith.index_cast %get3A_413 : i32 to index
          %get3A_415 = arith.index_cast %mul3A_398 : i32 to index
          %get3A_416 = tpu.vector_load %arg10[%get3A_414, %get3A_415] {strides = array<i32>} : memref<16x1024xf32, #tpu.memory_space<vmem>>, vector<1x16xf32>,
          %get3A_417 = vector.shape_cast %get3A_416 : vector<1x16xf32> to vector<16xf32>
          %get3A_418 = arith.constant 3 : i32
          %get3A_419 = arith.index_cast %get3A_418 : i32 to index
          %get3A_420 = arith.index_cast %mul3A_398 : i32 to index
          %get3A_421 = tpu.vector_load %arg10[%get3A_419, %get3A_420] {strides = array<i32>} : memref<16x1024xf32, #tpu.memory_space<vmem>>, vector<1x16xf32>,
          %get3A_422 = vector.shape_cast %get3A_421 : vector<1x16xf32> to vector<16xf32>
          %get3A_423 = arith.constant 4 : i32
          %get3A_424 = arith.index_cast %get3A_423 : i32 to index
          %get3A_425 = arith.index_cast %mul3A_398 : i32 to index
          %get3A_426 = tpu.vector_load %arg10[%get3A_424, %get3A_425] {strides = array<i32>} : memref<16x1024xf32, #tpu.memory_space<vmem>>, vector<1x16xf32>,
          %get3A_427 = vector.shape_cast %get3A_426 : vector<1x16xf32> to vector<16xf32>
          %get3A_428 = arith.constant 5 : i32
          %get3A_429 = arith.index_cast %get3A_428 : i32 to index
          %get3A_430 = arith.index_cast %mul3A_398 : i32 to index
          %get3A_431 = tpu.vector_load %arg10[%get3A_429, %get3A_430] {strides = array<i32>} : memref<16x1024xf32, #tpu.memory_space<vmem>>, vector<1x16xf32>,
          %get3A_432 = vector.shape_cast %get3A_431 : vector<1x16xf32> to vector<16xf32>
          %get3A_433 = arith.constant 6 : i32
          %get3A_434 = arith.index_cast %get3A_433 : i32 to index
          %get3A_435 = arith.index_cast %mul3A_398 : i32 to index
          %get3A_436 = tpu.vector_load %arg10[%get3A_434, %get3A_435] {strides = array<i32>} : memref<16x1024xf32, #tpu.memory_space<vmem>>, vector<1x16xf32>,
          %get3A_437 = vector.shape_cast %get3A_436 : vector<1x16xf32> to vector<16xf32>
          %get3A_438 = arith.constant 7 : i32
          %get3A_439 = arith.index_cast %get3A_438 : i32 to index
          %get3A_440 = arith.index_cast %mul3A_398 : i32 to index
          %get3A_441 = tpu.vector_load %arg10[%get3A_439, %get3A_440] {strides = array<i32>} : memref<16x1024xf32, #tpu.memory_space<vmem>>, vector<1x16xf32>,
          %get3A_442 = vector.shape_cast %get3A_441 : vector<1x16xf32> to vector<16xf32>
          %get3A_443 = arith.constant 8 : i32
          %get3A_444 = arith.index_cast %get3A_443 : i32 to index
          %get3A_445 = arith.index_cast %mul3A_398 : i32 to index
          %get3A_446 = tpu.vector_load %arg10[%get3A_444, %get3A_445] {strides = array<i32>} : memref<16x1024xf32, #tpu.memory_space<vmem>>, vector<1x16xf32>,
          %get3A_447 = vector.shape_cast %get3A_446 : vector<1x16xf32> to vector<16xf32>
          %get3A_448 = arith.constant 9 : i32
          %get3A_449 = arith.index_cast %get3A_448 : i32 to index
          %get3A_450 = arith.index_cast %mul3A_398 : i32 to index
          %get3A_451 = tpu.vector_load %arg10[%get3A_449, %get3A_450] {strides = array<i32>} : memref<16x1024xf32, #tpu.memory_space<vmem>>, vector<1x16xf32>,
          %get3A_452 = vector.shape_cast %get3A_451 : vector<1x16xf32> to vector<16xf32>
          %get3A_453 = arith.constant 10 : i32
          %get3A_454 = arith.index_cast %get3A_453 : i32 to index
          %get3A_455 = arith.index_cast %mul3A_398 : i32 to index
          %get3A_456 = tpu.vector_load %arg10[%get3A_454, %get3A_455] {strides = array<i32>} : memref<16x1024xf32, #tpu.memory_space<vmem>>, vector<1x16xf32>,
          %get3A_457 = vector.shape_cast %get3A_456 : vector<1x16xf32> to vector<16xf32>
          %get3A_458 = arith.constant 11 : i32
          %get3A_459 = arith.index_cast %get3A_458 : i32 to index
          %get3A_460 = arith.index_cast %mul3A_398 : i32 to index
          %get3A_461 = tpu.vector_load %arg10[%get3A_459, %get3A_460] {strides = array<i32>} : memref<16x1024xf32, #tpu.memory_space<vmem>>, vector<1x16xf32>,
          %get3A_462 = vector.shape_cast %get3A_461 : vector<1x16xf32> to vector<16xf32>
          %get3A_463 = arith.constant 12 : i32
          %get3A_464 = arith.index_cast %get3A_463 : i32 to index
          %get3A_465 = arith.index_cast %mul3A_398 : i32 to index
          %get3A_466 = tpu.vector_load %arg10[%get3A_464, %get3A_465] {strides = array<i32>} : memref<16x1024xf32, #tpu.memory_space<vmem>>, vector<1x16xf32>,
          %get3A_467 = vector.shape_cast %get3A_466 : vector<1x16xf32> to vector<16xf32>
          %get3A_468 = arith.constant 13 : i32
          %get3A_469 = arith.index_cast %get3A_468 : i32 to index
          %get3A_470 = arith.index_cast %mul3A_398 : i32 to index
          %get3A_471 = tpu.vector_load %arg10[%get3A_469, %get3A_470] {strides = array<i32>} : memref<16x1024xf32, #tpu.memory_space<vmem>>, vector<1x16xf32>,
          %get3A_472 = vector.shape_cast %get3A_471 : vector<1x16xf32> to vector<16xf32>
          %get3A_473 = arith.constant 14 : i32
          %get3A_474 = arith.index_cast %get3A_473 : i32 to index
          %get3A_475 = arith.index_cast %mul3A_398 : i32 to index
          %get3A_476 = tpu.vector_load %arg10[%get3A_474, %get3A_475] {strides = array<i32>} : memref<16x1024xf32, #tpu.memory_space<vmem>>, vector<1x16xf32>,
          %get3A_477 = vector.shape_cast %get3A_476 : vector<1x16xf32> to vector<16xf32>
          %get3A_478 = arith.constant 15 : i32
          %get3A_479 = arith.index_cast %get3A_478 : i32 to index
          %get3A_480 = arith.index_cast %mul3A_398 : i32 to index
          %get3A_481 = tpu.vector_load %arg10[%get3A_479, %get3A_480] {strides = array<i32>} : memref<16x1024xf32, #tpu.memory_space<vmem>>, vector<1x16xf32>,
          %get3A_482 = vector.shape_cast %get3A_481 : vector<1x16xf32> to vector<16xf32>
          %mul3A_483 = arith.constant 3.200000e+01 : f32
          %mul3A_484 = vector.broadcast %mul3A_483 : f32 to vector<16xf32>
          %mul3A_485 = arith.mulf %get3A_407, %mul3A_484 : vector<16xf32>
          %add3A_486 = arith.addf %mul3A_485, %get3A_402 : vector<16xf32>
          %swap3A_487 = arith.constant 0 : i32
          %swap3A_488 = arith.index_cast %swap3A_487 : i32 to index
          %swap3A_489 = arith.index_cast %mul3A_398 : i32 to index
          %swap3A_490 = tpu.vector_load %arg13[%swap3A_488, %swap3A_489] {strides = array<i32>} : memref<16x1024xf32, #tpu.memory_space<vmem>>, vector<1x16xf32>,
          %swap3A_491 = vector.shape_cast %swap3A_490 : vector<1x16xf32> to vector<16xf32>
          %swap3A_492 = vector.shape_cast %add3A_486 : vector<16xf32> to vector<1x16xf32>
          tpu.vector_store %arg13[%swap3A_488, %swap3A_489], %swap3A_492 {strides = array<i32>} : memref<16x1024xf32, #tpu.memory_space<vmem>>, vector<1x16xf32>,
          %mul3A_493 = arith.constant 3.200000e+01 : f32
          %mul3A_494 = vector.broadcast %mul3A_493 : f32 to vector<16xf32>
          %mul3A_495 = arith.mulf %get3A_412, %mul3A_494 : vector<16xf32>
          %add3A_496 = arith.addf %mul3A_495, %get3A_402 : vector<16xf32>
          %swap3A_497 = arith.constant 1 : i32
          %swap3A_498 = arith.index_cast %swap3A_497 : i32 to index
          %swap3A_499 = arith.index_cast %mul3A_398 : i32 to index
          %swap3A_500 = tpu.vector_load %arg13[%swap3A_498, %swap3A_499] {strides = array<i32>} : memref<16x1024xf32, #tpu.memory_space<vmem>>, vector<1x16xf32>,
          %swap3A_501 = vector.shape_cast %swap3A_500 : vector<1x16xf32> to vector<16xf32>
          %swap3A_502 = vector.shape_cast %add3A_496 : vector<16xf32> to vector<1x16xf32>
          tpu.vector_store %arg13[%swap3A_498, %swap3A_499], %swap3A_502 {strides = array<i32>} : memref<16x1024xf32, #tpu.memory_space<vmem>>, vector<1x16xf32>,
          %mul3A_503 = arith.constant 3.200000e+01 : f32
          %mul3A_504 = vector.broadcast %mul3A_503 : f32 to vector<16xf32>
          %mul3A_505 = arith.mulf %get3A_417, %mul3A_504 : vector<16xf32>
          %add3A_506 = arith.addf %mul3A_505, %get3A_402 : vector<16xf32>
          %swap3A_507 = arith.constant 2 : i32
          %swap3A_508 = arith.index_cast %swap3A_507 : i32 to index
          %swap3A_509 = arith.index_cast %mul3A_398 : i32 to index
          %swap3A_510 = tpu.vector_load %arg13[%swap3A_508, %swap3A_509] {strides = array<i32>} : memref<16x1024xf32, #tpu.memory_space<vmem>>, vector<1x16xf32>,
          %swap3A_511 = vector.shape_cast %swap3A_510 : vector<1x16xf32> to vector<16xf32>
          %swap3A_512 = vector.shape_cast %add3A_506 : vector<16xf32> to vector<1x16xf32>
          tpu.vector_store %arg13[%swap3A_508, %swap3A_509], %swap3A_512 {strides = array<i32>} : memref<16x1024xf32, #tpu.memory_space<vmem>>, vector<1x16xf32>,
          %mul3A_513 = arith.constant 3.200000e+01 : f32
          %mul3A_514 = vector.broadcast %mul3A_513 : f32 to vector<16xf32>
          %mul3A_515 = arith.mulf %get3A_422, %mul3A_514 : vector<16xf32>
          %add3A_516 = arith.addf %mul3A_515, %get3A_402 : vector<16xf32>
          %swap3A_517 = arith.constant 3 : i32
          %swap3A_518 = arith.index_cast %swap3A_517 : i32 to index
          %swap3A_519 = arith.index_cast %mul3A_398 : i32 to index
          %swap3A_520 = tpu.vector_load %arg13[%swap3A_518, %swap3A_519] {strides = array<i32>} : memref<16x1024xf32, #tpu.memory_space<vmem>>, vector<1x16xf32>,
          %swap3A_521 = vector.shape_cast %swap3A_520 : vector<1x16xf32> to vector<16xf32>
          %swap3A_522 = vector.shape_cast %add3A_516 : vector<16xf32> to vector<1x16xf32>
          tpu.vector_store %arg13[%swap3A_518, %swap3A_519], %swap3A_522 {strides = array<i32>} : memref<16x1024xf32, #tpu.memory_space<vmem>>, vector<1x16xf32>,
          %mul3A_523 = arith.constant 3.200000e+01 : f32
          %mul3A_524 = vector.broadcast %mul3A_523 : f32 to vector<16xf32>
          %mul3A_525 = arith.mulf %get3A_427, %mul3A_524 : vector<16xf32>
          %add3A_526 = arith.addf %mul3A_525, %get3A_402 : vector<16xf32>
          %swap3A_527 = arith.constant 4 : i32
          %swap3A_528 = arith.index_cast %swap3A_527 : i32 to index
          %swap3A_529 = arith.index_cast %mul3A_398 : i32 to index
          %swap3A_530 = tpu.vector_load %arg13[%swap3A_528, %swap3A_529] {strides = array<i32>} : memref<16x1024xf32, #tpu.memory_space<vmem>>, vector<1x16xf32>,
          %swap3A_531 = vector.shape_cast %swap3A_530 : vector<1x16xf32> to vector<16xf32>
          %swap3A_532 = vector.shape_cast %add3A_526 : vector<16xf32> to vector<1x16xf32>
          tpu.vector_store %arg13[%swap3A_528, %swap3A_529], %swap3A_532 {strides = array<i32>} : memref<16x1024xf32, #tpu.memory_space<vmem>>, vector<1x16xf32>,
          %mul3A_533 = arith.constant 3.200000e+01 : f32
          %mul3A_534 = vector.broadcast %mul3A_533 : f32 to vector<16xf32>
          %mul3A_535 = arith.mulf %get3A_432, %mul3A_534 : vector<16xf32>
          %add3A_536 = arith.addf %mul3A_535, %get3A_402 : vector<16xf32>
          %swap3A_537 = arith.constant 5 : i32
          %swap3A_538 = arith.index_cast %swap3A_537 : i32 to index
          %swap3A_539 = arith.index_cast %mul3A_398 : i32 to index
          %swap3A_540 = tpu.vector_load %arg13[%swap3A_538, %swap3A_539] {strides = array<i32>} : memref<16x1024xf32, #tpu.memory_space<vmem>>, vector<1x16xf32>,
          %swap3A_541 = vector.shape_cast %swap3A_540 : vector<1x16xf32> to vector<16xf32>
          %swap3A_542 = vector.shape_cast %add3A_536 : vector<16xf32> to vector<1x16xf32>
          tpu.vector_store %arg13[%swap3A_538, %swap3A_539], %swap3A_542 {strides = array<i32>} : memref<16x1024xf32, #tpu.memory_space<vmem>>, vector<1x16xf32>,
          %mul3A_543 = arith.constant 3.200000e+01 : f32
          %mul3A_544 = vector.broadcast %mul3A_543 : f32 to vector<16xf32>
          %mul3A_545 = arith.mulf %get3A_437, %mul3A_544 : vector<16xf32>
          %add3A_546 = arith.addf %mul3A_545, %get3A_402 : vector<16xf32>
          %swap3A_547 = arith.constant 6 : i32
          %swap3A_548 = arith.index_cast %swap3A_547 : i32 to index
          %swap3A_549 = arith.index_cast %mul3A_398 : i32 to index
          %swap3A_550 = tpu.vector_load %arg13[%swap3A_548, %swap3A_549] {strides = array<i32>} : memref<16x1024xf32, #tpu.memory_space<vmem>>, vector<1x16xf32>,
          %swap3A_551 = vector.shape_cast %swap3A_550 : vector<1x16xf32> to vector<16xf32>
          %swap3A_552 = vector.shape_cast %add3A_546 : vector<16xf32> to vector<1x16xf32>
          tpu.vector_store %arg13[%swap3A_548, %swap3A_549], %swap3A_552 {strides = array<i32>} : memref<16x1024xf32, #tpu.memory_space<vmem>>, vector<1x16xf32>,
          %mul3A_553 = arith.constant 3.200000e+01 : f32
          %mul3A_554 = vector.broadcast %mul3A_553 : f32 to vector<16xf32>
          %mul3A_555 = arith.mulf %get3A_442, %mul3A_554 : vector<16xf32>
          %add3A_556 = arith.addf %mul3A_555, %get3A_402 : vector<16xf32>
          %swap3A_557 = arith.constant 7 : i32
          %swap3A_558 = arith.index_cast %swap3A_557 : i32 to index
          %swap3A_559 = arith.index_cast %mul3A_398 : i32 to index
          %swap3A_560 = tpu.vector_load %arg13[%swap3A_558, %swap3A_559] {strides = array<i32>} : memref<16x1024xf32, #tpu.memory_space<vmem>>, vector<1x16xf32>,
          %swap3A_561 = vector.shape_cast %swap3A_560 : vector<1x16xf32> to vector<16xf32>
          %swap3A_562 = vector.shape_cast %add3A_556 : vector<16xf32> to vector<1x16xf32>
          tpu.vector_store %arg13[%swap3A_558, %swap3A_559], %swap3A_562 {strides = array<i32>} : memref<16x1024xf32, #tpu.memory_space<vmem>>, vector<1x16xf32>,
          %mul3A_563 = arith.constant 3.200000e+01 : f32
          %mul3A_564 = vector.broadcast %mul3A_563 : f32 to vector<16xf32>
          %mul3A_565 = arith.mulf %get3A_447, %mul3A_564 : vector<16xf32>
          %add3A_566 = arith.addf %mul3A_565, %get3A_402 : vector<16xf32>
          %swap3A_567 = arith.constant 8 : i32
          %swap3A_568 = arith.index_cast %swap3A_567 : i32 to index
          %swap3A_569 = arith.index_cast %mul3A_398 : i32 to index
          %swap3A_570 = tpu.vector_load %arg13[%swap3A_568, %swap3A_569] {strides = array<i32>} : memref<16x1024xf32, #tpu.memory_space<vmem>>, vector<1x16xf32>,
          %swap3A_571 = vector.shape_cast %swap3A_570 : vector<1x16xf32> to vector<16xf32>
          %swap3A_572 = vector.shape_cast %add3A_566 : vector<16xf32> to vector<1x16xf32>
          tpu.vector_store %arg13[%swap3A_568, %swap3A_569], %swap3A_572 {strides = array<i32>} : memref<16x1024xf32, #tpu.memory_space<vmem>>, vector<1x16xf32>,
          %mul3A_573 = arith.constant 3.200000e+01 : f32
          %mul3A_574 = vector.broadcast %mul3A_573 : f32 to vector<16xf32>
          %mul3A_575 = arith.mulf %get3A_452, %mul3A_574 : vector<16xf32>
          %add3A_576 = arith.addf %mul3A_575, %get3A_402 : vector<16xf32>
          %swap3A_577 = arith.constant 9 : i32
          %swap3A_578 = arith.index_cast %swap3A_577 : i32 to index
          %swap3A_579 = arith.index_cast %mul3A_398 : i32 to index
          %swap3A_580 = tpu.vector_load %arg13[%swap3A_578, %swap3A_579] {strides = array<i32>} : memref<16x1024xf32, #tpu.memory_space<vmem>>, vector<1x16xf32>,
          %swap3A_581 = vector.shape_cast %swap3A_580 : vector<1x16xf32> to vector<16xf32>
          %swap3A_582 = vector.shape_cast %add3A_576 : vector<16xf32> to vector<1x16xf32>
          tpu.vector_store %arg13[%swap3A_578, %swap3A_579], %swap3A_582 {strides = array<i32>} : memref<16x1024xf32, #tpu.memory_space<vmem>>, vector<1x16xf32>,
          %mul3A_583 = arith.constant 3.200000e+01 : f32
          %mul3A_584 = vector.broadcast %mul3A_583 : f32 to vector<16xf32>
          %mul3A_585 = arith.mulf %get3A_457, %mul3A_584 : vector<16xf32>
          %add3A_586 = arith.addf %mul3A_585, %get3A_402 : vector<16xf32>
          %swap3A_587 = arith.constant 10 : i32
          %swap3A_588 = arith.index_cast %swap3A_587 : i32 to index
          %swap3A_589 = arith.index_cast %mul3A_398 : i32 to index
          %swap3A_590 = tpu.vector_load %arg13[%swap3A_588, %swap3A_589] {strides = array<i32>} : memref<16x1024xf32, #tpu.memory_space<vmem>>, vector<1x16xf32>,
          %swap3A_591 = vector.shape_cast %swap3A_590 : vector<1x16xf32> to vector<16xf32>
          %swap3A_592 = vector.shape_cast %add3A_586 : vector<16xf32> to vector<1x16xf32>
          tpu.vector_store %arg13[%swap3A_588, %swap3A_589], %swap3A_592 {strides = array<i32>} : memref<16x1024xf32, #tpu.memory_space<vmem>>, vector<1x16xf32>,
          %mul3A_593 = arith.constant 3.200000e+01 : f32
          %mul3A_594 = vector.broadcast %mul3A_593 : f32 to vector<16xf32>
          %mul3A_595 = arith.mulf %get3A_462, %mul3A_594 : vector<16xf32>
          %add3A_596 = arith.addf %mul3A_595, %get3A_402 : vector<16xf32>
          %swap3A_597 = arith.constant 11 : i32
          %swap3A_598 = arith.index_cast %swap3A_597 : i32 to index
          %swap3A_599 = arith.index_cast %mul3A_398 : i32 to index
          %swap3A_600 = tpu.vector_load %arg13[%swap3A_598, %swap3A_599] {strides = array<i32>} : memref<16x1024xf32, #tpu.memory_space<vmem>>, vector<1x16xf32>,
          %swap3A_601 = vector.shape_cast %swap3A_600 : vector<1x16xf32> to vector<16xf32>
          %swap3A_602 = vector.shape_cast %add3A_596 : vector<16xf32> to vector<1x16xf32>
          tpu.vector_store %arg13[%swap3A_598, %swap3A_599], %swap3A_602 {strides = array<i32>} : memref<16x1024xf32, #tpu.memory_space<vmem>>, vector<1x16xf32>,
          %mul3A_603 = arith.constant 3.200000e+01 : f32
          %mul3A_604 = vector.broadcast %mul3A_603 : f32 to vector<16xf32>
          %mul3A_605 = arith.mulf %get3A_467, %mul3A_604 : vector<16xf32>
          %add3A_606 = arith.addf %mul3A_605, %get3A_402 : vector<16xf32>
          %swap3A_607 = arith.constant 12 : i32
          %swap3A_608 = arith.index_cast %swap3A_607 : i32 to index
          %swap3A_609 = arith.index_cast %mul3A_398 : i32 to index
          %swap3A_610 = tpu.vector_load %arg13[%swap3A_608, %swap3A_609] {strides = array<i32>} : memref<16x1024xf32, #tpu.memory_space<vmem>>, vector<1x16xf32>,
          %swap3A_611 = vector.shape_cast %swap3A_610 : vector<1x16xf32> to vector<16xf32>
          %swap3A_612 = vector.shape_cast %add3A_606 : vector<16xf32> to vector<1x16xf32>
          tpu.vector_store %arg13[%swap3A_608, %swap3A_609], %swap3A_612 {strides = array<i32>} : memref<16x1024xf32, #tpu.memory_space<vmem>>, vector<1x16xf32>,
          %mul3A_613 = arith.constant 3.200000e+01 : f32
          %mul3A_614 = vector.broadcast %mul3A_613 : f32 to vector<16xf32>
          %mul3A_615 = arith.mulf %get3A_472, %mul3A_614 : vector<16xf32>
          %add3A_616 = arith.addf %mul3A_615, %get3A_402 : vector<16xf32>
          %swap3A_617 = arith.constant 13 : i32
          %swap3A_618 = arith.index_cast %swap3A_617 : i32 to index
          %swap3A_619 = arith.index_cast %mul3A_398 : i32 to index
          %swap3A_620 = tpu.vector_load %arg13[%swap3A_618, %swap3A_619] {strides = array<i32>} : memref<16x1024xf32, #tpu.memory_space<vmem>>, vector<1x16xf32>,
          %swap3A_621 = vector.shape_cast %swap3A_620 : vector<1x16xf32> to vector<16xf32>
          %swap3A_622 = vector.shape_cast %add3A_616 : vector<16xf32> to vector<1x16xf32>
          tpu.vector_store %arg13[%swap3A_618, %swap3A_619], %swap3A_622 {strides = array<i32>} : memref<16x1024xf32, #tpu.memory_space<vmem>>, vector<1x16xf32>,
          %mul3A_623 = arith.constant 3.200000e+01 : f32
          %mul3A_624 = vector.broadcast %mul3A_623 : f32 to vector<16xf32>
          %mul3A_625 = arith.mulf %get3A_477, %mul3A_624 : vector<16xf32>
          %add3A_626 = arith.addf %mul3A_625, %get3A_402 : vector<16xf32>
          %swap3A_627 = arith.constant 14 : i32
          %swap3A_628 = arith.index_cast %swap3A_627 : i32 to index
          %swap3A_629 = arith.index_cast %mul3A_398 : i32 to index
          %swap3A_630 = tpu.vector_load %arg13[%swap3A_628, %swap3A_629] {strides = array<i32>} : memref<16x1024xf32, #tpu.memory_space<vmem>>, vector<1x16xf32>,
          %swap3A_631 = vector.shape_cast %swap3A_630 : vector<1x16xf32> to vector<16xf32>
          %swap3A_632 = vector.shape_cast %add3A_626 : vector<16xf32> to vector<1x16xf32>
          tpu.vector_store %arg13[%swap3A_628, %swap3A_629], %swap3A_632 {strides = array<i32>} : memref<16x1024xf32, #tpu.memory_space<vmem>>, vector<1x16xf32>,
          %mul3A_633 = arith.constant 3.200000e+01 : f32
          %mul3A_634 = vector.broadcast %mul3A_633 : f32 to vector<16xf32>
          %mul3A_635 = arith.mulf %get3A_482, %mul3A_634 : vector<16xf32>
          %add3A_636 = arith.addf %mul3A_635, %get3A_402 : vector<16xf32>
          %swap3A_637 = arith.constant 15 : i32
          %swap3A_638 = arith.index_cast %swap3A_637 : i32 to index
          %swap3A_639 = arith.index_cast %mul3A_398 : i32 to index
          %swap3A_640 = tpu.vector_load %arg13[%swap3A_638, %swap3A_639] {strides = array<i32>} : memref<16x1024xf32, #tpu.memory_space<vmem>>, vector<1x16xf32>,
          %swap3A_641 = vector.shape_cast %swap3A_640 : vector<1x16xf32> to vector<16xf32>
          %swap3A_642 = vector.shape_cast %add3A_636 : vector<16xf32> to vector<1x16xf32>
          tpu.vector_store %arg13[%swap3A_638, %swap3A_639], %swap3A_642 {strides = array<i32>} : memref<16x1024xf32, #tpu.memory_space<vmem>>, vector<1x16xf32>,
          %scan3A_643 = arith.constant 0 : i32
          scf.yield %scan3A_643 : i32
        }
        %scan3A_139 = arith.constant 64 : i32
        %dma_start3A_140 = arith.constant 1 : i32
        %dma_start3A_141 = arith.constant 0 : i32
        %dma_start3A_142 = tpu.memref_slice %arg8[%dma_start3A_140, %dma_start3A_141] : memref<2x16xi32, #tpu.memory_space<vmem>> -> memref<1x16xi32, #tpu.memory_space<vmem>>
        %dma_start3A_143 = tpu.memref_squeeze %dma_start3A_142 : memref<1x16xi32, #tpu.memory_space<vmem>> -> memref<16xi32, #tpu.memory_space<vmem>>
        %dma_start3A_144 = arith.constant 0 : i32
        %dma_start3A_145 = arith.constant 0 : i32
        %dma_start3A_146 = tpu.memref_slice %arg5[%dma_start3A_144, %dma_start3A_145] : memref<163840x1024xf32, #tpu.memory_space<hbm>> -> memref<163840x1024xf32, #tpu.memory_space<hbm>>
        tpu.enqueue_indirect_dma source(%arg13 : memref<16x1024xf32, #tpu.memory_space<vmem>>) target(%dma_start3A_146 : memref<163840x1024xf32, #tpu.memory_space<hbm>>) offsets(%dma_start3A_143 : memref<16xi32, #tpu.memory_space<vmem>>) semaphore(%arg18 : memref<!tpu.dma_semaphore, #tpu.memory_space<semaphore_mem>>)
      } else {
      }
      %eq3A_77 = arith.constant 2 : i32
      %eq3A_78 = arith.cmpi eq, %scan3A_33, %eq3A_77 : i32
      %and3A_79 = arith.constant 1 : i32
      %and3A_80 = arith.andi %scan3A_32, %and3A_79 : i32
      %eq3A_81 = arith.constant 0 : i32
      %eq3A_82 = arith.cmpi eq, %and3A_80, %eq3A_81 : i32
      %and3A_83 = arith.andi %eq3A_78, %eq3A_82 : i1
      %convert_element_type3A_84 = arith.extui %and3A_83 : i1 to i32
      %cond3A_85 = arith.constant 0 : i32
      %cond3A_86 = arith.cmpi ne, %convert_element_type3A_84, %cond3A_85 : i32
      scf.if %cond3A_86 {
        %ge3A = arith.constant 2 : i32
        %ge3A_101 = arith.cmpi sge, %scan3A_32, %ge3A : i32
        %convert_element_type3A_102 = arith.extui %ge3A_101 : i1 to i32
        %cond3A_103 = arith.constant 0 : i32
        %cond3A_104 = arith.cmpi ne, %convert_element_type3A_102, %cond3A_103 : i32
        scf.if %cond3A_104 {
          %dma_wait3A_147 = arith.constant 0 : i32
          %dma_wait3A_148 = arith.constant 0 : i32
          %dma_wait3A_149 = tpu.memref_slice %arg5[%dma_wait3A_147, %dma_wait3A_148] : memref<163840x1024xf32, #tpu.memory_space<hbm>> -> memref<16x1024xf32, #tpu.memory_space<hbm>>
          %dma_wait3A_150 = arith.constant 0 : i32
          %dma_wait3A_151 = arith.constant 0 : i32
          %dma_wait3A_152 = tpu.memref_slice %arg5[%dma_wait3A_150, %dma_wait3A_151] : memref<163840x1024xf32, #tpu.memory_space<hbm>> -> memref<16x1024xf32, #tpu.memory_space<hbm>>
          tpu.wait_dma2 semaphore(%arg17 : memref<!tpu.dma_semaphore, #tpu.memory_space<semaphore_mem>>) src(%arg12 : memref<16x1024xf32, #tpu.memory_space<vmem>>) dst(%dma_wait3A_152 : memref<16x1024xf32, #tpu.memory_space<hbm>>)
        } else {
        }
        %lt3A = arith.constant 318 : i32
        %lt3A_105 = arith.cmpi slt, %scan3A_32, %lt3A : i32
        %convert_element_type3A_106 = arith.extui %lt3A_105 : i1 to i32
        %cond3A_107 = arith.constant 0 : i32
        %cond3A_108 = arith.cmpi ne, %convert_element_type3A_106, %cond3A_107 : i32
        scf.if %cond3A_108 {
          %add3A_147 = arith.constant 2 : i32
          %add3A_148 = arith.addi %scan3A_32, %add3A_147 : i32
          %mul3A_149 = arith.constant 16 : i32
          %mul3A_150 = arith.muli %add3A_148, %mul3A_149 : i32
          %dma_start3A_151 = tpu.memref_slice %arg6[%mul3A_150] : memref<5120xi32, #tpu.memory_space<vmem>> -> memref<16xi32, #tpu.memory_space<vmem>>
          %dma_start3A_152 = arith.constant 0 : i32
          %dma_start3A_153 = arith.constant 0 : i32
          %dma_start3A_154 = tpu.memref_slice %arg2[%dma_start3A_152, %dma_start3A_153] : memref<100000x1024xf32, #tpu.memory_space<hbm>> -> memref<100000x1024xf32, #tpu.memory_space<hbm>>
          tpu.enqueue_indirect_dma source(%dma_start3A_154 : memref<100000x1024xf32, #tpu.memory_space<hbm>>) target(%arg10 : memref<16x1024xf32, #tpu.memory_space<vmem>>) offsets(%dma_start3A_151 : memref<16xi32, #tpu.memory_space<vmem>>) semaphore(%arg15 : memref<!tpu.dma_semaphore, #tpu.memory_space<semaphore_mem>>)
        } else {
        }
        %dma_wait3A_109 = arith.constant 0 : i32
        %dma_wait3A_110 = arith.constant 0 : i32
        %dma_wait3A_111 = tpu.memref_slice %arg2[%dma_wait3A_109, %dma_wait3A_110] : memref<100000x1024xf32, #tpu.memory_space<hbm>> -> memref<16x1024xf32, #tpu.memory_space<hbm>>
        %dma_wait3A_112 = arith.constant 0 : i32
        %dma_wait3A_113 = arith.constant 0 : i32
        %dma_wait3A_114 = tpu.memref_slice %arg2[%dma_wait3A_112, %dma_wait3A_113] : memref<100000x1024xf32, #tpu.memory_space<hbm>> -> memref<16x1024xf32, #tpu.memory_space<hbm>>
        tpu.wait_dma2 semaphore(%arg16 : memref<!tpu.dma_semaphore, #tpu.memory_space<semaphore_mem>>) src(%dma_wait3A_114 : memref<16x1024xf32, #tpu.memory_space<hbm>>) dst(%arg11 : memref<16x1024xf32, #tpu.memory_space<vmem>>)
        %shift_right_arithmetic3A = arith.constant 1 : i32
        %shift_right_arithmetic3A_115 = arith.shrsi %scan3A_32, %shift_right_arithmetic3A : i32
        %and3A_116 = arith.constant 15 : i32
        %and3A_117 = arith.andi %shift_right_arithmetic3A_115, %and3A_116 : i32
        %and3A_118 = arith.constant 1 : i32
        %and3A_119 = arith.andi %scan3A_32, %and3A_118 : i32
        %mul3A_120 = arith.constant 2560 : i32
        %mul3A_121 = arith.muli %and3A_119, %mul3A_120 : i32
        %add3A_122 = arith.addi %mul3A_2, %mul3A_121 : i32
        %shift_right_arithmetic3A_123 = arith.constant 1 : i32
        %shift_right_arithmetic3A_124 = arith.shrsi %scan3A_32, %shift_right_arithmetic3A_123 : i32
        %add3A_125 = arith.addi %add3A_122, %shift_right_arithmetic3A_124 : i32
        %add3A_126 = vector.broadcast %add3A_125 : i32 to vector<16xi32>
        %add3A_127 = arith.addi %mul3A_5, %add3A_126 : vector<16xi32>
        %swap3A = arith.constant 0 : i32
        %swap3A_128 = arith.index_cast %swap3A : i32 to index
        %swap3A_129 = arith.constant 0 : index
        %swap3A_130 = tpu.vector_load %arg8[%swap3A_128, %swap3A_129] {strides = array<i32>} : memref<2x16xi32, #tpu.memory_space<vmem>>, vector<1x16xi32>,
        %swap3A_131 = vector.shape_cast %swap3A_130 : vector<1x16xi32> to vector<16xi32>
        %swap3A_132 = vector.shape_cast %add3A_127 : vector<16xi32> to vector<1x16xi32>
        tpu.vector_store %arg8[%swap3A_128, %swap3A_129], %swap3A_132 {strides = array<i32>} : memref<2x16xi32, #tpu.memory_space<vmem>>, vector<1x16xi32>,
        %scan3A_133 = arith.constant 0 : i32
        %scan3A_134 = arith.constant 0 : i32
        %scan3A_135 = arith.constant 64 : i32
        %scan3A_136 = arith.addi %scan3A_134, %scan3A_135 : i32
        %scan3A_137 = arith.constant 2 : i32
        %scan3A_138 = scf.for %scan3A_147 = %scan3A_134 to %scan3A_136 step %scan3A_137 iter_args(%scan3A_148 = %scan3A_133) -> (i32)  : i32 {
          %mul3A_149 = arith.constant 16 : i32
          %mul3A_150 = arith.muli %scan3A_147, %mul3A_149 : i32
          %get3A = arith.index_cast %and3A_117 : i32 to index
          %get3A_151 = arith.index_cast %mul3A_150 : i32 to index
          %get3A_152 = tpu.vector_load %arg7[%get3A, %get3A_151] {strides = array<i32>} : memref<16x1024xf32, #tpu.memory_space<vmem>>, vector<1x16xf32>,
          %get3A_153 = vector.shape_cast %get3A_152 : vector<1x16xf32> to vector<16xf32>
          %get3A_154 = arith.constant 0 : i32
          %get3A_155 = arith.index_cast %get3A_154 : i32 to index
          %get3A_156 = arith.index_cast %mul3A_150 : i32 to index
          %get3A_157 = tpu.vector_load %arg11[%get3A_155, %get3A_156] {strides = array<i32>} : memref<16x1024xf32, #tpu.memory_space<vmem>>, vector<1x16xf32>,
          %get3A_158 = vector.shape_cast %get3A_157 : vector<1x16xf32> to vector<16xf32>
          %get3A_159 = arith.constant 1 : i32
          %get3A_160 = arith.index_cast %get3A_159 : i32 to index
          %get3A_161 = arith.index_cast %mul3A_150 : i32 to index
          %get3A_162 = tpu.vector_load %arg11[%get3A_160, %get3A_161] {strides = array<i32>} : memref<16x1024xf32, #tpu.memory_space<vmem>>, vector<1x16xf32>,
          %get3A_163 = vector.shape_cast %get3A_162 : vector<1x16xf32> to vector<16xf32>
          %get3A_164 = arith.constant 2 : i32
          %get3A_165 = arith.index_cast %get3A_164 : i32 to index
          %get3A_166 = arith.index_cast %mul3A_150 : i32 to index
          %get3A_167 = tpu.vector_load %arg11[%get3A_165, %get3A_166] {strides = array<i32>} : memref<16x1024xf32, #tpu.memory_space<vmem>>, vector<1x16xf32>,
          %get3A_168 = vector.shape_cast %get3A_167 : vector<1x16xf32> to vector<16xf32>
          %get3A_169 = arith.constant 3 : i32
          %get3A_170 = arith.index_cast %get3A_169 : i32 to index
          %get3A_171 = arith.index_cast %mul3A_150 : i32 to index
          %get3A_172 = tpu.vector_load %arg11[%get3A_170, %get3A_171] {strides = array<i32>} : memref<16x1024xf32, #tpu.memory_space<vmem>>, vector<1x16xf32>,
          %get3A_173 = vector.shape_cast %get3A_172 : vector<1x16xf32> to vector<16xf32>
          %get3A_174 = arith.constant 4 : i32
          %get3A_175 = arith.index_cast %get3A_174 : i32 to index
          %get3A_176 = arith.index_cast %mul3A_150 : i32 to index
          %get3A_177 = tpu.vector_load %arg11[%get3A_175, %get3A_176] {strides = array<i32>} : memref<16x1024xf32, #tpu.memory_space<vmem>>, vector<1x16xf32>,
          %get3A_178 = vector.shape_cast %get3A_177 : vector<1x16xf32> to vector<16xf32>
          %get3A_179 = arith.constant 5 : i32
          %get3A_180 = arith.index_cast %get3A_179 : i32 to index
          %get3A_181 = arith.index_cast %mul3A_150 : i32 to index
          %get3A_182 = tpu.vector_load %arg11[%get3A_180, %get3A_181] {strides = array<i32>} : memref<16x1024xf32, #tpu.memory_space<vmem>>, vector<1x16xf32>,
          %get3A_183 = vector.shape_cast %get3A_182 : vector<1x16xf32> to vector<16xf32>
          %get3A_184 = arith.constant 6 : i32
          %get3A_185 = arith.index_cast %get3A_184 : i32 to index
          %get3A_186 = arith.index_cast %mul3A_150 : i32 to index
          %get3A_187 = tpu.vector_load %arg11[%get3A_185, %get3A_186] {strides = array<i32>} : memref<16x1024xf32, #tpu.memory_space<vmem>>, vector<1x16xf32>,
          %get3A_188 = vector.shape_cast %get3A_187 : vector<1x16xf32> to vector<16xf32>
          %get3A_189 = arith.constant 7 : i32
          %get3A_190 = arith.index_cast %get3A_189 : i32 to index
          %get3A_191 = arith.index_cast %mul3A_150 : i32 to index
          %get3A_192 = tpu.vector_load %arg11[%get3A_190, %get3A_191] {strides = array<i32>} : memref<16x1024xf32, #tpu.memory_space<vmem>>, vector<1x16xf32>,
          %get3A_193 = vector.shape_cast %get3A_192 : vector<1x16xf32> to vector<16xf32>
          %get3A_194 = arith.constant 8 : i32
          %get3A_195 = arith.index_cast %get3A_194 : i32 to index
          %get3A_196 = arith.index_cast %mul3A_150 : i32 to index
          %get3A_197 = tpu.vector_load %arg11[%get3A_195, %get3A_196] {strides = array<i32>} : memref<16x1024xf32, #tpu.memory_space<vmem>>, vector<1x16xf32>,
          %get3A_198 = vector.shape_cast %get3A_197 : vector<1x16xf32> to vector<16xf32>
          %get3A_199 = arith.constant 9 : i32
          %get3A_200 = arith.index_cast %get3A_199 : i32 to index
          %get3A_201 = arith.index_cast %mul3A_150 : i32 to index
          %get3A_202 = tpu.vector_load %arg11[%get3A_200, %get3A_201] {strides = array<i32>} : memref<16x1024xf32, #tpu.memory_space<vmem>>, vector<1x16xf32>,
          %get3A_203 = vector.shape_cast %get3A_202 : vector<1x16xf32> to vector<16xf32>
          %get3A_204 = arith.constant 10 : i32
          %get3A_205 = arith.index_cast %get3A_204 : i32 to index
          %get3A_206 = arith.index_cast %mul3A_150 : i32 to index
          %get3A_207 = tpu.vector_load %arg11[%get3A_205, %get3A_206] {strides = array<i32>} : memref<16x1024xf32, #tpu.memory_space<vmem>>, vector<1x16xf32>,
          %get3A_208 = vector.shape_cast %get3A_207 : vector<1x16xf32> to vector<16xf32>
          %get3A_209 = arith.constant 11 : i32
          %get3A_210 = arith.index_cast %get3A_209 : i32 to index
          %get3A_211 = arith.index_cast %mul3A_150 : i32 to index
          %get3A_212 = tpu.vector_load %arg11[%get3A_210, %get3A_211] {strides = array<i32>} : memref<16x1024xf32, #tpu.memory_space<vmem>>, vector<1x16xf32>,
          %get3A_213 = vector.shape_cast %get3A_212 : vector<1x16xf32> to vector<16xf32>
          %get3A_214 = arith.constant 12 : i32
          %get3A_215 = arith.index_cast %get3A_214 : i32 to index
          %get3A_216 = arith.index_cast %mul3A_150 : i32 to index
          %get3A_217 = tpu.vector_load %arg11[%get3A_215, %get3A_216] {strides = array<i32>} : memref<16x1024xf32, #tpu.memory_space<vmem>>, vector<1x16xf32>,
          %get3A_218 = vector.shape_cast %get3A_217 : vector<1x16xf32> to vector<16xf32>
          %get3A_219 = arith.constant 13 : i32
          %get3A_220 = arith.index_cast %get3A_219 : i32 to index
          %get3A_221 = arith.index_cast %mul3A_150 : i32 to index
          %get3A_222 = tpu.vector_load %arg11[%get3A_220, %get3A_221] {strides = array<i32>} : memref<16x1024xf32, #tpu.memory_space<vmem>>, vector<1x16xf32>,
          %get3A_223 = vector.shape_cast %get3A_222 : vector<1x16xf32> to vector<16xf32>
          %get3A_224 = arith.constant 14 : i32
          %get3A_225 = arith.index_cast %get3A_224 : i32 to index
          %get3A_226 = arith.index_cast %mul3A_150 : i32 to index
          %get3A_227 = tpu.vector_load %arg11[%get3A_225, %get3A_226] {strides = array<i32>} : memref<16x1024xf32, #tpu.memory_space<vmem>>, vector<1x16xf32>,
          %get3A_228 = vector.shape_cast %get3A_227 : vector<1x16xf32> to vector<16xf32>
          %get3A_229 = arith.constant 15 : i32
          %get3A_230 = arith.index_cast %get3A_229 : i32 to index
          %get3A_231 = arith.index_cast %mul3A_150 : i32 to index
          %get3A_232 = tpu.vector_load %arg11[%get3A_230, %get3A_231] {strides = array<i32>} : memref<16x1024xf32, #tpu.memory_space<vmem>>, vector<1x16xf32>,
          %get3A_233 = vector.shape_cast %get3A_232 : vector<1x16xf32> to vector<16xf32>
          %mul3A_234 = arith.constant 3.200000e+01 : f32
          %mul3A_235 = vector.broadcast %mul3A_234 : f32 to vector<16xf32>
          %mul3A_236 = arith.mulf %get3A_158, %mul3A_235 : vector<16xf32>
          %add3A_237 = arith.addf %mul3A_236, %get3A_153 : vector<16xf32>
          %swap3A_238 = arith.constant 0 : i32
          %swap3A_239 = arith.index_cast %swap3A_238 : i32 to index
          %swap3A_240 = arith.index_cast %mul3A_150 : i32 to index
          %swap3A_241 = tpu.vector_load %arg12[%swap3A_239, %swap3A_240] {strides = array<i32>} : memref<16x1024xf32, #tpu.memory_space<vmem>>, vector<1x16xf32>,
          %swap3A_242 = vector.shape_cast %swap3A_241 : vector<1x16xf32> to vector<16xf32>
          %swap3A_243 = vector.shape_cast %add3A_237 : vector<16xf32> to vector<1x16xf32>
          tpu.vector_store %arg12[%swap3A_239, %swap3A_240], %swap3A_243 {strides = array<i32>} : memref<16x1024xf32, #tpu.memory_space<vmem>>, vector<1x16xf32>,
          %mul3A_244 = arith.constant 3.200000e+01 : f32
          %mul3A_245 = vector.broadcast %mul3A_244 : f32 to vector<16xf32>
          %mul3A_246 = arith.mulf %get3A_163, %mul3A_245 : vector<16xf32>
          %add3A_247 = arith.addf %mul3A_246, %get3A_153 : vector<16xf32>
          %swap3A_248 = arith.constant 1 : i32
          %swap3A_249 = arith.index_cast %swap3A_248 : i32 to index
          %swap3A_250 = arith.index_cast %mul3A_150 : i32 to index
          %swap3A_251 = tpu.vector_load %arg12[%swap3A_249, %swap3A_250] {strides = array<i32>} : memref<16x1024xf32, #tpu.memory_space<vmem>>, vector<1x16xf32>,
          %swap3A_252 = vector.shape_cast %swap3A_251 : vector<1x16xf32> to vector<16xf32>
          %swap3A_253 = vector.shape_cast %add3A_247 : vector<16xf32> to vector<1x16xf32>
          tpu.vector_store %arg12[%swap3A_249, %swap3A_250], %swap3A_253 {strides = array<i32>} : memref<16x1024xf32, #tpu.memory_space<vmem>>, vector<1x16xf32>,
          %mul3A_254 = arith.constant 3.200000e+01 : f32
          %mul3A_255 = vector.broadcast %mul3A_254 : f32 to vector<16xf32>
          %mul3A_256 = arith.mulf %get3A_168, %mul3A_255 : vector<16xf32>
          %add3A_257 = arith.addf %mul3A_256, %get3A_153 : vector<16xf32>
          %swap3A_258 = arith.constant 2 : i32
          %swap3A_259 = arith.index_cast %swap3A_258 : i32 to index
          %swap3A_260 = arith.index_cast %mul3A_150 : i32 to index
          %swap3A_261 = tpu.vector_load %arg12[%swap3A_259, %swap3A_260] {strides = array<i32>} : memref<16x1024xf32, #tpu.memory_space<vmem>>, vector<1x16xf32>,
          %swap3A_262 = vector.shape_cast %swap3A_261 : vector<1x16xf32> to vector<16xf32>
          %swap3A_263 = vector.shape_cast %add3A_257 : vector<16xf32> to vector<1x16xf32>
          tpu.vector_store %arg12[%swap3A_259, %swap3A_260], %swap3A_263 {strides = array<i32>} : memref<16x1024xf32, #tpu.memory_space<vmem>>, vector<1x16xf32>,
          %mul3A_264 = arith.constant 3.200000e+01 : f32
          %mul3A_265 = vector.broadcast %mul3A_264 : f32 to vector<16xf32>
          %mul3A_266 = arith.mulf %get3A_173, %mul3A_265 : vector<16xf32>
          %add3A_267 = arith.addf %mul3A_266, %get3A_153 : vector<16xf32>
          %swap3A_268 = arith.constant 3 : i32
          %swap3A_269 = arith.index_cast %swap3A_268 : i32 to index
          %swap3A_270 = arith.index_cast %mul3A_150 : i32 to index
          %swap3A_271 = tpu.vector_load %arg12[%swap3A_269, %swap3A_270] {strides = array<i32>} : memref<16x1024xf32, #tpu.memory_space<vmem>>, vector<1x16xf32>,
          %swap3A_272 = vector.shape_cast %swap3A_271 : vector<1x16xf32> to vector<16xf32>
          %swap3A_273 = vector.shape_cast %add3A_267 : vector<16xf32> to vector<1x16xf32>
          tpu.vector_store %arg12[%swap3A_269, %swap3A_270], %swap3A_273 {strides = array<i32>} : memref<16x1024xf32, #tpu.memory_space<vmem>>, vector<1x16xf32>,
          %mul3A_274 = arith.constant 3.200000e+01 : f32
          %mul3A_275 = vector.broadcast %mul3A_274 : f32 to vector<16xf32>
          %mul3A_276 = arith.mulf %get3A_178, %mul3A_275 : vector<16xf32>
          %add3A_277 = arith.addf %mul3A_276, %get3A_153 : vector<16xf32>
          %swap3A_278 = arith.constant 4 : i32
          %swap3A_279 = arith.index_cast %swap3A_278 : i32 to index
          %swap3A_280 = arith.index_cast %mul3A_150 : i32 to index
          %swap3A_281 = tpu.vector_load %arg12[%swap3A_279, %swap3A_280] {strides = array<i32>} : memref<16x1024xf32, #tpu.memory_space<vmem>>, vector<1x16xf32>,
          %swap3A_282 = vector.shape_cast %swap3A_281 : vector<1x16xf32> to vector<16xf32>
          %swap3A_283 = vector.shape_cast %add3A_277 : vector<16xf32> to vector<1x16xf32>
          tpu.vector_store %arg12[%swap3A_279, %swap3A_280], %swap3A_283 {strides = array<i32>} : memref<16x1024xf32, #tpu.memory_space<vmem>>, vector<1x16xf32>,
          %mul3A_284 = arith.constant 3.200000e+01 : f32
          %mul3A_285 = vector.broadcast %mul3A_284 : f32 to vector<16xf32>
          %mul3A_286 = arith.mulf %get3A_183, %mul3A_285 : vector<16xf32>
          %add3A_287 = arith.addf %mul3A_286, %get3A_153 : vector<16xf32>
          %swap3A_288 = arith.constant 5 : i32
          %swap3A_289 = arith.index_cast %swap3A_288 : i32 to index
          %swap3A_290 = arith.index_cast %mul3A_150 : i32 to index
          %swap3A_291 = tpu.vector_load %arg12[%swap3A_289, %swap3A_290] {strides = array<i32>} : memref<16x1024xf32, #tpu.memory_space<vmem>>, vector<1x16xf32>,
          %swap3A_292 = vector.shape_cast %swap3A_291 : vector<1x16xf32> to vector<16xf32>
          %swap3A_293 = vector.shape_cast %add3A_287 : vector<16xf32> to vector<1x16xf32>
          tpu.vector_store %arg12[%swap3A_289, %swap3A_290], %swap3A_293 {strides = array<i32>} : memref<16x1024xf32, #tpu.memory_space<vmem>>, vector<1x16xf32>,
          %mul3A_294 = arith.constant 3.200000e+01 : f32
          %mul3A_295 = vector.broadcast %mul3A_294 : f32 to vector<16xf32>
          %mul3A_296 = arith.mulf %get3A_188, %mul3A_295 : vector<16xf32>
          %add3A_297 = arith.addf %mul3A_296, %get3A_153 : vector<16xf32>
          %swap3A_298 = arith.constant 6 : i32
          %swap3A_299 = arith.index_cast %swap3A_298 : i32 to index
          %swap3A_300 = arith.index_cast %mul3A_150 : i32 to index
          %swap3A_301 = tpu.vector_load %arg12[%swap3A_299, %swap3A_300] {strides = array<i32>} : memref<16x1024xf32, #tpu.memory_space<vmem>>, vector<1x16xf32>,
          %swap3A_302 = vector.shape_cast %swap3A_301 : vector<1x16xf32> to vector<16xf32>
          %swap3A_303 = vector.shape_cast %add3A_297 : vector<16xf32> to vector<1x16xf32>
          tpu.vector_store %arg12[%swap3A_299, %swap3A_300], %swap3A_303 {strides = array<i32>} : memref<16x1024xf32, #tpu.memory_space<vmem>>, vector<1x16xf32>,
          %mul3A_304 = arith.constant 3.200000e+01 : f32
          %mul3A_305 = vector.broadcast %mul3A_304 : f32 to vector<16xf32>
          %mul3A_306 = arith.mulf %get3A_193, %mul3A_305 : vector<16xf32>
          %add3A_307 = arith.addf %mul3A_306, %get3A_153 : vector<16xf32>
          %swap3A_308 = arith.constant 7 : i32
          %swap3A_309 = arith.index_cast %swap3A_308 : i32 to index
          %swap3A_310 = arith.index_cast %mul3A_150 : i32 to index
          %swap3A_311 = tpu.vector_load %arg12[%swap3A_309, %swap3A_310] {strides = array<i32>} : memref<16x1024xf32, #tpu.memory_space<vmem>>, vector<1x16xf32>,
          %swap3A_312 = vector.shape_cast %swap3A_311 : vector<1x16xf32> to vector<16xf32>
          %swap3A_313 = vector.shape_cast %add3A_307 : vector<16xf32> to vector<1x16xf32>
          tpu.vector_store %arg12[%swap3A_309, %swap3A_310], %swap3A_313 {strides = array<i32>} : memref<16x1024xf32, #tpu.memory_space<vmem>>, vector<1x16xf32>,
          %mul3A_314 = arith.constant 3.200000e+01 : f32
          %mul3A_315 = vector.broadcast %mul3A_314 : f32 to vector<16xf32>
          %mul3A_316 = arith.mulf %get3A_198, %mul3A_315 : vector<16xf32>
          %add3A_317 = arith.addf %mul3A_316, %get3A_153 : vector<16xf32>
          %swap3A_318 = arith.constant 8 : i32
          %swap3A_319 = arith.index_cast %swap3A_318 : i32 to index
          %swap3A_320 = arith.index_cast %mul3A_150 : i32 to index
          %swap3A_321 = tpu.vector_load %arg12[%swap3A_319, %swap3A_320] {strides = array<i32>} : memref<16x1024xf32, #tpu.memory_space<vmem>>, vector<1x16xf32>,
          %swap3A_322 = vector.shape_cast %swap3A_321 : vector<1x16xf32> to vector<16xf32>
          %swap3A_323 = vector.shape_cast %add3A_317 : vector<16xf32> to vector<1x16xf32>
          tpu.vector_store %arg12[%swap3A_319, %swap3A_320], %swap3A_323 {strides = array<i32>} : memref<16x1024xf32, #tpu.memory_space<vmem>>, vector<1x16xf32>,
          %mul3A_324 = arith.constant 3.200000e+01 : f32
          %mul3A_325 = vector.broadcast %mul3A_324 : f32 to vector<16xf32>
          %mul3A_326 = arith.mulf %get3A_203, %mul3A_325 : vector<16xf32>
          %add3A_327 = arith.addf %mul3A_326, %get3A_153 : vector<16xf32>
          %swap3A_328 = arith.constant 9 : i32
          %swap3A_329 = arith.index_cast %swap3A_328 : i32 to index
          %swap3A_330 = arith.index_cast %mul3A_150 : i32 to index
          %swap3A_331 = tpu.vector_load %arg12[%swap3A_329, %swap3A_330] {strides = array<i32>} : memref<16x1024xf32, #tpu.memory_space<vmem>>, vector<1x16xf32>,
          %swap3A_332 = vector.shape_cast %swap3A_331 : vector<1x16xf32> to vector<16xf32>
          %swap3A_333 = vector.shape_cast %add3A_327 : vector<16xf32> to vector<1x16xf32>
          tpu.vector_store %arg12[%swap3A_329, %swap3A_330], %swap3A_333 {strides = array<i32>} : memref<16x1024xf32, #tpu.memory_space<vmem>>, vector<1x16xf32>,
          %mul3A_334 = arith.constant 3.200000e+01 : f32
          %mul3A_335 = vector.broadcast %mul3A_334 : f32 to vector<16xf32>
          %mul3A_336 = arith.mulf %get3A_208, %mul3A_335 : vector<16xf32>
          %add3A_337 = arith.addf %mul3A_336, %get3A_153 : vector<16xf32>
          %swap3A_338 = arith.constant 10 : i32
          %swap3A_339 = arith.index_cast %swap3A_338 : i32 to index
          %swap3A_340 = arith.index_cast %mul3A_150 : i32 to index
          %swap3A_341 = tpu.vector_load %arg12[%swap3A_339, %swap3A_340] {strides = array<i32>} : memref<16x1024xf32, #tpu.memory_space<vmem>>, vector<1x16xf32>,
          %swap3A_342 = vector.shape_cast %swap3A_341 : vector<1x16xf32> to vector<16xf32>
          %swap3A_343 = vector.shape_cast %add3A_337 : vector<16xf32> to vector<1x16xf32>
          tpu.vector_store %arg12[%swap3A_339, %swap3A_340], %swap3A_343 {strides = array<i32>} : memref<16x1024xf32, #tpu.memory_space<vmem>>, vector<1x16xf32>,
          %mul3A_344 = arith.constant 3.200000e+01 : f32
          %mul3A_345 = vector.broadcast %mul3A_344 : f32 to vector<16xf32>
          %mul3A_346 = arith.mulf %get3A_213, %mul3A_345 : vector<16xf32>
          %add3A_347 = arith.addf %mul3A_346, %get3A_153 : vector<16xf32>
          %swap3A_348 = arith.constant 11 : i32
          %swap3A_349 = arith.index_cast %swap3A_348 : i32 to index
          %swap3A_350 = arith.index_cast %mul3A_150 : i32 to index
          %swap3A_351 = tpu.vector_load %arg12[%swap3A_349, %swap3A_350] {strides = array<i32>} : memref<16x1024xf32, #tpu.memory_space<vmem>>, vector<1x16xf32>,
          %swap3A_352 = vector.shape_cast %swap3A_351 : vector<1x16xf32> to vector<16xf32>
          %swap3A_353 = vector.shape_cast %add3A_347 : vector<16xf32> to vector<1x16xf32>
          tpu.vector_store %arg12[%swap3A_349, %swap3A_350], %swap3A_353 {strides = array<i32>} : memref<16x1024xf32, #tpu.memory_space<vmem>>, vector<1x16xf32>,
          %mul3A_354 = arith.constant 3.200000e+01 : f32
          %mul3A_355 = vector.broadcast %mul3A_354 : f32 to vector<16xf32>
          %mul3A_356 = arith.mulf %get3A_218, %mul3A_355 : vector<16xf32>
          %add3A_357 = arith.addf %mul3A_356, %get3A_153 : vector<16xf32>
          %swap3A_358 = arith.constant 12 : i32
          %swap3A_359 = arith.index_cast %swap3A_358 : i32 to index
          %swap3A_360 = arith.index_cast %mul3A_150 : i32 to index
          %swap3A_361 = tpu.vector_load %arg12[%swap3A_359, %swap3A_360] {strides = array<i32>} : memref<16x1024xf32, #tpu.memory_space<vmem>>, vector<1x16xf32>,
          %swap3A_362 = vector.shape_cast %swap3A_361 : vector<1x16xf32> to vector<16xf32>
          %swap3A_363 = vector.shape_cast %add3A_357 : vector<16xf32> to vector<1x16xf32>
          tpu.vector_store %arg12[%swap3A_359, %swap3A_360], %swap3A_363 {strides = array<i32>} : memref<16x1024xf32, #tpu.memory_space<vmem>>, vector<1x16xf32>,
          %mul3A_364 = arith.constant 3.200000e+01 : f32
          %mul3A_365 = vector.broadcast %mul3A_364 : f32 to vector<16xf32>
          %mul3A_366 = arith.mulf %get3A_223, %mul3A_365 : vector<16xf32>
          %add3A_367 = arith.addf %mul3A_366, %get3A_153 : vector<16xf32>
          %swap3A_368 = arith.constant 13 : i32
          %swap3A_369 = arith.index_cast %swap3A_368 : i32 to index
          %swap3A_370 = arith.index_cast %mul3A_150 : i32 to index
          %swap3A_371 = tpu.vector_load %arg12[%swap3A_369, %swap3A_370] {strides = array<i32>} : memref<16x1024xf32, #tpu.memory_space<vmem>>, vector<1x16xf32>,
          %swap3A_372 = vector.shape_cast %swap3A_371 : vector<1x16xf32> to vector<16xf32>
          %swap3A_373 = vector.shape_cast %add3A_367 : vector<16xf32> to vector<1x16xf32>
          tpu.vector_store %arg12[%swap3A_369, %swap3A_370], %swap3A_373 {strides = array<i32>} : memref<16x1024xf32, #tpu.memory_space<vmem>>, vector<1x16xf32>,
          %mul3A_374 = arith.constant 3.200000e+01 : f32
          %mul3A_375 = vector.broadcast %mul3A_374 : f32 to vector<16xf32>
          %mul3A_376 = arith.mulf %get3A_228, %mul3A_375 : vector<16xf32>
          %add3A_377 = arith.addf %mul3A_376, %get3A_153 : vector<16xf32>
          %swap3A_378 = arith.constant 14 : i32
          %swap3A_379 = arith.index_cast %swap3A_378 : i32 to index
          %swap3A_380 = arith.index_cast %mul3A_150 : i32 to index
          %swap3A_381 = tpu.vector_load %arg12[%swap3A_379, %swap3A_380] {strides = array<i32>} : memref<16x1024xf32, #tpu.memory_space<vmem>>, vector<1x16xf32>,
          %swap3A_382 = vector.shape_cast %swap3A_381 : vector<1x16xf32> to vector<16xf32>
          %swap3A_383 = vector.shape_cast %add3A_377 : vector<16xf32> to vector<1x16xf32>
          tpu.vector_store %arg12[%swap3A_379, %swap3A_380], %swap3A_383 {strides = array<i32>} : memref<16x1024xf32, #tpu.memory_space<vmem>>, vector<1x16xf32>,
          %mul3A_384 = arith.constant 3.200000e+01 : f32
          %mul3A_385 = vector.broadcast %mul3A_384 : f32 to vector<16xf32>
          %mul3A_386 = arith.mulf %get3A_233, %mul3A_385 : vector<16xf32>
          %add3A_387 = arith.addf %mul3A_386, %get3A_153 : vector<16xf32>
          %swap3A_388 = arith.constant 15 : i32
          %swap3A_389 = arith.index_cast %swap3A_388 : i32 to index
          %swap3A_390 = arith.index_cast %mul3A_150 : i32 to index
          %swap3A_391 = tpu.vector_load %arg12[%swap3A_389, %swap3A_390] {strides = array<i32>} : memref<16x1024xf32, #tpu.memory_space<vmem>>, vector<1x16xf32>,
          %swap3A_392 = vector.shape_cast %swap3A_391 : vector<1x16xf32> to vector<16xf32>
          %swap3A_393 = vector.shape_cast %add3A_387 : vector<16xf32> to vector<1x16xf32>
          tpu.vector_store %arg12[%swap3A_389, %swap3A_390], %swap3A_393 {strides = array<i32>} : memref<16x1024xf32, #tpu.memory_space<vmem>>, vector<1x16xf32>,
          %scan3A_394 = arith.constant 0 : i32
          %scan3A_395 = arith.constant 1 : i32
          %scan3A_396 = arith.addi %scan3A_147, %scan3A_395 : i32
          %mul3A_397 = arith.constant 16 : i32
          %mul3A_398 = arith.muli %scan3A_396, %mul3A_397 : i32
          %get3A_399 = arith.index_cast %and3A_117 : i32 to index
          %get3A_400 = arith.index_cast %mul3A_398 : i32 to index
          %get3A_401 = tpu.vector_load %arg7[%get3A_399, %get3A_400] {strides = array<i32>} : memref<16x1024xf32, #tpu.memory_space<vmem>>, vector<1x16xf32>,
          %get3A_402 = vector.shape_cast %get3A_401 : vector<1x16xf32> to vector<16xf32>
          %get3A_403 = arith.constant 0 : i32
          %get3A_404 = arith.index_cast %get3A_403 : i32 to index
          %get3A_405 = arith.index_cast %mul3A_398 : i32 to index
          %get3A_406 = tpu.vector_load %arg11[%get3A_404, %get3A_405] {strides = array<i32>} : memref<16x1024xf32, #tpu.memory_space<vmem>>, vector<1x16xf32>,
          %get3A_407 = vector.shape_cast %get3A_406 : vector<1x16xf32> to vector<16xf32>
          %get3A_408 = arith.constant 1 : i32
          %get3A_409 = arith.index_cast %get3A_408 : i32 to index
          %get3A_410 = arith.index_cast %mul3A_398 : i32 to index
          %get3A_411 = tpu.vector_load %arg11[%get3A_409, %get3A_410] {strides = array<i32>} : memref<16x1024xf32, #tpu.memory_space<vmem>>, vector<1x16xf32>,
          %get3A_412 = vector.shape_cast %get3A_411 : vector<1x16xf32> to vector<16xf32>
          %get3A_413 = arith.constant 2 : i32
          %get3A_414 = arith.index_cast %get3A_413 : i32 to index
          %get3A_415 = arith.index_cast %mul3A_398 : i32 to index
          %get3A_416 = tpu.vector_load %arg11[%get3A_414, %get3A_415] {strides = array<i32>} : memref<16x1024xf32, #tpu.memory_space<vmem>>, vector<1x16xf32>,
          %get3A_417 = vector.shape_cast %get3A_416 : vector<1x16xf32> to vector<16xf32>
          %get3A_418 = arith.constant 3 : i32
          %get3A_419 = arith.index_cast %get3A_418 : i32 to index
          %get3A_420 = arith.index_cast %mul3A_398 : i32 to index
          %get3A_421 = tpu.vector_load %arg11[%get3A_419, %get3A_420] {strides = array<i32>} : memref<16x1024xf32, #tpu.memory_space<vmem>>, vector<1x16xf32>,
          %get3A_422 = vector.shape_cast %get3A_421 : vector<1x16xf32> to vector<16xf32>
          %get3A_423 = arith.constant 4 : i32
          %get3A_424 = arith.index_cast %get3A_423 : i32 to index
          %get3A_425 = arith.index_cast %mul3A_398 : i32 to index
          %get3A_426 = tpu.vector_load %arg11[%get3A_424, %get3A_425] {strides = array<i32>} : memref<16x1024xf32, #tpu.memory_space<vmem>>, vector<1x16xf32>,
          %get3A_427 = vector.shape_cast %get3A_426 : vector<1x16xf32> to vector<16xf32>
          %get3A_428 = arith.constant 5 : i32
          %get3A_429 = arith.index_cast %get3A_428 : i32 to index
          %get3A_430 = arith.index_cast %mul3A_398 : i32 to index
          %get3A_431 = tpu.vector_load %arg11[%get3A_429, %get3A_430] {strides = array<i32>} : memref<16x1024xf32, #tpu.memory_space<vmem>>, vector<1x16xf32>,
          %get3A_432 = vector.shape_cast %get3A_431 : vector<1x16xf32> to vector<16xf32>
          %get3A_433 = arith.constant 6 : i32
          %get3A_434 = arith.index_cast %get3A_433 : i32 to index
          %get3A_435 = arith.index_cast %mul3A_398 : i32 to index
          %get3A_436 = tpu.vector_load %arg11[%get3A_434, %get3A_435] {strides = array<i32>} : memref<16x1024xf32, #tpu.memory_space<vmem>>, vector<1x16xf32>,
          %get3A_437 = vector.shape_cast %get3A_436 : vector<1x16xf32> to vector<16xf32>
          %get3A_438 = arith.constant 7 : i32
          %get3A_439 = arith.index_cast %get3A_438 : i32 to index
          %get3A_440 = arith.index_cast %mul3A_398 : i32 to index
          %get3A_441 = tpu.vector_load %arg11[%get3A_439, %get3A_440] {strides = array<i32>} : memref<16x1024xf32, #tpu.memory_space<vmem>>, vector<1x16xf32>,
          %get3A_442 = vector.shape_cast %get3A_441 : vector<1x16xf32> to vector<16xf32>
          %get3A_443 = arith.constant 8 : i32
          %get3A_444 = arith.index_cast %get3A_443 : i32 to index
          %get3A_445 = arith.index_cast %mul3A_398 : i32 to index
          %get3A_446 = tpu.vector_load %arg11[%get3A_444, %get3A_445] {strides = array<i32>} : memref<16x1024xf32, #tpu.memory_space<vmem>>, vector<1x16xf32>,
          %get3A_447 = vector.shape_cast %get3A_446 : vector<1x16xf32> to vector<16xf32>
          %get3A_448 = arith.constant 9 : i32
          %get3A_449 = arith.index_cast %get3A_448 : i32 to index
          %get3A_450 = arith.index_cast %mul3A_398 : i32 to index
          %get3A_451 = tpu.vector_load %arg11[%get3A_449, %get3A_450] {strides = array<i32>} : memref<16x1024xf32, #tpu.memory_space<vmem>>, vector<1x16xf32>,
          %get3A_452 = vector.shape_cast %get3A_451 : vector<1x16xf32> to vector<16xf32>
          %get3A_453 = arith.constant 10 : i32
          %get3A_454 = arith.index_cast %get3A_453 : i32 to index
          %get3A_455 = arith.index_cast %mul3A_398 : i32 to index
          %get3A_456 = tpu.vector_load %arg11[%get3A_454, %get3A_455] {strides = array<i32>} : memref<16x1024xf32, #tpu.memory_space<vmem>>, vector<1x16xf32>,
          %get3A_457 = vector.shape_cast %get3A_456 : vector<1x16xf32> to vector<16xf32>
          %get3A_458 = arith.constant 11 : i32
          %get3A_459 = arith.index_cast %get3A_458 : i32 to index
          %get3A_460 = arith.index_cast %mul3A_398 : i32 to index
          %get3A_461 = tpu.vector_load %arg11[%get3A_459, %get3A_460] {strides = array<i32>} : memref<16x1024xf32, #tpu.memory_space<vmem>>, vector<1x16xf32>,
          %get3A_462 = vector.shape_cast %get3A_461 : vector<1x16xf32> to vector<16xf32>
          %get3A_463 = arith.constant 12 : i32
          %get3A_464 = arith.index_cast %get3A_463 : i32 to index
          %get3A_465 = arith.index_cast %mul3A_398 : i32 to index
          %get3A_466 = tpu.vector_load %arg11[%get3A_464, %get3A_465] {strides = array<i32>} : memref<16x1024xf32, #tpu.memory_space<vmem>>, vector<1x16xf32>,
          %get3A_467 = vector.shape_cast %get3A_466 : vector<1x16xf32> to vector<16xf32>
          %get3A_468 = arith.constant 13 : i32
          %get3A_469 = arith.index_cast %get3A_468 : i32 to index
          %get3A_470 = arith.index_cast %mul3A_398 : i32 to index
          %get3A_471 = tpu.vector_load %arg11[%get3A_469, %get3A_470] {strides = array<i32>} : memref<16x1024xf32, #tpu.memory_space<vmem>>, vector<1x16xf32>,
          %get3A_472 = vector.shape_cast %get3A_471 : vector<1x16xf32> to vector<16xf32>
          %get3A_473 = arith.constant 14 : i32
          %get3A_474 = arith.index_cast %get3A_473 : i32 to index
          %get3A_475 = arith.index_cast %mul3A_398 : i32 to index
          %get3A_476 = tpu.vector_load %arg11[%get3A_474, %get3A_475] {strides = array<i32>} : memref<16x1024xf32, #tpu.memory_space<vmem>>, vector<1x16xf32>,
          %get3A_477 = vector.shape_cast %get3A_476 : vector<1x16xf32> to vector<16xf32>
          %get3A_478 = arith.constant 15 : i32
          %get3A_479 = arith.index_cast %get3A_478 : i32 to index
          %get3A_480 = arith.index_cast %mul3A_398 : i32 to index
          %get3A_481 = tpu.vector_load %arg11[%get3A_479, %get3A_480] {strides = array<i32>} : memref<16x1024xf32, #tpu.memory_space<vmem>>, vector<1x16xf32>,
          %get3A_482 = vector.shape_cast %get3A_481 : vector<1x16xf32> to vector<16xf32>
          %mul3A_483 = arith.constant 3.200000e+01 : f32
          %mul3A_484 = vector.broadcast %mul3A_483 : f32 to vector<16xf32>
          %mul3A_485 = arith.mulf %get3A_407, %mul3A_484 : vector<16xf32>
          %add3A_486 = arith.addf %mul3A_485, %get3A_402 : vector<16xf32>
          %swap3A_487 = arith.constant 0 : i32
          %swap3A_488 = arith.index_cast %swap3A_487 : i32 to index
          %swap3A_489 = arith.index_cast %mul3A_398 : i32 to index
          %swap3A_490 = tpu.vector_load %arg12[%swap3A_488, %swap3A_489] {strides = array<i32>} : memref<16x1024xf32, #tpu.memory_space<vmem>>, vector<1x16xf32>,
          %swap3A_491 = vector.shape_cast %swap3A_490 : vector<1x16xf32> to vector<16xf32>
          %swap3A_492 = vector.shape_cast %add3A_486 : vector<16xf32> to vector<1x16xf32>
          tpu.vector_store %arg12[%swap3A_488, %swap3A_489], %swap3A_492 {strides = array<i32>} : memref<16x1024xf32, #tpu.memory_space<vmem>>, vector<1x16xf32>,
          %mul3A_493 = arith.constant 3.200000e+01 : f32
          %mul3A_494 = vector.broadcast %mul3A_493 : f32 to vector<16xf32>
          %mul3A_495 = arith.mulf %get3A_412, %mul3A_494 : vector<16xf32>
          %add3A_496 = arith.addf %mul3A_495, %get3A_402 : vector<16xf32>
          %swap3A_497 = arith.constant 1 : i32
          %swap3A_498 = arith.index_cast %swap3A_497 : i32 to index
          %swap3A_499 = arith.index_cast %mul3A_398 : i32 to index
          %swap3A_500 = tpu.vector_load %arg12[%swap3A_498, %swap3A_499] {strides = array<i32>} : memref<16x1024xf32, #tpu.memory_space<vmem>>, vector<1x16xf32>,
          %swap3A_501 = vector.shape_cast %swap3A_500 : vector<1x16xf32> to vector<16xf32>
          %swap3A_502 = vector.shape_cast %add3A_496 : vector<16xf32> to vector<1x16xf32>
          tpu.vector_store %arg12[%swap3A_498, %swap3A_499], %swap3A_502 {strides = array<i32>} : memref<16x1024xf32, #tpu.memory_space<vmem>>, vector<1x16xf32>,
          %mul3A_503 = arith.constant 3.200000e+01 : f32
          %mul3A_504 = vector.broadcast %mul3A_503 : f32 to vector<16xf32>
          %mul3A_505 = arith.mulf %get3A_417, %mul3A_504 : vector<16xf32>
          %add3A_506 = arith.addf %mul3A_505, %get3A_402 : vector<16xf32>
          %swap3A_507 = arith.constant 2 : i32
          %swap3A_508 = arith.index_cast %swap3A_507 : i32 to index
          %swap3A_509 = arith.index_cast %mul3A_398 : i32 to index
          %swap3A_510 = tpu.vector_load %arg12[%swap3A_508, %swap3A_509] {strides = array<i32>} : memref<16x1024xf32, #tpu.memory_space<vmem>>, vector<1x16xf32>,
          %swap3A_511 = vector.shape_cast %swap3A_510 : vector<1x16xf32> to vector<16xf32>
          %swap3A_512 = vector.shape_cast %add3A_506 : vector<16xf32> to vector<1x16xf32>
          tpu.vector_store %arg12[%swap3A_508, %swap3A_509], %swap3A_512 {strides = array<i32>} : memref<16x1024xf32, #tpu.memory_space<vmem>>, vector<1x16xf32>,
          %mul3A_513 = arith.constant 3.200000e+01 : f32
          %mul3A_514 = vector.broadcast %mul3A_513 : f32 to vector<16xf32>
          %mul3A_515 = arith.mulf %get3A_422, %mul3A_514 : vector<16xf32>
          %add3A_516 = arith.addf %mul3A_515, %get3A_402 : vector<16xf32>
          %swap3A_517 = arith.constant 3 : i32
          %swap3A_518 = arith.index_cast %swap3A_517 : i32 to index
          %swap3A_519 = arith.index_cast %mul3A_398 : i32 to index
          %swap3A_520 = tpu.vector_load %arg12[%swap3A_518, %swap3A_519] {strides = array<i32>} : memref<16x1024xf32, #tpu.memory_space<vmem>>, vector<1x16xf32>,
          %swap3A_521 = vector.shape_cast %swap3A_520 : vector<1x16xf32> to vector<16xf32>
          %swap3A_522 = vector.shape_cast %add3A_516 : vector<16xf32> to vector<1x16xf32>
          tpu.vector_store %arg12[%swap3A_518, %swap3A_519], %swap3A_522 {strides = array<i32>} : memref<16x1024xf32, #tpu.memory_space<vmem>>, vector<1x16xf32>,
          %mul3A_523 = arith.constant 3.200000e+01 : f32
          %mul3A_524 = vector.broadcast %mul3A_523 : f32 to vector<16xf32>
          %mul3A_525 = arith.mulf %get3A_427, %mul3A_524 : vector<16xf32>
          %add3A_526 = arith.addf %mul3A_525, %get3A_402 : vector<16xf32>
          %swap3A_527 = arith.constant 4 : i32
          %swap3A_528 = arith.index_cast %swap3A_527 : i32 to index
          %swap3A_529 = arith.index_cast %mul3A_398 : i32 to index
          %swap3A_530 = tpu.vector_load %arg12[%swap3A_528, %swap3A_529] {strides = array<i32>} : memref<16x1024xf32, #tpu.memory_space<vmem>>, vector<1x16xf32>,
          %swap3A_531 = vector.shape_cast %swap3A_530 : vector<1x16xf32> to vector<16xf32>
          %swap3A_532 = vector.shape_cast %add3A_526 : vector<16xf32> to vector<1x16xf32>
          tpu.vector_store %arg12[%swap3A_528, %swap3A_529], %swap3A_532 {strides = array<i32>} : memref<16x1024xf32, #tpu.memory_space<vmem>>, vector<1x16xf32>,
          %mul3A_533 = arith.constant 3.200000e+01 : f32
          %mul3A_534 = vector.broadcast %mul3A_533 : f32 to vector<16xf32>
          %mul3A_535 = arith.mulf %get3A_432, %mul3A_534 : vector<16xf32>
          %add3A_536 = arith.addf %mul3A_535, %get3A_402 : vector<16xf32>
          %swap3A_537 = arith.constant 5 : i32
          %swap3A_538 = arith.index_cast %swap3A_537 : i32 to index
          %swap3A_539 = arith.index_cast %mul3A_398 : i32 to index
          %swap3A_540 = tpu.vector_load %arg12[%swap3A_538, %swap3A_539] {strides = array<i32>} : memref<16x1024xf32, #tpu.memory_space<vmem>>, vector<1x16xf32>,
          %swap3A_541 = vector.shape_cast %swap3A_540 : vector<1x16xf32> to vector<16xf32>
          %swap3A_542 = vector.shape_cast %add3A_536 : vector<16xf32> to vector<1x16xf32>
          tpu.vector_store %arg12[%swap3A_538, %swap3A_539], %swap3A_542 {strides = array<i32>} : memref<16x1024xf32, #tpu.memory_space<vmem>>, vector<1x16xf32>,
          %mul3A_543 = arith.constant 3.200000e+01 : f32
          %mul3A_544 = vector.broadcast %mul3A_543 : f32 to vector<16xf32>
          %mul3A_545 = arith.mulf %get3A_437, %mul3A_544 : vector<16xf32>
          %add3A_546 = arith.addf %mul3A_545, %get3A_402 : vector<16xf32>
          %swap3A_547 = arith.constant 6 : i32
          %swap3A_548 = arith.index_cast %swap3A_547 : i32 to index
          %swap3A_549 = arith.index_cast %mul3A_398 : i32 to index
          %swap3A_550 = tpu.vector_load %arg12[%swap3A_548, %swap3A_549] {strides = array<i32>} : memref<16x1024xf32, #tpu.memory_space<vmem>>, vector<1x16xf32>,
          %swap3A_551 = vector.shape_cast %swap3A_550 : vector<1x16xf32> to vector<16xf32>
          %swap3A_552 = vector.shape_cast %add3A_546 : vector<16xf32> to vector<1x16xf32>
          tpu.vector_store %arg12[%swap3A_548, %swap3A_549], %swap3A_552 {strides = array<i32>} : memref<16x1024xf32, #tpu.memory_space<vmem>>, vector<1x16xf32>,
          %mul3A_553 = arith.constant 3.200000e+01 : f32
          %mul3A_554 = vector.broadcast %mul3A_553 : f32 to vector<16xf32>
          %mul3A_555 = arith.mulf %get3A_442, %mul3A_554 : vector<16xf32>
          %add3A_556 = arith.addf %mul3A_555, %get3A_402 : vector<16xf32>
          %swap3A_557 = arith.constant 7 : i32
          %swap3A_558 = arith.index_cast %swap3A_557 : i32 to index
          %swap3A_559 = arith.index_cast %mul3A_398 : i32 to index
          %swap3A_560 = tpu.vector_load %arg12[%swap3A_558, %swap3A_559] {strides = array<i32>} : memref<16x1024xf32, #tpu.memory_space<vmem>>, vector<1x16xf32>,
          %swap3A_561 = vector.shape_cast %swap3A_560 : vector<1x16xf32> to vector<16xf32>
          %swap3A_562 = vector.shape_cast %add3A_556 : vector<16xf32> to vector<1x16xf32>
          tpu.vector_store %arg12[%swap3A_558, %swap3A_559], %swap3A_562 {strides = array<i32>} : memref<16x1024xf32, #tpu.memory_space<vmem>>, vector<1x16xf32>,
          %mul3A_563 = arith.constant 3.200000e+01 : f32
          %mul3A_564 = vector.broadcast %mul3A_563 : f32 to vector<16xf32>
          %mul3A_565 = arith.mulf %get3A_447, %mul3A_564 : vector<16xf32>
          %add3A_566 = arith.addf %mul3A_565, %get3A_402 : vector<16xf32>
          %swap3A_567 = arith.constant 8 : i32
          %swap3A_568 = arith.index_cast %swap3A_567 : i32 to index
          %swap3A_569 = arith.index_cast %mul3A_398 : i32 to index
          %swap3A_570 = tpu.vector_load %arg12[%swap3A_568, %swap3A_569] {strides = array<i32>} : memref<16x1024xf32, #tpu.memory_space<vmem>>, vector<1x16xf32>,
          %swap3A_571 = vector.shape_cast %swap3A_570 : vector<1x16xf32> to vector<16xf32>
          %swap3A_572 = vector.shape_cast %add3A_566 : vector<16xf32> to vector<1x16xf32>
          tpu.vector_store %arg12[%swap3A_568, %swap3A_569], %swap3A_572 {strides = array<i32>} : memref<16x1024xf32, #tpu.memory_space<vmem>>, vector<1x16xf32>,
          %mul3A_573 = arith.constant 3.200000e+01 : f32
          %mul3A_574 = vector.broadcast %mul3A_573 : f32 to vector<16xf32>
          %mul3A_575 = arith.mulf %get3A_452, %mul3A_574 : vector<16xf32>
          %add3A_576 = arith.addf %mul3A_575, %get3A_402 : vector<16xf32>
          %swap3A_577 = arith.constant 9 : i32
          %swap3A_578 = arith.index_cast %swap3A_577 : i32 to index
          %swap3A_579 = arith.index_cast %mul3A_398 : i32 to index
          %swap3A_580 = tpu.vector_load %arg12[%swap3A_578, %swap3A_579] {strides = array<i32>} : memref<16x1024xf32, #tpu.memory_space<vmem>>, vector<1x16xf32>,
          %swap3A_581 = vector.shape_cast %swap3A_580 : vector<1x16xf32> to vector<16xf32>
          %swap3A_582 = vector.shape_cast %add3A_576 : vector<16xf32> to vector<1x16xf32>
          tpu.vector_store %arg12[%swap3A_578, %swap3A_579], %swap3A_582 {strides = array<i32>} : memref<16x1024xf32, #tpu.memory_space<vmem>>, vector<1x16xf32>,
          %mul3A_583 = arith.constant 3.200000e+01 : f32
          %mul3A_584 = vector.broadcast %mul3A_583 : f32 to vector<16xf32>
          %mul3A_585 = arith.mulf %get3A_457, %mul3A_584 : vector<16xf32>
          %add3A_586 = arith.addf %mul3A_585, %get3A_402 : vector<16xf32>
          %swap3A_587 = arith.constant 10 : i32
          %swap3A_588 = arith.index_cast %swap3A_587 : i32 to index
          %swap3A_589 = arith.index_cast %mul3A_398 : i32 to index
          %swap3A_590 = tpu.vector_load %arg12[%swap3A_588, %swap3A_589] {strides = array<i32>} : memref<16x1024xf32, #tpu.memory_space<vmem>>, vector<1x16xf32>,
          %swap3A_591 = vector.shape_cast %swap3A_590 : vector<1x16xf32> to vector<16xf32>
          %swap3A_592 = vector.shape_cast %add3A_586 : vector<16xf32> to vector<1x16xf32>
          tpu.vector_store %arg12[%swap3A_588, %swap3A_589], %swap3A_592 {strides = array<i32>} : memref<16x1024xf32, #tpu.memory_space<vmem>>, vector<1x16xf32>,
          %mul3A_593 = arith.constant 3.200000e+01 : f32
          %mul3A_594 = vector.broadcast %mul3A_593 : f32 to vector<16xf32>
          %mul3A_595 = arith.mulf %get3A_462, %mul3A_594 : vector<16xf32>
          %add3A_596 = arith.addf %mul3A_595, %get3A_402 : vector<16xf32>
          %swap3A_597 = arith.constant 11 : i32
          %swap3A_598 = arith.index_cast %swap3A_597 : i32 to index
          %swap3A_599 = arith.index_cast %mul3A_398 : i32 to index
          %swap3A_600 = tpu.vector_load %arg12[%swap3A_598, %swap3A_599] {strides = array<i32>} : memref<16x1024xf32, #tpu.memory_space<vmem>>, vector<1x16xf32>,
          %swap3A_601 = vector.shape_cast %swap3A_600 : vector<1x16xf32> to vector<16xf32>
          %swap3A_602 = vector.shape_cast %add3A_596 : vector<16xf32> to vector<1x16xf32>
          tpu.vector_store %arg12[%swap3A_598, %swap3A_599], %swap3A_602 {strides = array<i32>} : memref<16x1024xf32, #tpu.memory_space<vmem>>, vector<1x16xf32>,
          %mul3A_603 = arith.constant 3.200000e+01 : f32
          %mul3A_604 = vector.broadcast %mul3A_603 : f32 to vector<16xf32>
          %mul3A_605 = arith.mulf %get3A_467, %mul3A_604 : vector<16xf32>
          %add3A_606 = arith.addf %mul3A_605, %get3A_402 : vector<16xf32>
          %swap3A_607 = arith.constant 12 : i32
          %swap3A_608 = arith.index_cast %swap3A_607 : i32 to index
          %swap3A_609 = arith.index_cast %mul3A_398 : i32 to index
          %swap3A_610 = tpu.vector_load %arg12[%swap3A_608, %swap3A_609] {strides = array<i32>} : memref<16x1024xf32, #tpu.memory_space<vmem>>, vector<1x16xf32>,
          %swap3A_611 = vector.shape_cast %swap3A_610 : vector<1x16xf32> to vector<16xf32>
          %swap3A_612 = vector.shape_cast %add3A_606 : vector<16xf32> to vector<1x16xf32>
          tpu.vector_store %arg12[%swap3A_608, %swap3A_609], %swap3A_612 {strides = array<i32>} : memref<16x1024xf32, #tpu.memory_space<vmem>>, vector<1x16xf32>,
          %mul3A_613 = arith.constant 3.200000e+01 : f32
          %mul3A_614 = vector.broadcast %mul3A_613 : f32 to vector<16xf32>
          %mul3A_615 = arith.mulf %get3A_472, %mul3A_614 : vector<16xf32>
          %add3A_616 = arith.addf %mul3A_615, %get3A_402 : vector<16xf32>
          %swap3A_617 = arith.constant 13 : i32
          %swap3A_618 = arith.index_cast %swap3A_617 : i32 to index
          %swap3A_619 = arith.index_cast %mul3A_398 : i32 to index
          %swap3A_620 = tpu.vector_load %arg12[%swap3A_618, %swap3A_619] {strides = array<i32>} : memref<16x1024xf32, #tpu.memory_space<vmem>>, vector<1x16xf32>,
          %swap3A_621 = vector.shape_cast %swap3A_620 : vector<1x16xf32> to vector<16xf32>
          %swap3A_622 = vector.shape_cast %add3A_616 : vector<16xf32> to vector<1x16xf32>
          tpu.vector_store %arg12[%swap3A_618, %swap3A_619], %swap3A_622 {strides = array<i32>} : memref<16x1024xf32, #tpu.memory_space<vmem>>, vector<1x16xf32>,
          %mul3A_623 = arith.constant 3.200000e+01 : f32
          %mul3A_624 = vector.broadcast %mul3A_623 : f32 to vector<16xf32>
          %mul3A_625 = arith.mulf %get3A_477, %mul3A_624 : vector<16xf32>
          %add3A_626 = arith.addf %mul3A_625, %get3A_402 : vector<16xf32>
          %swap3A_627 = arith.constant 14 : i32
          %swap3A_628 = arith.index_cast %swap3A_627 : i32 to index
          %swap3A_629 = arith.index_cast %mul3A_398 : i32 to index
          %swap3A_630 = tpu.vector_load %arg12[%swap3A_628, %swap3A_629] {strides = array<i32>} : memref<16x1024xf32, #tpu.memory_space<vmem>>, vector<1x16xf32>,
          %swap3A_631 = vector.shape_cast %swap3A_630 : vector<1x16xf32> to vector<16xf32>
          %swap3A_632 = vector.shape_cast %add3A_626 : vector<16xf32> to vector<1x16xf32>
          tpu.vector_store %arg12[%swap3A_628, %swap3A_629], %swap3A_632 {strides = array<i32>} : memref<16x1024xf32, #tpu.memory_space<vmem>>, vector<1x16xf32>,
          %mul3A_633 = arith.constant 3.200000e+01 : f32
          %mul3A_634 = vector.broadcast %mul3A_633 : f32 to vector<16xf32>
          %mul3A_635 = arith.mulf %get3A_482, %mul3A_634 : vector<16xf32>
          %add3A_636 = arith.addf %mul3A_635, %get3A_402 : vector<16xf32>
          %swap3A_637 = arith.constant 15 : i32
          %swap3A_638 = arith.index_cast %swap3A_637 : i32 to index
          %swap3A_639 = arith.index_cast %mul3A_398 : i32 to index
          %swap3A_640 = tpu.vector_load %arg12[%swap3A_638, %swap3A_639] {strides = array<i32>} : memref<16x1024xf32, #tpu.memory_space<vmem>>, vector<1x16xf32>,
          %swap3A_641 = vector.shape_cast %swap3A_640 : vector<1x16xf32> to vector<16xf32>
          %swap3A_642 = vector.shape_cast %add3A_636 : vector<16xf32> to vector<1x16xf32>
          tpu.vector_store %arg12[%swap3A_638, %swap3A_639], %swap3A_642 {strides = array<i32>} : memref<16x1024xf32, #tpu.memory_space<vmem>>, vector<1x16xf32>,
          %scan3A_643 = arith.constant 0 : i32
          scf.yield %scan3A_643 : i32
        }
        %scan3A_139 = arith.constant 64 : i32
        %dma_start3A_140 = arith.constant 0 : i32
        %dma_start3A_141 = arith.constant 0 : i32
        %dma_start3A_142 = tpu.memref_slice %arg8[%dma_start3A_140, %dma_start3A_141] : memref<2x16xi32, #tpu.memory_space<vmem>> -> memref<1x16xi32, #tpu.memory_space<vmem>>
        %dma_start3A_143 = tpu.memref_squeeze %dma_start3A_142 : memref<1x16xi32, #tpu.memory_space<vmem>> -> memref<16xi32, #tpu.memory_space<vmem>>
        %dma_start3A_144 = arith.constant 0 : i32
        %dma_start3A_145 = arith.constant 0 : i32
        %dma_start3A_146 = tpu.memref_slice %arg5[%dma_start3A_144, %dma_start3A_145] : memref<163840x1024xf32, #tpu.memory_space<hbm>> -> memref<163840x1024xf32, #tpu.memory_space<hbm>>
        tpu.enqueue_indirect_dma source(%arg12 : memref<16x1024xf32, #tpu.memory_space<vmem>>) target(%dma_start3A_146 : memref<163840x1024xf32, #tpu.memory_space<hbm>>) offsets(%dma_start3A_143 : memref<16xi32, #tpu.memory_space<vmem>>) semaphore(%arg17 : memref<!tpu.dma_semaphore, #tpu.memory_space<semaphore_mem>>)
      } else {
      }
      %eq3A_87 = arith.constant 2 : i32
      %eq3A_88 = arith.cmpi eq, %scan3A_33, %eq3A_87 : i32
      %and3A_89 = arith.constant 1 : i32
      %and3A_90 = arith.andi %scan3A_32, %and3A_89 : i32
      %eq3A_91 = arith.constant 1 : i32
      %eq3A_92 = arith.cmpi eq, %and3A_90, %eq3A_91 : i32
      %and3A_93 = arith.andi %eq3A_88, %eq3A_92 : i1
      %convert_element_type3A_94 = arith.extui %and3A_93 : i1 to i32
      %cond3A_95 = arith.constant 0 : i32
      %cond3A_96 = arith.cmpi ne, %convert_element_type3A_94, %cond3A_95 : i32
      scf.if %cond3A_96 {
        %ge3A = arith.constant 2 : i32
        %ge3A_101 = arith.cmpi sge, %scan3A_32, %ge3A : i32
        %convert_element_type3A_102 = arith.extui %ge3A_101 : i1 to i32
        %cond3A_103 = arith.constant 0 : i32
        %cond3A_104 = arith.cmpi ne, %convert_element_type3A_102, %cond3A_103 : i32
        scf.if %cond3A_104 {
          %dma_wait3A_147 = arith.constant 0 : i32
          %dma_wait3A_148 = arith.constant 0 : i32
          %dma_wait3A_149 = tpu.memref_slice %arg5[%dma_wait3A_147, %dma_wait3A_148] : memref<163840x1024xf32, #tpu.memory_space<hbm>> -> memref<16x1024xf32, #tpu.memory_space<hbm>>
          %dma_wait3A_150 = arith.constant 0 : i32
          %dma_wait3A_151 = arith.constant 0 : i32
          %dma_wait3A_152 = tpu.memref_slice %arg5[%dma_wait3A_150, %dma_wait3A_151] : memref<163840x1024xf32, #tpu.memory_space<hbm>> -> memref<16x1024xf32, #tpu.memory_space<hbm>>
          tpu.wait_dma2 semaphore(%arg18 : memref<!tpu.dma_semaphore, #tpu.memory_space<semaphore_mem>>) src(%arg13 : memref<16x1024xf32, #tpu.memory_space<vmem>>) dst(%dma_wait3A_152 : memref<16x1024xf32, #tpu.memory_space<hbm>>)
        } else {
        }
        %lt3A = arith.constant 318 : i32
        %lt3A_105 = arith.cmpi slt, %scan3A_32, %lt3A : i32
        %convert_element_type3A_106 = arith.extui %lt3A_105 : i1 to i32
        %cond3A_107 = arith.constant 0 : i32
        %cond3A_108 = arith.cmpi ne, %convert_element_type3A_106, %cond3A_107 : i32
        scf.if %cond3A_108 {
          %add3A_147 = arith.constant 2 : i32
          %add3A_148 = arith.addi %scan3A_32, %add3A_147 : i32
          %mul3A_149 = arith.constant 16 : i32
          %mul3A_150 = arith.muli %add3A_148, %mul3A_149 : i32
          %dma_start3A_151 = tpu.memref_slice %arg6[%mul3A_150] : memref<5120xi32, #tpu.memory_space<vmem>> -> memref<16xi32, #tpu.memory_space<vmem>>
          %dma_start3A_152 = arith.constant 0 : i32
          %dma_start3A_153 = arith.constant 0 : i32
          %dma_start3A_154 = tpu.memref_slice %arg2[%dma_start3A_152, %dma_start3A_153] : memref<100000x1024xf32, #tpu.memory_space<hbm>> -> memref<100000x1024xf32, #tpu.memory_space<hbm>>
          tpu.enqueue_indirect_dma source(%dma_start3A_154 : memref<100000x1024xf32, #tpu.memory_space<hbm>>) target(%arg10 : memref<16x1024xf32, #tpu.memory_space<vmem>>) offsets(%dma_start3A_151 : memref<16xi32, #tpu.memory_space<vmem>>) semaphore(%arg15 : memref<!tpu.dma_semaphore, #tpu.memory_space<semaphore_mem>>)
        } else {
        }
        %dma_wait3A_109 = arith.constant 0 : i32
        %dma_wait3A_110 = arith.constant 0 : i32
        %dma_wait3A_111 = tpu.memref_slice %arg2[%dma_wait3A_109, %dma_wait3A_110] : memref<100000x1024xf32, #tpu.memory_space<hbm>> -> memref<16x1024xf32, #tpu.memory_space<hbm>>
        %dma_wait3A_112 = arith.constant 0 : i32
        %dma_wait3A_113 = arith.constant 0 : i32
        %dma_wait3A_114 = tpu.memref_slice %arg2[%dma_wait3A_112, %dma_wait3A_113] : memref<100000x1024xf32, #tpu.memory_space<hbm>> -> memref<16x1024xf32, #tpu.memory_space<hbm>>
        tpu.wait_dma2 semaphore(%arg16 : memref<!tpu.dma_semaphore, #tpu.memory_space<semaphore_mem>>) src(%dma_wait3A_114 : memref<16x1024xf32, #tpu.memory_space<hbm>>) dst(%arg11 : memref<16x1024xf32, #tpu.memory_space<vmem>>)
        %shift_right_arithmetic3A = arith.constant 1 : i32
        %shift_right_arithmetic3A_115 = arith.shrsi %scan3A_32, %shift_right_arithmetic3A : i32
        %and3A_116 = arith.constant 15 : i32
        %and3A_117 = arith.andi %shift_right_arithmetic3A_115, %and3A_116 : i32
        %and3A_118 = arith.constant 1 : i32
        %and3A_119 = arith.andi %scan3A_32, %and3A_118 : i32
        %mul3A_120 = arith.constant 2560 : i32
        %mul3A_121 = arith.muli %and3A_119, %mul3A_120 : i32
        %add3A_122 = arith.addi %mul3A_2, %mul3A_121 : i32
        %shift_right_arithmetic3A_123 = arith.constant 1 : i32
        %shift_right_arithmetic3A_124 = arith.shrsi %scan3A_32, %shift_right_arithmetic3A_123 : i32
        %add3A_125 = arith.addi %add3A_122, %shift_right_arithmetic3A_124 : i32
        %add3A_126 = vector.broadcast %add3A_125 : i32 to vector<16xi32>
        %add3A_127 = arith.addi %mul3A_5, %add3A_126 : vector<16xi32>
        %swap3A = arith.constant 1 : i32
        %swap3A_128 = arith.index_cast %swap3A : i32 to index
        %swap3A_129 = arith.constant 0 : index
        %swap3A_130 = tpu.vector_load %arg8[%swap3A_128, %swap3A_129] {strides = array<i32>} : memref<2x16xi32, #tpu.memory_space<vmem>>, vector<1x16xi32>,
        %swap3A_131 = vector.shape_cast %swap3A_130 : vector<1x16xi32> to vector<16xi32>
        %swap3A_132 = vector.shape_cast %add3A_127 : vector<16xi32> to vector<1x16xi32>
        tpu.vector_store %arg8[%swap3A_128, %swap3A_129], %swap3A_132 {strides = array<i32>} : memref<2x16xi32, #tpu.memory_space<vmem>>, vector<1x16xi32>,
        %scan3A_133 = arith.constant 0 : i32
        %scan3A_134 = arith.constant 0 : i32
        %scan3A_135 = arith.constant 64 : i32
        %scan3A_136 = arith.addi %scan3A_134, %scan3A_135 : i32
        %scan3A_137 = arith.constant 2 : i32
        %scan3A_138 = scf.for %scan3A_147 = %scan3A_134 to %scan3A_136 step %scan3A_137 iter_args(%scan3A_148 = %scan3A_133) -> (i32)  : i32 {
          %mul3A_149 = arith.constant 16 : i32
          %mul3A_150 = arith.muli %scan3A_147, %mul3A_149 : i32
          %get3A = arith.index_cast %and3A_117 : i32 to index
          %get3A_151 = arith.index_cast %mul3A_150 : i32 to index
          %get3A_152 = tpu.vector_load %arg7[%get3A, %get3A_151] {strides = array<i32>} : memref<16x1024xf32, #tpu.memory_space<vmem>>, vector<1x16xf32>,
          %get3A_153 = vector.shape_cast %get3A_152 : vector<1x16xf32> to vector<16xf32>
          %get3A_154 = arith.constant 0 : i32
          %get3A_155 = arith.index_cast %get3A_154 : i32 to index
          %get3A_156 = arith.index_cast %mul3A_150 : i32 to index
          %get3A_157 = tpu.vector_load %arg11[%get3A_155, %get3A_156] {strides = array<i32>} : memref<16x1024xf32, #tpu.memory_space<vmem>>, vector<1x16xf32>,
          %get3A_158 = vector.shape_cast %get3A_157 : vector<1x16xf32> to vector<16xf32>
          %get3A_159 = arith.constant 1 : i32
          %get3A_160 = arith.index_cast %get3A_159 : i32 to index
          %get3A_161 = arith.index_cast %mul3A_150 : i32 to index
          %get3A_162 = tpu.vector_load %arg11[%get3A_160, %get3A_161] {strides = array<i32>} : memref<16x1024xf32, #tpu.memory_space<vmem>>, vector<1x16xf32>,
          %get3A_163 = vector.shape_cast %get3A_162 : vector<1x16xf32> to vector<16xf32>
          %get3A_164 = arith.constant 2 : i32
          %get3A_165 = arith.index_cast %get3A_164 : i32 to index
          %get3A_166 = arith.index_cast %mul3A_150 : i32 to index
          %get3A_167 = tpu.vector_load %arg11[%get3A_165, %get3A_166] {strides = array<i32>} : memref<16x1024xf32, #tpu.memory_space<vmem>>, vector<1x16xf32>,
          %get3A_168 = vector.shape_cast %get3A_167 : vector<1x16xf32> to vector<16xf32>
          %get3A_169 = arith.constant 3 : i32
          %get3A_170 = arith.index_cast %get3A_169 : i32 to index
          %get3A_171 = arith.index_cast %mul3A_150 : i32 to index
          %get3A_172 = tpu.vector_load %arg11[%get3A_170, %get3A_171] {strides = array<i32>} : memref<16x1024xf32, #tpu.memory_space<vmem>>, vector<1x16xf32>,
          %get3A_173 = vector.shape_cast %get3A_172 : vector<1x16xf32> to vector<16xf32>
          %get3A_174 = arith.constant 4 : i32
          %get3A_175 = arith.index_cast %get3A_174 : i32 to index
          %get3A_176 = arith.index_cast %mul3A_150 : i32 to index
          %get3A_177 = tpu.vector_load %arg11[%get3A_175, %get3A_176] {strides = array<i32>} : memref<16x1024xf32, #tpu.memory_space<vmem>>, vector<1x16xf32>,
          %get3A_178 = vector.shape_cast %get3A_177 : vector<1x16xf32> to vector<16xf32>
          %get3A_179 = arith.constant 5 : i32
          %get3A_180 = arith.index_cast %get3A_179 : i32 to index
          %get3A_181 = arith.index_cast %mul3A_150 : i32 to index
          %get3A_182 = tpu.vector_load %arg11[%get3A_180, %get3A_181] {strides = array<i32>} : memref<16x1024xf32, #tpu.memory_space<vmem>>, vector<1x16xf32>,
          %get3A_183 = vector.shape_cast %get3A_182 : vector<1x16xf32> to vector<16xf32>
          %get3A_184 = arith.constant 6 : i32
          %get3A_185 = arith.index_cast %get3A_184 : i32 to index
          %get3A_186 = arith.index_cast %mul3A_150 : i32 to index
          %get3A_187 = tpu.vector_load %arg11[%get3A_185, %get3A_186] {strides = array<i32>} : memref<16x1024xf32, #tpu.memory_space<vmem>>, vector<1x16xf32>,
          %get3A_188 = vector.shape_cast %get3A_187 : vector<1x16xf32> to vector<16xf32>
          %get3A_189 = arith.constant 7 : i32
          %get3A_190 = arith.index_cast %get3A_189 : i32 to index
          %get3A_191 = arith.index_cast %mul3A_150 : i32 to index
          %get3A_192 = tpu.vector_load %arg11[%get3A_190, %get3A_191] {strides = array<i32>} : memref<16x1024xf32, #tpu.memory_space<vmem>>, vector<1x16xf32>,
          %get3A_193 = vector.shape_cast %get3A_192 : vector<1x16xf32> to vector<16xf32>
          %get3A_194 = arith.constant 8 : i32
          %get3A_195 = arith.index_cast %get3A_194 : i32 to index
          %get3A_196 = arith.index_cast %mul3A_150 : i32 to index
          %get3A_197 = tpu.vector_load %arg11[%get3A_195, %get3A_196] {strides = array<i32>} : memref<16x1024xf32, #tpu.memory_space<vmem>>, vector<1x16xf32>,
          %get3A_198 = vector.shape_cast %get3A_197 : vector<1x16xf32> to vector<16xf32>
          %get3A_199 = arith.constant 9 : i32
          %get3A_200 = arith.index_cast %get3A_199 : i32 to index
          %get3A_201 = arith.index_cast %mul3A_150 : i32 to index
          %get3A_202 = tpu.vector_load %arg11[%get3A_200, %get3A_201] {strides = array<i32>} : memref<16x1024xf32, #tpu.memory_space<vmem>>, vector<1x16xf32>,
          %get3A_203 = vector.shape_cast %get3A_202 : vector<1x16xf32> to vector<16xf32>
          %get3A_204 = arith.constant 10 : i32
          %get3A_205 = arith.index_cast %get3A_204 : i32 to index
          %get3A_206 = arith.index_cast %mul3A_150 : i32 to index
          %get3A_207 = tpu.vector_load %arg11[%get3A_205, %get3A_206] {strides = array<i32>} : memref<16x1024xf32, #tpu.memory_space<vmem>>, vector<1x16xf32>,
          %get3A_208 = vector.shape_cast %get3A_207 : vector<1x16xf32> to vector<16xf32>
          %get3A_209 = arith.constant 11 : i32
          %get3A_210 = arith.index_cast %get3A_209 : i32 to index
          %get3A_211 = arith.index_cast %mul3A_150 : i32 to index
          %get3A_212 = tpu.vector_load %arg11[%get3A_210, %get3A_211] {strides = array<i32>} : memref<16x1024xf32, #tpu.memory_space<vmem>>, vector<1x16xf32>,
          %get3A_213 = vector.shape_cast %get3A_212 : vector<1x16xf32> to vector<16xf32>
          %get3A_214 = arith.constant 12 : i32
          %get3A_215 = arith.index_cast %get3A_214 : i32 to index
          %get3A_216 = arith.index_cast %mul3A_150 : i32 to index
          %get3A_217 = tpu.vector_load %arg11[%get3A_215, %get3A_216] {strides = array<i32>} : memref<16x1024xf32, #tpu.memory_space<vmem>>, vector<1x16xf32>,
          %get3A_218 = vector.shape_cast %get3A_217 : vector<1x16xf32> to vector<16xf32>
          %get3A_219 = arith.constant 13 : i32
          %get3A_220 = arith.index_cast %get3A_219 : i32 to index
          %get3A_221 = arith.index_cast %mul3A_150 : i32 to index
          %get3A_222 = tpu.vector_load %arg11[%get3A_220, %get3A_221] {strides = array<i32>} : memref<16x1024xf32, #tpu.memory_space<vmem>>, vector<1x16xf32>,
          %get3A_223 = vector.shape_cast %get3A_222 : vector<1x16xf32> to vector<16xf32>
          %get3A_224 = arith.constant 14 : i32
          %get3A_225 = arith.index_cast %get3A_224 : i32 to index
          %get3A_226 = arith.index_cast %mul3A_150 : i32 to index
          %get3A_227 = tpu.vector_load %arg11[%get3A_225, %get3A_226] {strides = array<i32>} : memref<16x1024xf32, #tpu.memory_space<vmem>>, vector<1x16xf32>,
          %get3A_228 = vector.shape_cast %get3A_227 : vector<1x16xf32> to vector<16xf32>
          %get3A_229 = arith.constant 15 : i32
          %get3A_230 = arith.index_cast %get3A_229 : i32 to index
          %get3A_231 = arith.index_cast %mul3A_150 : i32 to index
          %get3A_232 = tpu.vector_load %arg11[%get3A_230, %get3A_231] {strides = array<i32>} : memref<16x1024xf32, #tpu.memory_space<vmem>>, vector<1x16xf32>,
          %get3A_233 = vector.shape_cast %get3A_232 : vector<1x16xf32> to vector<16xf32>
          %mul3A_234 = arith.constant 3.200000e+01 : f32
          %mul3A_235 = vector.broadcast %mul3A_234 : f32 to vector<16xf32>
          %mul3A_236 = arith.mulf %get3A_158, %mul3A_235 : vector<16xf32>
          %add3A_237 = arith.addf %mul3A_236, %get3A_153 : vector<16xf32>
          %swap3A_238 = arith.constant 0 : i32
          %swap3A_239 = arith.index_cast %swap3A_238 : i32 to index
          %swap3A_240 = arith.index_cast %mul3A_150 : i32 to index
          %swap3A_241 = tpu.vector_load %arg13[%swap3A_239, %swap3A_240] {strides = array<i32>} : memref<16x1024xf32, #tpu.memory_space<vmem>>, vector<1x16xf32>,
          %swap3A_242 = vector.shape_cast %swap3A_241 : vector<1x16xf32> to vector<16xf32>
          %swap3A_243 = vector.shape_cast %add3A_237 : vector<16xf32> to vector<1x16xf32>
          tpu.vector_store %arg13[%swap3A_239, %swap3A_240], %swap3A_243 {strides = array<i32>} : memref<16x1024xf32, #tpu.memory_space<vmem>>, vector<1x16xf32>,
          %mul3A_244 = arith.constant 3.200000e+01 : f32
          %mul3A_245 = vector.broadcast %mul3A_244 : f32 to vector<16xf32>
          %mul3A_246 = arith.mulf %get3A_163, %mul3A_245 : vector<16xf32>
          %add3A_247 = arith.addf %mul3A_246, %get3A_153 : vector<16xf32>
          %swap3A_248 = arith.constant 1 : i32
          %swap3A_249 = arith.index_cast %swap3A_248 : i32 to index
          %swap3A_250 = arith.index_cast %mul3A_150 : i32 to index
          %swap3A_251 = tpu.vector_load %arg13[%swap3A_249, %swap3A_250] {strides = array<i32>} : memref<16x1024xf32, #tpu.memory_space<vmem>>, vector<1x16xf32>,
          %swap3A_252 = vector.shape_cast %swap3A_251 : vector<1x16xf32> to vector<16xf32>
          %swap3A_253 = vector.shape_cast %add3A_247 : vector<16xf32> to vector<1x16xf32>
          tpu.vector_store %arg13[%swap3A_249, %swap3A_250], %swap3A_253 {strides = array<i32>} : memref<16x1024xf32, #tpu.memory_space<vmem>>, vector<1x16xf32>,
          %mul3A_254 = arith.constant 3.200000e+01 : f32
          %mul3A_255 = vector.broadcast %mul3A_254 : f32 to vector<16xf32>
          %mul3A_256 = arith.mulf %get3A_168, %mul3A_255 : vector<16xf32>
          %add3A_257 = arith.addf %mul3A_256, %get3A_153 : vector<16xf32>
          %swap3A_258 = arith.constant 2 : i32
          %swap3A_259 = arith.index_cast %swap3A_258 : i32 to index
          %swap3A_260 = arith.index_cast %mul3A_150 : i32 to index
          %swap3A_261 = tpu.vector_load %arg13[%swap3A_259, %swap3A_260] {strides = array<i32>} : memref<16x1024xf32, #tpu.memory_space<vmem>>, vector<1x16xf32>,
          %swap3A_262 = vector.shape_cast %swap3A_261 : vector<1x16xf32> to vector<16xf32>
          %swap3A_263 = vector.shape_cast %add3A_257 : vector<16xf32> to vector<1x16xf32>
          tpu.vector_store %arg13[%swap3A_259, %swap3A_260], %swap3A_263 {strides = array<i32>} : memref<16x1024xf32, #tpu.memory_space<vmem>>, vector<1x16xf32>,
          %mul3A_264 = arith.constant 3.200000e+01 : f32
          %mul3A_265 = vector.broadcast %mul3A_264 : f32 to vector<16xf32>
          %mul3A_266 = arith.mulf %get3A_173, %mul3A_265 : vector<16xf32>
          %add3A_267 = arith.addf %mul3A_266, %get3A_153 : vector<16xf32>
          %swap3A_268 = arith.constant 3 : i32
          %swap3A_269 = arith.index_cast %swap3A_268 : i32 to index
          %swap3A_270 = arith.index_cast %mul3A_150 : i32 to index
          %swap3A_271 = tpu.vector_load %arg13[%swap3A_269, %swap3A_270] {strides = array<i32>} : memref<16x1024xf32, #tpu.memory_space<vmem>>, vector<1x16xf32>,
          %swap3A_272 = vector.shape_cast %swap3A_271 : vector<1x16xf32> to vector<16xf32>
          %swap3A_273 = vector.shape_cast %add3A_267 : vector<16xf32> to vector<1x16xf32>
          tpu.vector_store %arg13[%swap3A_269, %swap3A_270], %swap3A_273 {strides = array<i32>} : memref<16x1024xf32, #tpu.memory_space<vmem>>, vector<1x16xf32>,
          %mul3A_274 = arith.constant 3.200000e+01 : f32
          %mul3A_275 = vector.broadcast %mul3A_274 : f32 to vector<16xf32>
          %mul3A_276 = arith.mulf %get3A_178, %mul3A_275 : vector<16xf32>
          %add3A_277 = arith.addf %mul3A_276, %get3A_153 : vector<16xf32>
          %swap3A_278 = arith.constant 4 : i32
          %swap3A_279 = arith.index_cast %swap3A_278 : i32 to index
          %swap3A_280 = arith.index_cast %mul3A_150 : i32 to index
          %swap3A_281 = tpu.vector_load %arg13[%swap3A_279, %swap3A_280] {strides = array<i32>} : memref<16x1024xf32, #tpu.memory_space<vmem>>, vector<1x16xf32>,
          %swap3A_282 = vector.shape_cast %swap3A_281 : vector<1x16xf32> to vector<16xf32>
          %swap3A_283 = vector.shape_cast %add3A_277 : vector<16xf32> to vector<1x16xf32>
          tpu.vector_store %arg13[%swap3A_279, %swap3A_280], %swap3A_283 {strides = array<i32>} : memref<16x1024xf32, #tpu.memory_space<vmem>>, vector<1x16xf32>,
          %mul3A_284 = arith.constant 3.200000e+01 : f32
          %mul3A_285 = vector.broadcast %mul3A_284 : f32 to vector<16xf32>
          %mul3A_286 = arith.mulf %get3A_183, %mul3A_285 : vector<16xf32>
          %add3A_287 = arith.addf %mul3A_286, %get3A_153 : vector<16xf32>
          %swap3A_288 = arith.constant 5 : i32
          %swap3A_289 = arith.index_cast %swap3A_288 : i32 to index
          %swap3A_290 = arith.index_cast %mul3A_150 : i32 to index
          %swap3A_291 = tpu.vector_load %arg13[%swap3A_289, %swap3A_290] {strides = array<i32>} : memref<16x1024xf32, #tpu.memory_space<vmem>>, vector<1x16xf32>,
          %swap3A_292 = vector.shape_cast %swap3A_291 : vector<1x16xf32> to vector<16xf32>
          %swap3A_293 = vector.shape_cast %add3A_287 : vector<16xf32> to vector<1x16xf32>
          tpu.vector_store %arg13[%swap3A_289, %swap3A_290], %swap3A_293 {strides = array<i32>} : memref<16x1024xf32, #tpu.memory_space<vmem>>, vector<1x16xf32>,
          %mul3A_294 = arith.constant 3.200000e+01 : f32
          %mul3A_295 = vector.broadcast %mul3A_294 : f32 to vector<16xf32>
          %mul3A_296 = arith.mulf %get3A_188, %mul3A_295 : vector<16xf32>
          %add3A_297 = arith.addf %mul3A_296, %get3A_153 : vector<16xf32>
          %swap3A_298 = arith.constant 6 : i32
          %swap3A_299 = arith.index_cast %swap3A_298 : i32 to index
          %swap3A_300 = arith.index_cast %mul3A_150 : i32 to index
          %swap3A_301 = tpu.vector_load %arg13[%swap3A_299, %swap3A_300] {strides = array<i32>} : memref<16x1024xf32, #tpu.memory_space<vmem>>, vector<1x16xf32>,
          %swap3A_302 = vector.shape_cast %swap3A_301 : vector<1x16xf32> to vector<16xf32>
          %swap3A_303 = vector.shape_cast %add3A_297 : vector<16xf32> to vector<1x16xf32>
          tpu.vector_store %arg13[%swap3A_299, %swap3A_300], %swap3A_303 {strides = array<i32>} : memref<16x1024xf32, #tpu.memory_space<vmem>>, vector<1x16xf32>,
          %mul3A_304 = arith.constant 3.200000e+01 : f32
          %mul3A_305 = vector.broadcast %mul3A_304 : f32 to vector<16xf32>
          %mul3A_306 = arith.mulf %get3A_193, %mul3A_305 : vector<16xf32>
          %add3A_307 = arith.addf %mul3A_306, %get3A_153 : vector<16xf32>
          %swap3A_308 = arith.constant 7 : i32
          %swap3A_309 = arith.index_cast %swap3A_308 : i32 to index
          %swap3A_310 = arith.index_cast %mul3A_150 : i32 to index
          %swap3A_311 = tpu.vector_load %arg13[%swap3A_309, %swap3A_310] {strides = array<i32>} : memref<16x1024xf32, #tpu.memory_space<vmem>>, vector<1x16xf32>,
          %swap3A_312 = vector.shape_cast %swap3A_311 : vector<1x16xf32> to vector<16xf32>
          %swap3A_313 = vector.shape_cast %add3A_307 : vector<16xf32> to vector<1x16xf32>
          tpu.vector_store %arg13[%swap3A_309, %swap3A_310], %swap3A_313 {strides = array<i32>} : memref<16x1024xf32, #tpu.memory_space<vmem>>, vector<1x16xf32>,
          %mul3A_314 = arith.constant 3.200000e+01 : f32
          %mul3A_315 = vector.broadcast %mul3A_314 : f32 to vector<16xf32>
          %mul3A_316 = arith.mulf %get3A_198, %mul3A_315 : vector<16xf32>
          %add3A_317 = arith.addf %mul3A_316, %get3A_153 : vector<16xf32>
          %swap3A_318 = arith.constant 8 : i32
          %swap3A_319 = arith.index_cast %swap3A_318 : i32 to index
          %swap3A_320 = arith.index_cast %mul3A_150 : i32 to index
          %swap3A_321 = tpu.vector_load %arg13[%swap3A_319, %swap3A_320] {strides = array<i32>} : memref<16x1024xf32, #tpu.memory_space<vmem>>, vector<1x16xf32>,
          %swap3A_322 = vector.shape_cast %swap3A_321 : vector<1x16xf32> to vector<16xf32>
          %swap3A_323 = vector.shape_cast %add3A_317 : vector<16xf32> to vector<1x16xf32>
          tpu.vector_store %arg13[%swap3A_319, %swap3A_320], %swap3A_323 {strides = array<i32>} : memref<16x1024xf32, #tpu.memory_space<vmem>>, vector<1x16xf32>,
          %mul3A_324 = arith.constant 3.200000e+01 : f32
          %mul3A_325 = vector.broadcast %mul3A_324 : f32 to vector<16xf32>
          %mul3A_326 = arith.mulf %get3A_203, %mul3A_325 : vector<16xf32>
          %add3A_327 = arith.addf %mul3A_326, %get3A_153 : vector<16xf32>
          %swap3A_328 = arith.constant 9 : i32
          %swap3A_329 = arith.index_cast %swap3A_328 : i32 to index
          %swap3A_330 = arith.index_cast %mul3A_150 : i32 to index
          %swap3A_331 = tpu.vector_load %arg13[%swap3A_329, %swap3A_330] {strides = array<i32>} : memref<16x1024xf32, #tpu.memory_space<vmem>>, vector<1x16xf32>,
          %swap3A_332 = vector.shape_cast %swap3A_331 : vector<1x16xf32> to vector<16xf32>
          %swap3A_333 = vector.shape_cast %add3A_327 : vector<16xf32> to vector<1x16xf32>
          tpu.vector_store %arg13[%swap3A_329, %swap3A_330], %swap3A_333 {strides = array<i32>} : memref<16x1024xf32, #tpu.memory_space<vmem>>, vector<1x16xf32>,
          %mul3A_334 = arith.constant 3.200000e+01 : f32
          %mul3A_335 = vector.broadcast %mul3A_334 : f32 to vector<16xf32>
          %mul3A_336 = arith.mulf %get3A_208, %mul3A_335 : vector<16xf32>
          %add3A_337 = arith.addf %mul3A_336, %get3A_153 : vector<16xf32>
          %swap3A_338 = arith.constant 10 : i32
          %swap3A_339 = arith.index_cast %swap3A_338 : i32 to index
          %swap3A_340 = arith.index_cast %mul3A_150 : i32 to index
          %swap3A_341 = tpu.vector_load %arg13[%swap3A_339, %swap3A_340] {strides = array<i32>} : memref<16x1024xf32, #tpu.memory_space<vmem>>, vector<1x16xf32>,
          %swap3A_342 = vector.shape_cast %swap3A_341 : vector<1x16xf32> to vector<16xf32>
          %swap3A_343 = vector.shape_cast %add3A_337 : vector<16xf32> to vector<1x16xf32>
          tpu.vector_store %arg13[%swap3A_339, %swap3A_340], %swap3A_343 {strides = array<i32>} : memref<16x1024xf32, #tpu.memory_space<vmem>>, vector<1x16xf32>,
          %mul3A_344 = arith.constant 3.200000e+01 : f32
          %mul3A_345 = vector.broadcast %mul3A_344 : f32 to vector<16xf32>
          %mul3A_346 = arith.mulf %get3A_213, %mul3A_345 : vector<16xf32>
          %add3A_347 = arith.addf %mul3A_346, %get3A_153 : vector<16xf32>
          %swap3A_348 = arith.constant 11 : i32
          %swap3A_349 = arith.index_cast %swap3A_348 : i32 to index
          %swap3A_350 = arith.index_cast %mul3A_150 : i32 to index
          %swap3A_351 = tpu.vector_load %arg13[%swap3A_349, %swap3A_350] {strides = array<i32>} : memref<16x1024xf32, #tpu.memory_space<vmem>>, vector<1x16xf32>,
          %swap3A_352 = vector.shape_cast %swap3A_351 : vector<1x16xf32> to vector<16xf32>
          %swap3A_353 = vector.shape_cast %add3A_347 : vector<16xf32> to vector<1x16xf32>
          tpu.vector_store %arg13[%swap3A_349, %swap3A_350], %swap3A_353 {strides = array<i32>} : memref<16x1024xf32, #tpu.memory_space<vmem>>, vector<1x16xf32>,
          %mul3A_354 = arith.constant 3.200000e+01 : f32
          %mul3A_355 = vector.broadcast %mul3A_354 : f32 to vector<16xf32>
          %mul3A_356 = arith.mulf %get3A_218, %mul3A_355 : vector<16xf32>
          %add3A_357 = arith.addf %mul3A_356, %get3A_153 : vector<16xf32>
          %swap3A_358 = arith.constant 12 : i32
          %swap3A_359 = arith.index_cast %swap3A_358 : i32 to index
          %swap3A_360 = arith.index_cast %mul3A_150 : i32 to index
          %swap3A_361 = tpu.vector_load %arg13[%swap3A_359, %swap3A_360] {strides = array<i32>} : memref<16x1024xf32, #tpu.memory_space<vmem>>, vector<1x16xf32>,
          %swap3A_362 = vector.shape_cast %swap3A_361 : vector<1x16xf32> to vector<16xf32>
          %swap3A_363 = vector.shape_cast %add3A_357 : vector<16xf32> to vector<1x16xf32>
          tpu.vector_store %arg13[%swap3A_359, %swap3A_360], %swap3A_363 {strides = array<i32>} : memref<16x1024xf32, #tpu.memory_space<vmem>>, vector<1x16xf32>,
          %mul3A_364 = arith.constant 3.200000e+01 : f32
          %mul3A_365 = vector.broadcast %mul3A_364 : f32 to vector<16xf32>
          %mul3A_366 = arith.mulf %get3A_223, %mul3A_365 : vector<16xf32>
          %add3A_367 = arith.addf %mul3A_366, %get3A_153 : vector<16xf32>
          %swap3A_368 = arith.constant 13 : i32
          %swap3A_369 = arith.index_cast %swap3A_368 : i32 to index
          %swap3A_370 = arith.index_cast %mul3A_150 : i32 to index
          %swap3A_371 = tpu.vector_load %arg13[%swap3A_369, %swap3A_370] {strides = array<i32>} : memref<16x1024xf32, #tpu.memory_space<vmem>>, vector<1x16xf32>,
          %swap3A_372 = vector.shape_cast %swap3A_371 : vector<1x16xf32> to vector<16xf32>
          %swap3A_373 = vector.shape_cast %add3A_367 : vector<16xf32> to vector<1x16xf32>
          tpu.vector_store %arg13[%swap3A_369, %swap3A_370], %swap3A_373 {strides = array<i32>} : memref<16x1024xf32, #tpu.memory_space<vmem>>, vector<1x16xf32>,
          %mul3A_374 = arith.constant 3.200000e+01 : f32
          %mul3A_375 = vector.broadcast %mul3A_374 : f32 to vector<16xf32>
          %mul3A_376 = arith.mulf %get3A_228, %mul3A_375 : vector<16xf32>
          %add3A_377 = arith.addf %mul3A_376, %get3A_153 : vector<16xf32>
          %swap3A_378 = arith.constant 14 : i32
          %swap3A_379 = arith.index_cast %swap3A_378 : i32 to index
          %swap3A_380 = arith.index_cast %mul3A_150 : i32 to index
          %swap3A_381 = tpu.vector_load %arg13[%swap3A_379, %swap3A_380] {strides = array<i32>} : memref<16x1024xf32, #tpu.memory_space<vmem>>, vector<1x16xf32>,
          %swap3A_382 = vector.shape_cast %swap3A_381 : vector<1x16xf32> to vector<16xf32>
          %swap3A_383 = vector.shape_cast %add3A_377 : vector<16xf32> to vector<1x16xf32>
          tpu.vector_store %arg13[%swap3A_379, %swap3A_380], %swap3A_383 {strides = array<i32>} : memref<16x1024xf32, #tpu.memory_space<vmem>>, vector<1x16xf32>,
          %mul3A_384 = arith.constant 3.200000e+01 : f32
          %mul3A_385 = vector.broadcast %mul3A_384 : f32 to vector<16xf32>
          %mul3A_386 = arith.mulf %get3A_233, %mul3A_385 : vector<16xf32>
          %add3A_387 = arith.addf %mul3A_386, %get3A_153 : vector<16xf32>
          %swap3A_388 = arith.constant 15 : i32
          %swap3A_389 = arith.index_cast %swap3A_388 : i32 to index
          %swap3A_390 = arith.index_cast %mul3A_150 : i32 to index
          %swap3A_391 = tpu.vector_load %arg13[%swap3A_389, %swap3A_390] {strides = array<i32>} : memref<16x1024xf32, #tpu.memory_space<vmem>>, vector<1x16xf32>,
          %swap3A_392 = vector.shape_cast %swap3A_391 : vector<1x16xf32> to vector<16xf32>
          %swap3A_393 = vector.shape_cast %add3A_387 : vector<16xf32> to vector<1x16xf32>
          tpu.vector_store %arg13[%swap3A_389, %swap3A_390], %swap3A_393 {strides = array<i32>} : memref<16x1024xf32, #tpu.memory_space<vmem>>, vector<1x16xf32>,
          %scan3A_394 = arith.constant 0 : i32
          %scan3A_395 = arith.constant 1 : i32
          %scan3A_396 = arith.addi %scan3A_147, %scan3A_395 : i32
          %mul3A_397 = arith.constant 16 : i32
          %mul3A_398 = arith.muli %scan3A_396, %mul3A_397 : i32
          %get3A_399 = arith.index_cast %and3A_117 : i32 to index
          %get3A_400 = arith.index_cast %mul3A_398 : i32 to index
          %get3A_401 = tpu.vector_load %arg7[%get3A_399, %get3A_400] {strides = array<i32>} : memref<16x1024xf32, #tpu.memory_space<vmem>>, vector<1x16xf32>,
          %get3A_402 = vector.shape_cast %get3A_401 : vector<1x16xf32> to vector<16xf32>
          %get3A_403 = arith.constant 0 : i32
          %get3A_404 = arith.index_cast %get3A_403 : i32 to index
          %get3A_405 = arith.index_cast %mul3A_398 : i32 to index
          %get3A_406 = tpu.vector_load %arg11[%get3A_404, %get3A_405] {strides = array<i32>} : memref<16x1024xf32, #tpu.memory_space<vmem>>, vector<1x16xf32>,
          %get3A_407 = vector.shape_cast %get3A_406 : vector<1x16xf32> to vector<16xf32>
          %get3A_408 = arith.constant 1 : i32
          %get3A_409 = arith.index_cast %get3A_408 : i32 to index
          %get3A_410 = arith.index_cast %mul3A_398 : i32 to index
          %get3A_411 = tpu.vector_load %arg11[%get3A_409, %get3A_410] {strides = array<i32>} : memref<16x1024xf32, #tpu.memory_space<vmem>>, vector<1x16xf32>,
          %get3A_412 = vector.shape_cast %get3A_411 : vector<1x16xf32> to vector<16xf32>
          %get3A_413 = arith.constant 2 : i32
          %get3A_414 = arith.index_cast %get3A_413 : i32 to index
          %get3A_415 = arith.index_cast %mul3A_398 : i32 to index
          %get3A_416 = tpu.vector_load %arg11[%get3A_414, %get3A_415] {strides = array<i32>} : memref<16x1024xf32, #tpu.memory_space<vmem>>, vector<1x16xf32>,
          %get3A_417 = vector.shape_cast %get3A_416 : vector<1x16xf32> to vector<16xf32>
          %get3A_418 = arith.constant 3 : i32
          %get3A_419 = arith.index_cast %get3A_418 : i32 to index
          %get3A_420 = arith.index_cast %mul3A_398 : i32 to index
          %get3A_421 = tpu.vector_load %arg11[%get3A_419, %get3A_420] {strides = array<i32>} : memref<16x1024xf32, #tpu.memory_space<vmem>>, vector<1x16xf32>,
          %get3A_422 = vector.shape_cast %get3A_421 : vector<1x16xf32> to vector<16xf32>
          %get3A_423 = arith.constant 4 : i32
          %get3A_424 = arith.index_cast %get3A_423 : i32 to index
          %get3A_425 = arith.index_cast %mul3A_398 : i32 to index
          %get3A_426 = tpu.vector_load %arg11[%get3A_424, %get3A_425] {strides = array<i32>} : memref<16x1024xf32, #tpu.memory_space<vmem>>, vector<1x16xf32>,
          %get3A_427 = vector.shape_cast %get3A_426 : vector<1x16xf32> to vector<16xf32>
          %get3A_428 = arith.constant 5 : i32
          %get3A_429 = arith.index_cast %get3A_428 : i32 to index
          %get3A_430 = arith.index_cast %mul3A_398 : i32 to index
          %get3A_431 = tpu.vector_load %arg11[%get3A_429, %get3A_430] {strides = array<i32>} : memref<16x1024xf32, #tpu.memory_space<vmem>>, vector<1x16xf32>,
          %get3A_432 = vector.shape_cast %get3A_431 : vector<1x16xf32> to vector<16xf32>
          %get3A_433 = arith.constant 6 : i32
          %get3A_434 = arith.index_cast %get3A_433 : i32 to index
          %get3A_435 = arith.index_cast %mul3A_398 : i32 to index
          %get3A_436 = tpu.vector_load %arg11[%get3A_434, %get3A_435] {strides = array<i32>} : memref<16x1024xf32, #tpu.memory_space<vmem>>, vector<1x16xf32>,
          %get3A_437 = vector.shape_cast %get3A_436 : vector<1x16xf32> to vector<16xf32>
          %get3A_438 = arith.constant 7 : i32
          %get3A_439 = arith.index_cast %get3A_438 : i32 to index
          %get3A_440 = arith.index_cast %mul3A_398 : i32 to index
          %get3A_441 = tpu.vector_load %arg11[%get3A_439, %get3A_440] {strides = array<i32>} : memref<16x1024xf32, #tpu.memory_space<vmem>>, vector<1x16xf32>,
          %get3A_442 = vector.shape_cast %get3A_441 : vector<1x16xf32> to vector<16xf32>
          %get3A_443 = arith.constant 8 : i32
          %get3A_444 = arith.index_cast %get3A_443 : i32 to index
          %get3A_445 = arith.index_cast %mul3A_398 : i32 to index
          %get3A_446 = tpu.vector_load %arg11[%get3A_444, %get3A_445] {strides = array<i32>} : memref<16x1024xf32, #tpu.memory_space<vmem>>, vector<1x16xf32>,
          %get3A_447 = vector.shape_cast %get3A_446 : vector<1x16xf32> to vector<16xf32>
          %get3A_448 = arith.constant 9 : i32
          %get3A_449 = arith.index_cast %get3A_448 : i32 to index
          %get3A_450 = arith.index_cast %mul3A_398 : i32 to index
          %get3A_451 = tpu.vector_load %arg11[%get3A_449, %get3A_450] {strides = array<i32>} : memref<16x1024xf32, #tpu.memory_space<vmem>>, vector<1x16xf32>,
          %get3A_452 = vector.shape_cast %get3A_451 : vector<1x16xf32> to vector<16xf32>
          %get3A_453 = arith.constant 10 : i32
          %get3A_454 = arith.index_cast %get3A_453 : i32 to index
          %get3A_455 = arith.index_cast %mul3A_398 : i32 to index
          %get3A_456 = tpu.vector_load %arg11[%get3A_454, %get3A_455] {strides = array<i32>} : memref<16x1024xf32, #tpu.memory_space<vmem>>, vector<1x16xf32>,
          %get3A_457 = vector.shape_cast %get3A_456 : vector<1x16xf32> to vector<16xf32>
          %get3A_458 = arith.constant 11 : i32
          %get3A_459 = arith.index_cast %get3A_458 : i32 to index
          %get3A_460 = arith.index_cast %mul3A_398 : i32 to index
          %get3A_461 = tpu.vector_load %arg11[%get3A_459, %get3A_460] {strides = array<i32>} : memref<16x1024xf32, #tpu.memory_space<vmem>>, vector<1x16xf32>,
          %get3A_462 = vector.shape_cast %get3A_461 : vector<1x16xf32> to vector<16xf32>
          %get3A_463 = arith.constant 12 : i32
          %get3A_464 = arith.index_cast %get3A_463 : i32 to index
          %get3A_465 = arith.index_cast %mul3A_398 : i32 to index
          %get3A_466 = tpu.vector_load %arg11[%get3A_464, %get3A_465] {strides = array<i32>} : memref<16x1024xf32, #tpu.memory_space<vmem>>, vector<1x16xf32>,
          %get3A_467 = vector.shape_cast %get3A_466 : vector<1x16xf32> to vector<16xf32>
          %get3A_468 = arith.constant 13 : i32
          %get3A_469 = arith.index_cast %get3A_468 : i32 to index
          %get3A_470 = arith.index_cast %mul3A_398 : i32 to index
          %get3A_471 = tpu.vector_load %arg11[%get3A_469, %get3A_470] {strides = array<i32>} : memref<16x1024xf32, #tpu.memory_space<vmem>>, vector<1x16xf32>,
          %get3A_472 = vector.shape_cast %get3A_471 : vector<1x16xf32> to vector<16xf32>
          %get3A_473 = arith.constant 14 : i32
          %get3A_474 = arith.index_cast %get3A_473 : i32 to index
          %get3A_475 = arith.index_cast %mul3A_398 : i32 to index
          %get3A_476 = tpu.vector_load %arg11[%get3A_474, %get3A_475] {strides = array<i32>} : memref<16x1024xf32, #tpu.memory_space<vmem>>, vector<1x16xf32>,
          %get3A_477 = vector.shape_cast %get3A_476 : vector<1x16xf32> to vector<16xf32>
          %get3A_478 = arith.constant 15 : i32
          %get3A_479 = arith.index_cast %get3A_478 : i32 to index
          %get3A_480 = arith.index_cast %mul3A_398 : i32 to index
          %get3A_481 = tpu.vector_load %arg11[%get3A_479, %get3A_480] {strides = array<i32>} : memref<16x1024xf32, #tpu.memory_space<vmem>>, vector<1x16xf32>,
          %get3A_482 = vector.shape_cast %get3A_481 : vector<1x16xf32> to vector<16xf32>
          %mul3A_483 = arith.constant 3.200000e+01 : f32
          %mul3A_484 = vector.broadcast %mul3A_483 : f32 to vector<16xf32>
          %mul3A_485 = arith.mulf %get3A_407, %mul3A_484 : vector<16xf32>
          %add3A_486 = arith.addf %mul3A_485, %get3A_402 : vector<16xf32>
          %swap3A_487 = arith.constant 0 : i32
          %swap3A_488 = arith.index_cast %swap3A_487 : i32 to index
          %swap3A_489 = arith.index_cast %mul3A_398 : i32 to index
          %swap3A_490 = tpu.vector_load %arg13[%swap3A_488, %swap3A_489] {strides = array<i32>} : memref<16x1024xf32, #tpu.memory_space<vmem>>, vector<1x16xf32>,
          %swap3A_491 = vector.shape_cast %swap3A_490 : vector<1x16xf32> to vector<16xf32>
          %swap3A_492 = vector.shape_cast %add3A_486 : vector<16xf32> to vector<1x16xf32>
          tpu.vector_store %arg13[%swap3A_488, %swap3A_489], %swap3A_492 {strides = array<i32>} : memref<16x1024xf32, #tpu.memory_space<vmem>>, vector<1x16xf32>,
          %mul3A_493 = arith.constant 3.200000e+01 : f32
          %mul3A_494 = vector.broadcast %mul3A_493 : f32 to vector<16xf32>
          %mul3A_495 = arith.mulf %get3A_412, %mul3A_494 : vector<16xf32>
          %add3A_496 = arith.addf %mul3A_495, %get3A_402 : vector<16xf32>
          %swap3A_497 = arith.constant 1 : i32
          %swap3A_498 = arith.index_cast %swap3A_497 : i32 to index
          %swap3A_499 = arith.index_cast %mul3A_398 : i32 to index
          %swap3A_500 = tpu.vector_load %arg13[%swap3A_498, %swap3A_499] {strides = array<i32>} : memref<16x1024xf32, #tpu.memory_space<vmem>>, vector<1x16xf32>,
          %swap3A_501 = vector.shape_cast %swap3A_500 : vector<1x16xf32> to vector<16xf32>
          %swap3A_502 = vector.shape_cast %add3A_496 : vector<16xf32> to vector<1x16xf32>
          tpu.vector_store %arg13[%swap3A_498, %swap3A_499], %swap3A_502 {strides = array<i32>} : memref<16x1024xf32, #tpu.memory_space<vmem>>, vector<1x16xf32>,
          %mul3A_503 = arith.constant 3.200000e+01 : f32
          %mul3A_504 = vector.broadcast %mul3A_503 : f32 to vector<16xf32>
          %mul3A_505 = arith.mulf %get3A_417, %mul3A_504 : vector<16xf32>
          %add3A_506 = arith.addf %mul3A_505, %get3A_402 : vector<16xf32>
          %swap3A_507 = arith.constant 2 : i32
          %swap3A_508 = arith.index_cast %swap3A_507 : i32 to index
          %swap3A_509 = arith.index_cast %mul3A_398 : i32 to index
          %swap3A_510 = tpu.vector_load %arg13[%swap3A_508, %swap3A_509] {strides = array<i32>} : memref<16x1024xf32, #tpu.memory_space<vmem>>, vector<1x16xf32>,
          %swap3A_511 = vector.shape_cast %swap3A_510 : vector<1x16xf32> to vector<16xf32>
          %swap3A_512 = vector.shape_cast %add3A_506 : vector<16xf32> to vector<1x16xf32>
          tpu.vector_store %arg13[%swap3A_508, %swap3A_509], %swap3A_512 {strides = array<i32>} : memref<16x1024xf32, #tpu.memory_space<vmem>>, vector<1x16xf32>,
          %mul3A_513 = arith.constant 3.200000e+01 : f32
          %mul3A_514 = vector.broadcast %mul3A_513 : f32 to vector<16xf32>
          %mul3A_515 = arith.mulf %get3A_422, %mul3A_514 : vector<16xf32>
          %add3A_516 = arith.addf %mul3A_515, %get3A_402 : vector<16xf32>
          %swap3A_517 = arith.constant 3 : i32
          %swap3A_518 = arith.index_cast %swap3A_517 : i32 to index
          %swap3A_519 = arith.index_cast %mul3A_398 : i32 to index
          %swap3A_520 = tpu.vector_load %arg13[%swap3A_518, %swap3A_519] {strides = array<i32>} : memref<16x1024xf32, #tpu.memory_space<vmem>>, vector<1x16xf32>,
          %swap3A_521 = vector.shape_cast %swap3A_520 : vector<1x16xf32> to vector<16xf32>
          %swap3A_522 = vector.shape_cast %add3A_516 : vector<16xf32> to vector<1x16xf32>
          tpu.vector_store %arg13[%swap3A_518, %swap3A_519], %swap3A_522 {strides = array<i32>} : memref<16x1024xf32, #tpu.memory_space<vmem>>, vector<1x16xf32>,
          %mul3A_523 = arith.constant 3.200000e+01 : f32
          %mul3A_524 = vector.broadcast %mul3A_523 : f32 to vector<16xf32>
          %mul3A_525 = arith.mulf %get3A_427, %mul3A_524 : vector<16xf32>
          %add3A_526 = arith.addf %mul3A_525, %get3A_402 : vector<16xf32>
          %swap3A_527 = arith.constant 4 : i32
          %swap3A_528 = arith.index_cast %swap3A_527 : i32 to index
          %swap3A_529 = arith.index_cast %mul3A_398 : i32 to index
          %swap3A_530 = tpu.vector_load %arg13[%swap3A_528, %swap3A_529] {strides = array<i32>} : memref<16x1024xf32, #tpu.memory_space<vmem>>, vector<1x16xf32>,
          %swap3A_531 = vector.shape_cast %swap3A_530 : vector<1x16xf32> to vector<16xf32>
          %swap3A_532 = vector.shape_cast %add3A_526 : vector<16xf32> to vector<1x16xf32>
          tpu.vector_store %arg13[%swap3A_528, %swap3A_529], %swap3A_532 {strides = array<i32>} : memref<16x1024xf32, #tpu.memory_space<vmem>>, vector<1x16xf32>,
          %mul3A_533 = arith.constant 3.200000e+01 : f32
          %mul3A_534 = vector.broadcast %mul3A_533 : f32 to vector<16xf32>
          %mul3A_535 = arith.mulf %get3A_432, %mul3A_534 : vector<16xf32>
          %add3A_536 = arith.addf %mul3A_535, %get3A_402 : vector<16xf32>
          %swap3A_537 = arith.constant 5 : i32
          %swap3A_538 = arith.index_cast %swap3A_537 : i32 to index
          %swap3A_539 = arith.index_cast %mul3A_398 : i32 to index
          %swap3A_540 = tpu.vector_load %arg13[%swap3A_538, %swap3A_539] {strides = array<i32>} : memref<16x1024xf32, #tpu.memory_space<vmem>>, vector<1x16xf32>,
          %swap3A_541 = vector.shape_cast %swap3A_540 : vector<1x16xf32> to vector<16xf32>
          %swap3A_542 = vector.shape_cast %add3A_536 : vector<16xf32> to vector<1x16xf32>
          tpu.vector_store %arg13[%swap3A_538, %swap3A_539], %swap3A_542 {strides = array<i32>} : memref<16x1024xf32, #tpu.memory_space<vmem>>, vector<1x16xf32>,
          %mul3A_543 = arith.constant 3.200000e+01 : f32
          %mul3A_544 = vector.broadcast %mul3A_543 : f32 to vector<16xf32>
          %mul3A_545 = arith.mulf %get3A_437, %mul3A_544 : vector<16xf32>
          %add3A_546 = arith.addf %mul3A_545, %get3A_402 : vector<16xf32>
          %swap3A_547 = arith.constant 6 : i32
          %swap3A_548 = arith.index_cast %swap3A_547 : i32 to index
          %swap3A_549 = arith.index_cast %mul3A_398 : i32 to index
          %swap3A_550 = tpu.vector_load %arg13[%swap3A_548, %swap3A_549] {strides = array<i32>} : memref<16x1024xf32, #tpu.memory_space<vmem>>, vector<1x16xf32>,
          %swap3A_551 = vector.shape_cast %swap3A_550 : vector<1x16xf32> to vector<16xf32>
          %swap3A_552 = vector.shape_cast %add3A_546 : vector<16xf32> to vector<1x16xf32>
          tpu.vector_store %arg13[%swap3A_548, %swap3A_549], %swap3A_552 {strides = array<i32>} : memref<16x1024xf32, #tpu.memory_space<vmem>>, vector<1x16xf32>,
          %mul3A_553 = arith.constant 3.200000e+01 : f32
          %mul3A_554 = vector.broadcast %mul3A_553 : f32 to vector<16xf32>
          %mul3A_555 = arith.mulf %get3A_442, %mul3A_554 : vector<16xf32>
          %add3A_556 = arith.addf %mul3A_555, %get3A_402 : vector<16xf32>
          %swap3A_557 = arith.constant 7 : i32
          %swap3A_558 = arith.index_cast %swap3A_557 : i32 to index
          %swap3A_559 = arith.index_cast %mul3A_398 : i32 to index
          %swap3A_560 = tpu.vector_load %arg13[%swap3A_558, %swap3A_559] {strides = array<i32>} : memref<16x1024xf32, #tpu.memory_space<vmem>>, vector<1x16xf32>,
          %swap3A_561 = vector.shape_cast %swap3A_560 : vector<1x16xf32> to vector<16xf32>
          %swap3A_562 = vector.shape_cast %add3A_556 : vector<16xf32> to vector<1x16xf32>
          tpu.vector_store %arg13[%swap3A_558, %swap3A_559], %swap3A_562 {strides = array<i32>} : memref<16x1024xf32, #tpu.memory_space<vmem>>, vector<1x16xf32>,
          %mul3A_563 = arith.constant 3.200000e+01 : f32
          %mul3A_564 = vector.broadcast %mul3A_563 : f32 to vector<16xf32>
          %mul3A_565 = arith.mulf %get3A_447, %mul3A_564 : vector<16xf32>
          %add3A_566 = arith.addf %mul3A_565, %get3A_402 : vector<16xf32>
          %swap3A_567 = arith.constant 8 : i32
          %swap3A_568 = arith.index_cast %swap3A_567 : i32 to index
          %swap3A_569 = arith.index_cast %mul3A_398 : i32 to index
          %swap3A_570 = tpu.vector_load %arg13[%swap3A_568, %swap3A_569] {strides = array<i32>} : memref<16x1024xf32, #tpu.memory_space<vmem>>, vector<1x16xf32>,
          %swap3A_571 = vector.shape_cast %swap3A_570 : vector<1x16xf32> to vector<16xf32>
          %swap3A_572 = vector.shape_cast %add3A_566 : vector<16xf32> to vector<1x16xf32>
          tpu.vector_store %arg13[%swap3A_568, %swap3A_569], %swap3A_572 {strides = array<i32>} : memref<16x1024xf32, #tpu.memory_space<vmem>>, vector<1x16xf32>,
          %mul3A_573 = arith.constant 3.200000e+01 : f32
          %mul3A_574 = vector.broadcast %mul3A_573 : f32 to vector<16xf32>
          %mul3A_575 = arith.mulf %get3A_452, %mul3A_574 : vector<16xf32>
          %add3A_576 = arith.addf %mul3A_575, %get3A_402 : vector<16xf32>
          %swap3A_577 = arith.constant 9 : i32
          %swap3A_578 = arith.index_cast %swap3A_577 : i32 to index
          %swap3A_579 = arith.index_cast %mul3A_398 : i32 to index
          %swap3A_580 = tpu.vector_load %arg13[%swap3A_578, %swap3A_579] {strides = array<i32>} : memref<16x1024xf32, #tpu.memory_space<vmem>>, vector<1x16xf32>,
          %swap3A_581 = vector.shape_cast %swap3A_580 : vector<1x16xf32> to vector<16xf32>
          %swap3A_582 = vector.shape_cast %add3A_576 : vector<16xf32> to vector<1x16xf32>
          tpu.vector_store %arg13[%swap3A_578, %swap3A_579], %swap3A_582 {strides = array<i32>} : memref<16x1024xf32, #tpu.memory_space<vmem>>, vector<1x16xf32>,
          %mul3A_583 = arith.constant 3.200000e+01 : f32
          %mul3A_584 = vector.broadcast %mul3A_583 : f32 to vector<16xf32>
          %mul3A_585 = arith.mulf %get3A_457, %mul3A_584 : vector<16xf32>
          %add3A_586 = arith.addf %mul3A_585, %get3A_402 : vector<16xf32>
          %swap3A_587 = arith.constant 10 : i32
          %swap3A_588 = arith.index_cast %swap3A_587 : i32 to index
          %swap3A_589 = arith.index_cast %mul3A_398 : i32 to index
          %swap3A_590 = tpu.vector_load %arg13[%swap3A_588, %swap3A_589] {strides = array<i32>} : memref<16x1024xf32, #tpu.memory_space<vmem>>, vector<1x16xf32>,
          %swap3A_591 = vector.shape_cast %swap3A_590 : vector<1x16xf32> to vector<16xf32>
          %swap3A_592 = vector.shape_cast %add3A_586 : vector<16xf32> to vector<1x16xf32>
          tpu.vector_store %arg13[%swap3A_588, %swap3A_589], %swap3A_592 {strides = array<i32>} : memref<16x1024xf32, #tpu.memory_space<vmem>>, vector<1x16xf32>,
          %mul3A_593 = arith.constant 3.200000e+01 : f32
          %mul3A_594 = vector.broadcast %mul3A_593 : f32 to vector<16xf32>
          %mul3A_595 = arith.mulf %get3A_462, %mul3A_594 : vector<16xf32>
          %add3A_596 = arith.addf %mul3A_595, %get3A_402 : vector<16xf32>
          %swap3A_597 = arith.constant 11 : i32
          %swap3A_598 = arith.index_cast %swap3A_597 : i32 to index
          %swap3A_599 = arith.index_cast %mul3A_398 : i32 to index
          %swap3A_600 = tpu.vector_load %arg13[%swap3A_598, %swap3A_599] {strides = array<i32>} : memref<16x1024xf32, #tpu.memory_space<vmem>>, vector<1x16xf32>,
          %swap3A_601 = vector.shape_cast %swap3A_600 : vector<1x16xf32> to vector<16xf32>
          %swap3A_602 = vector.shape_cast %add3A_596 : vector<16xf32> to vector<1x16xf32>
          tpu.vector_store %arg13[%swap3A_598, %swap3A_599], %swap3A_602 {strides = array<i32>} : memref<16x1024xf32, #tpu.memory_space<vmem>>, vector<1x16xf32>,
          %mul3A_603 = arith.constant 3.200000e+01 : f32
          %mul3A_604 = vector.broadcast %mul3A_603 : f32 to vector<16xf32>
          %mul3A_605 = arith.mulf %get3A_467, %mul3A_604 : vector<16xf32>
          %add3A_606 = arith.addf %mul3A_605, %get3A_402 : vector<16xf32>
          %swap3A_607 = arith.constant 12 : i32
          %swap3A_608 = arith.index_cast %swap3A_607 : i32 to index
          %swap3A_609 = arith.index_cast %mul3A_398 : i32 to index
          %swap3A_610 = tpu.vector_load %arg13[%swap3A_608, %swap3A_609] {strides = array<i32>} : memref<16x1024xf32, #tpu.memory_space<vmem>>, vector<1x16xf32>,
          %swap3A_611 = vector.shape_cast %swap3A_610 : vector<1x16xf32> to vector<16xf32>
          %swap3A_612 = vector.shape_cast %add3A_606 : vector<16xf32> to vector<1x16xf32>
          tpu.vector_store %arg13[%swap3A_608, %swap3A_609], %swap3A_612 {strides = array<i32>} : memref<16x1024xf32, #tpu.memory_space<vmem>>, vector<1x16xf32>,
          %mul3A_613 = arith.constant 3.200000e+01 : f32
          %mul3A_614 = vector.broadcast %mul3A_613 : f32 to vector<16xf32>
          %mul3A_615 = arith.mulf %get3A_472, %mul3A_614 : vector<16xf32>
          %add3A_616 = arith.addf %mul3A_615, %get3A_402 : vector<16xf32>
          %swap3A_617 = arith.constant 13 : i32
          %swap3A_618 = arith.index_cast %swap3A_617 : i32 to index
          %swap3A_619 = arith.index_cast %mul3A_398 : i32 to index
          %swap3A_620 = tpu.vector_load %arg13[%swap3A_618, %swap3A_619] {strides = array<i32>} : memref<16x1024xf32, #tpu.memory_space<vmem>>, vector<1x16xf32>,
          %swap3A_621 = vector.shape_cast %swap3A_620 : vector<1x16xf32> to vector<16xf32>
          %swap3A_622 = vector.shape_cast %add3A_616 : vector<16xf32> to vector<1x16xf32>
          tpu.vector_store %arg13[%swap3A_618, %swap3A_619], %swap3A_622 {strides = array<i32>} : memref<16x1024xf32, #tpu.memory_space<vmem>>, vector<1x16xf32>,
          %mul3A_623 = arith.constant 3.200000e+01 : f32
          %mul3A_624 = vector.broadcast %mul3A_623 : f32 to vector<16xf32>
          %mul3A_625 = arith.mulf %get3A_477, %mul3A_624 : vector<16xf32>
          %add3A_626 = arith.addf %mul3A_625, %get3A_402 : vector<16xf32>
          %swap3A_627 = arith.constant 14 : i32
          %swap3A_628 = arith.index_cast %swap3A_627 : i32 to index
          %swap3A_629 = arith.index_cast %mul3A_398 : i32 to index
          %swap3A_630 = tpu.vector_load %arg13[%swap3A_628, %swap3A_629] {strides = array<i32>} : memref<16x1024xf32, #tpu.memory_space<vmem>>, vector<1x16xf32>,
          %swap3A_631 = vector.shape_cast %swap3A_630 : vector<1x16xf32> to vector<16xf32>
          %swap3A_632 = vector.shape_cast %add3A_626 : vector<16xf32> to vector<1x16xf32>
          tpu.vector_store %arg13[%swap3A_628, %swap3A_629], %swap3A_632 {strides = array<i32>} : memref<16x1024xf32, #tpu.memory_space<vmem>>, vector<1x16xf32>,
          %mul3A_633 = arith.constant 3.200000e+01 : f32
          %mul3A_634 = vector.broadcast %mul3A_633 : f32 to vector<16xf32>
          %mul3A_635 = arith.mulf %get3A_482, %mul3A_634 : vector<16xf32>
          %add3A_636 = arith.addf %mul3A_635, %get3A_402 : vector<16xf32>
          %swap3A_637 = arith.constant 15 : i32
          %swap3A_638 = arith.index_cast %swap3A_637 : i32 to index
          %swap3A_639 = arith.index_cast %mul3A_398 : i32 to index
          %swap3A_640 = tpu.vector_load %arg13[%swap3A_638, %swap3A_639] {strides = array<i32>} : memref<16x1024xf32, #tpu.memory_space<vmem>>, vector<1x16xf32>,
          %swap3A_641 = vector.shape_cast %swap3A_640 : vector<1x16xf32> to vector<16xf32>
          %swap3A_642 = vector.shape_cast %add3A_636 : vector<16xf32> to vector<1x16xf32>
          tpu.vector_store %arg13[%swap3A_638, %swap3A_639], %swap3A_642 {strides = array<i32>} : memref<16x1024xf32, #tpu.memory_space<vmem>>, vector<1x16xf32>,
          %scan3A_643 = arith.constant 0 : i32
          scf.yield %scan3A_643 : i32
        }
        %scan3A_139 = arith.constant 64 : i32
        %dma_start3A_140 = arith.constant 1 : i32
        %dma_start3A_141 = arith.constant 0 : i32
        %dma_start3A_142 = tpu.memref_slice %arg8[%dma_start3A_140, %dma_start3A_141] : memref<2x16xi32, #tpu.memory_space<vmem>> -> memref<1x16xi32, #tpu.memory_space<vmem>>
        %dma_start3A_143 = tpu.memref_squeeze %dma_start3A_142 : memref<1x16xi32, #tpu.memory_space<vmem>> -> memref<16xi32, #tpu.memory_space<vmem>>
        %dma_start3A_144 = arith.constant 0 : i32
        %dma_start3A_145 = arith.constant 0 : i32
        %dma_start3A_146 = tpu.memref_slice %arg5[%dma_start3A_144, %dma_start3A_145] : memref<163840x1024xf32, #tpu.memory_space<hbm>> -> memref<163840x1024xf32, #tpu.memory_space<hbm>>
        tpu.enqueue_indirect_dma source(%arg13 : memref<16x1024xf32, #tpu.memory_space<vmem>>) target(%dma_start3A_146 : memref<163840x1024xf32, #tpu.memory_space<hbm>>) offsets(%dma_start3A_143 : memref<16xi32, #tpu.memory_space<vmem>>) semaphore(%arg18 : memref<!tpu.dma_semaphore, #tpu.memory_space<semaphore_mem>>)
      } else {
      }
      %eq3A_97 = arith.constant 2 : i32
      %eq3A_98 = arith.cmpi eq, %scan3A_33, %eq3A_97 : i32
      %add3A_99 = arith.constant 1 : i32
      %add3A_100 = arith.addi %scan3A_33, %add3A_99 : i32
      %jit3A = arith.constant 0 : i32
      %select_n3A = arith.select %eq3A_98, %jit3A, %add3A_100 : i32
      scf.yield %select_n3A : i32
    }
    %scan3A_20 = arith.constant 320 : i32
    %dma_wait3A = arith.constant 0 : i32
    %dma_wait3A_21 = arith.constant 0 : i32
    %dma_wait3A_22 = tpu.memref_slice %arg5[%dma_wait3A, %dma_wait3A_21] : memref<163840x1024xf32, #tpu.memory_space<hbm>> -> memref<16x1024xf32, #tpu.memory_space<hbm>>
    %dma_wait3A_23 = arith.constant 0 : i32
    %dma_wait3A_24 = arith.constant 0 : i32
    %dma_wait3A_25 = tpu.memref_slice %arg5[%dma_wait3A_23, %dma_wait3A_24] : memref<163840x1024xf32, #tpu.memory_space<hbm>> -> memref<16x1024xf32, #tpu.memory_space<hbm>>
    tpu.wait_dma2 semaphore(%arg17 : memref<!tpu.dma_semaphore, #tpu.memory_space<semaphore_mem>>) src(%arg12 : memref<16x1024xf32, #tpu.memory_space<vmem>>) dst(%dma_wait3A_25 : memref<16x1024xf32, #tpu.memory_space<hbm>>)
    %dma_wait3A_26 = arith.constant 0 : i32
    %dma_wait3A_27 = arith.constant 0 : i32
    %dma_wait3A_28 = tpu.memref_slice %arg5[%dma_wait3A_26, %dma_wait3A_27] : memref<163840x1024xf32, #tpu.memory_space<hbm>> -> memref<16x1024xf32, #tpu.memory_space<hbm>>
    %dma_wait3A_29 = arith.constant 0 : i32
    %dma_wait3A_30 = arith.constant 0 : i32
    %dma_wait3A_31 = tpu.memref_slice %arg5[%dma_wait3A_29, %dma_wait3A_30] : memref<163840x1024xf32, #tpu.memory_space<hbm>> -> memref<16x1024xf32, #tpu.memory_space<hbm>>
    tpu.wait_dma2 semaphore(%arg18 : memref<!tpu.dma_semaphore, #tpu.memory_space<semaphore_mem>>) src(%arg13 : memref<16x1024xf32, #tpu.memory_space<vmem>>) dst(%dma_wait3A_31 : memref<16x1024xf32, #tpu.memory_space<hbm>>)
    return
  }
}

</mosaic_0001>

<sc_bundles>
// kernel: _embed.3.cloned.1.call-start
scs
__scs_entry_jumppad:
0x0: {  	(pc) =	sbr.rel $0x88, $3  }
0x1: {  	(tag) =	ssettag $0x0;
	lr =	simm.s32 $0x1  }
0x2: {  	[smem:$0x3F9F] =	sst lr;
	_ =	strace $0xD0000000  }
0x3: {  	_ = 	snop  }
0x4: {  	_ = 	snop  }
0x5: {  	_ = 	snop  }
0x6: {  	_ = 	snop  }
0x7: {  	_ = 	snop  }
__scs_overlays_trampoline_lowered:
0x8: {  	[smem:$0x3FAE] =	sst s0  }
0x9: {  	[smem:$0x3FAF] =	sst s1  }
0xa: {  	[smem:$0x3FB0] =	sst s2  }
0xb: {  	[smem:$0x3FB1] =	sst s3  }
0xc: {  	[smem:$0x3FB2] =	sst s4  }
0xd: {  	[smem:$0x3FB3] =	sst s5  }
0xe: {  	[smem:$0x3FB4] =	sst s6  }
0xf: {  	[smem:$0x3FB5] =	sst s7  }
0x10: {  	[smem:$0x3FB6] =	sst s8  }
0x11: {  	[smem:$0x3FB7] =	sst s9;
	s0 =	simm.s32 @!p0 $0x0  }
0x12: {  	s1 =	sld [smem:$0x3F9D];
	s0 =	simm.s32 @p0 $0x1  }
0x13: {  	[smem:$0x3FB8] =	sst s0;
	s0 =	simm.s32 @!p1 $0x0  }
0x14: {  	s2 =	sld [smem:$0x3F9C];
	s0 =	simm.s32 @p1 $0x1  }
0x15: {  	[smem:$0x3FB9] =	sst s0;
	s0 =	simm.s32 @!p2 $0x0  }
0x16: {  	s3 =	sld [smem:$0x3FDB];
	s0 =	simm.s32 @p2 $0x1  }
0x17: {  	s4 =	simm.s32 $0x1BF5;
	[smem:$0x3FBB] =	sst s0  }
0x18: {  	s0 =	sld [smem:$0x3F9E];
	_ =	swait.ge [sflag:s4], $0x0  }
0x19: {  	s7 =	sld [smem:$0x3F9F]  }
0x1a: {  	s8 =	sadd.s32 $0xFFFFE003, lr  }
0x1b: {  	s9 =	sadd.s32 $0xFFFFFEF7, lr;
	s5 =	simm.s32 $0xFFFFFFFF;
	p2 =	slt.u32 s8, $0xFFFFF086  }
0x1c: {  	p1 =	slt.u32 s9, $0xF7A;
	s5 =	simm.s32 @!p2 $0x0  }
0x1d: {  	s5 =	simm.s32 @p1 $0x1;
	p0 =	seq.s32 s7, s2  }
0x1e: {  	s7 =	smul.u32 @!p0 $0xF7A, s2;
	p2 =	seq.s32 @!p0 s5, $0x0  }
0x1f: {  	s9 =	smul.u32 $0xF7A, s1;
	s8 =	simm.s32 @!p0 $0x1BF5;
	p2 =	por !p2, p0  }
0x20: {  	[sflag:s8] =	ssyncset.s32 @!p0 $0xFFFFF086;
	s6 =	sadd.s32 @!p0 s3, s7;
	s7 =	simm.s32 @!p0 $0x108  }
0x21: {  	s3 =	sadd.s32 s3, s9;
	s6 =	sadd.s32 @!p0 $0x88, s6;
	s7 =	simm.s32 @p2 $0x1082  }
0x22: {  	[simem:s7], [sflag:s8] =	dma.local @!p0 [hbm:s6], $0xF7A  }
0x23: {  	s9 =	sor.u32 $0xD0000000, s2;
	s6 =	simm.s32 $0x108;
	_ =	swait.ge @!p0 [sflag:s8], $0x0  }
0x24: {  	s3 =	sadd.s32 $0x88, s3;
	s6 =	simm.s32 @!p1 $0x1082;
	[sflag:s4] =	ssyncset.s32 $0xFFFFF086  }
0x25: {  	[simem:s6], [sflag:s4] =	dma.local [hbm:s3], $0xF7A  }
0x26: {  	[smem:$0x3F9F] =	sst s1;
	(tag) =	ssettag s2;
	_ =	strace s9  }
0x27: {  	s1 =	sld [smem:$0x3FAF]  }
0x28: {  	s2 =	sld [smem:$0x3FB0]  }
0x29: {  	s4 =	sld [smem:$0x3FB2]  }
0x2a: {  	p0 =	seq.s32 s5, $0x0;
	s5 =	sld [smem:$0x3FB3]  }
0x2b: {  	s6 =	sld [smem:$0x3FB4]  }
0x2c: {  	s7 =	sld [smem:$0x3FB5]  }
0x2d: {  	s3 =	simm.s32 $0x108;
	s8 =	sld [smem:$0x3FB6]  }
0x2e: {  	s3 =	simm.s32 @!p0 $0x1082;
	s9 =	sld [smem:$0x3FB7]  }
0x2f: {  	lr =	sadd.s32 s0, s3;
	s0 =	sld [smem:$0x3FAE]  }
0x30: {  	s3 =	sld [smem:$0x3FB1]  }
0x31: {  	[smem:$0x3FBA] =	sst s10  }
0x32: {  	s10 =	sld [smem:$0x3FB8];
	_ =	sdelay $0x3  }
0x33: {  	p0 =	seq.s32 s10, $0x1;
	s10 =	sld [smem:$0x3FBA];
	_ =	sdelay $0x3  }
0x34: {  	[smem:$0x3FBA] =	sst s10  }
0x35: {  	s10 =	sld [smem:$0x3FB9];
	_ =	sdelay $0x3  }
0x36: {  	p1 =	seq.s32 s10, $0x1;
	s10 =	sld [smem:$0x3FBA];
	_ =	sdelay $0x3  }
0x37: {  	[smem:$0x3FBA] =	sst s10  }
0x38: {  	s10 =	sld [smem:$0x3FBB]  }
0x39: {  	_ = 	snop;
	(pc) =	sbr.ind lr, $3  }
0x3a: {  	_ = 	snop  }
0x3b: {  	_ = 	snop  }
0x3c: {  	p2 =	seq.s32 s10, $0x1;
	s10 =	sld [smem:$0x3FBA]  }
0x3d: {  	_ =	shalt  }
0x3e: {  	_ =	shalt  }
0x3f: {  	_ =	shalt  }
0x40: {  	_ =	shalt  }
0x41: {  	_ =	shalt  }
0x42: {  	_ =	shalt  }
0x43: {  	_ =	shalt  }
0x44: {  	_ =	shalt  }
0x45: {  	_ =	shalt  }
0x46: {  	_ =	shalt  }
0x47: {  	_ =	shalt  }
0x48: {  	_ =	shalt  }
0x49: {  	_ =	shalt  }
0x4a: {  	_ =	shalt  }
0x4b: {  	_ =	shalt  }
0x4c: {  	_ =	shalt  }
0x4d: {  	_ =	shalt  }
0x4e: {  	_ =	shalt  }
0x4f: {  	_ =	shalt  }
0x50: {  	_ =	shalt  }
0x51: {  	_ =	shalt  }
0x52: {  	_ =	shalt  }
0x53: {  	_ =	shalt  }
0x54: {  	_ =	shalt  }
0x55: {  	_ =	shalt  }
0x56: {  	_ =	shalt  }
0x57: {  	_ =	shalt  }
0x58: {  	_ =	shalt  }
0x59: {  	_ =	shalt  }
0x5a: {  	_ =	shalt  }
0x5b: {  	_ =	shalt  }
0x5c: {  	_ =	shalt  }
0x5d: {  	_ =	shalt  }
0x5e: {  	_ =	shalt  }
0x5f: {  	_ =	shalt  }
0x60: {  	_ =	shalt  }
0x61: {  	_ =	shalt  }
0x62: {  	_ =	shalt  }
0x63: {  	_ =	shalt  }
0x64: {  	_ =	shalt  }
0x65: {  	_ =	shalt  }
0x66: {  	_ =	shalt  }
0x67: {  	_ =	shalt  }
0x68: {  	_ =	shalt  }
0x69: {  	_ =	shalt  }
0x6a: {  	_ =	shalt  }
0x6b: {  	_ =	shalt  }
0x6c: {  	_ =	shalt  }
0x6d: {  	_ =	shalt  }
0x6e: {  	_ =	shalt  }
0x6f: {  	_ =	shalt  }
0x70: {  	_ =	shalt  }
0x71: {  	_ =	shalt  }
0x72: {  	_ =	shalt  }
0x73: {  	_ =	shalt  }
0x74: {  	_ =	shalt  }
0x75: {  	_ =	shalt  }
0x76: {  	_ =	shalt  }
0x77: {  	_ =	shalt  }
0x78: {  	_ =	shalt  }
0x79: {  	_ =	shalt  }
0x7a: {  	_ =	shalt  }
0x7b: {  	_ =	shalt  }
0x7c: {  	_ =	shalt  }
0x7d: {  	_ =	shalt  }
0x7e: {  	_ =	shalt  }
0x7f: {  	_ =	shalt  }
0x80: {  	_ =	shalt  }
0x81: {  	_ =	shalt  }
0x82: {  	_ =	shalt  }
0x83: {  	_ =	shalt  }
0x84: {  	_ =	shalt  }
0x85: {  	_ =	shalt  }
0x86: {  	_ =	shalt  }
0x87: {  	_ =	shalt  }
.Lfunc_end0:
.L_simem_size_0:
called_computation_lowered:
.L_overlay_start_0:
0x88: {  	s2 =	sld [smem:$0x3FD9]  }
0x89: {  	s3 =	sld [smem:$0x3FFE];
	_ =	sdelay $0x1  }
0x8a: {  	s1 =	srdreg.scid  }
0x8b: {  	s0 =	sand.u32 $0x1, s1  }
0x8c: {  	s17 =	sshll.u32 s0, $0xA;
	s2 =	sadd.s32 s3, s2  }
0x8d: {  	s2 =	sadd.s32 s2, s17  }
0x8e: {  	[smem:$0x3FC6] =	sst s2  }
0x8f: {  	_ = 	snop  }
0x90: {  	s2 =	sld [smem:$0x3FC8]  }
0x91: {  	s18 =	sld [smem:$0x3FD0];
	(tm) =	ssettm $0x1  }
0x92: {  	s4 =	sld [smem:$0x3FFB];
	_ =	sdelay $0x3  }
0x93: {  	_ =	strace s4  }
0x94: {  	s4 =	sld [smem:$0x3FFC];
	_ =	sdelay $0x3  }
0x95: {  	_ =	strace s4  }
0x96: {  	s4 =	sld [smem:$0x3FFD];
	_ =	sdelay $0x3  }
0x97: {  	_ =	strace s4  }
0x98: {  	_ =	strace $0x8FFFFFFF  }
0x99: {  	s19 =	sld [smem:$0x3FDB];
	_ =	sdelay $0x1  }
0x9a: {  	s5 =	simm.s32 $_scs_section_size  }
0x9b: {  	s6 =	simm.s32 $_size__tile_overlayer_lowered;
	s7 =	simm.s32 $_tile_overlayer_lowered  }
0x9c: {  	s22 =	simm.s32 $0x1BFF;
	s21 =	sshll.u32 s7, $0x1;
	s4 =	sadd.s32 s5, s19  }
0x9d: {  	s8 =	simm.s32 $0x0;
	s20 =	sshll.u32 s6, $0x1;
	s6 =	sadd.s32 s21, s4  }
0x9e: {  	[timem:s8], [sflag:s22] =	dma.local [hbm:s6], s20  }
0x9f: {  	_ =	swait.ge [sflag:s22], s20  }
0xa0: {  	s5 =	ssub.s32 $0x0, s20;
	[sflag:s22] =	ssyncset.done $0x0  }
0xa1: {  	[sflag:s22] =	ssyncadd.s32 s5;
	_ =	sdelay $0x1  }
0xa2: {  	s23 =	simm.s32 $0x1B8B  }
0xa3: {  	_ =	swait.ge [sflag:s23], $0x1  }
0xa4: {  	[sflag:s23] =	ssyncset.done $0x0  }
0xa5: {  	s25 =	simm.s32 $0x1B8E;
	s24 =	sld [smem:$0x3FFE];
	[sflag:s23] =	ssyncadd.s32 $0xFFFFFFFF  }
0xa6: {  	s26 =	simm.s32 $execute0_lowered;
	[smem:$0x3FD2] =	sst s25  }
0xa7: {  	s6 =	sshll.u32 s26, $0x1;
	_ =	strace $0x80000046;
	[dreg:$0x1] =	wrdreg $0xFFFFFFFF  }
0xa8: {  	s28 =	simm.s32 $_size_execute0_lowered;
	s4 =	sadd.s32 s4, s6;
	[dreg:$0x0] =	wrdreg $0x0  }
0xa9: {  	s6 =	sshll.u32 s28, $0x1;
	[dreg:$0x2] =	wrdreg s4  }
0xaa: {  	[dreg:$0x3] =	wrdreg s6  }
0xab: {  	[dreg:$0x4] =	wrdreg $0xC0  }
0xac: {  	_ =	task [dreg:s8], $0x5FFFF  }
0xad: {  	[dreg:$0x1] =	wrdreg $0xFFFFFFFF  }
0xae: {  	[dreg:$0x0] =	wrdreg $0x60  }
0xaf: {  	[dreg:$0x2] =	wrdreg s2  }
0xb0: {  	[dreg:$0x3] =	wrdreg s24  }
0xb1: {  	[dreg:$0x4] =	wrdreg s18  }
0xb2: {  	[dreg:$0x5] =	wrdreg $0x9  }
0xb3: {  	_ =	task.clear_ibuf [dreg:s8], $0x6FFFF;
	_ =	strace $0x90000046  }
0xb4: {  	s29 =	simm.s32 $0x9;
	_ =	strace $0x80000048  }
0xb5: {  	_ =	swait.ge [sflag:s29], $0x1  }
0xb6: {  	[sflag:s29] =	ssyncadd.s32 $0xFFFFFFFF  }
0xb7: {  	_ =	strace $0x90000048  }
0xb8: {  	_ =	sfence  }
0xb9: {  	s30 =	sld [smem:$0x0];
	_ =	sdelay $0x2  }
0xba: {  	s31 =	sshll.u32 s1, $0xD;
	s1 =	sshrl.u32 s1, $0x2  }
0xbb: {  	s3 =	sand.u32 $0x4000, s31;
	s1 =	sadd.s32 s1, s30  }
0xbc: {  	s0 =	sor.u32 s3, s0;
	s1 =	sshll.u32 s1, $0x11  }
0xbd: {  	s0 =	sor.u32 s1, s0  }
0xbe: {  	s0 =	sadd.s32 $0x8F2B, s0  }
0xbf: {  	[sflag:s0] =	ssyncadd.remote.s32 $0x1  }
0xc0: {  	_ =	sfence.sel $0xFFFF  }
0xc1: {  	[dreg:$0x0] =	wrdreg $0xFFFFFFFF;
	(pc) =	sbr.abs _section_cstart, $3  }
0xc2: {  	[dreg:$0x1] =	wrdreg $0xFFFFFFFF  }
0xc3: {  	_ =	task.clear_ibuf [dreg:s8], $0x2FFFF;
	_ =	strace $0x9FFFFFFF  }
0xc4: {  	(tm) =	ssettm $0x7FFFFFFF  }
0xc5: {  	_ =	shalt  }
tec
execute0_lowered:
.L_overlay_start_1:
0x0: {  	(tag) =	ssettag $0x1  }
0x1: {  	s1 =	rddreg [dreg:$0x0]  }
0x2: {  	s0 =	srdreg.scid;
	s3 =	stileid.u32  }
0x3: {  	s2 =	rddreg [dreg:$0x1];
	s22 =	simm.s32 $0x1;
	s20 =	simm.s32 $0x2  }
0x4: {  	s21 =	simm.s32 $0x3;
	s0 =	sand.u32 $0x1, s0;
	s4 =	sshll.u32 s3, $0x1  }
0x5: {  	s3 =	rddreg [dreg:$0x2];
	s8 =	sadd.s32 $0x100, s1;
	s9 =	sadd.s32 $0x200, s1  }
0x6: {  	s10 =	sadd.s32 $0x300, s1;
	s5 =	sor.u32 s0, s4;
	s4 =	simm.s32 $0x0  }
0x7: {  	s0 =	ssub.s32 $0x2, s0;
	s11 =	sadd.s32 $0x100, s3;
	s12 =	sadd.s32 $0x200, s3  }
0x8: {  	s5 =	smul.u32 $0x1400, s5;
	[smem:$0x7FF] =	sst s4;
	s30 =	sshrl.u32 s0, $0x1  }
.Ltmp0:
0x9: {  	_ =	strace $0x80000047;
	s0 =	ssub.s32 s0, s30;
	(pc) =	sbr.rel .LBB2_1-.Ltmp0, $4  }
0xa: {  	s6 =	sshrl.u32 s5, $0x3;
	[dreg:$0x4] =	wrdreg s5;
	s0 =	smax.u32 s0, $0x1  }
0xb: {  	v3 =	vlaneseq.u32;
	s7 =	sadd.s32 s6, s2;
	s2 =	sadd.s32 $0x5400, s2;
	[dreg:$0x7] =	wrdreg s0  }
0xc: {  	vm0 =	vmmov $0xffff;
	v1 =	vshrl.u32 v3, $0x3;
	v0 =	vand.u32 $0x7, v3;
	s13 =	sadd.s32 $0x300, s3;
	[dreg:$0x5] =	wrdreg s2;
	s31 =	sadd.s32 $0x400, s7  }
0xd: {  	v2 =	vor.u32 $0x8, v3;
	v3 =	vmul.u32 $0xA0, v3;
	v1 =	vmul.u32 $0x8, v1;
	s14 =	sadd.s32 $0xA00, s5;
	s5 =	simm.s32 $0x0;
	[dreg:$0x6] =	wrdreg s31  }
.LBB2_29:
0xe: {  	s0 =	simm.s32 $0x4  }
0xf: {  	_ =	swait.ge [sflag:s0], $0x4000  }
0x10: {  	[sflag:s0] =	ssyncset.done $0x0  }
0x11: {  	s2 =	simm.s32 $0x5;
	[sflag:s0] =	ssyncadd.s32 $0xFFFFC000  }
0x12: {  	_ =	swait.ge [sflag:s2], $0x4000  }
0x13: {  	s5 =	rddreg [dreg:$0x8]  }
0x14: {  	s31 =	rddreg [dreg:$0x7];
	s5 =	sadd.s32 $0x1, s5  }
0x15: {  	p0 =	sne.s32 s5, s31  }
.Ltmp1:
0x16: {  	_ = 	snop;
	(pc) =	sbr.rel @!p0 .LBB2_30-.Ltmp1, $3  }
0x17: {  	_ =	sdelay $0x1  }
0x18: {  	[sflag:s2] =	ssyncset.done $0x0  }
0x19: {  	[sflag:s2] =	ssyncadd.s32 $0xFFFFC000  }
.LBB2_1:
0x1a: {  	[dreg:$0x8] =	wrdreg s5  }
0x1b: {  	s0 =	rddreg [dreg:$0x6];
	s2 =	simm.s32 $0x6  }
0x1c: {  	[tilespmem:s4], [sflag:$0x6] =	stream.linear.gather [hbm4b:s0+s4], $0x1400, $0x38;
	[tilespmem:$0x19500] =	vst v63  }
0x1d: {  	_ =	swait.ge [sflag:s2], $0x1400  }
0x1e: {  	[sflag:s2] =	ssyncset.done $0x0  }
0x1f: {  	[sflag:s2] =	ssyncadd.s32 $0xFFFFEC00  }
0x20: {  	v4 =	vld [tilespmem:$0x0];
	_ =	sdelay $0x4  }
0x21: {  	v5 =	vshll.u32 v4, $0x3  }
0x22: {  	v4 =	vand.u32 $0x7, v4;
	v5 =	vand.u32 $0xFFFFFFC0, v5  }
0x23: {  	v4 =	vor.u32 v4, v5  }
0x24: {  	v5 =	vperm.xlane v4, v0;
	_ =	sdelay $0x1  }
0x25: {  	v5 =	vadd.s32 v1, v5;
	_ =	sdelay $0x3  }
0x26: {  	s5 =	simm.s32 $0x5500  }
0x27: {  	[tilespmem:s5], [sflag:$0x1] =	stream.indirect_vreg.gather [hbm4b:s1+s4], $0x80, v5, vm0, $0xb8;
	[tilespmem:$0x19500] =	vst v63  }
0x28: {  	s6 =	simm.s32 $0x5D00;
	v4 =	vperm.xlane v4, v2  }
0x29: {  	[tilespmem:s6], [sflag:$0x1] =	stream.indirect_vreg.gather [hbm4b:s8+s4], $0x80, v5, vm0, $0xb8;
	[tilespmem:$0x19500] =	vst v63  }
0x2a: {  	s7 =	simm.s32 $0x6500;
	v4 =	vadd.s32 v1, v4  }
0x2b: {  	[tilespmem:s7], [sflag:$0x1] =	stream.indirect_vreg.gather [hbm4b:s9+s4], $0x80, v5, vm0, $0xb8;
	[tilespmem:$0x19500] =	vst v63  }
0x2c: {  	s15 =	simm.s32 $0x6D00  }
0x2d: {  	[tilespmem:s15], [sflag:$0x1] =	stream.indirect_vreg.gather [hbm4b:s10+s4], $0x80, v5, vm0, $0xb8;
	[tilespmem:$0x19500] =	vst v63  }
0x2e: {  	s16 =	simm.s32 $0x7500  }
0x2f: {  	[tilespmem:s16], [sflag:$0x1] =	stream.indirect_vreg.gather [hbm4b:s1+s4], $0x80, v4, vm0, $0xb8;
	[tilespmem:$0x19500] =	vst v63  }
0x30: {  	s17 =	simm.s32 $0x7D00  }
0x31: {  	[tilespmem:s17], [sflag:$0x1] =	stream.indirect_vreg.gather [hbm4b:s8+s4], $0x80, v4, vm0, $0xb8;
	[tilespmem:$0x19500] =	vst v63  }
0x32: {  	s18 =	simm.s32 $0x8500  }
0x33: {  	[tilespmem:s18], [sflag:$0x1] =	stream.indirect_vreg.gather [hbm4b:s9+s4], $0x80, v4, vm0, $0xb8;
	[tilespmem:$0x19500] =	vst v63  }
0x34: {  	s19 =	simm.s32 $0x8D00  }
0x35: {  	[tilespmem:s19], [sflag:$0x1] =	stream.indirect_vreg.gather [hbm4b:s10+s4], $0x80, v4, vm0, $0xb8;
	[tilespmem:$0x19500] =	vst v63  }
0x36: {  	v4 =	vld [tilespmem:$0x10];
	_ =	sdelay $0x4  }
0x37: {  	v5 =	vshll.u32 v4, $0x3  }
0x38: {  	v4 =	vand.u32 $0x7, v4;
	v5 =	vand.u32 $0xFFFFFFC0, v5  }
0x39: {  	v4 =	vor.u32 v4, v5  }
0x3a: {  	v5 =	vperm.xlane v4, v0;
	_ =	sdelay $0x1  }
0x3b: {  	v5 =	vadd.s32 v1, v5;
	_ =	sdelay $0x3  }
0x3c: {  	s23 =	simm.s32 $0x9500  }
0x3d: {  	[tilespmem:s23], [sflag:$0x2] =	stream.indirect_vreg.gather [hbm4b:s1+s4], $0x80, v5, vm0, $0xb8;
	[tilespmem:$0x19500] =	vst v63  }
0x3e: {  	s24 =	simm.s32 $0x9D00;
	v4 =	vperm.xlane v4, v2  }
0x3f: {  	[tilespmem:s24], [sflag:$0x2] =	stream.indirect_vreg.gather [hbm4b:s8+s4], $0x80, v5, vm0, $0xb8;
	[tilespmem:$0x19500] =	vst v63  }
0x40: {  	s25 =	simm.s32 $0xA500;
	v4 =	vadd.s32 v1, v4  }
0x41: {  	[tilespmem:s25], [sflag:$0x2] =	stream.indirect_vreg.gather [hbm4b:s9+s4], $0x80, v5, vm0, $0xb8;
	[tilespmem:$0x19500] =	vst v63  }
0x42: {  	s26 =	simm.s32 $0xAD00  }
0x43: {  	[tilespmem:s26], [sflag:$0x2] =	stream.indirect_vreg.gather [hbm4b:s10+s4], $0x80, v5, vm0, $0xb8;
	[tilespmem:$0x19500] =	vst v63  }
0x44: {  	s28 =	simm.s32 $0xB500  }
0x45: {  	[tilespmem:s28], [sflag:$0x2] =	stream.indirect_vreg.gather [hbm4b:s1+s4], $0x80, v4, vm0, $0xb8;
	[tilespmem:$0x19500] =	vst v63  }
0x46: {  	s29 =	simm.s32 $0xBD00  }
0x47: {  	[tilespmem:s29], [sflag:$0x2] =	stream.indirect_vreg.gather [hbm4b:s8+s4], $0x80, v4, vm0, $0xb8;
	[tilespmem:$0x19500] =	vst v63  }
.Ltmp2:
0x48: {  	_ = 	snop;
	(pc) =	sbr.rel .LBB2_2-.Ltmp2, $4  }
0x49: {  	s30 =	simm.s32 $0xC500  }
0x4a: {  	[tilespmem:s30], [sflag:$0x2] =	stream.indirect_vreg.gather [hbm4b:s9+s4], $0x80, v4, vm0, $0xb8;
	[tilespmem:$0x19500] =	vst v63  }
0x4b: {  	s31 =	simm.s32 $0xCD00;
	s23 =	simm.s32 $0x0;
	s24 =	simm.s32 $0x0  }
0x4c: {  	[tilespmem:s31], [sflag:$0x2] =	stream.indirect_vreg.gather [hbm4b:s10+s4], $0x80, v4, vm0, $0xb8;
	[tilespmem:$0x19500] =	vst v63  }
.LBB2_28:
0x4d: {  	s24 =	sadd.s32 $0x1, s24  }
0x4e: {  	p0 =	sne.s32 s24, $0x140  }
.Ltmp3:
0x4f: {  	_ = 	snop;
	(pc) =	sbr.rel @!p0 .LBB2_29-.Ltmp3, $3  }
0x50: {  	_ =	sdelay $0x1  }
0x51: {  	s23 =	sadd.s32 $0x1, s23  }
0x52: {  	s23 =	simm.s32 @p1 $0x0  }
.LBB2_2:
0x53: {  	s0 =	sand.u32 $0x1F, s24  }
0x54: {  	s2 =	rddreg [dreg:$0x5];
	s25 =	sand.u32 $0x1, s24;
	p0 =	sne.s32 s0, $0x0  }
0x55: {  	s31 =	sor.u32 s25, s23;
	s0 =	sshll.u32 @!p0 s24, $0x6;
	s7 =	simm.s32 @!p0 $0x1400  }
0x56: {  	p1 =	sne.s32 s31, $0x0;
	s0 =	sadd.s32 @!p0 s2, s0;
	s2 =	simm.s32 @!p0 $0x0  }
0x57: {  	[tilespmem:s7], [sflag:$0x6] =	stream.linear.gather @!p0 [hbm4b:s0+s2], $0x4000, $0x38;
	[tilespmem:$0x19500] =	vst v63  }
.Ltmp4:
0x58: {  	_ = 	snop;
	(pc) =	sbr.rel @p1 .LBB2_6-.Ltmp4, $4  }
0x59: {  	s0 =	simm.s32 @!p0 $0x6  }
0x5a: {  	_ =	swait.ge @!p0 [sflag:s0], $0x4000  }
0x5b: {  	[sflag:s0] =	ssyncset.done @!p0 $0x0  }
0x5c: {  	[sflag:s0] =	ssyncadd.s32 @!p0 $0xFFFFC000  }
0x5d: {  	p0 =	slt.u32 s24, $0x2  }
0x5e: {  	s0 =	simm.s32 @!p0 $0x4  }
0x5f: {  	p1 =	sgt.u32 @!p0 s24, $0x13D;
	_ =	swait.ge @!p0 [sflag:s0], $0x4000  }
0x60: {  	p1 =	por p0, !p1;
	[sflag:s0] =	ssyncset.done @!p0 $0x0  }
0x61: {  	[sflag:s0] =	ssyncadd.s32 @!p0 $0xFFFFC000;
	s0 =	sshll.u32 @p1 s24, $0x4  }
0x62: {  	s0 =	sand.u32 @p1 $0x3FFFFFF0, s0  }
0x63: {  	v4 =	vld @p1 [tilespmem:s0+$0x20];
	_ =	sdelay $0x4  }
0x64: {  	v5 =	vshll.u32 @p1 v4, $0x3  }
0x65: {  	v4 =	vand.u32 @p1 $0x7, v4;
	v5 =	vand.u32 @p1 $0xFFFFFFC0, v5  }
0x66: {  	v4 =	vor.u32 @p1 v4, v5  }
0x67: {  	v5 =	vperm.xlane @p1 v4, v0;
	_ =	sdelay $0x1  }
0x68: {  	v5 =	vadd.s32 @p1 v1, v5;
	_ =	sdelay $0x3  }
0x69: {  	s0 =	simm.s32 @p1 $0xD500  }
0x6a: {  	[tilespmem:s0], [sflag:$0x3] =	stream.indirect_vreg.gather @p1 [hbm4b:s1+s4], $0x80, v5, vm0, $0xb8;
	[tilespmem:$0x19500] =	vst v63  }
0x6b: {  	v4 =	vperm.xlane @p1 v4, v2;
	s0 =	simm.s32 @p1 $0xDD00  }
0x6c: {  	[tilespmem:s0], [sflag:$0x3] =	stream.indirect_vreg.gather @p1 [hbm4b:s8+s4], $0x80, v5, vm0, $0xb8;
	[tilespmem:$0x19500] =	vst v63  }
0x6d: {  	v4 =	vadd.s32 @p1 v1, v4;
	s0 =	simm.s32 @p1 $0xE500  }
0x6e: {  	[tilespmem:s0], [sflag:$0x3] =	stream.indirect_vreg.gather @p1 [hbm4b:s9+s4], $0x80, v5, vm0, $0xb8;
	[tilespmem:$0x19500] =	vst v63  }
0x6f: {  	s0 =	simm.s32 @p1 $0xED00  }
0x70: {  	[tilespmem:s0], [sflag:$0x3] =	stream.indirect_vreg.gather @p1 [hbm4b:s10+s4], $0x80, v5, vm0, $0xb8;
	[tilespmem:$0x19500] =	vst v63  }
0x71: {  	s0 =	simm.s32 @p1 $0xF500  }
0x72: {  	[tilespmem:s0], [sflag:$0x3] =	stream.indirect_vreg.gather @p1 [hbm4b:s1+s4], $0x80, v4, vm0, $0xb8;
	[tilespmem:$0x19500] =	vst v63  }
0x73: {  	s0 =	simm.s32 @p1 $0xFD00  }
0x74: {  	[tilespmem:s0], [sflag:$0x3] =	stream.indirect_vreg.gather @p1 [hbm4b:s8+s4], $0x80, v4, vm0, $0xb8;
	[tilespmem:$0x19500] =	vst v63  }
0x75: {  	s0 =	simm.s32 @p1 $0x10500  }
0x76: {  	[tilespmem:s0], [sflag:$0x3] =	stream.indirect_vreg.gather @p1 [hbm4b:s9+s4], $0x80, v4, vm0, $0xb8;
	[tilespmem:$0x19500] =	vst v63  }
0x77: {  	s0 =	simm.s32 @p1 $0x10D00  }
0x78: {  	[tilespmem:s0], [sflag:$0x3] =	stream.indirect_vreg.gather @p1 [hbm4b:s10+s4], $0x80, v4, vm0, $0xb8;
	[tilespmem:$0x19500] =	vst v63  }
0x79: {  	s17 =	sshrl.u32 s24, $0x1;
	_ =	swait.ge [sflag:s22], $0x4000  }
0x7a: {  	s18 =	sshll.u32 s24, $0x9;
	s26 =	simm.s32 $0x0;
	s2 =	rddreg [dreg:$0x4]  }
0x7b: {  	s19 =	sshll.u32 s24, $0x6;
	[sflag:s22] =	ssyncset.done $0x0;
	s0 =	sor.u32 s2, s17  }
0x7c: {  	s16 =	sand.u32 $0x2000, s18;
	s18 =	sor.u32 s26, s26;
	[sflag:s22] =	ssyncadd.s32 $0xFFFFC000;
	v4 =	vadd.s32 s0, v3  }
0x7d: {  	s7 =	sand.u32 $0x60, s26;
	s15 =	sor.u32 $0x2380, s18;
	s2 =	sand.u32 $0x1C00, s26;
	[tilespmem:$0x5400] =	vst v4  }
0x7e: {  	s28 =	sand.u32 $0x3, s26;
	s17 =	sand.u32 $0x380, s19;
	s5 =	sor.u32 s7, s2;
	v4 =	vld [tilespmem:s15+$0x5500]  }
0x7f: {  	s6 =	sshll.u32 s28, $0x5;
	s16 =	sor.u32 s17, s16;
	v5 =	vld [tilespmem:s5+$0x5700]  }
0x80: {  	s17 =	sadd.s32 $0x0, s6;
	s28 =	sor.u32 $0x1400, s16;
	v6 =	vld [tilespmem:s5+$0x5680]  }
0x81: {  	s29 =	sor.u32 $0x300, s17;
	s16 =	sadd.s32 s2, s28;
	v7 =	vld [tilespmem:s5+$0x5600]  }
0x82: {  	v8 =	vld [tilespmem:s29+$0x5500];
	s30 =	sadd.s32 s7, s16  }
0x83: {  	v9 =	vld [tilespmem:s30+$0x0]  }
0x84: {  	v10 =	vld [tilespmem:s5+$0x5780]  }
0x85: {  	v11 =	vld [tilespmem:s5+$0x5500]  }
0x86: {  	v12 =	vld [tilespmem:s5+$0x5580];
	v7 =	vmul.f32 $3.200000000e+01, v7  }
0x87: {  	s18 =	sor.u32 $0x380, s18;
	v13 =	vld [tilespmem:s5+$0x7780];
	v6 =	vmul.f32 $3.200000000e+01, v6  }
0x88: {  	v14 =	vld [tilespmem:s18+$0x5500];
	v5 =	vmul.f32 $3.200000000e+01, v5;
	v7 =	vadd.f32 v7, v9  }
0x89: {  	v16 =	vld [tilespmem:s5+$0x7700];
	s30 =	sor.u32 $0x2300, s17;
	v10 =	vmul.f32 $3.200000000e+01, v10;
	v6 =	vadd.f32 v6, v9  }
0x8a: {  	v15 =	vld [tilespmem:s30+$0x5500];
	v11 =	vmul.f32 $3.200000000e+01, v11;
	v5 =	vadd.f32 v5, v9;
	[tilespmem:s5+$0x11600] =	vst v7  }
0x8b: {  	v12 =	vmul.f32 $3.200000000e+01, v12;
	v7 =	vld [tilespmem:s5+$0x7680];
	[tilespmem:s5+$0x11680] =	vst v6;
	v6 =	vadd.f32 v10, v9  }
0x8c: {  	v58 =	vld [tilespmem:s5+$0x7500];
	v8 =	vmul.f32 $3.200000000e+01, v8;
	v11 =	vadd.f32 v11, v9;
	[tilespmem:s5+$0x11700] =	vst v5  }
0x8d: {  	v12 =	vadd.f32 v12, v9;
	v5 =	vld [tilespmem:s5+$0x7600];
	[tilespmem:s5+$0x11780] =	vst v6;
	v6 =	vmul.f32 $3.200000000e+01, v14  }
0x8e: {  	v59 =	vld [tilespmem:s5+$0x7580];
	v60 =	vmul.f32 $3.200000000e+01, v13;
	v8 =	vadd.f32 v8, v9;
	[tilespmem:s5+$0x11500] =	vst v11  }
0x8f: {  	v61 =	vmul.f32 $3.200000000e+01, v16;
	[tilespmem:s5+$0x11580] =	vst v12;
	v6 =	vadd.f32 v6, v9  }
0x90: {  	[tilespmem:s29+$0x11500] =	vst v8;
	v8 =	vadd.f32 v60, v9;
	v7 =	vmul.f32 $3.200000000e+01, v7  }
0x91: {  	v62 =	vadd.f32 v61, v9;
	[tilespmem:s18+$0x11500] =	vst v6;
	v6 =	vmul.f32 $3.200000000e+01, v58  }
0x92: {  	v5 =	vmul.f32 $3.200000000e+01, v5;
	v7 =	vadd.f32 v7, v9;
	[tilespmem:s5+$0x13780] =	vst v8  }
0x93: {  	v8 =	vmul.f32 $3.200000000e+01, v59;
	[tilespmem:s5+$0x13700] =	vst v62;
	v6 =	vadd.f32 v6, v9  }
0x94: {  	v63 =	vmul.f32 $3.200000000e+01, v15;
	v5 =	vadd.f32 v5, v9;
	[tilespmem:s5+$0x13680] =	vst v7  }
0x95: {  	v4 =	vmul.f32 $3.200000000e+01, v4;
	[tilespmem:s5+$0x13500] =	vst v6;
	v6 =	vadd.f32 v8, v9  }
0x96: {  	v7 =	vadd.f32 v63, v9;
	[tilespmem:s5+$0x13600] =	vst v5  }
0x97: {  	v4 =	vadd.f32 v4, v9;
	[tilespmem:s5+$0x13580] =	vst v6  }
0x98: {  	s0 =	sadd.s32 $0x10, s17;
	[tilespmem:s30+$0x11500] =	vst v7  }
0x99: {  	s19 =	sor.u32 $0x10, s7;
	s7 =	sor.u32 $0x300, s0;
	[tilespmem:s15+$0x11500] =	vst v4  }
0x9a: {  	s2 =	sor.u32 s2, s19;
	v4 =	vld [tilespmem:s7+$0x5500]  }
0x9b: {  	v5 =	vld [tilespmem:s2+$0x5680]  }
0x9c: {  	s31 =	simm.s32 $0x0;
	v7 =	vld [tilespmem:s2+$0x5600]  }
0x9d: {  	s29 =	simm.s32 $0x0;
	s30 =	simm.s32 $0x20;
	s15 =	sadd.s32 s19, s16;
	v6 =	vld [tilespmem:s2+$0x5700]  }
.LBB2_4:
0x9e: {  	s29 =	sadd.s32 $0x2, s29;
	v8 =	vld [tilespmem:s2+$0x5780];
	s26 =	sadd.s32 $0x100, s26;
	s31 =	sadd.s32 $0x1, s31  }
0x9f: {  	p0 =	slt.u32 s29, $0x3E;
	v9 =	vld [tilespmem:s15+$0x0]  }
0xa0: {  	v10 =	vld [tilespmem:s2+$0x5580]  }
0xa1: {  	s16 =	sor.u32 $0x380, s0;
	v11 =	vld [tilespmem:s2+$0x5500];
	v7 =	vmul.f32 $3.200000000e+01, v7  }
0xa2: {  	v5 =	vmul.f32 $3.200000000e+01, v5;
	v12 =	vld [tilespmem:s16+$0x5500];
	v6 =	vmul.f32 $3.200000000e+01, v6  }
0xa3: {  	s15 =	sor.u32 $0x2300, s0;
	v13 =	vld [tilespmem:s2+$0x7500];
	v8 =	vmul.f32 $3.200000000e+01, v8  }
0xa4: {  	s0 =	sor.u32 $0x2380, s0;
	v14 =	vld [tilespmem:s15+$0x5500];
	v7 =	vadd.f32 v7, v9;
	v5 =	vadd.f32 v5, v9  }
0xa5: {  	v6 =	vadd.f32 v6, v9;
	v15 =	vld [tilespmem:s0+$0x5500];
	v10 =	vmul.f32 $3.200000000e+01, v10;
	v8 =	vadd.f32 v8, v9  }
0xa6: {  	v16 =	vld [tilespmem:s2+$0x7600];
	v11 =	vmul.f32 $3.200000000e+01, v11;
	[tilespmem:s2+$0x11600] =	vst v7  }
0xa7: {  	v4 =	vmul.f32 $3.200000000e+01, v4;
	v7 =	vld [tilespmem:s2+$0x7680];
	v10 =	vadd.f32 v10, v9;
	[tilespmem:s2+$0x11680] =	vst v5  }
0xa8: {  	v5 =	vld [tilespmem:s2+$0x7700];
	v11 =	vadd.f32 v11, v9;
	[tilespmem:s2+$0x11700] =	vst v6;
	v6 =	vmul.f32 $3.200000000e+01, v12  }
0xa9: {  	v4 =	vadd.f32 v4, v9;
	v12 =	vld [tilespmem:s2+$0x7780];
	[tilespmem:s2+$0x11580] =	vst v10;
	v10 =	vmul.f32 $3.200000000e+01, v13;
	v13 =	vmul.f32 $3.200000000e+01, v14  }
0xaa: {  	v14 =	vld [tilespmem:s2+$0x7580];
	[tilespmem:s2+$0x11500] =	vst v11;
	v6 =	vadd.f32 v6, v9  }
0xab: {  	[tilespmem:s2+$0x11780] =	vst v8;
	v8 =	vadd.f32 v10, v9;
	v10 =	vmul.f32 $3.200000000e+01, v16;
	v11 =	vadd.f32 v13, v9  }
0xac: {  	[tilespmem:s7+$0x11500] =	vst v4;
	v4 =	vmul.f32 $3.200000000e+01, v7  }
0xad: {  	[tilespmem:s16+$0x11500] =	vst v6;
	v6 =	vadd.f32 v10, v9;
	v5 =	vmul.f32 $3.200000000e+01, v5  }
0xae: {  	[tilespmem:s2+$0x13500] =	vst v8;
	v4 =	vadd.f32 v4, v9;
	v7 =	vmul.f32 $3.200000000e+01, v12  }
0xaf: {  	v8 =	vmul.f32 $3.200000000e+01, v14;
	[tilespmem:s2+$0x13600] =	vst v6;
	v5 =	vadd.f32 v5, v9  }
0xb0: {  	[tilespmem:s2+$0x13680] =	vst v4;
	v4 =	vadd.f32 v7, v9  }
0xb1: {  	v6 =	vadd.f32 v8, v9;
	[tilespmem:s2+$0x13700] =	vst v5;
	v5 =	vmul.f32 $3.200000000e+01, v15  }
0xb2: {  	[tilespmem:s2+$0x13780] =	vst v4  }
0xb3: {  	v4 =	vadd.f32 v5, v9  }
0xb4: {  	[tilespmem:s2+$0x13580] =	vst v6  }
0xb5: {  	s19 =	sor.u32 s30, s26;
	[tilespmem:s15+$0x11500] =	vst v11  }
0xb6: {  	s7 =	sor.u32 $0x2380, s19;
	s2 =	sand.u32 $0x1C00, s26;
	s15 =	sand.u32 $0x60, s30;
	[tilespmem:s0+$0x11500] =	vst v4  }
0xb7: {  	s18 =	sadd.s32 s2, s28;
	s0 =	sand.u32 $0x3, s31;
	s17 =	sor.u32 s15, s2;
	v4 =	vld [tilespmem:s7+$0x5500]  }
0xb8: {  	s5 =	sadd.s32 s15, s18;
	s16 =	sor.u32 $0x10, s15;
	s0 =	sshll.u32 s0, $0x5;
	v5 =	vld [tilespmem:s17+$0x5700]  }
0xb9: {  	s15 =	sadd.s32 s16, s18;
	s0 =	sadd.s32 s0, s26;
	v6 =	vld [tilespmem:s17+$0x5680]  }
0xba: {  	s6 =	sor.u32 $0x300, s0;
	s18 =	sor.u32 $0x2300, s0;
	s0 =	sadd.s32 $0x10, s0;
	v7 =	vld [tilespmem:s17+$0x5600]  }
0xbb: {  	v8 =	vld [tilespmem:s6+$0x5500]  }
0xbc: {  	v9 =	vld [tilespmem:s5+$0x0]  }
0xbd: {  	v10 =	vld [tilespmem:s17+$0x5780];
	v5 =	vmul.f32 $3.200000000e+01, v5  }
0xbe: {  	v11 =	vld [tilespmem:s17+$0x5500];
	v6 =	vmul.f32 $3.200000000e+01, v6  }
0xbf: {  	v12 =	vld [tilespmem:s17+$0x5580];
	v7 =	vmul.f32 $3.200000000e+01, v7  }
0xc0: {  	s5 =	sor.u32 $0x380, s19;
	v13 =	vld [tilespmem:s17+$0x7780];
	v8 =	vmul.f32 $3.200000000e+01, v8  }
0xc1: {  	v14 =	vld [tilespmem:s5+$0x5500];
	v7 =	vadd.f32 v7, v9;
	v5 =	vadd.f32 v5, v9  }
0xc2: {  	v6 =	vadd.f32 v6, v9;
	v15 =	vld [tilespmem:s18+$0x5500];
	v10 =	vmul.f32 $3.200000000e+01, v10;
	v8 =	vadd.f32 v8, v9  }
0xc3: {  	v16 =	vld [tilespmem:s17+$0x7700];
	v11 =	vmul.f32 $3.200000000e+01, v11;
	[tilespmem:s17+$0x11600] =	vst v7  }
0xc4: {  	v7 =	vld [tilespmem:s17+$0x7680];
	v12 =	vmul.f32 $3.200000000e+01, v12;
	[tilespmem:s17+$0x11680] =	vst v6;
	v6 =	vadd.f32 v10, v9  }
0xc5: {  	v10 =	vld [tilespmem:s17+$0x7500];
	v11 =	vadd.f32 v11, v9;
	[tilespmem:s17+$0x11700] =	vst v5  }
0xc6: {  	v5 =	vld [tilespmem:s17+$0x7600];
	v12 =	vadd.f32 v12, v9;
	[tilespmem:s17+$0x11780] =	vst v6;
	v6 =	vmul.f32 $3.200000000e+01, v14  }
0xc7: {  	v14 =	vld [tilespmem:s17+$0x7580];
	[tilespmem:s17+$0x11500] =	vst v11;
	v11 =	vmul.f32 $3.200000000e+01, v13;
	v13 =	vmul.f32 $3.200000000e+01, v15  }
0xc8: {  	[tilespmem:s17+$0x11580] =	vst v12;
	v6 =	vadd.f32 v6, v9;
	v12 =	vmul.f32 $3.200000000e+01, v16  }
0xc9: {  	[tilespmem:s6+$0x11500] =	vst v8;
	v7 =	vmul.f32 $3.200000000e+01, v7;
	v8 =	vadd.f32 v11, v9;
	v11 =	vadd.f32 v13, v9  }
0xca: {  	[tilespmem:s5+$0x11500] =	vst v6;
	v6 =	vmul.f32 $3.200000000e+01, v10;
	v10 =	vadd.f32 v12, v9  }
0xcb: {  	v5 =	vmul.f32 $3.200000000e+01, v5;
	v7 =	vadd.f32 v7, v9;
	[tilespmem:s17+$0x13780] =	vst v8  }
0xcc: {  	v6 =	vadd.f32 v6, v9;
	v8 =	vmul.f32 $3.200000000e+01, v14;
	[tilespmem:s17+$0x13700] =	vst v10  }
0xcd: {  	v5 =	vadd.f32 v5, v9;
	[tilespmem:s17+$0x13680] =	vst v7  }
0xce: {  	v4 =	vmul.f32 $3.200000000e+01, v4;
	[tilespmem:s17+$0x13500] =	vst v6;
	v6 =	vadd.f32 v8, v9  }
0xcf: {  	[tilespmem:s17+$0x13600] =	vst v5  }
0xd0: {  	v4 =	vadd.f32 v4, v9;
	[tilespmem:s17+$0x13580] =	vst v6  }
0xd1: {  	[tilespmem:s18+$0x11500] =	vst v11  }
.Ltmp5:
0xd2: {  	[tilespmem:s7+$0x11500] =	vst v4;
	s7 =	sor.u32 $0x300, s0;
	(pc) =	sbr.rel @p0 .LBB2_4-.Ltmp5, $4  }
0xd3: {  	s2 =	sor.u32 s2, s16;
	v4 =	vld [tilespmem:s7+$0x5500]  }
0xd4: {  	v5 =	vld [tilespmem:s2+$0x5680]  }
0xd5: {  	v7 =	vld [tilespmem:s2+$0x5600]  }
0xd6: {  	s30 =	sadd.s32 $0x20, s30;
	v6 =	vld [tilespmem:s2+$0x5700]  }
0xd7: {  	v8 =	vld [tilespmem:s2+$0x5780]  }
0xd8: {  	v9 =	vld [tilespmem:s15+$0x0]  }
0xd9: {  	v10 =	vld [tilespmem:s2+$0x5580]  }
0xda: {  	v11 =	vld [tilespmem:s2+$0x5500]  }
0xdb: {  	v13 =	vld [tilespmem:s2+$0x7500];
	v7 =	vmul.f32 $3.200000000e+01, v7  }
0xdc: {  	s5 =	sor.u32 $0x380, s0;
	v16 =	vld [tilespmem:s2+$0x7600];
	v5 =	vmul.f32 $3.200000000e+01, v5  }
0xdd: {  	s6 =	sor.u32 $0x2300, s0;
	v12 =	vld [tilespmem:s5+$0x5500];
	v6 =	vmul.f32 $3.200000000e+01, v6;
	v7 =	vadd.f32 v7, v9  }
0xde: {  	s16 =	sor.u32 $0x2380, s0;
	v14 =	vld [tilespmem:s6+$0x5500];
	v5 =	vadd.f32 v5, v9;
	v10 =	vmul.f32 $3.200000000e+01, v10  }
0xdf: {  	v15 =	vld [tilespmem:s16+$0x5500];
	v11 =	vmul.f32 $3.200000000e+01, v11;
	v6 =	vadd.f32 v6, v9;
	[tilespmem:s2+$0x11600] =	vst v7  }
0xe0: {  	v53 =	vld [tilespmem:s2+$0x7680];
	v54 =	vmul.f32 $3.200000000e+01, v8;
	[tilespmem:s2+$0x11680] =	vst v5;
	v10 =	vadd.f32 v10, v9  }
0xe1: {  	v4 =	vmul.f32 $3.200000000e+01, v4;
	v5 =	vld [tilespmem:s2+$0x7700];
	v11 =	vadd.f32 v11, v9;
	[tilespmem:s2+$0x11700] =	vst v6  }
0xe2: {  	v57 =	vld [tilespmem:s2+$0x7580];
	v56 =	vmul.f32 $3.200000000e+01, v12;
	v6 =	vadd.f32 v54, v9;
	[tilespmem:s2+$0x11580] =	vst v10  }
0xe3: {  	v55 =	vld [tilespmem:s2+$0x7780];
	v4 =	vadd.f32 v4, v9;
	v13 =	vmul.f32 $3.200000000e+01, v13;
	[tilespmem:s2+$0x11500] =	vst v11  }
0xe4: {  	v58 =	vmul.f32 $3.200000000e+01, v16;
	v10 =	vadd.f32 v56, v9;
	[tilespmem:s2+$0x11780] =	vst v6  }
0xe5: {  	v59 =	vadd.f32 v13, v9;
	[tilespmem:s7+$0x11500] =	vst v4;
	v4 =	vmul.f32 $3.200000000e+01, v53  }
0xe6: {  	v6 =	vadd.f32 v58, v9;
	[tilespmem:s5+$0x11500] =	vst v10;
	v5 =	vmul.f32 $3.200000000e+01, v5  }
0xe7: {  	v61 =	vmul.f32 $3.200000000e+01, v57;
	[tilespmem:s2+$0x13500] =	vst v59;
	v4 =	vadd.f32 v4, v9  }
0xe8: {  	v60 =	vmul.f32 $3.200000000e+01, v55;
	[tilespmem:s2+$0x13600] =	vst v6;
	v5 =	vadd.f32 v5, v9  }
0xe9: {  	v62 =	vmul.f32 $3.200000000e+01, v14;
	v63 =	vadd.f32 v61, v9;
	[tilespmem:s2+$0x13680] =	vst v4  }
0xea: {  	v4 =	vadd.f32 v60, v9;
	[tilespmem:s2+$0x13700] =	vst v5;
	v5 =	vmul.f32 $3.200000000e+01, v15  }
0xeb: {  	v6 =	vadd.f32 v62, v9;
	[tilespmem:s2+$0x13580] =	vst v63  }
0xec: {  	[tilespmem:s2+$0x13780] =	vst v4;
	v4 =	vadd.f32 v5, v9  }
0xed: {  	[tilespmem:s6+$0x11500] =	vst v6  }
0xee: {  	[tilespmem:s16+$0x11500] =	vst v4  }
0xef: {  	v4 =	vld [tilespmem:$0x5400];
	_ =	sdelay $0x4  }
0xf0: {  	v5 =	vshll.u32 v4, $0x3  }
0xf1: {  	v4 =	vand.u32 $0x7, v4;
	v5 =	vand.u32 $0xFFFFFFC0, v5  }
0xf2: {  	v4 =	vor.u32 v4, v5  }
0xf3: {  	v5 =	vperm.xlane v4, v0;
	_ =	sdelay $0x1  }
0xf4: {  	v5 =	vadd.s32 v1, v5;
	_ =	sdelay $0x3  }
0xf5: {  	s17 =	simm.s32 $0x11500  }
0xf6: {  	[hbm4b:s3+s4] =	stream.indirect_vreg.scatter [tilespmem:s17], [sflag:$0x4], $0x80, v5, vm0, $0xb8;
	[tilespmem:$0x19500] =	vst v63  }
0xf7: {  	s18 =	simm.s32 $0x11D00;
	v4 =	vperm.xlane v4, v2  }
0xf8: {  	[hbm4b:s11+s4] =	stream.indirect_vreg.scatter [tilespmem:s18], [sflag:$0x4], $0x80, v5, vm0, $0xb8;
	[tilespmem:$0x19500] =	vst v63  }
0xf9: {  	s19 =	simm.s32 $0x12500;
	v4 =	vadd.s32 v1, v4  }
0xfa: {  	[hbm4b:s12+s4] =	stream.indirect_vreg.scatter [tilespmem:s19], [sflag:$0x4], $0x80, v5, vm0, $0xb8;
	[tilespmem:$0x19500] =	vst v63  }
0xfb: {  	s26 =	simm.s32 $0x12D00  }
0xfc: {  	[hbm4b:s13+s4] =	stream.indirect_vreg.scatter [tilespmem:s26], [sflag:$0x4], $0x80, v5, vm0, $0xb8;
	[tilespmem:$0x19500] =	vst v63  }
0xfd: {  	s28 =	simm.s32 $0x13500  }
0xfe: {  	[hbm4b:s3+s4] =	stream.indirect_vreg.scatter [tilespmem:s28], [sflag:$0x4], $0x80, v4, vm0, $0xb8;
	[tilespmem:$0x19500] =	vst v63  }
0xff: {  	s29 =	simm.s32 $0x13D00  }
0x100: {  	[hbm4b:s11+s4] =	stream.indirect_vreg.scatter [tilespmem:s29], [sflag:$0x4], $0x80, v4, vm0, $0xb8;
	[tilespmem:$0x19500] =	vst v63  }
0x101: {  	s30 =	simm.s32 $0x14500  }
0x102: {  	[hbm4b:s12+s4] =	stream.indirect_vreg.scatter [tilespmem:s30], [sflag:$0x4], $0x80, v4, vm0, $0xb8;
	[tilespmem:$0x19500] =	vst v63  }
0x103: {  	s31 =	simm.s32 $0x14D00  }
0x104: {  	[hbm4b:s13+s4] =	stream.indirect_vreg.scatter [tilespmem:s31], [sflag:$0x4], $0x80, v4, vm0, $0xb8;
	[tilespmem:$0x19500] =	vst v63  }
.LBB2_6:
0x105: {  	p1 =	sne.s32 s23, $0x0;
	p0 =	seq.s32 s25, $0x1  }
0x106: {  	p1 =	por p1, !p0  }
.Ltmp6:
0x107: {  	_ = 	snop;
	(pc) =	sbr.rel @p1 .LBB2_10-.Ltmp6, $1  }
0x108: {  	_ =	sdelay $0x3  }
0x109: {  	p1 =	slt.u32 s24, $0x2  }
0x10a: {  	s0 =	simm.s32 @!p1 $0x5  }
0x10b: {  	p2 =	sgt.u32 @!p1 s24, $0x13D;
	_ =	swait.ge @!p1 [sflag:s0], $0x4000  }
0x10c: {  	p2 =	por p1, !p2;
	[sflag:s0] =	ssyncset.done @!p1 $0x0  }
0x10d: {  	[sflag:s0] =	ssyncadd.s32 @!p1 $0xFFFFC000;
	s0 =	sshll.u32 @p2 s24, $0x4  }
0x10e: {  	s0 =	sand.u32 @p2 $0x3FFFFFF0, s0  }
0x10f: {  	v4 =	vld @p2 [tilespmem:s0+$0x20];
	_ =	sdelay $0x4  }
0x110: {  	v5 =	vshll.u32 @p2 v4, $0x3  }
0x111: {  	v4 =	vand.u32 @p2 $0x7, v4;
	v5 =	vand.u32 @p2 $0xFFFFFFC0, v5  }
0x112: {  	v4 =	vor.u32 @p2 v4, v5  }
0x113: {  	v5 =	vperm.xlane @p2 v4, v0;
	_ =	sdelay $0x1  }
0x114: {  	v5 =	vadd.s32 @p2 v1, v5;
	_ =	sdelay $0x3  }
0x115: {  	s0 =	simm.s32 @p2 $0xD500  }
0x116: {  	[tilespmem:s0], [sflag:$0x3] =	stream.indirect_vreg.gather @p2 [hbm4b:s1+s4], $0x80, v5, vm0, $0xb8;
	[tilespmem:$0x19500] =	vst v63  }
0x117: {  	v4 =	vperm.xlane @p2 v4, v2;
	s0 =	simm.s32 @p2 $0xDD00  }
0x118: {  	[tilespmem:s0], [sflag:$0x3] =	stream.indirect_vreg.gather @p2 [hbm4b:s8+s4], $0x80, v5, vm0, $0xb8;
	[tilespmem:$0x19500] =	vst v63  }
0x119: {  	v4 =	vadd.s32 @p2 v1, v4;
	s0 =	simm.s32 @p2 $0xE500  }
0x11a: {  	[tilespmem:s0], [sflag:$0x3] =	stream.indirect_vreg.gather @p2 [hbm4b:s9+s4], $0x80, v5, vm0, $0xb8;
	[tilespmem:$0x19500] =	vst v63  }
0x11b: {  	s0 =	simm.s32 @p2 $0xED00  }
0x11c: {  	[tilespmem:s0], [sflag:$0x3] =	stream.indirect_vreg.gather @p2 [hbm4b:s10+s4], $0x80, v5, vm0, $0xb8;
	[tilespmem:$0x19500] =	vst v63  }
0x11d: {  	s0 =	simm.s32 @p2 $0xF500  }
0x11e: {  	[tilespmem:s0], [sflag:$0x3] =	stream.indirect_vreg.gather @p2 [hbm4b:s1+s4], $0x80, v4, vm0, $0xb8;
	[tilespmem:$0x19500] =	vst v63  }
0x11f: {  	s0 =	simm.s32 @p2 $0xFD00  }
0x120: {  	[tilespmem:s0], [sflag:$0x3] =	stream.indirect_vreg.gather @p2 [hbm4b:s8+s4], $0x80, v4, vm0, $0xb8;
	[tilespmem:$0x19500] =	vst v63  }
0x121: {  	s0 =	simm.s32 @p2 $0x10500  }
0x122: {  	[tilespmem:s0], [sflag:$0x3] =	stream.indirect_vreg.gather @p2 [hbm4b:s9+s4], $0x80, v4, vm0, $0xb8;
	[tilespmem:$0x19500] =	vst v63  }
0x123: {  	s16 =	sshrl.u32 s24, $0x1;
	s0 =	simm.s32 @p2 $0x10D00  }
0x124: {  	[tilespmem:s0], [sflag:$0x3] =	stream.indirect_vreg.gather @p2 [hbm4b:s10+s4], $0x80, v4, vm0, $0xb8;
	[tilespmem:$0x19500] =	vst v63  }
0x125: {  	s2 =	sshll.u32 s24, $0x9;
	s26 =	simm.s32 $0x0;
	_ =	swait.ge [sflag:s22], $0x4000  }
0x126: {  	s17 =	sshll.u32 s24, $0x6;
	s0 =	sadd.s32 s14, s16;
	[sflag:s22] =	ssyncset.done $0x0  }
0x127: {  	s5 =	sand.u32 $0x2000, s2;
	s6 =	sor.u32 s26, s26;
	v4 =	vadd.s32 s0, v3;
	[sflag:s22] =	ssyncadd.s32 $0xFFFFC000  }
0x128: {  	s7 =	sand.u32 $0x60, s26;
	s2 =	sand.u32 $0x1C00, s26;
	s15 =	sor.u32 $0x2380, s6;
	[tilespmem:$0x5480] =	vst v4  }
0x129: {  	s16 =	sand.u32 $0x380, s17;
	s17 =	sand.u32 $0x3, s26;
	s0 =	sor.u32 s7, s2;
	v4 =	vld [tilespmem:s15+$0x5500]  }
0x12a: {  	s5 =	sor.u32 s16, s5;
	s18 =	sshll.u32 s17, $0x5;
	v5 =	vld [tilespmem:s0+$0x5700]  }
0x12b: {  	s28 =	sor.u32 $0x1400, s5;
	s17 =	sadd.s32 $0x0, s18;
	v6 =	vld [tilespmem:s0+$0x5680]  }
0x12c: {  	s16 =	sadd.s32 s2, s28;
	s5 =	sor.u32 $0x300, s17;
	v7 =	vld [tilespmem:s0+$0x5600]  }
0x12d: {  	s18 =	sadd.s32 s7, s16;
	v8 =	vld [tilespmem:s5+$0x5500]  }
0x12e: {  	v9 =	vld [tilespmem:s18+$0x0]  }
0x12f: {  	v10 =	vld [tilespmem:s0+$0x5780]  }
0x130: {  	v11 =	vld [tilespmem:s0+$0x5500]  }
0x131: {  	v12 =	vld [tilespmem:s0+$0x5580];
	v7 =	vmul.f32 $3.200000000e+01, v7  }
0x132: {  	s6 =	sor.u32 $0x380, s6;
	v13 =	vld [tilespmem:s0+$0x7780];
	v6 =	vmul.f32 $3.200000000e+01, v6  }
0x133: {  	s19 =	sor.u32 $0x2300, s17;
	v14 =	vld [tilespmem:s6+$0x5500];
	v5 =	vmul.f32 $3.200000000e+01, v5;
	v7 =	vadd.f32 v7, v9  }
0x134: {  	v15 =	vld [tilespmem:s19+$0x5500];
	v10 =	vmul.f32 $3.200000000e+01, v10;
	v6 =	vadd.f32 v6, v9  }
0x135: {  	v16 =	vld [tilespmem:s0+$0x7700];
	v11 =	vmul.f32 $3.200000000e+01, v11;
	v5 =	vadd.f32 v5, v9;
	[tilespmem:s0+$0x15600] =	vst v7  }
0x136: {  	v12 =	vmul.f32 $3.200000000e+01, v12;
	v7 =	vld [tilespmem:s0+$0x7680];
	[tilespmem:s0+$0x15680] =	vst v6;
	v6 =	vadd.f32 v10, v9  }
0x137: {  	v58 =	vld [tilespmem:s0+$0x7500];
	v8 =	vmul.f32 $3.200000000e+01, v8;
	v11 =	vadd.f32 v11, v9;
	[tilespmem:s0+$0x15700] =	vst v5  }
0x138: {  	v12 =	vadd.f32 v12, v9;
	v5 =	vld [tilespmem:s0+$0x7600];
	[tilespmem:s0+$0x15780] =	vst v6;
	v6 =	vmul.f32 $3.200000000e+01, v14  }
0x139: {  	v59 =	vld [tilespmem:s0+$0x7580];
	v60 =	vmul.f32 $3.200000000e+01, v13;
	v8 =	vadd.f32 v8, v9;
	[tilespmem:s0+$0x15500] =	vst v11  }
0x13a: {  	v61 =	vmul.f32 $3.200000000e+01, v16;
	[tilespmem:s0+$0x15580] =	vst v12;
	v6 =	vadd.f32 v6, v9  }
0x13b: {  	[tilespmem:s5+$0x15500] =	vst v8;
	v8 =	vadd.f32 v60, v9;
	v7 =	vmul.f32 $3.200000000e+01, v7  }
0x13c: {  	v62 =	vadd.f32 v61, v9;
	[tilespmem:s6+$0x15500] =	vst v6;
	v6 =	vmul.f32 $3.200000000e+01, v58  }
0x13d: {  	v5 =	vmul.f32 $3.200000000e+01, v5;
	v7 =	vadd.f32 v7, v9;
	[tilespmem:s0+$0x17780] =	vst v8  }
0x13e: {  	v8 =	vmul.f32 $3.200000000e+01, v59;
	[tilespmem:s0+$0x17700] =	vst v62;
	v6 =	vadd.f32 v6, v9  }
0x13f: {  	v63 =	vmul.f32 $3.200000000e+01, v15;
	v5 =	vadd.f32 v5, v9;
	[tilespmem:s0+$0x17680] =	vst v7  }
0x140: {  	v4 =	vmul.f32 $3.200000000e+01, v4;
	[tilespmem:s0+$0x17500] =	vst v6;
	v6 =	vadd.f32 v8, v9  }
0x141: {  	v7 =	vadd.f32 v63, v9;
	[tilespmem:s0+$0x17600] =	vst v5  }
0x142: {  	v4 =	vadd.f32 v4, v9;
	[tilespmem:s0+$0x17580] =	vst v6  }
0x143: {  	s0 =	sadd.s32 $0x10, s17;
	[tilespmem:s19+$0x15500] =	vst v7  }
0x144: {  	s19 =	sor.u32 $0x10, s7;
	s7 =	sor.u32 $0x300, s0;
	[tilespmem:s15+$0x15500] =	vst v4  }
0x145: {  	s2 =	sor.u32 s2, s19;
	v4 =	vld [tilespmem:s7+$0x5500]  }
0x146: {  	v5 =	vld [tilespmem:s2+$0x5680]  }
0x147: {  	s29 =	simm.s32 $0x0;
	v7 =	vld [tilespmem:s2+$0x5600]  }
0x148: {  	s30 =	simm.s32 $0x20;
	s31 =	simm.s32 $0x0;
	s15 =	sadd.s32 s19, s16;
	v6 =	vld [tilespmem:s2+$0x5700]  }
.LBB2_8:
0x149: {  	s29 =	sadd.s32 $0x2, s29;
	v8 =	vld [tilespmem:s2+$0x5780];
	s26 =	sadd.s32 $0x100, s26;
	s31 =	sadd.s32 $0x1, s31  }
0x14a: {  	p1 =	slt.u32 s29, $0x3E;
	v9 =	vld [tilespmem:s15+$0x0]  }
0x14b: {  	v10 =	vld [tilespmem:s2+$0x5580]  }
0x14c: {  	s5 =	sor.u32 $0x380, s0;
	v11 =	vld [tilespmem:s2+$0x5500];
	v7 =	vmul.f32 $3.200000000e+01, v7  }
0x14d: {  	v5 =	vmul.f32 $3.200000000e+01, v5;
	v12 =	vld [tilespmem:s5+$0x5500];
	v6 =	vmul.f32 $3.200000000e+01, v6  }
0x14e: {  	s15 =	sor.u32 $0x2300, s0;
	v13 =	vld [tilespmem:s2+$0x7500];
	v8 =	vmul.f32 $3.200000000e+01, v8  }
0x14f: {  	s0 =	sor.u32 $0x2380, s0;
	v14 =	vld [tilespmem:s15+$0x5500];
	v7 =	vadd.f32 v7, v9;
	v5 =	vadd.f32 v5, v9  }
0x150: {  	v6 =	vadd.f32 v6, v9;
	v15 =	vld [tilespmem:s0+$0x5500];
	v10 =	vmul.f32 $3.200000000e+01, v10;
	v8 =	vadd.f32 v8, v9  }
0x151: {  	v16 =	vld [tilespmem:s2+$0x7600];
	v11 =	vmul.f32 $3.200000000e+01, v11;
	[tilespmem:s2+$0x15600] =	vst v7  }
0x152: {  	v4 =	vmul.f32 $3.200000000e+01, v4;
	v7 =	vld [tilespmem:s2+$0x7680];
	v10 =	vadd.f32 v10, v9;
	[tilespmem:s2+$0x15680] =	vst v5  }
0x153: {  	v5 =	vld [tilespmem:s2+$0x7700];
	v11 =	vadd.f32 v11, v9;
	[tilespmem:s2+$0x15700] =	vst v6;
	v6 =	vmul.f32 $3.200000000e+01, v12  }
0x154: {  	v4 =	vadd.f32 v4, v9;
	v12 =	vld [tilespmem:s2+$0x7780];
	[tilespmem:s2+$0x15580] =	vst v10;
	v10 =	vmul.f32 $3.200000000e+01, v13;
	v13 =	vmul.f32 $3.200000000e+01, v14  }
0x155: {  	v14 =	vld [tilespmem:s2+$0x7580];
	[tilespmem:s2+$0x15500] =	vst v11;
	v6 =	vadd.f32 v6, v9  }
0x156: {  	[tilespmem:s2+$0x15780] =	vst v8;
	v8 =	vadd.f32 v10, v9;
	v10 =	vmul.f32 $3.200000000e+01, v16;
	v11 =	vadd.f32 v13, v9  }
0x157: {  	[tilespmem:s7+$0x15500] =	vst v4;
	v4 =	vmul.f32 $3.200000000e+01, v7  }
0x158: {  	[tilespmem:s5+$0x15500] =	vst v6;
	v6 =	vadd.f32 v10, v9;
	v5 =	vmul.f32 $3.200000000e+01, v5  }
0x159: {  	[tilespmem:s2+$0x17500] =	vst v8;
	v4 =	vadd.f32 v4, v9;
	v7 =	vmul.f32 $3.200000000e+01, v12  }
0x15a: {  	v8 =	vmul.f32 $3.200000000e+01, v14;
	[tilespmem:s2+$0x17600] =	vst v6;
	v5 =	vadd.f32 v5, v9  }
0x15b: {  	[tilespmem:s2+$0x17680] =	vst v4;
	v4 =	vadd.f32 v7, v9  }
0x15c: {  	v6 =	vadd.f32 v8, v9;
	[tilespmem:s2+$0x17700] =	vst v5;
	v5 =	vmul.f32 $3.200000000e+01, v15  }
0x15d: {  	[tilespmem:s2+$0x17780] =	vst v4  }
0x15e: {  	v4 =	vadd.f32 v5, v9  }
0x15f: {  	[tilespmem:s2+$0x17580] =	vst v6  }
0x160: {  	s5 =	sor.u32 s30, s26;
	[tilespmem:s15+$0x15500] =	vst v11  }
0x161: {  	s6 =	sand.u32 $0x60, s30;
	s7 =	sor.u32 $0x2380, s5;
	s2 =	sand.u32 $0x1C00, s26;
	[tilespmem:s0+$0x15500] =	vst v4  }
0x162: {  	s15 =	sadd.s32 s2, s28;
	s17 =	sor.u32 s6, s2;
	s0 =	sand.u32 $0x3, s31;
	v4 =	vld [tilespmem:s7+$0x5500]  }
0x163: {  	s16 =	sor.u32 $0x10, s6;
	s19 =	sadd.s32 s6, s15;
	s0 =	sshll.u32 s0, $0x5;
	v5 =	vld [tilespmem:s17+$0x5700]  }
0x164: {  	s15 =	sadd.s32 s16, s15;
	s0 =	sadd.s32 s0, s26;
	v6 =	vld [tilespmem:s17+$0x5680]  }
0x165: {  	s6 =	sor.u32 $0x300, s0;
	s18 =	sor.u32 $0x2300, s0;
	s0 =	sadd.s32 $0x10, s0;
	v7 =	vld [tilespmem:s17+$0x5600]  }
0x166: {  	v8 =	vld [tilespmem:s6+$0x5500]  }
0x167: {  	v9 =	vld [tilespmem:s19+$0x0]  }
0x168: {  	v10 =	vld [tilespmem:s17+$0x5780];
	v5 =	vmul.f32 $3.200000000e+01, v5  }
0x169: {  	v11 =	vld [tilespmem:s17+$0x5500];
	v6 =	vmul.f32 $3.200000000e+01, v6  }
0x16a: {  	v12 =	vld [tilespmem:s17+$0x5580];
	v7 =	vmul.f32 $3.200000000e+01, v7  }
0x16b: {  	s5 =	sor.u32 $0x380, s5;
	v13 =	vld [tilespmem:s17+$0x7780];
	v8 =	vmul.f32 $3.200000000e+01, v8  }
0x16c: {  	v14 =	vld [tilespmem:s5+$0x5500];
	v7 =	vadd.f32 v7, v9;
	v5 =	vadd.f32 v5, v9  }
0x16d: {  	v6 =	vadd.f32 v6, v9;
	v15 =	vld [tilespmem:s18+$0x5500];
	v10 =	vmul.f32 $3.200000000e+01, v10;
	v8 =	vadd.f32 v8, v9  }
0x16e: {  	v16 =	vld [tilespmem:s17+$0x7700];
	v11 =	vmul.f32 $3.200000000e+01, v11;
	[tilespmem:s17+$0x15600] =	vst v7  }
0x16f: {  	v7 =	vld [tilespmem:s17+$0x7680];
	v12 =	vmul.f32 $3.200000000e+01, v12;
	[tilespmem:s17+$0x15680] =	vst v6;
	v6 =	vadd.f32 v10, v9  }
0x170: {  	v10 =	vld [tilespmem:s17+$0x7500];
	v11 =	vadd.f32 v11, v9;
	[tilespmem:s17+$0x15700] =	vst v5  }
0x171: {  	v5 =	vld [tilespmem:s17+$0x7600];
	v12 =	vadd.f32 v12, v9;
	[tilespmem:s17+$0x15780] =	vst v6;
	v6 =	vmul.f32 $3.200000000e+01, v14  }
0x172: {  	v14 =	vld [tilespmem:s17+$0x7580];
	[tilespmem:s17+$0x15500] =	vst v11;
	v11 =	vmul.f32 $3.200000000e+01, v13;
	v13 =	vmul.f32 $3.200000000e+01, v15  }
0x173: {  	[tilespmem:s17+$0x15580] =	vst v12;
	v6 =	vadd.f32 v6, v9;
	v12 =	vmul.f32 $3.200000000e+01, v16  }
0x174: {  	[tilespmem:s6+$0x15500] =	vst v8;
	v7 =	vmul.f32 $3.200000000e+01, v7;
	v8 =	vadd.f32 v11, v9;
	v11 =	vadd.f32 v13, v9  }
0x175: {  	[tilespmem:s5+$0x15500] =	vst v6;
	v6 =	vmul.f32 $3.200000000e+01, v10;
	v10 =	vadd.f32 v12, v9  }
0x176: {  	v5 =	vmul.f32 $3.200000000e+01, v5;
	v7 =	vadd.f32 v7, v9;
	[tilespmem:s17+$0x17780] =	vst v8  }
0x177: {  	v6 =	vadd.f32 v6, v9;
	v8 =	vmul.f32 $3.200000000e+01, v14;
	[tilespmem:s17+$0x17700] =	vst v10  }
0x178: {  	v5 =	vadd.f32 v5, v9;
	[tilespmem:s17+$0x17680] =	vst v7  }
0x179: {  	v4 =	vmul.f32 $3.200000000e+01, v4;
	[tilespmem:s17+$0x17500] =	vst v6;
	v6 =	vadd.f32 v8, v9  }
0x17a: {  	[tilespmem:s17+$0x17600] =	vst v5  }
0x17b: {  	v4 =	vadd.f32 v4, v9;
	[tilespmem:s17+$0x17580] =	vst v6  }
0x17c: {  	[tilespmem:s18+$0x15500] =	vst v11  }
.Ltmp7:
0x17d: {  	[tilespmem:s7+$0x15500] =	vst v4;
	s7 =	sor.u32 $0x300, s0;
	(pc) =	sbr.rel @p1 .LBB2_8-.Ltmp7, $4  }
0x17e: {  	s2 =	sor.u32 s2, s16;
	v4 =	vld [tilespmem:s7+$0x5500]  }
0x17f: {  	v5 =	vld [tilespmem:s2+$0x5680]  }
0x180: {  	v7 =	vld [tilespmem:s2+$0x5600]  }
0x181: {  	s30 =	sadd.s32 $0x20, s30;
	v6 =	vld [tilespmem:s2+$0x5700]  }
0x182: {  	v8 =	vld [tilespmem:s2+$0x5780]  }
0x183: {  	v9 =	vld [tilespmem:s15+$0x0]  }
0x184: {  	v10 =	vld [tilespmem:s2+$0x5580]  }
0x185: {  	v11 =	vld [tilespmem:s2+$0x5500]  }
0x186: {  	v13 =	vld [tilespmem:s2+$0x7500];
	v7 =	vmul.f32 $3.200000000e+01, v7  }
0x187: {  	s5 =	sor.u32 $0x380, s0;
	v16 =	vld [tilespmem:s2+$0x7600];
	v5 =	vmul.f32 $3.200000000e+01, v5  }
0x188: {  	s6 =	sor.u32 $0x2300, s0;
	v12 =	vld [tilespmem:s5+$0x5500];
	v6 =	vmul.f32 $3.200000000e+01, v6;
	v7 =	vadd.f32 v7, v9  }
0x189: {  	s16 =	sor.u32 $0x2380, s0;
	v14 =	vld [tilespmem:s6+$0x5500];
	v5 =	vadd.f32 v5, v9;
	v10 =	vmul.f32 $3.200000000e+01, v10  }
0x18a: {  	v15 =	vld [tilespmem:s16+$0x5500];
	v11 =	vmul.f32 $3.200000000e+01, v11;
	v6 =	vadd.f32 v6, v9;
	[tilespmem:s2+$0x15600] =	vst v7  }
0x18b: {  	v53 =	vld [tilespmem:s2+$0x7680];
	v54 =	vmul.f32 $3.200000000e+01, v8;
	[tilespmem:s2+$0x15680] =	vst v5;
	v10 =	vadd.f32 v10, v9  }
0x18c: {  	v4 =	vmul.f32 $3.200000000e+01, v4;
	v5 =	vld [tilespmem:s2+$0x7700];
	v11 =	vadd.f32 v11, v9;
	[tilespmem:s2+$0x15700] =	vst v6  }
0x18d: {  	v57 =	vld [tilespmem:s2+$0x7580];
	v56 =	vmul.f32 $3.200000000e+01, v12;
	v6 =	vadd.f32 v54, v9;
	[tilespmem:s2+$0x15580] =	vst v10  }
0x18e: {  	v55 =	vld [tilespmem:s2+$0x7780];
	v4 =	vadd.f32 v4, v9;
	v13 =	vmul.f32 $3.200000000e+01, v13;
	[tilespmem:s2+$0x15500] =	vst v11  }
0x18f: {  	v58 =	vmul.f32 $3.200000000e+01, v16;
	v10 =	vadd.f32 v56, v9;
	[tilespmem:s2+$0x15780] =	vst v6  }
0x190: {  	v59 =	vadd.f32 v13, v9;
	[tilespmem:s7+$0x15500] =	vst v4;
	v4 =	vmul.f32 $3.200000000e+01, v53  }
0x191: {  	v6 =	vadd.f32 v58, v9;
	[tilespmem:s5+$0x15500] =	vst v10;
	v5 =	vmul.f32 $3.200000000e+01, v5  }
0x192: {  	v61 =	vmul.f32 $3.200000000e+01, v57;
	[tilespmem:s2+$0x17500] =	vst v59;
	v4 =	vadd.f32 v4, v9  }
0x193: {  	v60 =	vmul.f32 $3.200000000e+01, v55;
	[tilespmem:s2+$0x17600] =	vst v6;
	v5 =	vadd.f32 v5, v9  }
0x194: {  	v62 =	vmul.f32 $3.200000000e+01, v14;
	v63 =	vadd.f32 v61, v9;
	[tilespmem:s2+$0x17680] =	vst v4  }
0x195: {  	v4 =	vadd.f32 v60, v9;
	[tilespmem:s2+$0x17700] =	vst v5;
	v5 =	vmul.f32 $3.200000000e+01, v15  }
0x196: {  	v6 =	vadd.f32 v62, v9;
	[tilespmem:s2+$0x17580] =	vst v63  }
0x197: {  	[tilespmem:s2+$0x17780] =	vst v4;
	v4 =	vadd.f32 v5, v9  }
0x198: {  	[tilespmem:s6+$0x15500] =	vst v6  }
0x199: {  	[tilespmem:s16+$0x15500] =	vst v4  }
0x19a: {  	v4 =	vld [tilespmem:$0x5480];
	_ =	sdelay $0x4  }
0x19b: {  	v5 =	vshll.u32 v4, $0x3  }
0x19c: {  	v4 =	vand.u32 $0x7, v4;
	v5 =	vand.u32 $0xFFFFFFC0, v5  }
0x19d: {  	v4 =	vor.u32 v4, v5  }
0x19e: {  	v5 =	vperm.xlane v4, v0;
	_ =	sdelay $0x1  }
0x19f: {  	v5 =	vadd.s32 v1, v5;
	_ =	sdelay $0x3  }
0x1a0: {  	s17 =	simm.s32 $0x15500  }
0x1a1: {  	[hbm4b:s3+s4] =	stream.indirect_vreg.scatter [tilespmem:s17], [sflag:$0x5], $0x80, v5, vm0, $0xb8;
	[tilespmem:$0x19500] =	vst v63  }
0x1a2: {  	s18 =	simm.s32 $0x15D00;
	v4 =	vperm.xlane v4, v2  }
0x1a3: {  	[hbm4b:s11+s4] =	stream.indirect_vreg.scatter [tilespmem:s18], [sflag:$0x5], $0x80, v5, vm0, $0xb8;
	[tilespmem:$0x19500] =	vst v63  }
0x1a4: {  	s19 =	simm.s32 $0x16500;
	v4 =	vadd.s32 v1, v4  }
0x1a5: {  	[hbm4b:s12+s4] =	stream.indirect_vreg.scatter [tilespmem:s19], [sflag:$0x5], $0x80, v5, vm0, $0xb8;
	[tilespmem:$0x19500] =	vst v63  }
0x1a6: {  	s26 =	simm.s32 $0x16D00  }
0x1a7: {  	[hbm4b:s13+s4] =	stream.indirect_vreg.scatter [tilespmem:s26], [sflag:$0x5], $0x80, v5, vm0, $0xb8;
	[tilespmem:$0x19500] =	vst v63  }
0x1a8: {  	s28 =	simm.s32 $0x17500  }
0x1a9: {  	[hbm4b:s3+s4] =	stream.indirect_vreg.scatter [tilespmem:s28], [sflag:$0x5], $0x80, v4, vm0, $0xb8;
	[tilespmem:$0x19500] =	vst v63  }
0x1aa: {  	s29 =	simm.s32 $0x17D00  }
0x1ab: {  	[hbm4b:s11+s4] =	stream.indirect_vreg.scatter [tilespmem:s29], [sflag:$0x5], $0x80, v4, vm0, $0xb8;
	[tilespmem:$0x19500] =	vst v63  }
.Ltmp8:
0x1ac: {  	_ = 	snop;
	(pc) =	sbr.rel .LBB2_15-.Ltmp8, $4  }
0x1ad: {  	s30 =	simm.s32 $0x18500  }
0x1ae: {  	[hbm4b:s12+s4] =	stream.indirect_vreg.scatter [tilespmem:s30], [sflag:$0x5], $0x80, v4, vm0, $0xb8;
	[tilespmem:$0x19500] =	vst v63  }
0x1af: {  	s31 =	simm.s32 $0x18D00;
	p1 =	por $0x0, $0x0  }
0x1b0: {  	[hbm4b:s13+s4] =	stream.indirect_vreg.scatter [tilespmem:s31], [sflag:$0x5], $0x80, v4, vm0, $0xb8;
	[tilespmem:$0x19500] =	vst v63  }
.LBB2_10:
0x1b1: {  	p2 =	sne.s32 s23, $0x1  }
0x1b2: {  	p1 =	sne.s32 @!p2 s25, $0x0  }
0x1b3: {  	p1 =	por p2, p1  }
.Ltmp9:
0x1b4: {  	_ = 	snop;
	(pc) =	sbr.rel @p1 .LBB2_11-.Ltmp9, $1  }
0x1b5: {  	_ =	sdelay $0x3  }
0x1b6: {  	p1 =	slt.u32 s24, $0x2  }
0x1b7: {  	s0 =	simm.s32 @!p1 $0x4  }
0x1b8: {  	_ =	swait.ge @!p1 [sflag:s0], $0x4000  }
0x1b9: {  	p2 =	slt.u32 @!p1 s24, $0x13E;
	[sflag:s0] =	ssyncset.done @!p1 $0x0  }
0x1ba: {  	p2 =	por p1, p2;
	[sflag:s0] =	ssyncadd.s32 @!p1 $0xFFFFC000;
	s0 =	sshll.u32 s24, $0x6  }
0x1bb: {  	s0 =	sshll.u32 @p2 s24, $0x6  }
0x1bc: {  	s2 =	sshrl.u32 @p2 s0, $0x2  }
0x1bd: {  	v4 =	vld @p2 [tilespmem:s2+$0x20];
	_ =	sdelay $0x4  }
0x1be: {  	v5 =	vshll.u32 @p2 v4, $0x3  }
0x1bf: {  	v4 =	vand.u32 @p2 $0x7, v4;
	v5 =	vand.u32 @p2 $0xFFFFFFC0, v5  }
0x1c0: {  	v4 =	vor.u32 @p2 v4, v5  }
0x1c1: {  	v5 =	vperm.xlane @p2 v4, v0;
	_ =	sdelay $0x1  }
0x1c2: {  	v5 =	vadd.s32 @p2 v1, v5;
	_ =	sdelay $0x3  }
0x1c3: {  	s2 =	simm.s32 @p2 $0x5500  }
0x1c4: {  	[tilespmem:s2], [sflag:$0x1] =	stream.indirect_vreg.gather @p2 [hbm4b:s1+s4], $0x80, v5, vm0, $0xb8;
	[tilespmem:$0x19500] =	vst v63  }
0x1c5: {  	v4 =	vperm.xlane @p2 v4, v2;
	s2 =	simm.s32 @p2 $0x5D00  }
0x1c6: {  	[tilespmem:s2], [sflag:$0x1] =	stream.indirect_vreg.gather @p2 [hbm4b:s8+s4], $0x80, v5, vm0, $0xb8;
	[tilespmem:$0x19500] =	vst v63  }
0x1c7: {  	v4 =	vadd.s32 @p2 v1, v4;
	s2 =	simm.s32 @p2 $0x6500  }
0x1c8: {  	[tilespmem:s2], [sflag:$0x1] =	stream.indirect_vreg.gather @p2 [hbm4b:s9+s4], $0x80, v5, vm0, $0xb8;
	[tilespmem:$0x19500] =	vst v63  }
0x1c9: {  	s2 =	simm.s32 @p2 $0x6D00  }
0x1ca: {  	[tilespmem:s2], [sflag:$0x1] =	stream.indirect_vreg.gather @p2 [hbm4b:s10+s4], $0x80, v5, vm0, $0xb8;
	[tilespmem:$0x19500] =	vst v63  }
0x1cb: {  	s2 =	simm.s32 @p2 $0x7500  }
0x1cc: {  	[tilespmem:s2], [sflag:$0x1] =	stream.indirect_vreg.gather @p2 [hbm4b:s1+s4], $0x80, v4, vm0, $0xb8;
	[tilespmem:$0x19500] =	vst v63  }
0x1cd: {  	s2 =	simm.s32 @p2 $0x7D00  }
0x1ce: {  	[tilespmem:s2], [sflag:$0x1] =	stream.indirect_vreg.gather @p2 [hbm4b:s8+s4], $0x80, v4, vm0, $0xb8;
	[tilespmem:$0x19500] =	vst v63  }
0x1cf: {  	s2 =	simm.s32 @p2 $0x8500  }
0x1d0: {  	[tilespmem:s2], [sflag:$0x1] =	stream.indirect_vreg.gather @p2 [hbm4b:s9+s4], $0x80, v4, vm0, $0xb8;
	[tilespmem:$0x19500] =	vst v63  }
0x1d1: {  	s2 =	simm.s32 @p2 $0x8D00  }
0x1d2: {  	[tilespmem:s2], [sflag:$0x1] =	stream.indirect_vreg.gather @p2 [hbm4b:s10+s4], $0x80, v4, vm0, $0xb8;
	[tilespmem:$0x19500] =	vst v63  }
0x1d3: {  	_ =	swait.ge [sflag:s20], $0x4000  }
0x1d4: {  	s16 =	sshrl.u32 s24, $0x1;
	s5 =	rddreg [dreg:$0x4]  }
0x1d5: {  	s26 =	simm.s32 $0x0;
	[sflag:s20] =	ssyncset.done $0x0;
	s2 =	sor.u32 s5, s16  }
0x1d6: {  	s17 =	sshll.u32 s24, $0x9;
	s6 =	sor.u32 s26, s26;
	[sflag:s20] =	ssyncadd.s32 $0xFFFFC000;
	v4 =	vadd.s32 s2, v3  }
0x1d7: {  	s7 =	sand.u32 $0x60, s26;
	s15 =	sor.u32 $0x2380, s6;
	s2 =	sand.u32 $0x1C00, s26;
	[tilespmem:$0x5400] =	vst v4  }
0x1d8: {  	s5 =	sand.u32 $0x2000, s17;
	s16 =	sand.u32 $0x380, s0;
	s0 =	sor.u32 s7, s2;
	v4 =	vld [tilespmem:s15+$0x9500]  }
0x1d9: {  	s5 =	sor.u32 s16, s5;
	v5 =	vld [tilespmem:s0+$0x9700]  }
0x1da: {  	s17 =	sand.u32 $0x3, s26;
	s28 =	sor.u32 $0x1400, s5;
	v6 =	vld [tilespmem:s0+$0x9680]  }
0x1db: {  	s18 =	sshll.u32 s17, $0x5;
	s16 =	sadd.s32 s2, s28;
	v7 =	vld [tilespmem:s0+$0x9600]  }
0x1dc: {  	s17 =	sadd.s32 $0x0, s18;
	v10 =	vld [tilespmem:s0+$0x9780];
	s18 =	sadd.s32 s7, s16  }
0x1dd: {  	v9 =	vld [tilespmem:s18+$0x0]  }
0x1de: {  	v11 =	vld [tilespmem:s0+$0x9500]  }
0x1df: {  	v12 =	vld [tilespmem:s0+$0x9580]  }
0x1e0: {  	s5 =	sor.u32 $0x300, s17;
	v13 =	vld [tilespmem:s0+$0xB780];
	v7 =	vmul.f32 $3.200000000e+01, v7  }
0x1e1: {  	s6 =	sor.u32 $0x380, s6;
	v8 =	vld [tilespmem:s5+$0x9500];
	v6 =	vmul.f32 $3.200000000e+01, v6  }
0x1e2: {  	v14 =	vld [tilespmem:s6+$0x9500];
	v5 =	vmul.f32 $3.200000000e+01, v5;
	v7 =	vadd.f32 v7, v9  }
0x1e3: {  	s19 =	sor.u32 $0x2300, s17;
	v16 =	vld [tilespmem:s0+$0xB700];
	v10 =	vmul.f32 $3.200000000e+01, v10;
	v6 =	vadd.f32 v6, v9  }
0x1e4: {  	v15 =	vld [tilespmem:s19+$0x9500];
	v11 =	vmul.f32 $3.200000000e+01, v11;
	v5 =	vadd.f32 v5, v9;
	[tilespmem:s0+$0x11600] =	vst v7  }
0x1e5: {  	v12 =	vmul.f32 $3.200000000e+01, v12;
	v7 =	vld [tilespmem:s0+$0xB680];
	[tilespmem:s0+$0x11680] =	vst v6;
	v6 =	vadd.f32 v10, v9  }
0x1e6: {  	v58 =	vld [tilespmem:s0+$0xB500];
	v8 =	vmul.f32 $3.200000000e+01, v8;
	v11 =	vadd.f32 v11, v9;
	[tilespmem:s0+$0x11700] =	vst v5  }
0x1e7: {  	v12 =	vadd.f32 v12, v9;
	v5 =	vld [tilespmem:s0+$0xB600];
	[tilespmem:s0+$0x11780] =	vst v6;
	v6 =	vmul.f32 $3.200000000e+01, v14  }
0x1e8: {  	v59 =	vld [tilespmem:s0+$0xB580];
	v60 =	vmul.f32 $3.200000000e+01, v13;
	v8 =	vadd.f32 v8, v9;
	[tilespmem:s0+$0x11500] =	vst v11  }
0x1e9: {  	v61 =	vmul.f32 $3.200000000e+01, v16;
	[tilespmem:s0+$0x11580] =	vst v12;
	v6 =	vadd.f32 v6, v9  }
0x1ea: {  	[tilespmem:s5+$0x11500] =	vst v8;
	v8 =	vadd.f32 v60, v9;
	v7 =	vmul.f32 $3.200000000e+01, v7  }
0x1eb: {  	v62 =	vadd.f32 v61, v9;
	[tilespmem:s6+$0x11500] =	vst v6;
	v6 =	vmul.f32 $3.200000000e+01, v58  }
0x1ec: {  	v5 =	vmul.f32 $3.200000000e+01, v5;
	v7 =	vadd.f32 v7, v9;
	[tilespmem:s0+$0x13780] =	vst v8  }
0x1ed: {  	v8 =	vmul.f32 $3.200000000e+01, v59;
	[tilespmem:s0+$0x13700] =	vst v62;
	v6 =	vadd.f32 v6, v9  }
0x1ee: {  	v63 =	vmul.f32 $3.200000000e+01, v15;
	v5 =	vadd.f32 v5, v9;
	[tilespmem:s0+$0x13680] =	vst v7  }
0x1ef: {  	v4 =	vmul.f32 $3.200000000e+01, v4;
	[tilespmem:s0+$0x13500] =	vst v6;
	v6 =	vadd.f32 v8, v9  }
0x1f0: {  	v7 =	vadd.f32 v63, v9;
	[tilespmem:s0+$0x13600] =	vst v5  }
0x1f1: {  	v4 =	vadd.f32 v4, v9;
	[tilespmem:s0+$0x13580] =	vst v6  }
0x1f2: {  	s0 =	sadd.s32 $0x10, s17;
	[tilespmem:s19+$0x11500] =	vst v7  }
0x1f3: {  	s19 =	sor.u32 $0x10, s7;
	s7 =	sor.u32 $0x300, s0;
	[tilespmem:s15+$0x11500] =	vst v4  }
0x1f4: {  	s2 =	sor.u32 s2, s19;
	v4 =	vld [tilespmem:s7+$0x9500]  }
0x1f5: {  	v5 =	vld [tilespmem:s2+$0x9680]  }
0x1f6: {  	s29 =	simm.s32 $0x0;
	v7 =	vld [tilespmem:s2+$0x9600]  }
0x1f7: {  	s30 =	simm.s32 $0x20;
	s31 =	simm.s32 $0x0;
	s15 =	sadd.s32 s19, s16;
	v6 =	vld [tilespmem:s2+$0x9700]  }
.LBB2_13:
0x1f8: {  	s29 =	sadd.s32 $0x2, s29;
	v8 =	vld [tilespmem:s2+$0x9780];
	s26 =	sadd.s32 $0x100, s26;
	s31 =	sadd.s32 $0x1, s31  }
0x1f9: {  	p1 =	slt.u32 s29, $0x3E;
	v9 =	vld [tilespmem:s15+$0x0]  }
0x1fa: {  	v10 =	vld [tilespmem:s2+$0x9580]  }
0x1fb: {  	s5 =	sor.u32 $0x380, s0;
	v11 =	vld [tilespmem:s2+$0x9500];
	v7 =	vmul.f32 $3.200000000e+01, v7  }
0x1fc: {  	v5 =	vmul.f32 $3.200000000e+01, v5;
	v12 =	vld [tilespmem:s5+$0x9500];
	v6 =	vmul.f32 $3.200000000e+01, v6  }
0x1fd: {  	s15 =	sor.u32 $0x2300, s0;
	v13 =	vld [tilespmem:s2+$0xB500];
	v8 =	vmul.f32 $3.200000000e+01, v8  }
0x1fe: {  	s0 =	sor.u32 $0x2380, s0;
	v14 =	vld [tilespmem:s15+$0x9500];
	v7 =	vadd.f32 v7, v9;
	v5 =	vadd.f32 v5, v9  }
0x1ff: {  	v6 =	vadd.f32 v6, v9;
	v15 =	vld [tilespmem:s0+$0x9500];
	v10 =	vmul.f32 $3.200000000e+01, v10;
	v8 =	vadd.f32 v8, v9  }
0x200: {  	v16 =	vld [tilespmem:s2+$0xB600];
	v11 =	vmul.f32 $3.200000000e+01, v11;
	[tilespmem:s2+$0x11600] =	vst v7  }
0x201: {  	v4 =	vmul.f32 $3.200000000e+01, v4;
	v7 =	vld [tilespmem:s2+$0xB680];
	v10 =	vadd.f32 v10, v9;
	[tilespmem:s2+$0x11680] =	vst v5  }
0x202: {  	v5 =	vld [tilespmem:s2+$0xB700];
	v11 =	vadd.f32 v11, v9;
	[tilespmem:s2+$0x11700] =	vst v6;
	v6 =	vmul.f32 $3.200000000e+01, v12  }
0x203: {  	v4 =	vadd.f32 v4, v9;
	v12 =	vld [tilespmem:s2+$0xB780];
	[tilespmem:s2+$0x11580] =	vst v10;
	v10 =	vmul.f32 $3.200000000e+01, v13;
	v13 =	vmul.f32 $3.200000000e+01, v14  }
0x204: {  	v14 =	vld [tilespmem:s2+$0xB580];
	[tilespmem:s2+$0x11500] =	vst v11;
	v6 =	vadd.f32 v6, v9  }
0x205: {  	[tilespmem:s2+$0x11780] =	vst v8;
	v8 =	vadd.f32 v10, v9;
	v10 =	vmul.f32 $3.200000000e+01, v16;
	v11 =	vadd.f32 v13, v9  }
0x206: {  	[tilespmem:s7+$0x11500] =	vst v4;
	v4 =	vmul.f32 $3.200000000e+01, v7  }
0x207: {  	[tilespmem:s5+$0x11500] =	vst v6;
	v6 =	vadd.f32 v10, v9;
	v5 =	vmul.f32 $3.200000000e+01, v5  }
0x208: {  	[tilespmem:s2+$0x13500] =	vst v8;
	v4 =	vadd.f32 v4, v9;
	v7 =	vmul.f32 $3.200000000e+01, v12  }
0x209: {  	v8 =	vmul.f32 $3.200000000e+01, v14;
	[tilespmem:s2+$0x13600] =	vst v6;
	v5 =	vadd.f32 v5, v9  }
0x20a: {  	[tilespmem:s2+$0x13680] =	vst v4;
	v4 =	vadd.f32 v7, v9  }
0x20b: {  	v6 =	vadd.f32 v8, v9;
	[tilespmem:s2+$0x13700] =	vst v5;
	v5 =	vmul.f32 $3.200000000e+01, v15  }
0x20c: {  	[tilespmem:s2+$0x13780] =	vst v4  }
0x20d: {  	v4 =	vadd.f32 v5, v9  }
0x20e: {  	[tilespmem:s2+$0x13580] =	vst v6  }
0x20f: {  	s5 =	sor.u32 s30, s26;
	[tilespmem:s15+$0x11500] =	vst v11  }
0x210: {  	s6 =	sand.u32 $0x60, s30;
	s7 =	sor.u32 $0x2380, s5;
	s2 =	sand.u32 $0x1C00, s26;
	[tilespmem:s0+$0x11500] =	vst v4  }
0x211: {  	s15 =	sadd.s32 s2, s28;
	s17 =	sor.u32 s6, s2;
	s0 =	sand.u32 $0x3, s31;
	v4 =	vld [tilespmem:s7+$0x9500]  }
0x212: {  	s16 =	sor.u32 $0x10, s6;
	s19 =	sadd.s32 s6, s15;
	s0 =	sshll.u32 s0, $0x5;
	v5 =	vld [tilespmem:s17+$0x9700]  }
0x213: {  	s15 =	sadd.s32 s16, s15;
	s0 =	sadd.s32 s0, s26;
	v6 =	vld [tilespmem:s17+$0x9680]  }
0x214: {  	s6 =	sor.u32 $0x300, s0;
	s18 =	sor.u32 $0x2300, s0;
	s0 =	sadd.s32 $0x10, s0;
	v7 =	vld [tilespmem:s17+$0x9600]  }
0x215: {  	v8 =	vld [tilespmem:s6+$0x9500]  }
0x216: {  	v9 =	vld [tilespmem:s19+$0x0]  }
0x217: {  	v10 =	vld [tilespmem:s17+$0x9780];
	v5 =	vmul.f32 $3.200000000e+01, v5  }
0x218: {  	v11 =	vld [tilespmem:s17+$0x9500];
	v6 =	vmul.f32 $3.200000000e+01, v6  }
0x219: {  	v12 =	vld [tilespmem:s17+$0x9580];
	v7 =	vmul.f32 $3.200000000e+01, v7  }
0x21a: {  	s5 =	sor.u32 $0x380, s5;
	v13 =	vld [tilespmem:s17+$0xB780];
	v8 =	vmul.f32 $3.200000000e+01, v8  }
0x21b: {  	v14 =	vld [tilespmem:s5+$0x9500];
	v7 =	vadd.f32 v7, v9;
	v5 =	vadd.f32 v5, v9  }
0x21c: {  	v6 =	vadd.f32 v6, v9;
	v15 =	vld [tilespmem:s18+$0x9500];
	v10 =	vmul.f32 $3.200000000e+01, v10;
	v8 =	vadd.f32 v8, v9  }
0x21d: {  	v16 =	vld [tilespmem:s17+$0xB700];
	v11 =	vmul.f32 $3.200000000e+01, v11;
	[tilespmem:s17+$0x11600] =	vst v7  }
0x21e: {  	v7 =	vld [tilespmem:s17+$0xB680];
	v12 =	vmul.f32 $3.200000000e+01, v12;
	[tilespmem:s17+$0x11680] =	vst v6;
	v6 =	vadd.f32 v10, v9  }
0x21f: {  	v10 =	vld [tilespmem:s17+$0xB500];
	v11 =	vadd.f32 v11, v9;
	[tilespmem:s17+$0x11700] =	vst v5  }
0x220: {  	v5 =	vld [tilespmem:s17+$0xB600];
	v12 =	vadd.f32 v12, v9;
	[tilespmem:s17+$0x11780] =	vst v6;
	v6 =	vmul.f32 $3.200000000e+01, v14  }
0x221: {  	v14 =	vld [tilespmem:s17+$0xB580];
	[tilespmem:s17+$0x11500] =	vst v11;
	v11 =	vmul.f32 $3.200000000e+01, v13;
	v13 =	vmul.f32 $3.200000000e+01, v15  }
0x222: {  	[tilespmem:s17+$0x11580] =	vst v12;
	v6 =	vadd.f32 v6, v9;
	v12 =	vmul.f32 $3.200000000e+01, v16  }
0x223: {  	[tilespmem:s6+$0x11500] =	vst v8;
	v7 =	vmul.f32 $3.200000000e+01, v7;
	v8 =	vadd.f32 v11, v9;
	v11 =	vadd.f32 v13, v9  }
0x224: {  	[tilespmem:s5+$0x11500] =	vst v6;
	v6 =	vmul.f32 $3.200000000e+01, v10;
	v10 =	vadd.f32 v12, v9  }
0x225: {  	v5 =	vmul.f32 $3.200000000e+01, v5;
	v7 =	vadd.f32 v7, v9;
	[tilespmem:s17+$0x13780] =	vst v8  }
0x226: {  	v6 =	vadd.f32 v6, v9;
	v8 =	vmul.f32 $3.200000000e+01, v14;
	[tilespmem:s17+$0x13700] =	vst v10  }
0x227: {  	v5 =	vadd.f32 v5, v9;
	[tilespmem:s17+$0x13680] =	vst v7  }
0x228: {  	v4 =	vmul.f32 $3.200000000e+01, v4;
	[tilespmem:s17+$0x13500] =	vst v6;
	v6 =	vadd.f32 v8, v9  }
0x229: {  	[tilespmem:s17+$0x13600] =	vst v5  }
0x22a: {  	v4 =	vadd.f32 v4, v9;
	[tilespmem:s17+$0x13580] =	vst v6  }
0x22b: {  	[tilespmem:s18+$0x11500] =	vst v11  }
.Ltmp10:
0x22c: {  	[tilespmem:s7+$0x11500] =	vst v4;
	s7 =	sor.u32 $0x300, s0;
	(pc) =	sbr.rel @p1 .LBB2_13-.Ltmp10, $4  }
0x22d: {  	s2 =	sor.u32 s2, s16;
	v4 =	vld [tilespmem:s7+$0x9500]  }
0x22e: {  	v5 =	vld [tilespmem:s2+$0x9680]  }
0x22f: {  	v7 =	vld [tilespmem:s2+$0x9600]  }
0x230: {  	s30 =	sadd.s32 $0x20, s30;
	v6 =	vld [tilespmem:s2+$0x9700]  }
0x231: {  	v8 =	vld [tilespmem:s2+$0x9780]  }
0x232: {  	v9 =	vld [tilespmem:s15+$0x0]  }
0x233: {  	v10 =	vld [tilespmem:s2+$0x9580]  }
0x234: {  	v11 =	vld [tilespmem:s2+$0x9500]  }
0x235: {  	v13 =	vld [tilespmem:s2+$0xB500];
	v7 =	vmul.f32 $3.200000000e+01, v7  }
0x236: {  	s5 =	sor.u32 $0x380, s0;
	v16 =	vld [tilespmem:s2+$0xB600];
	v5 =	vmul.f32 $3.200000000e+01, v5  }
0x237: {  	s6 =	sor.u32 $0x2300, s0;
	v12 =	vld [tilespmem:s5+$0x9500];
	v6 =	vmul.f32 $3.200000000e+01, v6;
	v7 =	vadd.f32 v7, v9  }
0x238: {  	s16 =	sor.u32 $0x2380, s0;
	v14 =	vld [tilespmem:s6+$0x9500];
	v5 =	vadd.f32 v5, v9;
	v10 =	vmul.f32 $3.200000000e+01, v10  }
0x239: {  	v15 =	vld [tilespmem:s16+$0x9500];
	v11 =	vmul.f32 $3.200000000e+01, v11;
	v6 =	vadd.f32 v6, v9;
	[tilespmem:s2+$0x11600] =	vst v7  }
0x23a: {  	v53 =	vld [tilespmem:s2+$0xB680];
	v54 =	vmul.f32 $3.200000000e+01, v8;
	[tilespmem:s2+$0x11680] =	vst v5;
	v10 =	vadd.f32 v10, v9  }
0x23b: {  	v4 =	vmul.f32 $3.200000000e+01, v4;
	v5 =	vld [tilespmem:s2+$0xB700];
	v11 =	vadd.f32 v11, v9;
	[tilespmem:s2+$0x11700] =	vst v6  }
0x23c: {  	v57 =	vld [tilespmem:s2+$0xB580];
	v56 =	vmul.f32 $3.200000000e+01, v12;
	v6 =	vadd.f32 v54, v9;
	[tilespmem:s2+$0x11580] =	vst v10  }
0x23d: {  	v55 =	vld [tilespmem:s2+$0xB780];
	v4 =	vadd.f32 v4, v9;
	v13 =	vmul.f32 $3.200000000e+01, v13;
	[tilespmem:s2+$0x11500] =	vst v11  }
0x23e: {  	v58 =	vmul.f32 $3.200000000e+01, v16;
	v10 =	vadd.f32 v56, v9;
	[tilespmem:s2+$0x11780] =	vst v6  }
0x23f: {  	v59 =	vadd.f32 v13, v9;
	[tilespmem:s7+$0x11500] =	vst v4;
	v4 =	vmul.f32 $3.200000000e+01, v53  }
0x240: {  	v6 =	vadd.f32 v58, v9;
	[tilespmem:s5+$0x11500] =	vst v10;
	v5 =	vmul.f32 $3.200000000e+01, v5  }
0x241: {  	v61 =	vmul.f32 $3.200000000e+01, v57;
	[tilespmem:s2+$0x13500] =	vst v59;
	v4 =	vadd.f32 v4, v9  }
0x242: {  	v60 =	vmul.f32 $3.200000000e+01, v55;
	[tilespmem:s2+$0x13600] =	vst v6;
	v5 =	vadd.f32 v5, v9  }
0x243: {  	v62 =	vmul.f32 $3.200000000e+01, v14;
	v63 =	vadd.f32 v61, v9;
	[tilespmem:s2+$0x13680] =	vst v4  }
0x244: {  	v4 =	vadd.f32 v60, v9;
	[tilespmem:s2+$0x13700] =	vst v5;
	v5 =	vmul.f32 $3.200000000e+01, v15  }
0x245: {  	v6 =	vadd.f32 v62, v9;
	[tilespmem:s2+$0x13580] =	vst v63  }
0x246: {  	[tilespmem:s2+$0x13780] =	vst v4;
	v4 =	vadd.f32 v5, v9  }
0x247: {  	[tilespmem:s6+$0x11500] =	vst v6  }
0x248: {  	[tilespmem:s16+$0x11500] =	vst v4  }
0x249: {  	v4 =	vld [tilespmem:$0x5400];
	_ =	sdelay $0x4  }
0x24a: {  	v5 =	vshll.u32 v4, $0x3  }
0x24b: {  	v4 =	vand.u32 $0x7, v4;
	v5 =	vand.u32 $0xFFFFFFC0, v5  }
0x24c: {  	v4 =	vor.u32 v4, v5  }
0x24d: {  	v5 =	vperm.xlane v4, v0;
	_ =	sdelay $0x1  }
0x24e: {  	v5 =	vadd.s32 v1, v5;
	_ =	sdelay $0x3  }
0x24f: {  	s17 =	simm.s32 $0x11500  }
0x250: {  	[hbm4b:s3+s4] =	stream.indirect_vreg.scatter [tilespmem:s17], [sflag:$0x4], $0x80, v5, vm0, $0xb8;
	[tilespmem:$0x19500] =	vst v63  }
0x251: {  	s18 =	simm.s32 $0x11D00;
	v4 =	vperm.xlane v4, v2  }
0x252: {  	[hbm4b:s11+s4] =	stream.indirect_vreg.scatter [tilespmem:s18], [sflag:$0x4], $0x80, v5, vm0, $0xb8;
	[tilespmem:$0x19500] =	vst v63  }
0x253: {  	s19 =	simm.s32 $0x12500;
	v4 =	vadd.s32 v1, v4  }
0x254: {  	[hbm4b:s12+s4] =	stream.indirect_vreg.scatter [tilespmem:s19], [sflag:$0x4], $0x80, v5, vm0, $0xb8;
	[tilespmem:$0x19500] =	vst v63  }
0x255: {  	s26 =	simm.s32 $0x12D00  }
0x256: {  	[hbm4b:s13+s4] =	stream.indirect_vreg.scatter [tilespmem:s26], [sflag:$0x4], $0x80, v5, vm0, $0xb8;
	[tilespmem:$0x19500] =	vst v63  }
0x257: {  	s28 =	simm.s32 $0x13500  }
0x258: {  	[hbm4b:s3+s4] =	stream.indirect_vreg.scatter [tilespmem:s28], [sflag:$0x4], $0x80, v4, vm0, $0xb8;
	[tilespmem:$0x19500] =	vst v63  }
0x259: {  	s29 =	simm.s32 $0x13D00  }
0x25a: {  	[hbm4b:s11+s4] =	stream.indirect_vreg.scatter [tilespmem:s29], [sflag:$0x4], $0x80, v4, vm0, $0xb8;
	[tilespmem:$0x19500] =	vst v63  }
.Ltmp11:
0x25b: {  	_ = 	snop;
	(pc) =	sbr.rel .LBB2_15-.Ltmp11, $4  }
0x25c: {  	s30 =	simm.s32 $0x14500  }
0x25d: {  	[hbm4b:s12+s4] =	stream.indirect_vreg.scatter [tilespmem:s30], [sflag:$0x4], $0x80, v4, vm0, $0xb8;
	[tilespmem:$0x19500] =	vst v63  }
0x25e: {  	s31 =	simm.s32 $0x14D00;
	p1 =	por $0x1, $0x1  }
0x25f: {  	[hbm4b:s13+s4] =	stream.indirect_vreg.scatter [tilespmem:s31], [sflag:$0x4], $0x80, v4, vm0, $0xb8;
	[tilespmem:$0x19500] =	vst v63  }
.LBB2_11:
0x260: {  	p1 =	seq.s32 s23, $0x1  }
0x261: {  	p1 =	por @!p2 p1, p1  }
.LBB2_15:
0x262: {  	p1 =	por !p1, !p0  }
0x263: {  	p1 =	por !p1, !p1  }
.Ltmp12:
0x264: {  	_ = 	snop;
	(pc) =	sbr.rel @!p1 .LBB2_19-.Ltmp12, $1  }
0x265: {  	_ =	sdelay $0x3  }
0x266: {  	p1 =	slt.u32 s24, $0x2  }
0x267: {  	s0 =	simm.s32 @!p1 $0x5  }
0x268: {  	p2 =	sgt.u32 @!p1 s24, $0x13D;
	_ =	swait.ge @!p1 [sflag:s0], $0x4000  }
0x269: {  	p2 =	por p1, !p2;
	[sflag:s0] =	ssyncset.done @!p1 $0x0  }
0x26a: {  	[sflag:s0] =	ssyncadd.s32 @!p1 $0xFFFFC000;
	s0 =	sshll.u32 @p2 s24, $0x4  }
0x26b: {  	s0 =	sand.u32 @p2 $0x3FFFFFF0, s0  }
0x26c: {  	v4 =	vld @p2 [tilespmem:s0+$0x20];
	_ =	sdelay $0x4  }
0x26d: {  	v5 =	vshll.u32 @p2 v4, $0x3  }
0x26e: {  	v4 =	vand.u32 @p2 $0x7, v4;
	v5 =	vand.u32 @p2 $0xFFFFFFC0, v5  }
0x26f: {  	v4 =	vor.u32 @p2 v4, v5  }
0x270: {  	v5 =	vperm.xlane @p2 v4, v0;
	_ =	sdelay $0x1  }
0x271: {  	v5 =	vadd.s32 @p2 v1, v5;
	_ =	sdelay $0x3  }
0x272: {  	s0 =	simm.s32 @p2 $0x5500  }
0x273: {  	[tilespmem:s0], [sflag:$0x1] =	stream.indirect_vreg.gather @p2 [hbm4b:s1+s4], $0x80, v5, vm0, $0xb8;
	[tilespmem:$0x19500] =	vst v63  }
0x274: {  	v4 =	vperm.xlane @p2 v4, v2;
	s0 =	simm.s32 @p2 $0x5D00  }
0x275: {  	[tilespmem:s0], [sflag:$0x1] =	stream.indirect_vreg.gather @p2 [hbm4b:s8+s4], $0x80, v5, vm0, $0xb8;
	[tilespmem:$0x19500] =	vst v63  }
0x276: {  	v4 =	vadd.s32 @p2 v1, v4;
	s0 =	simm.s32 @p2 $0x6500  }
0x277: {  	[tilespmem:s0], [sflag:$0x1] =	stream.indirect_vreg.gather @p2 [hbm4b:s9+s4], $0x80, v5, vm0, $0xb8;
	[tilespmem:$0x19500] =	vst v63  }
0x278: {  	s0 =	simm.s32 @p2 $0x6D00  }
0x279: {  	[tilespmem:s0], [sflag:$0x1] =	stream.indirect_vreg.gather @p2 [hbm4b:s10+s4], $0x80, v5, vm0, $0xb8;
	[tilespmem:$0x19500] =	vst v63  }
0x27a: {  	s0 =	simm.s32 @p2 $0x7500  }
0x27b: {  	[tilespmem:s0], [sflag:$0x1] =	stream.indirect_vreg.gather @p2 [hbm4b:s1+s4], $0x80, v4, vm0, $0xb8;
	[tilespmem:$0x19500] =	vst v63  }
0x27c: {  	s0 =	simm.s32 @p2 $0x7D00  }
0x27d: {  	[tilespmem:s0], [sflag:$0x1] =	stream.indirect_vreg.gather @p2 [hbm4b:s8+s4], $0x80, v4, vm0, $0xb8;
	[tilespmem:$0x19500] =	vst v63  }
0x27e: {  	s0 =	simm.s32 @p2 $0x8500  }
0x27f: {  	[tilespmem:s0], [sflag:$0x1] =	stream.indirect_vreg.gather @p2 [hbm4b:s9+s4], $0x80, v4, vm0, $0xb8;
	[tilespmem:$0x19500] =	vst v63  }
0x280: {  	s17 =	sshrl.u32 s24, $0x1;
	s0 =	simm.s32 @p2 $0x8D00  }
0x281: {  	[tilespmem:s0], [sflag:$0x1] =	stream.indirect_vreg.gather @p2 [hbm4b:s10+s4], $0x80, v4, vm0, $0xb8;
	[tilespmem:$0x19500] =	vst v63  }
0x282: {  	s2 =	sshll.u32 s24, $0x9;
	s25 =	simm.s32 $0x0;
	_ =	swait.ge [sflag:s20], $0x4000  }
0x283: {  	s18 =	sshll.u32 s24, $0x6;
	s0 =	sadd.s32 s14, s17;
	[sflag:s20] =	ssyncset.done $0x0  }
0x284: {  	s5 =	sand.u32 $0x2000, s2;
	s6 =	sor.u32 s25, s25;
	v4 =	vadd.s32 s0, v3;
	[sflag:s20] =	ssyncadd.s32 $0xFFFFC000  }
0x285: {  	s7 =	sand.u32 $0x60, s25;
	s2 =	sand.u32 $0x1C00, s25;
	s15 =	sor.u32 $0x2380, s6;
	[tilespmem:$0x5480] =	vst v4  }
0x286: {  	s16 =	sand.u32 $0x380, s18;
	s17 =	sand.u32 $0x3, s25;
	s0 =	sor.u32 s7, s2;
	v4 =	vld [tilespmem:s15+$0x9500]  }
0x287: {  	s5 =	sor.u32 s16, s5;
	s19 =	sshll.u32 s17, $0x5;
	v5 =	vld [tilespmem:s0+$0x9700]  }
0x288: {  	s26 =	sor.u32 $0x1400, s5;
	s17 =	sadd.s32 $0x0, s19;
	v6 =	vld [tilespmem:s0+$0x9680]  }
0x289: {  	s16 =	sadd.s32 s2, s26;
	s31 =	sor.u32 $0x300, s17;
	v7 =	vld [tilespmem:s0+$0x9600]  }
0x28a: {  	s18 =	sadd.s32 s7, s16;
	v8 =	vld [tilespmem:s31+$0x9500]  }
0x28b: {  	v9 =	vld [tilespmem:s18+$0x0]  }
0x28c: {  	v10 =	vld [tilespmem:s0+$0x9780]  }
0x28d: {  	v11 =	vld [tilespmem:s0+$0x9500]  }
0x28e: {  	v12 =	vld [tilespmem:s0+$0x9580];
	v7 =	vmul.f32 $3.200000000e+01, v7  }
0x28f: {  	s6 =	sor.u32 $0x380, s6;
	v13 =	vld [tilespmem:s0+$0xB780];
	v6 =	vmul.f32 $3.200000000e+01, v6  }
0x290: {  	s19 =	sor.u32 $0x2300, s17;
	v14 =	vld [tilespmem:s6+$0x9500];
	v5 =	vmul.f32 $3.200000000e+01, v5;
	v7 =	vadd.f32 v7, v9  }
0x291: {  	v15 =	vld [tilespmem:s19+$0x9500];
	v10 =	vmul.f32 $3.200000000e+01, v10;
	v6 =	vadd.f32 v6, v9  }
0x292: {  	v16 =	vld [tilespmem:s0+$0xB700];
	v11 =	vmul.f32 $3.200000000e+01, v11;
	v5 =	vadd.f32 v5, v9;
	[tilespmem:s0+$0x15600] =	vst v7  }
0x293: {  	v12 =	vmul.f32 $3.200000000e+01, v12;
	v7 =	vld [tilespmem:s0+$0xB680];
	[tilespmem:s0+$0x15680] =	vst v6;
	v6 =	vadd.f32 v10, v9  }
0x294: {  	v58 =	vld [tilespmem:s0+$0xB500];
	v8 =	vmul.f32 $3.200000000e+01, v8;
	v11 =	vadd.f32 v11, v9;
	[tilespmem:s0+$0x15700] =	vst v5  }
0x295: {  	v12 =	vadd.f32 v12, v9;
	v5 =	vld [tilespmem:s0+$0xB600];
	[tilespmem:s0+$0x15780] =	vst v6;
	v6 =	vmul.f32 $3.200000000e+01, v14  }
0x296: {  	v59 =	vld [tilespmem:s0+$0xB580];
	v60 =	vmul.f32 $3.200000000e+01, v13;
	v8 =	vadd.f32 v8, v9;
	[tilespmem:s0+$0x15500] =	vst v11  }
0x297: {  	v61 =	vmul.f32 $3.200000000e+01, v16;
	[tilespmem:s0+$0x15580] =	vst v12;
	v6 =	vadd.f32 v6, v9  }
0x298: {  	[tilespmem:s31+$0x15500] =	vst v8;
	v8 =	vadd.f32 v60, v9;
	v7 =	vmul.f32 $3.200000000e+01, v7  }
0x299: {  	v62 =	vadd.f32 v61, v9;
	[tilespmem:s6+$0x15500] =	vst v6;
	v6 =	vmul.f32 $3.200000000e+01, v58  }
0x29a: {  	v5 =	vmul.f32 $3.200000000e+01, v5;
	v7 =	vadd.f32 v7, v9;
	[tilespmem:s0+$0x17780] =	vst v8  }
0x29b: {  	v8 =	vmul.f32 $3.200000000e+01, v59;
	[tilespmem:s0+$0x17700] =	vst v62;
	v6 =	vadd.f32 v6, v9  }
0x29c: {  	v63 =	vmul.f32 $3.200000000e+01, v15;
	v5 =	vadd.f32 v5, v9;
	[tilespmem:s0+$0x17680] =	vst v7  }
0x29d: {  	v4 =	vmul.f32 $3.200000000e+01, v4;
	[tilespmem:s0+$0x17500] =	vst v6;
	v6 =	vadd.f32 v8, v9  }
0x29e: {  	v7 =	vadd.f32 v63, v9;
	[tilespmem:s0+$0x17600] =	vst v5  }
0x29f: {  	v4 =	vadd.f32 v4, v9;
	[tilespmem:s0+$0x17580] =	vst v6  }
0x2a0: {  	s0 =	sadd.s32 $0x10, s17;
	[tilespmem:s19+$0x15500] =	vst v7  }
0x2a1: {  	s31 =	sor.u32 $0x10, s7;
	s7 =	sor.u32 $0x300, s0;
	[tilespmem:s15+$0x15500] =	vst v4  }
0x2a2: {  	s2 =	sor.u32 s2, s31;
	v4 =	vld [tilespmem:s7+$0x9500]  }
0x2a3: {  	v5 =	vld [tilespmem:s2+$0x9680]  }
0x2a4: {  	s28 =	simm.s32 $0x0;
	v7 =	vld [tilespmem:s2+$0x9600]  }
0x2a5: {  	s29 =	simm.s32 $0x20;
	s30 =	simm.s32 $0x0;
	s15 =	sadd.s32 s31, s16;
	v6 =	vld [tilespmem:s2+$0x9700]  }
.LBB2_17:
0x2a6: {  	s28 =	sadd.s32 $0x2, s28;
	v8 =	vld [tilespmem:s2+$0x9780];
	s25 =	sadd.s32 $0x100, s25;
	s30 =	sadd.s32 $0x1, s30  }
0x2a7: {  	p1 =	slt.u32 s28, $0x3E;
	v9 =	vld [tilespmem:s15+$0x0]  }
0x2a8: {  	v10 =	vld [tilespmem:s2+$0x9580]  }
0x2a9: {  	s5 =	sor.u32 $0x380, s0;
	v11 =	vld [tilespmem:s2+$0x9500];
	v7 =	vmul.f32 $3.200000000e+01, v7  }
0x2aa: {  	v5 =	vmul.f32 $3.200000000e+01, v5;
	v12 =	vld [tilespmem:s5+$0x9500];
	v6 =	vmul.f32 $3.200000000e+01, v6  }
0x2ab: {  	s15 =	sor.u32 $0x2300, s0;
	v13 =	vld [tilespmem:s2+$0xB500];
	v8 =	vmul.f32 $3.200000000e+01, v8  }
0x2ac: {  	s0 =	sor.u32 $0x2380, s0;
	v14 =	vld [tilespmem:s15+$0x9500];
	v7 =	vadd.f32 v7, v9;
	v5 =	vadd.f32 v5, v9  }
0x2ad: {  	v6 =	vadd.f32 v6, v9;
	v15 =	vld [tilespmem:s0+$0x9500];
	v10 =	vmul.f32 $3.200000000e+01, v10;
	v8 =	vadd.f32 v8, v9  }
0x2ae: {  	v16 =	vld [tilespmem:s2+$0xB600];
	v11 =	vmul.f32 $3.200000000e+01, v11;
	[tilespmem:s2+$0x15600] =	vst v7  }
0x2af: {  	v4 =	vmul.f32 $3.200000000e+01, v4;
	v7 =	vld [tilespmem:s2+$0xB680];
	v10 =	vadd.f32 v10, v9;
	[tilespmem:s2+$0x15680] =	vst v5  }
0x2b0: {  	v5 =	vld [tilespmem:s2+$0xB700];
	v11 =	vadd.f32 v11, v9;
	[tilespmem:s2+$0x15700] =	vst v6;
	v6 =	vmul.f32 $3.200000000e+01, v12  }
0x2b1: {  	v4 =	vadd.f32 v4, v9;
	v12 =	vld [tilespmem:s2+$0xB780];
	[tilespmem:s2+$0x15580] =	vst v10;
	v10 =	vmul.f32 $3.200000000e+01, v13;
	v13 =	vmul.f32 $3.200000000e+01, v14  }
0x2b2: {  	v14 =	vld [tilespmem:s2+$0xB580];
	[tilespmem:s2+$0x15500] =	vst v11;
	v6 =	vadd.f32 v6, v9  }
0x2b3: {  	[tilespmem:s2+$0x15780] =	vst v8;
	v8 =	vadd.f32 v10, v9;
	v10 =	vmul.f32 $3.200000000e+01, v16;
	v11 =	vadd.f32 v13, v9  }
0x2b4: {  	[tilespmem:s7+$0x15500] =	vst v4;
	v4 =	vmul.f32 $3.200000000e+01, v7  }
0x2b5: {  	[tilespmem:s5+$0x15500] =	vst v6;
	v6 =	vadd.f32 v10, v9;
	v5 =	vmul.f32 $3.200000000e+01, v5  }
0x2b6: {  	[tilespmem:s2+$0x17500] =	vst v8;
	v4 =	vadd.f32 v4, v9;
	v7 =	vmul.f32 $3.200000000e+01, v12  }
0x2b7: {  	v8 =	vmul.f32 $3.200000000e+01, v14;
	[tilespmem:s2+$0x17600] =	vst v6;
	v5 =	vadd.f32 v5, v9  }
0x2b8: {  	[tilespmem:s2+$0x17680] =	vst v4;
	v4 =	vadd.f32 v7, v9  }
0x2b9: {  	v6 =	vadd.f32 v8, v9;
	[tilespmem:s2+$0x17700] =	vst v5;
	v5 =	vmul.f32 $3.200000000e+01, v15  }
0x2ba: {  	[tilespmem:s2+$0x17780] =	vst v4  }
0x2bb: {  	v4 =	vadd.f32 v5, v9  }
0x2bc: {  	[tilespmem:s2+$0x17580] =	vst v6  }
0x2bd: {  	s5 =	sor.u32 s29, s25;
	[tilespmem:s15+$0x15500] =	vst v11  }
0x2be: {  	s6 =	sand.u32 $0x60, s29;
	s7 =	sor.u32 $0x2380, s5;
	s2 =	sand.u32 $0x1C00, s25;
	[tilespmem:s0+$0x15500] =	vst v4  }
0x2bf: {  	s15 =	sadd.s32 s2, s26;
	s17 =	sor.u32 s6, s2;
	s0 =	sand.u32 $0x3, s30;
	v4 =	vld [tilespmem:s7+$0x9500]  }
0x2c0: {  	s16 =	sor.u32 $0x10, s6;
	s19 =	sadd.s32 s6, s15;
	s0 =	sshll.u32 s0, $0x5;
	v5 =	vld [tilespmem:s17+$0x9700]  }
0x2c1: {  	s15 =	sadd.s32 s16, s15;
	s0 =	sadd.s32 s0, s25;
	v6 =	vld [tilespmem:s17+$0x9680]  }
0x2c2: {  	s6 =	sor.u32 $0x300, s0;
	s18 =	sor.u32 $0x2300, s0;
	s0 =	sadd.s32 $0x10, s0;
	v7 =	vld [tilespmem:s17+$0x9600]  }
0x2c3: {  	v8 =	vld [tilespmem:s6+$0x9500]  }
0x2c4: {  	v9 =	vld [tilespmem:s19+$0x0]  }
0x2c5: {  	v10 =	vld [tilespmem:s17+$0x9780];
	v5 =	vmul.f32 $3.200000000e+01, v5  }
0x2c6: {  	v11 =	vld [tilespmem:s17+$0x9500];
	v6 =	vmul.f32 $3.200000000e+01, v6  }
0x2c7: {  	v12 =	vld [tilespmem:s17+$0x9580];
	v7 =	vmul.f32 $3.200000000e+01, v7  }
0x2c8: {  	s5 =	sor.u32 $0x380, s5;
	v13 =	vld [tilespmem:s17+$0xB780];
	v8 =	vmul.f32 $3.200000000e+01, v8  }
0x2c9: {  	v14 =	vld [tilespmem:s5+$0x9500];
	v7 =	vadd.f32 v7, v9;
	v5 =	vadd.f32 v5, v9  }
0x2ca: {  	v6 =	vadd.f32 v6, v9;
	v15 =	vld [tilespmem:s18+$0x9500];
	v10 =	vmul.f32 $3.200000000e+01, v10;
	v8 =	vadd.f32 v8, v9  }
0x2cb: {  	v16 =	vld [tilespmem:s17+$0xB700];
	v11 =	vmul.f32 $3.200000000e+01, v11;
	[tilespmem:s17+$0x15600] =	vst v7  }
0x2cc: {  	v7 =	vld [tilespmem:s17+$0xB680];
	v12 =	vmul.f32 $3.200000000e+01, v12;
	[tilespmem:s17+$0x15680] =	vst v6;
	v6 =	vadd.f32 v10, v9  }
0x2cd: {  	v10 =	vld [tilespmem:s17+$0xB500];
	v11 =	vadd.f32 v11, v9;
	[tilespmem:s17+$0x15700] =	vst v5  }
0x2ce: {  	v5 =	vld [tilespmem:s17+$0xB600];
	v12 =	vadd.f32 v12, v9;
	[tilespmem:s17+$0x15780] =	vst v6;
	v6 =	vmul.f32 $3.200000000e+01, v14  }
0x2cf: {  	v14 =	vld [tilespmem:s17+$0xB580];
	[tilespmem:s17+$0x15500] =	vst v11;
	v11 =	vmul.f32 $3.200000000e+01, v13;
	v13 =	vmul.f32 $3.200000000e+01, v15  }
0x2d0: {  	[tilespmem:s17+$0x15580] =	vst v12;
	v6 =	vadd.f32 v6, v9;
	v12 =	vmul.f32 $3.200000000e+01, v16  }
0x2d1: {  	[tilespmem:s6+$0x15500] =	vst v8;
	v7 =	vmul.f32 $3.200000000e+01, v7;
	v8 =	vadd.f32 v11, v9;
	v11 =	vadd.f32 v13, v9  }
0x2d2: {  	[tilespmem:s5+$0x15500] =	vst v6;
	v6 =	vmul.f32 $3.200000000e+01, v10;
	v10 =	vadd.f32 v12, v9  }
0x2d3: {  	v5 =	vmul.f32 $3.200000000e+01, v5;
	v7 =	vadd.f32 v7, v9;
	[tilespmem:s17+$0x17780] =	vst v8  }
0x2d4: {  	v6 =	vadd.f32 v6, v9;
	v8 =	vmul.f32 $3.200000000e+01, v14;
	[tilespmem:s17+$0x17700] =	vst v10  }
0x2d5: {  	v5 =	vadd.f32 v5, v9;
	[tilespmem:s17+$0x17680] =	vst v7  }
0x2d6: {  	v4 =	vmul.f32 $3.200000000e+01, v4;
	[tilespmem:s17+$0x17500] =	vst v6;
	v6 =	vadd.f32 v8, v9  }
0x2d7: {  	[tilespmem:s17+$0x17600] =	vst v5  }
0x2d8: {  	v4 =	vadd.f32 v4, v9;
	[tilespmem:s17+$0x17580] =	vst v6  }
0x2d9: {  	[tilespmem:s18+$0x15500] =	vst v11  }
.Ltmp13:
0x2da: {  	[tilespmem:s7+$0x15500] =	vst v4;
	s7 =	sor.u32 $0x300, s0;
	(pc) =	sbr.rel @p1 .LBB2_17-.Ltmp13, $4  }
0x2db: {  	s2 =	sor.u32 s2, s16;
	v4 =	vld [tilespmem:s7+$0x9500]  }
0x2dc: {  	v5 =	vld [tilespmem:s2+$0x9680]  }
0x2dd: {  	v7 =	vld [tilespmem:s2+$0x9600]  }
0x2de: {  	s29 =	sadd.s32 $0x20, s29;
	v6 =	vld [tilespmem:s2+$0x9700]  }
0x2df: {  	v8 =	vld [tilespmem:s2+$0x9780]  }
0x2e0: {  	v9 =	vld [tilespmem:s15+$0x0]  }
0x2e1: {  	v10 =	vld [tilespmem:s2+$0x9580]  }
0x2e2: {  	v11 =	vld [tilespmem:s2+$0x9500]  }
0x2e3: {  	v13 =	vld [tilespmem:s2+$0xB500];
	v7 =	vmul.f32 $3.200000000e+01, v7  }
0x2e4: {  	s5 =	sor.u32 $0x380, s0;
	v16 =	vld [tilespmem:s2+$0xB600];
	v5 =	vmul.f32 $3.200000000e+01, v5  }
0x2e5: {  	s6 =	sor.u32 $0x2300, s0;
	v12 =	vld [tilespmem:s5+$0x9500];
	v6 =	vmul.f32 $3.200000000e+01, v6;
	v7 =	vadd.f32 v7, v9  }
0x2e6: {  	s17 =	sor.u32 $0x2380, s0;
	v14 =	vld [tilespmem:s6+$0x9500];
	v5 =	vadd.f32 v5, v9;
	v10 =	vmul.f32 $3.200000000e+01, v10  }
0x2e7: {  	v15 =	vld [tilespmem:s17+$0x9500];
	v11 =	vmul.f32 $3.200000000e+01, v11;
	v6 =	vadd.f32 v6, v9;
	[tilespmem:s2+$0x15600] =	vst v7  }
0x2e8: {  	v53 =	vld [tilespmem:s2+$0xB680];
	v54 =	vmul.f32 $3.200000000e+01, v8;
	[tilespmem:s2+$0x15680] =	vst v5;
	v10 =	vadd.f32 v10, v9  }
0x2e9: {  	v4 =	vmul.f32 $3.200000000e+01, v4;
	v5 =	vld [tilespmem:s2+$0xB700];
	v11 =	vadd.f32 v11, v9;
	[tilespmem:s2+$0x15700] =	vst v6  }
0x2ea: {  	v57 =	vld [tilespmem:s2+$0xB580];
	v56 =	vmul.f32 $3.200000000e+01, v12;
	v6 =	vadd.f32 v54, v9;
	[tilespmem:s2+$0x15580] =	vst v10  }
0x2eb: {  	v55 =	vld [tilespmem:s2+$0xB780];
	v4 =	vadd.f32 v4, v9;
	v13 =	vmul.f32 $3.200000000e+01, v13;
	[tilespmem:s2+$0x15500] =	vst v11  }
0x2ec: {  	v58 =	vmul.f32 $3.200000000e+01, v16;
	v10 =	vadd.f32 v56, v9;
	[tilespmem:s2+$0x15780] =	vst v6  }
0x2ed: {  	v59 =	vadd.f32 v13, v9;
	[tilespmem:s7+$0x15500] =	vst v4;
	v4 =	vmul.f32 $3.200000000e+01, v53  }
0x2ee: {  	v6 =	vadd.f32 v58, v9;
	[tilespmem:s5+$0x15500] =	vst v10;
	v5 =	vmul.f32 $3.200000000e+01, v5  }
0x2ef: {  	v61 =	vmul.f32 $3.200000000e+01, v57;
	[tilespmem:s2+$0x17500] =	vst v59;
	v4 =	vadd.f32 v4, v9  }
0x2f0: {  	v60 =	vmul.f32 $3.200000000e+01, v55;
	[tilespmem:s2+$0x17600] =	vst v6;
	v5 =	vadd.f32 v5, v9  }
0x2f1: {  	v62 =	vmul.f32 $3.200000000e+01, v14;
	v63 =	vadd.f32 v61, v9;
	[tilespmem:s2+$0x17680] =	vst v4  }
0x2f2: {  	v4 =	vadd.f32 v60, v9;
	[tilespmem:s2+$0x17700] =	vst v5;
	v5 =	vmul.f32 $3.200000000e+01, v15  }
0x2f3: {  	v6 =	vadd.f32 v62, v9;
	[tilespmem:s2+$0x17580] =	vst v63  }
0x2f4: {  	[tilespmem:s2+$0x17780] =	vst v4;
	v4 =	vadd.f32 v5, v9  }
0x2f5: {  	[tilespmem:s6+$0x15500] =	vst v6  }
0x2f6: {  	[tilespmem:s17+$0x15500] =	vst v4  }
0x2f7: {  	v4 =	vld [tilespmem:$0x5480];
	_ =	sdelay $0x4  }
0x2f8: {  	v5 =	vshll.u32 v4, $0x3  }
0x2f9: {  	v4 =	vand.u32 $0x7, v4;
	v5 =	vand.u32 $0xFFFFFFC0, v5  }
0x2fa: {  	v4 =	vor.u32 v4, v5  }
0x2fb: {  	v5 =	vperm.xlane v4, v0;
	_ =	sdelay $0x1  }
0x2fc: {  	v5 =	vadd.s32 v1, v5;
	_ =	sdelay $0x3  }
0x2fd: {  	s18 =	simm.s32 $0x15500  }
0x2fe: {  	[hbm4b:s3+s4] =	stream.indirect_vreg.scatter [tilespmem:s18], [sflag:$0x5], $0x80, v5, vm0, $0xb8;
	[tilespmem:$0x19500] =	vst v63  }
0x2ff: {  	s19 =	simm.s32 $0x15D00;
	v4 =	vperm.xlane v4, v2  }
0x300: {  	[hbm4b:s11+s4] =	stream.indirect_vreg.scatter [tilespmem:s19], [sflag:$0x5], $0x80, v5, vm0, $0xb8;
	[tilespmem:$0x19500] =	vst v63  }
0x301: {  	s25 =	simm.s32 $0x16500;
	v4 =	vadd.s32 v1, v4  }
0x302: {  	[hbm4b:s12+s4] =	stream.indirect_vreg.scatter [tilespmem:s25], [sflag:$0x5], $0x80, v5, vm0, $0xb8;
	[tilespmem:$0x19500] =	vst v63  }
0x303: {  	s26 =	simm.s32 $0x16D00  }
0x304: {  	[hbm4b:s13+s4] =	stream.indirect_vreg.scatter [tilespmem:s26], [sflag:$0x5], $0x80, v5, vm0, $0xb8;
	[tilespmem:$0x19500] =	vst v63  }
0x305: {  	s28 =	simm.s32 $0x17500  }
0x306: {  	[hbm4b:s3+s4] =	stream.indirect_vreg.scatter [tilespmem:s28], [sflag:$0x5], $0x80, v4, vm0, $0xb8;
	[tilespmem:$0x19500] =	vst v63  }
0x307: {  	s29 =	simm.s32 $0x17D00  }
0x308: {  	[hbm4b:s11+s4] =	stream.indirect_vreg.scatter [tilespmem:s29], [sflag:$0x5], $0x80, v4, vm0, $0xb8;
	[tilespmem:$0x19500] =	vst v63  }
.Ltmp14:
0x309: {  	_ = 	snop;
	(pc) =	sbr.rel .LBB2_24-.Ltmp14, $4  }
0x30a: {  	s30 =	simm.s32 $0x18500  }
0x30b: {  	[hbm4b:s12+s4] =	stream.indirect_vreg.scatter [tilespmem:s30], [sflag:$0x5], $0x80, v4, vm0, $0xb8;
	[tilespmem:$0x19500] =	vst v63  }
0x30c: {  	s31 =	simm.s32 $0x18D00;
	p1 =	por $0x0, $0x0  }
0x30d: {  	[hbm4b:s13+s4] =	stream.indirect_vreg.scatter [tilespmem:s31], [sflag:$0x5], $0x80, v4, vm0, $0xb8;
	[tilespmem:$0x19500] =	vst v63  }
.LBB2_19:
0x30e: {  	p2 =	sne.s32 s23, $0x2  }
0x30f: {  	p1 =	sne.s32 @!p2 s25, $0x0  }
0x310: {  	p1 =	por p2, p1  }
.Ltmp15:
0x311: {  	_ = 	snop;
	(pc) =	sbr.rel @p1 .LBB2_20-.Ltmp15, $1  }
0x312: {  	_ =	sdelay $0x3  }
0x313: {  	p1 =	slt.u32 s24, $0x2  }
0x314: {  	s0 =	simm.s32 @!p1 $0x4  }
0x315: {  	_ =	swait.ge @!p1 [sflag:s0], $0x4000  }
0x316: {  	p2 =	slt.u32 @!p1 s24, $0x13E;
	[sflag:s0] =	ssyncset.done @!p1 $0x0  }
0x317: {  	p2 =	por p1, p2;
	[sflag:s0] =	ssyncadd.s32 @!p1 $0xFFFFC000;
	s0 =	sshll.u32 s24, $0x6  }
0x318: {  	s2 =	sshrl.u32 @p2 s0, $0x2  }
0x319: {  	v4 =	vld @p2 [tilespmem:s2+$0x20];
	_ =	sdelay $0x4  }
0x31a: {  	v5 =	vshll.u32 @p2 v4, $0x3  }
0x31b: {  	v4 =	vand.u32 @p2 $0x7, v4;
	v5 =	vand.u32 @p2 $0xFFFFFFC0, v5  }
0x31c: {  	v4 =	vor.u32 @p2 v4, v5  }
0x31d: {  	v5 =	vperm.xlane @p2 v4, v0;
	_ =	sdelay $0x1  }
0x31e: {  	v5 =	vadd.s32 @p2 v1, v5;
	_ =	sdelay $0x3  }
0x31f: {  	s2 =	simm.s32 @p2 $0x9500  }
0x320: {  	[tilespmem:s2], [sflag:$0x2] =	stream.indirect_vreg.gather @p2 [hbm4b:s1+s4], $0x80, v5, vm0, $0xb8;
	[tilespmem:$0x19500] =	vst v63  }
0x321: {  	v4 =	vperm.xlane @p2 v4, v2;
	s2 =	simm.s32 @p2 $0x9D00  }
0x322: {  	[tilespmem:s2], [sflag:$0x2] =	stream.indirect_vreg.gather @p2 [hbm4b:s8+s4], $0x80, v5, vm0, $0xb8;
	[tilespmem:$0x19500] =	vst v63  }
0x323: {  	v4 =	vadd.s32 @p2 v1, v4;
	s2 =	simm.s32 @p2 $0xA500  }
0x324: {  	[tilespmem:s2], [sflag:$0x2] =	stream.indirect_vreg.gather @p2 [hbm4b:s9+s4], $0x80, v5, vm0, $0xb8;
	[tilespmem:$0x19500] =	vst v63  }
0x325: {  	s2 =	simm.s32 @p2 $0xAD00  }
0x326: {  	[tilespmem:s2], [sflag:$0x2] =	stream.indirect_vreg.gather @p2 [hbm4b:s10+s4], $0x80, v5, vm0, $0xb8;
	[tilespmem:$0x19500] =	vst v63  }
0x327: {  	s2 =	simm.s32 @p2 $0xB500  }
0x328: {  	[tilespmem:s2], [sflag:$0x2] =	stream.indirect_vreg.gather @p2 [hbm4b:s1+s4], $0x80, v4, vm0, $0xb8;
	[tilespmem:$0x19500] =	vst v63  }
0x329: {  	s2 =	simm.s32 @p2 $0xBD00  }
0x32a: {  	[tilespmem:s2], [sflag:$0x2] =	stream.indirect_vreg.gather @p2 [hbm4b:s8+s4], $0x80, v4, vm0, $0xb8;
	[tilespmem:$0x19500] =	vst v63  }
0x32b: {  	s2 =	simm.s32 @p2 $0xC500  }
0x32c: {  	[tilespmem:s2], [sflag:$0x2] =	stream.indirect_vreg.gather @p2 [hbm4b:s9+s4], $0x80, v4, vm0, $0xb8;
	[tilespmem:$0x19500] =	vst v63  }
0x32d: {  	s2 =	simm.s32 @p2 $0xCD00  }
0x32e: {  	[tilespmem:s2], [sflag:$0x2] =	stream.indirect_vreg.gather @p2 [hbm4b:s10+s4], $0x80, v4, vm0, $0xb8;
	[tilespmem:$0x19500] =	vst v63  }
0x32f: {  	_ =	swait.ge [sflag:s21], $0x4000  }
0x330: {  	s17 =	sshrl.u32 s24, $0x1;
	s5 =	rddreg [dreg:$0x4]  }
0x331: {  	s25 =	simm.s32 $0x0;
	[sflag:s21] =	ssyncset.done $0x0;
	s2 =	sor.u32 s5, s17  }
0x332: {  	s18 =	sshll.u32 s24, $0x9;
	s6 =	sor.u32 s25, s25;
	[sflag:s21] =	ssyncadd.s32 $0xFFFFC000;
	v4 =	vadd.s32 s2, v3  }
0x333: {  	s7 =	sand.u32 $0x60, s25;
	s15 =	sor.u32 $0x2380, s6;
	s2 =	sand.u32 $0x1C00, s25;
	[tilespmem:$0x5400] =	vst v4  }
0x334: {  	s16 =	sand.u32 $0x380, s0;
	s5 =	sand.u32 $0x2000, s18;
	s0 =	sor.u32 s7, s2;
	v4 =	vld [tilespmem:s15+$0xD500]  }
0x335: {  	s5 =	sor.u32 s16, s5;
	v5 =	vld [tilespmem:s0+$0xD700]  }
0x336: {  	s26 =	sor.u32 $0x1400, s5;
	v6 =	vld [tilespmem:s0+$0xD680]  }
0x337: {  	s16 =	sadd.s32 s2, s26;
	v7 =	vld [tilespmem:s0+$0xD600]  }
0x338: {  	v10 =	vld [tilespmem:s0+$0xD780];
	s18 =	sadd.s32 s7, s16  }
0x339: {  	s17 =	sand.u32 $0x3, s25;
	v9 =	vld [tilespmem:s18+$0x0]  }
0x33a: {  	s19 =	sshll.u32 s17, $0x5;
	v11 =	vld [tilespmem:s0+$0xD500]  }
0x33b: {  	s17 =	sadd.s32 $0x0, s19;
	v12 =	vld [tilespmem:s0+$0xD580]  }
0x33c: {  	s31 =	sor.u32 $0x300, s17;
	v13 =	vld [tilespmem:s0+$0xF780];
	v7 =	vmul.f32 $3.200000000e+01, v7  }
0x33d: {  	s6 =	sor.u32 $0x380, s6;
	v8 =	vld [tilespmem:s31+$0xD500];
	v6 =	vmul.f32 $3.200000000e+01, v6  }
0x33e: {  	v14 =	vld [tilespmem:s6+$0xD500];
	v5 =	vmul.f32 $3.200000000e+01, v5;
	v7 =	vadd.f32 v7, v9  }
0x33f: {  	s19 =	sor.u32 $0x2300, s17;
	v16 =	vld [tilespmem:s0+$0xF700];
	v10 =	vmul.f32 $3.200000000e+01, v10;
	v6 =	vadd.f32 v6, v9  }
0x340: {  	v15 =	vld [tilespmem:s19+$0xD500];
	v11 =	vmul.f32 $3.200000000e+01, v11;
	v5 =	vadd.f32 v5, v9;
	[tilespmem:s0+$0x11600] =	vst v7  }
0x341: {  	v12 =	vmul.f32 $3.200000000e+01, v12;
	v7 =	vld [tilespmem:s0+$0xF680];
	[tilespmem:s0+$0x11680] =	vst v6;
	v6 =	vadd.f32 v10, v9  }
0x342: {  	v58 =	vld [tilespmem:s0+$0xF500];
	v8 =	vmul.f32 $3.200000000e+01, v8;
	v11 =	vadd.f32 v11, v9;
	[tilespmem:s0+$0x11700] =	vst v5  }
0x343: {  	v12 =	vadd.f32 v12, v9;
	v5 =	vld [tilespmem:s0+$0xF600];
	[tilespmem:s0+$0x11780] =	vst v6;
	v6 =	vmul.f32 $3.200000000e+01, v14  }
0x344: {  	v59 =	vld [tilespmem:s0+$0xF580];
	v60 =	vmul.f32 $3.200000000e+01, v13;
	v8 =	vadd.f32 v8, v9;
	[tilespmem:s0+$0x11500] =	vst v11  }
0x345: {  	v61 =	vmul.f32 $3.200000000e+01, v16;
	[tilespmem:s0+$0x11580] =	vst v12;
	v6 =	vadd.f32 v6, v9  }
0x346: {  	[tilespmem:s31+$0x11500] =	vst v8;
	v8 =	vadd.f32 v60, v9;
	v7 =	vmul.f32 $3.200000000e+01, v7  }
0x347: {  	v62 =	vadd.f32 v61, v9;
	[tilespmem:s6+$0x11500] =	vst v6;
	v6 =	vmul.f32 $3.200000000e+01, v58  }
0x348: {  	v5 =	vmul.f32 $3.200000000e+01, v5;
	v7 =	vadd.f32 v7, v9;
	[tilespmem:s0+$0x13780] =	vst v8  }
0x349: {  	v8 =	vmul.f32 $3.200000000e+01, v59;
	[tilespmem:s0+$0x13700] =	vst v62;
	v6 =	vadd.f32 v6, v9  }
0x34a: {  	v63 =	vmul.f32 $3.200000000e+01, v15;
	v5 =	vadd.f32 v5, v9;
	[tilespmem:s0+$0x13680] =	vst v7  }
0x34b: {  	v4 =	vmul.f32 $3.200000000e+01, v4;
	[tilespmem:s0+$0x13500] =	vst v6;
	v6 =	vadd.f32 v8, v9  }
0x34c: {  	v7 =	vadd.f32 v63, v9;
	[tilespmem:s0+$0x13600] =	vst v5  }
0x34d: {  	v4 =	vadd.f32 v4, v9;
	[tilespmem:s0+$0x13580] =	vst v6  }
0x34e: {  	s0 =	sadd.s32 $0x10, s17;
	[tilespmem:s19+$0x11500] =	vst v7  }
0x34f: {  	s31 =	sor.u32 $0x10, s7;
	s7 =	sor.u32 $0x300, s0;
	[tilespmem:s15+$0x11500] =	vst v4  }
0x350: {  	s2 =	sor.u32 s2, s31;
	v4 =	vld [tilespmem:s7+$0xD500]  }
0x351: {  	v5 =	vld [tilespmem:s2+$0xD680]  }
0x352: {  	s28 =	simm.s32 $0x0;
	v7 =	vld [tilespmem:s2+$0xD600]  }
0x353: {  	s29 =	simm.s32 $0x20;
	s30 =	simm.s32 $0x0;
	s15 =	sadd.s32 s31, s16;
	v6 =	vld [tilespmem:s2+$0xD700]  }
.LBB2_22:
0x354: {  	s28 =	sadd.s32 $0x2, s28;
	v8 =	vld [tilespmem:s2+$0xD780];
	s25 =	sadd.s32 $0x100, s25;
	s30 =	sadd.s32 $0x1, s30  }
0x355: {  	p1 =	slt.u32 s28, $0x3E;
	v9 =	vld [tilespmem:s15+$0x0]  }
0x356: {  	v10 =	vld [tilespmem:s2+$0xD580]  }
0x357: {  	s5 =	sor.u32 $0x380, s0;
	v11 =	vld [tilespmem:s2+$0xD500];
	v7 =	vmul.f32 $3.200000000e+01, v7  }
0x358: {  	v5 =	vmul.f32 $3.200000000e+01, v5;
	v12 =	vld [tilespmem:s5+$0xD500];
	v6 =	vmul.f32 $3.200000000e+01, v6  }
0x359: {  	s15 =	sor.u32 $0x2300, s0;
	v13 =	vld [tilespmem:s2+$0xF500];
	v8 =	vmul.f32 $3.200000000e+01, v8  }
0x35a: {  	s0 =	sor.u32 $0x2380, s0;
	v14 =	vld [tilespmem:s15+$0xD500];
	v7 =	vadd.f32 v7, v9;
	v5 =	vadd.f32 v5, v9  }
0x35b: {  	v6 =	vadd.f32 v6, v9;
	v15 =	vld [tilespmem:s0+$0xD500];
	v10 =	vmul.f32 $3.200000000e+01, v10;
	v8 =	vadd.f32 v8, v9  }
0x35c: {  	v16 =	vld [tilespmem:s2+$0xF600];
	v11 =	vmul.f32 $3.200000000e+01, v11;
	[tilespmem:s2+$0x11600] =	vst v7  }
0x35d: {  	v4 =	vmul.f32 $3.200000000e+01, v4;
	v7 =	vld [tilespmem:s2+$0xF680];
	v10 =	vadd.f32 v10, v9;
	[tilespmem:s2+$0x11680] =	vst v5  }
0x35e: {  	v5 =	vld [tilespmem:s2+$0xF700];
	v11 =	vadd.f32 v11, v9;
	[tilespmem:s2+$0x11700] =	vst v6;
	v6 =	vmul.f32 $3.200000000e+01, v12  }
0x35f: {  	v4 =	vadd.f32 v4, v9;
	v12 =	vld [tilespmem:s2+$0xF780];
	[tilespmem:s2+$0x11580] =	vst v10;
	v10 =	vmul.f32 $3.200000000e+01, v13;
	v13 =	vmul.f32 $3.200000000e+01, v14  }
0x360: {  	v14 =	vld [tilespmem:s2+$0xF580];
	[tilespmem:s2+$0x11500] =	vst v11;
	v6 =	vadd.f32 v6, v9  }
0x361: {  	[tilespmem:s2+$0x11780] =	vst v8;
	v8 =	vadd.f32 v10, v9;
	v10 =	vmul.f32 $3.200000000e+01, v16;
	v11 =	vadd.f32 v13, v9  }
0x362: {  	[tilespmem:s7+$0x11500] =	vst v4;
	v4 =	vmul.f32 $3.200000000e+01, v7  }
0x363: {  	[tilespmem:s5+$0x11500] =	vst v6;
	v6 =	vadd.f32 v10, v9;
	v5 =	vmul.f32 $3.200000000e+01, v5  }
0x364: {  	[tilespmem:s2+$0x13500] =	vst v8;
	v4 =	vadd.f32 v4, v9;
	v7 =	vmul.f32 $3.200000000e+01, v12  }
0x365: {  	v8 =	vmul.f32 $3.200000000e+01, v14;
	[tilespmem:s2+$0x13600] =	vst v6;
	v5 =	vadd.f32 v5, v9  }
0x366: {  	[tilespmem:s2+$0x13680] =	vst v4;
	v4 =	vadd.f32 v7, v9  }
0x367: {  	v6 =	vadd.f32 v8, v9;
	[tilespmem:s2+$0x13700] =	vst v5;
	v5 =	vmul.f32 $3.200000000e+01, v15  }
0x368: {  	[tilespmem:s2+$0x13780] =	vst v4  }
0x369: {  	v4 =	vadd.f32 v5, v9  }
0x36a: {  	[tilespmem:s2+$0x13580] =	vst v6  }
0x36b: {  	s5 =	sor.u32 s29, s25;
	[tilespmem:s15+$0x11500] =	vst v11  }
0x36c: {  	s6 =	sand.u32 $0x60, s29;
	s7 =	sor.u32 $0x2380, s5;
	s2 =	sand.u32 $0x1C00, s25;
	[tilespmem:s0+$0x11500] =	vst v4  }
0x36d: {  	s15 =	sadd.s32 s2, s26;
	s17 =	sor.u32 s6, s2;
	s0 =	sand.u32 $0x3, s30;
	v4 =	vld [tilespmem:s7+$0xD500]  }
0x36e: {  	s16 =	sor.u32 $0x10, s6;
	s19 =	sadd.s32 s6, s15;
	s0 =	sshll.u32 s0, $0x5;
	v5 =	vld [tilespmem:s17+$0xD700]  }
0x36f: {  	s15 =	sadd.s32 s16, s15;
	s0 =	sadd.s32 s0, s25;
	v6 =	vld [tilespmem:s17+$0xD680]  }
0x370: {  	s6 =	sor.u32 $0x300, s0;
	s18 =	sor.u32 $0x2300, s0;
	s0 =	sadd.s32 $0x10, s0;
	v7 =	vld [tilespmem:s17+$0xD600]  }
0x371: {  	v8 =	vld [tilespmem:s6+$0xD500]  }
0x372: {  	v9 =	vld [tilespmem:s19+$0x0]  }
0x373: {  	v10 =	vld [tilespmem:s17+$0xD780];
	v5 =	vmul.f32 $3.200000000e+01, v5  }
0x374: {  	v11 =	vld [tilespmem:s17+$0xD500];
	v6 =	vmul.f32 $3.200000000e+01, v6  }
0x375: {  	v12 =	vld [tilespmem:s17+$0xD580];
	v7 =	vmul.f32 $3.200000000e+01, v7  }
0x376: {  	s5 =	sor.u32 $0x380, s5;
	v13 =	vld [tilespmem:s17+$0xF780];
	v8 =	vmul.f32 $3.200000000e+01, v8  }
0x377: {  	v14 =	vld [tilespmem:s5+$0xD500];
	v7 =	vadd.f32 v7, v9;
	v5 =	vadd.f32 v5, v9  }
0x378: {  	v6 =	vadd.f32 v6, v9;
	v15 =	vld [tilespmem:s18+$0xD500];
	v10 =	vmul.f32 $3.200000000e+01, v10;
	v8 =	vadd.f32 v8, v9  }
0x379: {  	v16 =	vld [tilespmem:s17+$0xF700];
	v11 =	vmul.f32 $3.200000000e+01, v11;
	[tilespmem:s17+$0x11600] =	vst v7  }
0x37a: {  	v7 =	vld [tilespmem:s17+$0xF680];
	v12 =	vmul.f32 $3.200000000e+01, v12;
	[tilespmem:s17+$0x11680] =	vst v6;
	v6 =	vadd.f32 v10, v9  }
0x37b: {  	v10 =	vld [tilespmem:s17+$0xF500];
	v11 =	vadd.f32 v11, v9;
	[tilespmem:s17+$0x11700] =	vst v5  }
0x37c: {  	v5 =	vld [tilespmem:s17+$0xF600];
	v12 =	vadd.f32 v12, v9;
	[tilespmem:s17+$0x11780] =	vst v6;
	v6 =	vmul.f32 $3.200000000e+01, v14  }
0x37d: {  	v14 =	vld [tilespmem:s17+$0xF580];
	[tilespmem:s17+$0x11500] =	vst v11;
	v11 =	vmul.f32 $3.200000000e+01, v13;
	v13 =	vmul.f32 $3.200000000e+01, v15  }
0x37e: {  	[tilespmem:s17+$0x11580] =	vst v12;
	v6 =	vadd.f32 v6, v9;
	v12 =	vmul.f32 $3.200000000e+01, v16  }
0x37f: {  	[tilespmem:s6+$0x11500] =	vst v8;
	v7 =	vmul.f32 $3.200000000e+01, v7;
	v8 =	vadd.f32 v11, v9;
	v11 =	vadd.f32 v13, v9  }
0x380: {  	[tilespmem:s5+$0x11500] =	vst v6;
	v6 =	vmul.f32 $3.200000000e+01, v10;
	v10 =	vadd.f32 v12, v9  }
0x381: {  	v5 =	vmul.f32 $3.200000000e+01, v5;
	v7 =	vadd.f32 v7, v9;
	[tilespmem:s17+$0x13780] =	vst v8  }
0x382: {  	v6 =	vadd.f32 v6, v9;
	v8 =	vmul.f32 $3.200000000e+01, v14;
	[tilespmem:s17+$0x13700] =	vst v10  }
0x383: {  	v5 =	vadd.f32 v5, v9;
	[tilespmem:s17+$0x13680] =	vst v7  }
0x384: {  	v4 =	vmul.f32 $3.200000000e+01, v4;
	[tilespmem:s17+$0x13500] =	vst v6;
	v6 =	vadd.f32 v8, v9  }
0x385: {  	[tilespmem:s17+$0x13600] =	vst v5  }
0x386: {  	v4 =	vadd.f32 v4, v9;
	[tilespmem:s17+$0x13580] =	vst v6  }
0x387: {  	[tilespmem:s18+$0x11500] =	vst v11  }
.Ltmp16:
0x388: {  	[tilespmem:s7+$0x11500] =	vst v4;
	s7 =	sor.u32 $0x300, s0;
	(pc) =	sbr.rel @p1 .LBB2_22-.Ltmp16, $4  }
0x389: {  	s2 =	sor.u32 s2, s16;
	v4 =	vld [tilespmem:s7+$0xD500]  }
0x38a: {  	v5 =	vld [tilespmem:s2+$0xD680]  }
0x38b: {  	v7 =	vld [tilespmem:s2+$0xD600]  }
0x38c: {  	s29 =	sadd.s32 $0x20, s29;
	v6 =	vld [tilespmem:s2+$0xD700]  }
0x38d: {  	v8 =	vld [tilespmem:s2+$0xD780]  }
0x38e: {  	v9 =	vld [tilespmem:s15+$0x0]  }
0x38f: {  	v10 =	vld [tilespmem:s2+$0xD580]  }
0x390: {  	v11 =	vld [tilespmem:s2+$0xD500]  }
0x391: {  	v13 =	vld [tilespmem:s2+$0xF500];
	v7 =	vmul.f32 $3.200000000e+01, v7  }
0x392: {  	s5 =	sor.u32 $0x380, s0;
	v16 =	vld [tilespmem:s2+$0xF600];
	v5 =	vmul.f32 $3.200000000e+01, v5  }
0x393: {  	s6 =	sor.u32 $0x2300, s0;
	v12 =	vld [tilespmem:s5+$0xD500];
	v6 =	vmul.f32 $3.200000000e+01, v6;
	v7 =	vadd.f32 v7, v9  }
0x394: {  	s17 =	sor.u32 $0x2380, s0;
	v14 =	vld [tilespmem:s6+$0xD500];
	v5 =	vadd.f32 v5, v9;
	v10 =	vmul.f32 $3.200000000e+01, v10  }
0x395: {  	v15 =	vld [tilespmem:s17+$0xD500];
	v11 =	vmul.f32 $3.200000000e+01, v11;
	v6 =	vadd.f32 v6, v9;
	[tilespmem:s2+$0x11600] =	vst v7  }
0x396: {  	v53 =	vld [tilespmem:s2+$0xF680];
	v54 =	vmul.f32 $3.200000000e+01, v8;
	[tilespmem:s2+$0x11680] =	vst v5;
	v10 =	vadd.f32 v10, v9  }
0x397: {  	v4 =	vmul.f32 $3.200000000e+01, v4;
	v5 =	vld [tilespmem:s2+$0xF700];
	v11 =	vadd.f32 v11, v9;
	[tilespmem:s2+$0x11700] =	vst v6  }
0x398: {  	v57 =	vld [tilespmem:s2+$0xF580];
	v56 =	vmul.f32 $3.200000000e+01, v12;
	v6 =	vadd.f32 v54, v9;
	[tilespmem:s2+$0x11580] =	vst v10  }
0x399: {  	v55 =	vld [tilespmem:s2+$0xF780];
	v4 =	vadd.f32 v4, v9;
	v13 =	vmul.f32 $3.200000000e+01, v13;
	[tilespmem:s2+$0x11500] =	vst v11  }
0x39a: {  	v58 =	vmul.f32 $3.200000000e+01, v16;
	v10 =	vadd.f32 v56, v9;
	[tilespmem:s2+$0x11780] =	vst v6  }
0x39b: {  	v59 =	vadd.f32 v13, v9;
	[tilespmem:s7+$0x11500] =	vst v4;
	v4 =	vmul.f32 $3.200000000e+01, v53  }
0x39c: {  	v6 =	vadd.f32 v58, v9;
	[tilespmem:s5+$0x11500] =	vst v10;
	v5 =	vmul.f32 $3.200000000e+01, v5  }
0x39d: {  	v61 =	vmul.f32 $3.200000000e+01, v57;
	[tilespmem:s2+$0x13500] =	vst v59;
	v4 =	vadd.f32 v4, v9  }
0x39e: {  	v60 =	vmul.f32 $3.200000000e+01, v55;
	[tilespmem:s2+$0x13600] =	vst v6;
	v5 =	vadd.f32 v5, v9  }
0x39f: {  	v62 =	vmul.f32 $3.200000000e+01, v14;
	v63 =	vadd.f32 v61, v9;
	[tilespmem:s2+$0x13680] =	vst v4  }
0x3a0: {  	v4 =	vadd.f32 v60, v9;
	[tilespmem:s2+$0x13700] =	vst v5;
	v5 =	vmul.f32 $3.200000000e+01, v15  }
0x3a1: {  	v6 =	vadd.f32 v62, v9;
	[tilespmem:s2+$0x13580] =	vst v63  }
0x3a2: {  	[tilespmem:s2+$0x13780] =	vst v4;
	v4 =	vadd.f32 v5, v9  }
0x3a3: {  	[tilespmem:s6+$0x11500] =	vst v6  }
0x3a4: {  	[tilespmem:s17+$0x11500] =	vst v4  }
0x3a5: {  	v4 =	vld [tilespmem:$0x5400];
	_ =	sdelay $0x4  }
0x3a6: {  	v5 =	vshll.u32 v4, $0x3  }
0x3a7: {  	v4 =	vand.u32 $0x7, v4;
	v5 =	vand.u32 $0xFFFFFFC0, v5  }
0x3a8: {  	v4 =	vor.u32 v4, v5  }
0x3a9: {  	v5 =	vperm.xlane v4, v0;
	_ =	sdelay $0x1  }
0x3aa: {  	v5 =	vadd.s32 v1, v5;
	_ =	sdelay $0x3  }
0x3ab: {  	s18 =	simm.s32 $0x11500  }
0x3ac: {  	[hbm4b:s3+s4] =	stream.indirect_vreg.scatter [tilespmem:s18], [sflag:$0x4], $0x80, v5, vm0, $0xb8;
	[tilespmem:$0x19500] =	vst v63  }
0x3ad: {  	s19 =	simm.s32 $0x11D00;
	v4 =	vperm.xlane v4, v2  }
0x3ae: {  	[hbm4b:s11+s4] =	stream.indirect_vreg.scatter [tilespmem:s19], [sflag:$0x4], $0x80, v5, vm0, $0xb8;
	[tilespmem:$0x19500] =	vst v63  }
0x3af: {  	s25 =	simm.s32 $0x12500;
	v4 =	vadd.s32 v1, v4  }
0x3b0: {  	[hbm4b:s12+s4] =	stream.indirect_vreg.scatter [tilespmem:s25], [sflag:$0x4], $0x80, v5, vm0, $0xb8;
	[tilespmem:$0x19500] =	vst v63  }
0x3b1: {  	s26 =	simm.s32 $0x12D00  }
0x3b2: {  	[hbm4b:s13+s4] =	stream.indirect_vreg.scatter [tilespmem:s26], [sflag:$0x4], $0x80, v5, vm0, $0xb8;
	[tilespmem:$0x19500] =	vst v63  }
0x3b3: {  	s28 =	simm.s32 $0x13500  }
0x3b4: {  	[hbm4b:s3+s4] =	stream.indirect_vreg.scatter [tilespmem:s28], [sflag:$0x4], $0x80, v4, vm0, $0xb8;
	[tilespmem:$0x19500] =	vst v63  }
0x3b5: {  	s29 =	simm.s32 $0x13D00  }
0x3b6: {  	[hbm4b:s11+s4] =	stream.indirect_vreg.scatter [tilespmem:s29], [sflag:$0x4], $0x80, v4, vm0, $0xb8;
	[tilespmem:$0x19500] =	vst v63  }
.Ltmp17:
0x3b7: {  	_ = 	snop;
	(pc) =	sbr.rel .LBB2_24-.Ltmp17, $4  }
0x3b8: {  	s30 =	simm.s32 $0x14500  }
0x3b9: {  	[hbm4b:s12+s4] =	stream.indirect_vreg.scatter [tilespmem:s30], [sflag:$0x4], $0x80, v4, vm0, $0xb8;
	[tilespmem:$0x19500] =	vst v63  }
0x3ba: {  	s31 =	simm.s32 $0x14D00;
	p1 =	por $0x1, $0x1  }
0x3bb: {  	[hbm4b:s13+s4] =	stream.indirect_vreg.scatter [tilespmem:s31], [sflag:$0x4], $0x80, v4, vm0, $0xb8;
	[tilespmem:$0x19500] =	vst v63  }
.LBB2_20:
0x3bc: {  	p1 =	seq.s32 s23, $0x2  }
0x3bd: {  	p1 =	por @!p2 p1, p1  }
.LBB2_24:
0x3be: {  	p0 =	por !p1, !p0  }
0x3bf: {  	p0 =	por !p0, !p0  }
.Ltmp18:
0x3c0: {  	_ = 	snop;
	(pc) =	sbr.rel @!p0 .LBB2_28-.Ltmp18, $1  }
0x3c1: {  	_ =	sdelay $0x3  }
0x3c2: {  	p0 =	slt.u32 s24, $0x2  }
0x3c3: {  	s0 =	simm.s32 @!p0 $0x5  }
0x3c4: {  	p2 =	sgt.u32 @!p0 s24, $0x13D;
	_ =	swait.ge @!p0 [sflag:s0], $0x4000  }
0x3c5: {  	p2 =	por p0, !p2;
	[sflag:s0] =	ssyncset.done @!p0 $0x0  }
0x3c6: {  	[sflag:s0] =	ssyncadd.s32 @!p0 $0xFFFFC000;
	s0 =	sshll.u32 @p2 s24, $0x4  }
0x3c7: {  	s0 =	sand.u32 @p2 $0x3FFFFFF0, s0  }
0x3c8: {  	v4 =	vld @p2 [tilespmem:s0+$0x20];
	_ =	sdelay $0x4  }
0x3c9: {  	v5 =	vshll.u32 @p2 v4, $0x3  }
0x3ca: {  	v4 =	vand.u32 @p2 $0x7, v4;
	v5 =	vand.u32 @p2 $0xFFFFFFC0, v5  }
0x3cb: {  	v4 =	vor.u32 @p2 v4, v5  }
0x3cc: {  	v5 =	vperm.xlane @p2 v4, v0;
	_ =	sdelay $0x1  }
0x3cd: {  	v5 =	vadd.s32 @p2 v1, v5;
	_ =	sdelay $0x3  }
0x3ce: {  	s0 =	simm.s32 @p2 $0x9500  }
0x3cf: {  	[tilespmem:s0], [sflag:$0x2] =	stream.indirect_vreg.gather @p2 [hbm4b:s1+s4], $0x80, v5, vm0, $0xb8;
	[tilespmem:$0x19500] =	vst v63  }
0x3d0: {  	v4 =	vperm.xlane @p2 v4, v2;
	s0 =	simm.s32 @p2 $0x9D00  }
0x3d1: {  	[tilespmem:s0], [sflag:$0x2] =	stream.indirect_vreg.gather @p2 [hbm4b:s8+s4], $0x80, v5, vm0, $0xb8;
	[tilespmem:$0x19500] =	vst v63  }
0x3d2: {  	v4 =	vadd.s32 @p2 v1, v4;
	s0 =	simm.s32 @p2 $0xA500  }
0x3d3: {  	[tilespmem:s0], [sflag:$0x2] =	stream.indirect_vreg.gather @p2 [hbm4b:s9+s4], $0x80, v5, vm0, $0xb8;
	[tilespmem:$0x19500] =	vst v63  }
0x3d4: {  	s0 =	simm.s32 @p2 $0xAD00  }
0x3d5: {  	[tilespmem:s0], [sflag:$0x2] =	stream.indirect_vreg.gather @p2 [hbm4b:s10+s4], $0x80, v5, vm0, $0xb8;
	[tilespmem:$0x19500] =	vst v63  }
0x3d6: {  	s0 =	simm.s32 @p2 $0xB500  }
0x3d7: {  	[tilespmem:s0], [sflag:$0x2] =	stream.indirect_vreg.gather @p2 [hbm4b:s1+s4], $0x80, v4, vm0, $0xb8;
	[tilespmem:$0x19500] =	vst v63  }
0x3d8: {  	s0 =	simm.s32 @p2 $0xBD00  }
0x3d9: {  	[tilespmem:s0], [sflag:$0x2] =	stream.indirect_vreg.gather @p2 [hbm4b:s8+s4], $0x80, v4, vm0, $0xb8;
	[tilespmem:$0x19500] =	vst v63  }
0x3da: {  	s0 =	simm.s32 @p2 $0xC500  }
0x3db: {  	[tilespmem:s0], [sflag:$0x2] =	stream.indirect_vreg.gather @p2 [hbm4b:s9+s4], $0x80, v4, vm0, $0xb8;
	[tilespmem:$0x19500] =	vst v63  }
0x3dc: {  	s17 =	sshrl.u32 s24, $0x1;
	s0 =	simm.s32 @p2 $0xCD00  }
0x3dd: {  	[tilespmem:s0], [sflag:$0x2] =	stream.indirect_vreg.gather @p2 [hbm4b:s10+s4], $0x80, v4, vm0, $0xb8;
	[tilespmem:$0x19500] =	vst v63  }
0x3de: {  	s2 =	sshll.u32 s24, $0x9;
	s25 =	simm.s32 $0x0;
	_ =	swait.ge [sflag:s21], $0x4000  }
0x3df: {  	s18 =	sshll.u32 s24, $0x6;
	s0 =	sadd.s32 s14, s17;
	[sflag:s21] =	ssyncset.done $0x0  }
0x3e0: {  	s5 =	sand.u32 $0x2000, s2;
	s6 =	sor.u32 s25, s25;
	v4 =	vadd.s32 s0, v3;
	[sflag:s21] =	ssyncadd.s32 $0xFFFFC000  }
0x3e1: {  	s7 =	sand.u32 $0x60, s25;
	s2 =	sand.u32 $0x1C00, s25;
	s15 =	sor.u32 $0x2380, s6;
	[tilespmem:$0x5480] =	vst v4  }
0x3e2: {  	s16 =	sand.u32 $0x380, s18;
	s17 =	sand.u32 $0x3, s25;
	s0 =	sor.u32 s7, s2;
	v4 =	vld [tilespmem:s15+$0xD500]  }
0x3e3: {  	s5 =	sor.u32 s16, s5;
	s19 =	sshll.u32 s17, $0x5;
	v5 =	vld [tilespmem:s0+$0xD700]  }
0x3e4: {  	s26 =	sor.u32 $0x1400, s5;
	s17 =	sadd.s32 $0x0, s19;
	v6 =	vld [tilespmem:s0+$0xD680]  }
0x3e5: {  	s16 =	sadd.s32 s2, s26;
	s31 =	sor.u32 $0x300, s17;
	v7 =	vld [tilespmem:s0+$0xD600]  }
0x3e6: {  	s18 =	sadd.s32 s7, s16;
	v8 =	vld [tilespmem:s31+$0xD500]  }
0x3e7: {  	v9 =	vld [tilespmem:s18+$0x0]  }
0x3e8: {  	v10 =	vld [tilespmem:s0+$0xD780]  }
0x3e9: {  	v11 =	vld [tilespmem:s0+$0xD500]  }
0x3ea: {  	v12 =	vld [tilespmem:s0+$0xD580];
	v7 =	vmul.f32 $3.200000000e+01, v7  }
0x3eb: {  	s6 =	sor.u32 $0x380, s6;
	v13 =	vld [tilespmem:s0+$0xF780];
	v6 =	vmul.f32 $3.200000000e+01, v6  }
0x3ec: {  	s19 =	sor.u32 $0x2300, s17;
	v14 =	vld [tilespmem:s6+$0xD500];
	v5 =	vmul.f32 $3.200000000e+01, v5;
	v7 =	vadd.f32 v7, v9  }
0x3ed: {  	v15 =	vld [tilespmem:s19+$0xD500];
	v10 =	vmul.f32 $3.200000000e+01, v10;
	v6 =	vadd.f32 v6, v9  }
0x3ee: {  	v16 =	vld [tilespmem:s0+$0xF700];
	v11 =	vmul.f32 $3.200000000e+01, v11;
	v5 =	vadd.f32 v5, v9;
	[tilespmem:s0+$0x15600] =	vst v7  }
0x3ef: {  	v12 =	vmul.f32 $3.200000000e+01, v12;
	v7 =	vld [tilespmem:s0+$0xF680];
	[tilespmem:s0+$0x15680] =	vst v6;
	v6 =	vadd.f32 v10, v9  }
0x3f0: {  	v58 =	vld [tilespmem:s0+$0xF500];
	v8 =	vmul.f32 $3.200000000e+01, v8;
	v11 =	vadd.f32 v11, v9;
	[tilespmem:s0+$0x15700] =	vst v5  }
0x3f1: {  	v12 =	vadd.f32 v12, v9;
	v5 =	vld [tilespmem:s0+$0xF600];
	[tilespmem:s0+$0x15780] =	vst v6;
	v6 =	vmul.f32 $3.200000000e+01, v14  }
0x3f2: {  	v59 =	vld [tilespmem:s0+$0xF580];
	v60 =	vmul.f32 $3.200000000e+01, v13;
	v8 =	vadd.f32 v8, v9;
	[tilespmem:s0+$0x15500] =	vst v11  }
0x3f3: {  	v61 =	vmul.f32 $3.200000000e+01, v16;
	[tilespmem:s0+$0x15580] =	vst v12;
	v6 =	vadd.f32 v6, v9  }
0x3f4: {  	[tilespmem:s31+$0x15500] =	vst v8;
	v8 =	vadd.f32 v60, v9;
	v7 =	vmul.f32 $3.200000000e+01, v7  }
0x3f5: {  	v62 =	vadd.f32 v61, v9;
	[tilespmem:s6+$0x15500] =	vst v6;
	v6 =	vmul.f32 $3.200000000e+01, v58  }
0x3f6: {  	v5 =	vmul.f32 $3.200000000e+01, v5;
	v7 =	vadd.f32 v7, v9;
	[tilespmem:s0+$0x17780] =	vst v8  }
0x3f7: {  	v8 =	vmul.f32 $3.200000000e+01, v59;
	[tilespmem:s0+$0x17700] =	vst v62;
	v6 =	vadd.f32 v6, v9  }
0x3f8: {  	v63 =	vmul.f32 $3.200000000e+01, v15;
	v5 =	vadd.f32 v5, v9;
	[tilespmem:s0+$0x17680] =	vst v7  }
0x3f9: {  	v4 =	vmul.f32 $3.200000000e+01, v4;
	[tilespmem:s0+$0x17500] =	vst v6;
	v6 =	vadd.f32 v8, v9  }
0x3fa: {  	v7 =	vadd.f32 v63, v9;
	[tilespmem:s0+$0x17600] =	vst v5  }
0x3fb: {  	v4 =	vadd.f32 v4, v9;
	[tilespmem:s0+$0x17580] =	vst v6  }
0x3fc: {  	s0 =	sadd.s32 $0x10, s17;
	[tilespmem:s19+$0x15500] =	vst v7  }
0x3fd: {  	s31 =	sor.u32 $0x10, s7;
	s7 =	sor.u32 $0x300, s0;
	[tilespmem:s15+$0x15500] =	vst v4  }
0x3fe: {  	s2 =	sor.u32 s2, s31;
	v4 =	vld [tilespmem:s7+$0xD500]  }
0x3ff: {  	v5 =	vld [tilespmem:s2+$0xD680]  }
0x400: {  	s28 =	simm.s32 $0x0;
	v7 =	vld [tilespmem:s2+$0xD600]  }
0x401: {  	s29 =	simm.s32 $0x20;
	s30 =	simm.s32 $0x0;
	s15 =	sadd.s32 s31, s16;
	v6 =	vld [tilespmem:s2+$0xD700]  }
.LBB2_26:
0x402: {  	s28 =	sadd.s32 $0x2, s28;
	v8 =	vld [tilespmem:s2+$0xD780];
	s25 =	sadd.s32 $0x100, s25;
	s30 =	sadd.s32 $0x1, s30  }
0x403: {  	p0 =	slt.u32 s28, $0x3E;
	v9 =	vld [tilespmem:s15+$0x0]  }
0x404: {  	v10 =	vld [tilespmem:s2+$0xD580]  }
0x405: {  	s5 =	sor.u32 $0x380, s0;
	v11 =	vld [tilespmem:s2+$0xD500];
	v7 =	vmul.f32 $3.200000000e+01, v7  }
0x406: {  	v5 =	vmul.f32 $3.200000000e+01, v5;
	v12 =	vld [tilespmem:s5+$0xD500];
	v6 =	vmul.f32 $3.200000000e+01, v6  }
0x407: {  	s15 =	sor.u32 $0x2300, s0;
	v13 =	vld [tilespmem:s2+$0xF500];
	v8 =	vmul.f32 $3.200000000e+01, v8  }
0x408: {  	s0 =	sor.u32 $0x2380, s0;
	v14 =	vld [tilespmem:s15+$0xD500];
	v7 =	vadd.f32 v7, v9;
	v5 =	vadd.f32 v5, v9  }
0x409: {  	v6 =	vadd.f32 v6, v9;
	v15 =	vld [tilespmem:s0+$0xD500];
	v10 =	vmul.f32 $3.200000000e+01, v10;
	v8 =	vadd.f32 v8, v9  }
0x40a: {  	v16 =	vld [tilespmem:s2+$0xF600];
	v11 =	vmul.f32 $3.200000000e+01, v11;
	[tilespmem:s2+$0x15600] =	vst v7  }
0x40b: {  	v4 =	vmul.f32 $3.200000000e+01, v4;
	v7 =	vld [tilespmem:s2+$0xF680];
	v10 =	vadd.f32 v10, v9;
	[tilespmem:s2+$0x15680] =	vst v5  }
0x40c: {  	v5 =	vld [tilespmem:s2+$0xF700];
	v11 =	vadd.f32 v11, v9;
	[tilespmem:s2+$0x15700] =	vst v6;
	v6 =	vmul.f32 $3.200000000e+01, v12  }
0x40d: {  	v4 =	vadd.f32 v4, v9;
	v12 =	vld [tilespmem:s2+$0xF780];
	[tilespmem:s2+$0x15580] =	vst v10;
	v10 =	vmul.f32 $3.200000000e+01, v13;
	v13 =	vmul.f32 $3.200000000e+01, v14  }
0x40e: {  	v14 =	vld [tilespmem:s2+$0xF580];
	[tilespmem:s2+$0x15500] =	vst v11;
	v6 =	vadd.f32 v6, v9  }
0x40f: {  	[tilespmem:s2+$0x15780] =	vst v8;
	v8 =	vadd.f32 v10, v9;
	v10 =	vmul.f32 $3.200000000e+01, v16;
	v11 =	vadd.f32 v13, v9  }
0x410: {  	[tilespmem:s7+$0x15500] =	vst v4;
	v4 =	vmul.f32 $3.200000000e+01, v7  }
0x411: {  	[tilespmem:s5+$0x15500] =	vst v6;
	v6 =	vadd.f32 v10, v9;
	v5 =	vmul.f32 $3.200000000e+01, v5  }
0x412: {  	[tilespmem:s2+$0x17500] =	vst v8;
	v4 =	vadd.f32 v4, v9;
	v7 =	vmul.f32 $3.200000000e+01, v12  }
0x413: {  	v8 =	vmul.f32 $3.200000000e+01, v14;
	[tilespmem:s2+$0x17600] =	vst v6;
	v5 =	vadd.f32 v5, v9  }
0x414: {  	[tilespmem:s2+$0x17680] =	vst v4;
	v4 =	vadd.f32 v7, v9  }
0x415: {  	v6 =	vadd.f32 v8, v9;
	[tilespmem:s2+$0x17700] =	vst v5;
	v5 =	vmul.f32 $3.200000000e+01, v15  }
0x416: {  	[tilespmem:s2+$0x17780] =	vst v4  }
0x417: {  	v4 =	vadd.f32 v5, v9  }
0x418: {  	[tilespmem:s2+$0x17580] =	vst v6  }
0x419: {  	s5 =	sor.u32 s29, s25;
	[tilespmem:s15+$0x15500] =	vst v11  }
0x41a: {  	s6 =	sand.u32 $0x60, s29;
	s7 =	sor.u32 $0x2380, s5;
	s2 =	sand.u32 $0x1C00, s25;
	[tilespmem:s0+$0x15500] =	vst v4  }
0x41b: {  	s15 =	sadd.s32 s2, s26;
	s17 =	sor.u32 s6, s2;
	s0 =	sand.u32 $0x3, s30;
	v4 =	vld [tilespmem:s7+$0xD500]  }
0x41c: {  	s16 =	sor.u32 $0x10, s6;
	s19 =	sadd.s32 s6, s15;
	s0 =	sshll.u32 s0, $0x5;
	v5 =	vld [tilespmem:s17+$0xD700]  }
0x41d: {  	s15 =	sadd.s32 s16, s15;
	s0 =	sadd.s32 s0, s25;
	v6 =	vld [tilespmem:s17+$0xD680]  }
0x41e: {  	s6 =	sor.u32 $0x300, s0;
	s18 =	sor.u32 $0x2300, s0;
	s0 =	sadd.s32 $0x10, s0;
	v7 =	vld [tilespmem:s17+$0xD600]  }
0x41f: {  	v8 =	vld [tilespmem:s6+$0xD500]  }
0x420: {  	v9 =	vld [tilespmem:s19+$0x0]  }
0x421: {  	v10 =	vld [tilespmem:s17+$0xD780];
	v5 =	vmul.f32 $3.200000000e+01, v5  }
0x422: {  	v11 =	vld [tilespmem:s17+$0xD500];
	v6 =	vmul.f32 $3.200000000e+01, v6  }
0x423: {  	v12 =	vld [tilespmem:s17+$0xD580];
	v7 =	vmul.f32 $3.200000000e+01, v7  }
0x424: {  	s5 =	sor.u32 $0x380, s5;
	v13 =	vld [tilespmem:s17+$0xF780];
	v8 =	vmul.f32 $3.200000000e+01, v8  }
0x425: {  	v14 =	vld [tilespmem:s5+$0xD500];
	v7 =	vadd.f32 v7, v9;
	v5 =	vadd.f32 v5, v9  }
0x426: {  	v6 =	vadd.f32 v6, v9;
	v15 =	vld [tilespmem:s18+$0xD500];
	v10 =	vmul.f32 $3.200000000e+01, v10;
	v8 =	vadd.f32 v8, v9  }
0x427: {  	v16 =	vld [tilespmem:s17+$0xF700];
	v11 =	vmul.f32 $3.200000000e+01, v11;
	[tilespmem:s17+$0x15600] =	vst v7  }
0x428: {  	v7 =	vld [tilespmem:s17+$0xF680];
	v12 =	vmul.f32 $3.200000000e+01, v12;
	[tilespmem:s17+$0x15680] =	vst v6;
	v6 =	vadd.f32 v10, v9  }
0x429: {  	v10 =	vld [tilespmem:s17+$0xF500];
	v11 =	vadd.f32 v11, v9;
	[tilespmem:s17+$0x15700] =	vst v5  }
0x42a: {  	v5 =	vld [tilespmem:s17+$0xF600];
	v12 =	vadd.f32 v12, v9;
	[tilespmem:s17+$0x15780] =	vst v6;
	v6 =	vmul.f32 $3.200000000e+01, v14  }
0x42b: {  	v14 =	vld [tilespmem:s17+$0xF580];
	[tilespmem:s17+$0x15500] =	vst v11;
	v11 =	vmul.f32 $3.200000000e+01, v13;
	v13 =	vmul.f32 $3.200000000e+01, v15  }
0x42c: {  	[tilespmem:s17+$0x15580] =	vst v12;
	v6 =	vadd.f32 v6, v9;
	v12 =	vmul.f32 $3.200000000e+01, v16  }
0x42d: {  	[tilespmem:s6+$0x15500] =	vst v8;
	v7 =	vmul.f32 $3.200000000e+01, v7;
	v8 =	vadd.f32 v11, v9;
	v11 =	vadd.f32 v13, v9  }
0x42e: {  	[tilespmem:s5+$0x15500] =	vst v6;
	v6 =	vmul.f32 $3.200000000e+01, v10;
	v10 =	vadd.f32 v12, v9  }
0x42f: {  	v5 =	vmul.f32 $3.200000000e+01, v5;
	v7 =	vadd.f32 v7, v9;
	[tilespmem:s17+$0x17780] =	vst v8  }
0x430: {  	v6 =	vadd.f32 v6, v9;
	v8 =	vmul.f32 $3.200000000e+01, v14;
	[tilespmem:s17+$0x17700] =	vst v10  }
0x431: {  	v5 =	vadd.f32 v5, v9;
	[tilespmem:s17+$0x17680] =	vst v7  }
0x432: {  	v4 =	vmul.f32 $3.200000000e+01, v4;
	[tilespmem:s17+$0x17500] =	vst v6;
	v6 =	vadd.f32 v8, v9  }
0x433: {  	[tilespmem:s17+$0x17600] =	vst v5  }
0x434: {  	v4 =	vadd.f32 v4, v9;
	[tilespmem:s17+$0x17580] =	vst v6  }
0x435: {  	[tilespmem:s18+$0x15500] =	vst v11  }
.Ltmp19:
0x436: {  	[tilespmem:s7+$0x15500] =	vst v4;
	s7 =	sor.u32 $0x300, s0;
	(pc) =	sbr.rel @p0 .LBB2_26-.Ltmp19, $4  }
0x437: {  	s2 =	sor.u32 s2, s16;
	v4 =	vld [tilespmem:s7+$0xD500]  }
0x438: {  	v5 =	vld [tilespmem:s2+$0xD680]  }
0x439: {  	v7 =	vld [tilespmem:s2+$0xD600]  }
0x43a: {  	s29 =	sadd.s32 $0x20, s29;
	v6 =	vld [tilespmem:s2+$0xD700]  }
0x43b: {  	v8 =	vld [tilespmem:s2+$0xD780]  }
0x43c: {  	v9 =	vld [tilespmem:s15+$0x0]  }
0x43d: {  	v10 =	vld [tilespmem:s2+$0xD580]  }
0x43e: {  	v11 =	vld [tilespmem:s2+$0xD500]  }
0x43f: {  	v13 =	vld [tilespmem:s2+$0xF500];
	v7 =	vmul.f32 $3.200000000e+01, v7  }
0x440: {  	s5 =	sor.u32 $0x380, s0;
	v16 =	vld [tilespmem:s2+$0xF600];
	v5 =	vmul.f32 $3.200000000e+01, v5  }
0x441: {  	s6 =	sor.u32 $0x2300, s0;
	v12 =	vld [tilespmem:s5+$0xD500];
	v6 =	vmul.f32 $3.200000000e+01, v6;
	v7 =	vadd.f32 v7, v9  }
0x442: {  	s17 =	sor.u32 $0x2380, s0;
	v14 =	vld [tilespmem:s6+$0xD500];
	v5 =	vadd.f32 v5, v9;
	v10 =	vmul.f32 $3.200000000e+01, v10  }
0x443: {  	v15 =	vld [tilespmem:s17+$0xD500];
	v11 =	vmul.f32 $3.200000000e+01, v11;
	v6 =	vadd.f32 v6, v9;
	[tilespmem:s2+$0x15600] =	vst v7  }
0x444: {  	v53 =	vld [tilespmem:s2+$0xF680];
	v54 =	vmul.f32 $3.200000000e+01, v8;
	[tilespmem:s2+$0x15680] =	vst v5;
	v10 =	vadd.f32 v10, v9  }
0x445: {  	v4 =	vmul.f32 $3.200000000e+01, v4;
	v5 =	vld [tilespmem:s2+$0xF700];
	v11 =	vadd.f32 v11, v9;
	[tilespmem:s2+$0x15700] =	vst v6  }
0x446: {  	v57 =	vld [tilespmem:s2+$0xF580];
	v56 =	vmul.f32 $3.200000000e+01, v12;
	v6 =	vadd.f32 v54, v9;
	[tilespmem:s2+$0x15580] =	vst v10  }
0x447: {  	v55 =	vld [tilespmem:s2+$0xF780];
	v4 =	vadd.f32 v4, v9;
	v13 =	vmul.f32 $3.200000000e+01, v13;
	[tilespmem:s2+$0x15500] =	vst v11  }
0x448: {  	v58 =	vmul.f32 $3.200000000e+01, v16;
	v10 =	vadd.f32 v56, v9;
	[tilespmem:s2+$0x15780] =	vst v6  }
0x449: {  	v59 =	vadd.f32 v13, v9;
	[tilespmem:s7+$0x15500] =	vst v4;
	v4 =	vmul.f32 $3.200000000e+01, v53  }
0x44a: {  	v6 =	vadd.f32 v58, v9;
	[tilespmem:s5+$0x15500] =	vst v10;
	v5 =	vmul.f32 $3.200000000e+01, v5  }
0x44b: {  	v61 =	vmul.f32 $3.200000000e+01, v57;
	[tilespmem:s2+$0x17500] =	vst v59;
	v4 =	vadd.f32 v4, v9  }
0x44c: {  	v60 =	vmul.f32 $3.200000000e+01, v55;
	[tilespmem:s2+$0x17600] =	vst v6;
	v5 =	vadd.f32 v5, v9  }
0x44d: {  	v62 =	vmul.f32 $3.200000000e+01, v14;
	v63 =	vadd.f32 v61, v9;
	[tilespmem:s2+$0x17680] =	vst v4  }
0x44e: {  	v4 =	vadd.f32 v60, v9;
	[tilespmem:s2+$0x17700] =	vst v5;
	v5 =	vmul.f32 $3.200000000e+01, v15  }
0x44f: {  	v6 =	vadd.f32 v62, v9;
	[tilespmem:s2+$0x17580] =	vst v63  }
0x450: {  	[tilespmem:s2+$0x17780] =	vst v4;
	v4 =	vadd.f32 v5, v9  }
0x451: {  	[tilespmem:s6+$0x15500] =	vst v6  }
0x452: {  	[tilespmem:s17+$0x15500] =	vst v4  }
0x453: {  	v4 =	vld [tilespmem:$0x5480];
	_ =	sdelay $0x4  }
0x454: {  	v5 =	vshll.u32 v4, $0x3  }
0x455: {  	v4 =	vand.u32 $0x7, v4;
	v5 =	vand.u32 $0xFFFFFFC0, v5  }
0x456: {  	v4 =	vor.u32 v4, v5  }
0x457: {  	v5 =	vperm.xlane v4, v0;
	_ =	sdelay $0x1  }
0x458: {  	v5 =	vadd.s32 v1, v5;
	_ =	sdelay $0x3  }
0x459: {  	s18 =	simm.s32 $0x15500  }
0x45a: {  	[hbm4b:s3+s4] =	stream.indirect_vreg.scatter [tilespmem:s18], [sflag:$0x5], $0x80, v5, vm0, $0xb8;
	[tilespmem:$0x19500] =	vst v63  }
0x45b: {  	s19 =	simm.s32 $0x15D00;
	v4 =	vperm.xlane v4, v2  }
0x45c: {  	[hbm4b:s11+s4] =	stream.indirect_vreg.scatter [tilespmem:s19], [sflag:$0x5], $0x80, v5, vm0, $0xb8;
	[tilespmem:$0x19500] =	vst v63  }
0x45d: {  	s25 =	simm.s32 $0x16500;
	v4 =	vadd.s32 v1, v4  }
0x45e: {  	[hbm4b:s12+s4] =	stream.indirect_vreg.scatter [tilespmem:s25], [sflag:$0x5], $0x80, v5, vm0, $0xb8;
	[tilespmem:$0x19500] =	vst v63  }
0x45f: {  	s26 =	simm.s32 $0x16D00  }
0x460: {  	[hbm4b:s13+s4] =	stream.indirect_vreg.scatter [tilespmem:s26], [sflag:$0x5], $0x80, v5, vm0, $0xb8;
	[tilespmem:$0x19500] =	vst v63  }
0x461: {  	s28 =	simm.s32 $0x17500  }
0x462: {  	[hbm4b:s3+s4] =	stream.indirect_vreg.scatter [tilespmem:s28], [sflag:$0x5], $0x80, v4, vm0, $0xb8;
	[tilespmem:$0x19500] =	vst v63  }
0x463: {  	s29 =	simm.s32 $0x17D00  }
0x464: {  	[hbm4b:s11+s4] =	stream.indirect_vreg.scatter [tilespmem:s29], [sflag:$0x5], $0x80, v4, vm0, $0xb8;
	[tilespmem:$0x19500] =	vst v63  }
.Ltmp20:
0x465: {  	_ = 	snop;
	(pc) =	sbr.rel .LBB2_28-.Ltmp20, $4  }
0x466: {  	s30 =	simm.s32 $0x18500  }
0x467: {  	[hbm4b:s12+s4] =	stream.indirect_vreg.scatter [tilespmem:s30], [sflag:$0x5], $0x80, v4, vm0, $0xb8;
	[tilespmem:$0x19500] =	vst v63  }
0x468: {  	s31 =	simm.s32 $0x18D00  }
0x469: {  	[hbm4b:s13+s4] =	stream.indirect_vreg.scatter [tilespmem:s31], [sflag:$0x5], $0x80, v4, vm0, $0xb8;
	[tilespmem:$0x19500] =	vst v63  }
.LBB2_30:
0x46a: {  	_ =	sfence.sel $0x180000  }
0x46b: {  	[bflag:$0x0] =	sbarrier.arrive $0xFFFF  }
0x46c: {  	_ =	strace $0x90000047  }
0x46d: {  	s0 =	stileid.u32;
	[bflag:$0x2] =	sbarrier.arrive $0xFFFF  }
0x46e: {  	p0 =	sne.s32 s0, $0x0;
	s0 =	rddreg [dreg:$0x3]  }
0x46f: {  	s0 =	sadd.s32 @!p0 $0x100000, s0  }
0x470: {  	[sflag:s0] =	ssyncadd.tile.s32 @!p0 $0x1;
	_ =	shalt  }
.Lfunc_end2:
_tile_overlayer_lowered:
.L_overlay_start_2:
0x471: {  	(tag) =	ssettag $0x2  }
0x472: {  	s0 =	rddreg [dreg:$0x0];
	s2 =	stileid.u32  }
0x473: {  	s1 =	rddreg [dreg:$0x1];
	p0 =	sne.s32 s2, $0x0  }
0x474: {  	s3 =	rddreg [dreg:$0x2];
	[bflag:$0x3] =	sbarrier.arrive $0xFFFF;
	s2 =	simm.s32 @!p0 $0x1C06  }
0x475: {  	[timem:s3], [sflag:s2] =	dma.local @!p0 [hbm:s0], s1  }
0x476: {  	s0 =	simm.s32 @!p0 $0x6  }
0x477: {  	_ =	swait.ge @!p0 [sflag:s0], s1  }
0x478: {  	s1 =	ssub.s32 @!p0 $0x0, s1;
	[sflag:s0] =	ssyncset.done @!p0 $0x0  }
0x479: {  	[sflag:s0] =	ssyncadd.s32 @!p0 s1  }
0x47a: {  	[bflag:$0x3] =	sbarrier.arrive $0xFFFF  }
0x47b: {  	_ =	shalt  }

</sc_bundles>
